<compile_context>
chip_gen: v7x
topology: tpu7x:2x2x1
jax: 0.10.2.dev20260603
libtpu: 0.0.44.dev20260713+nightly
codegen_flags: <defaults>
</compile_context>

<pallas_src>
import functools

import jax
import jax.numpy as jnp
import numpy as np
from jax import lax
from jax.experimental import pallas as pl
from jax.experimental.pallas import tpu as pltpu
from jax.experimental.pallas import tpu_sc as plsc

B = 4
N = 4096
S = 1024
K = 32
C = 32
R2 = np.float32(0.2 * 0.2)
NROWS = B * S * K
BN_EPS = np.float32(1e-5)



_FSUB = 8
_FLAN = N // _FSUB
_QSUB = 2
_QLAN = S // _QSUB


def _fps_body(x_ref, y_ref, z_ref, qx_ref, qy_ref, qz_ref):
    X = x_ref[...]
    Y = y_ref[...]
    Z = z_ref[...]
    sh = (B, _FSUB, _FLAN)
    col = (lax.broadcasted_iota(jnp.int32, sh, 1) * _FLAN
           + lax.broadcasted_iota(jnp.int32, sh, 2))
    qsh = (B, _QSUB, _QLAN)
    colq = (lax.broadcasted_iota(jnp.int32, qsh, 1) * _QLAN
            + lax.broadcasted_iota(jnp.int32, qsh, 2))

    def body(i, carry):
        dist, f, ax, ay, az = carry
        m = col == f
        cx = jnp.sum(jnp.where(m, X, 0.0), axis=(1, 2), keepdims=True)
        cy = jnp.sum(jnp.where(m, Y, 0.0), axis=(1, 2), keepdims=True)
        cz = jnp.sum(jnp.where(m, Z, 0.0), axis=(1, 2), keepdims=True)
        mq = colq == i
        ax = jnp.where(mq, cx, ax)
        ay = jnp.where(mq, cy, ay)
        az = jnp.where(mq, cz, az)
        dx = X - cx
        dy = Y - cy
        dz = Z - cz
        d = (dx * dx + dy * dy) + dz * dz
        dist = jnp.minimum(dist, d)
        mx = jnp.max(dist, axis=(1, 2), keepdims=True)
        f = jnp.min(jnp.where(dist == mx, col, N), axis=(1, 2), keepdims=True)
        return dist, f, ax, ay, az

    dist0 = jnp.full(sh, 1e10, jnp.float32)
    f0 = jnp.zeros((B, 1, 1), jnp.int32)
    a0 = jnp.zeros(qsh, jnp.float32)
    _, _, ax, ay, az = lax.fori_loop(0, S, body, (dist0, f0, a0, a0, a0),
                                     unroll=4)
    qx_ref[...] = ax
    qy_ref[...] = ay
    qz_ref[...] = az


def _fps(x, y, z):
    out = jax.ShapeDtypeStruct((B, _QSUB, _QLAN), jnp.float32)
    qx, qy, qz = pl.pallas_call(
        _fps_body,
        out_shape=(out, out, out),
    )(x.reshape(B, _FSUB, _FLAN), y.reshape(B, _FSUB, _FLAN),
      z.reshape(B, _FSUB, _FLAN))
    return (qx.reshape(B, S), qy.reshape(B, S), qz.reshape(B, S))



_NC = 2
_NS = 16
NW = _NC * _NS
QPW = (B * S) // NW
GROWS = QPW * K
GCHUNK = 128
NCHUNK = GROWS // GCHUNK


def _sc_group_body(x_hbm, y_hbm, z_hbm, qx_hbm, qy_hbm, qz_hbm, h_hbm,
                   out_hbm, xv, yv, zv, qxv, qyv, qzv, buf, idxv, rows,
                   oidx, sem, osem):
    wid = lax.axis_index("s") * _NC + lax.axis_index("c")
    qbase = wid * QPW
    b = qbase // S
    boff = b * N
    lane = lax.iota(jnp.int32, 16)
    zero16 = jnp.zeros((16,), jnp.int32)

    pltpu.sync_copy(x_hbm.at[b], xv)
    pltpu.sync_copy(y_hbm.at[b], yv)
    pltpu.sync_copy(z_hbm.at[b], zv)
    pltpu.sync_copy(qx_hbm.at[pl.ds(qbase, QPW)], qxv)
    pltpu.sync_copy(qy_hbm.at[pl.ds(qbase, QPW)], qyv)
    pltpu.sync_copy(qz_hbm.at[pl.ds(qbase, QPW)], qzv)

    def extract_query(qi):
        qsel = zero16 + qi
        qxs = plsc.load_gather(qxv, [qsel])
        qys = plsc.load_gather(qyv, [qsel])
        qzs = plsc.load_gather(qzv, [qsel])
        buf[pl.ds(0, 16)] = zero16

        def cond(st):
            c4, tot = st
            return (tot < K) & (c4 < N // 128)

        def body(st):
            c4, tot = st
            base = c4 * 128
            masks, cums, cnts = [], [], []
            for k in range(8):
                off = base + k * 16
                dx = xv[pl.ds(off, 16)] - qxs
                dy = yv[pl.ds(off, 16)] - qys
                dz = zv[pl.ds(off, 16)] - qzs
                d = (dx * dx + dy * dy) + dz * dz
                mk = d <= R2
                mi = mk.astype(jnp.int32)
                cm = plsc.cumsum(mi)
                masks.append(mk)
                cums.append(cm)
                cnts.append(jnp.max(cm))
            run = tot
            for k in range(8):
                pos = run + cums[k] - 1
                wm = masks[k] & (pos < 160)
                plsc.store_scatter(buf, [pos], lane + (base + k * 16),
                                   mask=wm)
                run = run + cnts[k]
            return c4 + 1, run

        _, tot = lax.while_loop(cond, body, (0, 0))

        fvec = plsc.load_gather(buf, [zero16])
        i0 = jnp.where(lane < tot, buf[pl.ds(0, 16)], fvec) + boff
        i1 = jnp.where(lane + 16 < tot, buf[pl.ds(16, 16)], fvec) + boff
        idxv[pl.ds(qi * K, 16)] = i0
        idxv[pl.ds(qi * K + 16, 16)] = i1

    def extract_chunk(c):
        for qo in range(GCHUNK // K):
            extract_query(c * (GCHUNK // K) + qo)

    def fire_gather(c):
        return pltpu.async_copy(h_hbm.at[idxv.at[pl.ds(c * GCHUNK, GCHUNK)]],
                                rows, sem)

    def center_and_out(c):
        for g in range(GCHUNK // 16):
            ql = c * (GCHUNK // K) + g // 2
            rowi = lane + g * 16
            for ch, qref in enumerate((qxv, qyv, qzv)):
                coli = zero16 + ch
                qs = plsc.load_gather(qref, [zero16 + ql])
                v = plsc.load_gather(rows, [rowi, coli]) - qs
                plsc.store_scatter(rows, [rowi, coli], v)
            oidx[c, pl.ds(g * 16, 16)] = ((g % 2 * 16 + lane) * (B * S)
                                          + (qbase + c * (GCHUNK // K)
                                             + g // 2))
        pltpu.async_copy(rows, out_hbm.at[oidx.at[c]], osem).wait()

    def per_chunk(c, _):
        extract_chunk(c)
        fire_gather(c).wait()
        center_and_out(c)
        return 0

    lax.fori_loop(0, NCHUNK, per_chunk, 0, unroll=False)


def _sc_group(x, y, z, qx, qy, qz, h):
    mesh = plsc.VectorSubcoreMesh(core_axis_name="c", subcore_axis_name="s",
                                  num_cores=_NC, num_subcores=_NS)
    f = pl.kernel(
        _sc_group_body,
        out_type=jax.ShapeDtypeStruct((NROWS, C), jnp.float32),
        mesh=mesh,
        compiler_params=pltpu.CompilerParams(needs_layout_passes=False,
                                             use_tc_tiling_on_sc=False),
        scratch_types=[
            pltpu.VMEM((N,), jnp.float32),
            pltpu.VMEM((N,), jnp.float32),
            pltpu.VMEM((N,), jnp.float32),
            pltpu.VMEM((QPW,), jnp.float32),
            pltpu.VMEM((QPW,), jnp.float32),
            pltpu.VMEM((QPW,), jnp.float32),
            pltpu.VMEM((160 + 16,), jnp.int32),
            pltpu.VMEM((GROWS,), jnp.int32),
            pltpu.VMEM((GCHUNK, C), jnp.float32),
            pltpu.VMEM((NCHUNK, GCHUNK), jnp.int32),
            pltpu.SemaphoreType.DMA,
            pltpu.SemaphoreType.DMA,
        ],
    )
    return f(x, y, z, qx, qy, qz, h)



_MLP_BLK = 8192
_MLP_GRID = NROWS // _MLP_BLK


def _layer_body(x_ref, st_ref, gm_ref, bt_ref, w_ref, b_ref,
                y_ref, so_ref, acc, *, normalize, first):
    x = x_ref[...]
    if normalize:
        mean = st_ref[:, 0:1] * np.float32(1.0 / NROWS)
        var = st_ref[:, 1:2] * np.float32(1.0 / NROWS) - mean * mean
        x = (x - mean) / jnp.sqrt(var + BN_EPS) * gm_ref[...] + bt_ref[...]
        x = jnp.maximum(x, 0.0)
    rdims = (1,) if first else (0,)
    y = lax.dot_general(w_ref[...], x, (((1,), rdims), ((), ())),
                        preferred_element_type=jnp.float32) + b_ref[...]
    y_ref[...] = y

    @pl.when(pl.program_id(0) == 0)
    def _():
        acc[...] = jnp.zeros_like(acc)

    acc[:, 0:1] += jnp.sum(y, axis=1, keepdims=True)
    acc[:, 1:2] += jnp.sum(y * y, axis=1, keepdims=True)

    @pl.when(pl.program_id(0) == _MLP_GRID - 1)
    def _():
        so_ref[...] = acc[...]


def _layer(x, st, gm, bt, w, b, *, normalize, first):
    cin = w.shape[1]
    cout = w.shape[0]
    if first:
        xspec = pl.BlockSpec((_MLP_BLK, cin), lambda i: (i, 0))
    else:
        xspec = pl.BlockSpec((cin, _MLP_BLK), lambda i: (0, i))
    return pl.pallas_call(
        functools.partial(_layer_body, normalize=normalize, first=first),
        grid=(_MLP_GRID,),
        in_specs=[
            xspec,
            pl.BlockSpec((cin, 2), lambda i: (0, 0)),
            pl.BlockSpec((cin, 1), lambda i: (0, 0)),
            pl.BlockSpec((cin, 1), lambda i: (0, 0)),
            pl.BlockSpec((cout, cin), lambda i: (0, 0)),
            pl.BlockSpec((cout, 1), lambda i: (0, 0)),
        ],
        out_specs=[
            pl.BlockSpec((cout, _MLP_BLK), lambda i: (0, i)),
            pl.BlockSpec((cout, 2), lambda i: (0, 0)),
        ],
        out_shape=[
            jax.ShapeDtypeStruct((cout, NROWS), jnp.float32),
            jax.ShapeDtypeStruct((cout, 2), jnp.float32),
        ],
        scratch_shapes=[pltpu.VMEM((cout, 2), jnp.float32)],
    )(x, st, gm, bt, w, b)


_POOL_BLK = 1024
_POOL_GRID = (B * S) // _POOL_BLK


def _pool_body(x_ref, st_ref, gm_ref, bt_ref, o_ref):
    x = x_ref[...]
    st = st_ref[...]
    mean = st[:, 0:1, None] * np.float32(1.0 / NROWS)
    var = st[:, 1:2, None] * np.float32(1.0 / NROWS) - mean * mean
    x = ((x - mean) / jnp.sqrt(var + BN_EPS) * gm_ref[...][:, :, None]
         + bt_ref[...][:, :, None])
    x = jnp.maximum(x, 0.0)
    o_ref[...] = jnp.max(x, axis=1).T


def _pool(x, st, gm, bt):
    cout = x.shape[0]
    x = x.reshape(cout, K, B * S)
    return pl.pallas_call(
        _pool_body,
        grid=(_POOL_GRID,),
        in_specs=[
            pl.BlockSpec((cout, K, _POOL_BLK), lambda i: (0, 0, i)),
            pl.BlockSpec((cout, 2), lambda i: (0, 0)),
            pl.BlockSpec((cout, 1), lambda i: (0, 0)),
            pl.BlockSpec((cout, 1), lambda i: (0, 0)),
        ],
        out_specs=pl.BlockSpec((_POOL_BLK, cout), lambda i: (i, 0)),
        out_shape=jax.ShapeDtypeStruct((B * S, cout), jnp.float32),
    )(x, st, gm, bt)



def kernel(xyz, points, W0, b0, gamma0, beta0, W1, b1, gamma1, beta1,
           W2, b2, gamma2, beta2):
    x = xyz[:, :, 0]
    y = xyz[:, :, 1]
    z = xyz[:, :, 2]
    qx, qy, qz = _fps(x, y, z)
    h = jnp.concatenate([xyz, points], axis=-1).reshape(B * N, C)
    g = _sc_group(x, y, z, qx.reshape(-1), qy.reshape(-1), qz.reshape(-1), h)

    dummy = jnp.zeros((C, 2), jnp.float32)
    y1, st1 = _layer(g, dummy, b0.reshape(-1, 1), b0.reshape(-1, 1),
                     W0, b0.reshape(-1, 1), normalize=False, first=True)
    y2, st2 = _layer(y1, st1, gamma0.reshape(-1, 1), beta0.reshape(-1, 1),
                     W1, b1.reshape(-1, 1), normalize=True, first=False)
    y3, st3 = _layer(y2, st2, gamma1.reshape(-1, 1), beta1.reshape(-1, 1),
                     W2, b2.reshape(-1, 1), normalize=True, first=False)
    npts = _pool(y3, st3, gamma2.reshape(-1, 1), beta2.reshape(-1, 1))

    new_xyz = jnp.stack([qx, qy, qz], axis=-1)
    new_points = npts.reshape(B, S, -1)
    return new_xyz, new_points

# --- scband reference (transcript-rebuilt; emitter-appended) ---
"""Pipeline reference for scband-point-net-set-abstraction-4080218931821 (READ-ONLY COPY).

The authoritative reference and input builder live on the scoring server;
editing this copy changes nothing except your own understanding.
"""

import jax, jax.numpy as jnp
import numpy as np

NPOINT = 1024
RADIUS = 0.2
NSAMPLE = 32
MLP = (32, 32, 64)
IN_C = 32


def setup_inputs(seed: int = 0) -> dict:
    key = jax.random.key(seed)
    ks = jax.random.split(key, 16)
    inp = {}
    inp["xyz"] = jax.random.uniform(ks[0], (4, 4096, 3), dtype=jnp.float32)
    inp["points"] = jax.random.normal(ks[1], (4, 4096, 29), dtype=jnp.float32)
    in_ch = IN_C
    for i, out_ch in enumerate(MLP):
        inp[f"W{i}"] = jax.random.normal(ks[2 + 4 * i], (out_ch, in_ch), dtype=jnp.float32) * (1.0 / np.sqrt(in_ch))
        inp[f"b{i}"] = jnp.zeros((out_ch,), jnp.float32)
        inp[f"gamma{i}"] = jnp.ones((out_ch,), jnp.float32)
        inp[f"beta{i}"] = jnp.zeros((out_ch,), jnp.float32)
        in_ch = out_ch
    return inp


def farthest_point_sample(xyz, npoint):
    B, N, _ = xyz.shape
    def body(i, state):
        idx, dist, farthest = state
        idx = idx.at[:, i].set(farthest)
        centroid = jnp.take_along_axis(xyz, farthest[:, None, None], axis=1)
        d = jnp.sum((xyz - centroid) ** 2, axis=-1)
        dist = jnp.minimum(dist, d)
        farthest = jnp.argmax(dist, axis=-1).astype(jnp.int32)
        return idx, dist, farthest
    state = (jnp.zeros((B, npoint), jnp.int32),
             jnp.full((B, N), 1e10, jnp.float32),
             jnp.zeros((B,), jnp.int32))
    idx, _, _ = jax.lax.fori_loop(0, npoint, body, state)
    return idx


def ball_query(radius, nsample, xyz, new_xyz):
    B, S, _ = new_xyz.shape
    N = xyz.shape[1]
    sq = jnp.sum((new_xyz[:, :, None, :] - xyz[:, None, :, :]) ** 2, axis=-1)
    ar = jnp.arange(N, dtype=jnp.int32)
    idx = jnp.where(sq <= radius * radius, ar[None, None, :], N)
    idx = jnp.sort(idx, axis=-1)[:, :, :nsample]
    first = idx[:, :, :1]
    first = jnp.where(first == N, 0, first)
    idx = jnp.where(idx == N, first, idx)
    return idx.astype(jnp.int32)


def group(data, idx):
    B, S, K = idx.shape
    C = data.shape[-1]
    flat = idx.reshape(B, S * K)
    g = jnp.take_along_axis(data, flat[:, :, None], axis=1)
    return g.reshape(B, S, K, C)


def reference(xyz, points, W0, b0, gamma0, beta0, W1, b1, gamma1, beta1, W2, b2, gamma2, beta2):
    fps_idx = farthest_point_sample(xyz, NPOINT)
    new_xyz = jnp.take_along_axis(xyz, fps_idx[:, :, None], axis=1)
    idx = ball_query(RADIUS, NSAMPLE, xyz, new_xyz)
    grouped = group(xyz, idx) - new_xyz[:, :, None, :]
    grouped_pts = group(points, idx)
    g = jnp.concatenate([grouped, grouped_pts], axis=-1)
    params = [(W0, b0, gamma0, beta0), (W1, b1, gamma1, beta1), (W2, b2, gamma2, beta2)]
    for W, b, gm, bt in params:
        g = jnp.einsum('bskc,oc->bsko', g, W) + b
        mean = jnp.mean(g, axis=(0, 1, 2), keepdims=True)
        var = jnp.var(g, axis=(0, 1, 2), keepdims=True)
        g = (g - mean) / jnp.sqrt(var + 1e-5) * gm + bt
        g = jax.nn.relu(g)
    new_points = jnp.max(g, axis=2)
    return new_xyz, new_points

if __name__ == "__main__":
    import jax
    _d = setup_inputs()
    print(jax.jit(kernel)(*tuple(_d.values())))

</pallas_src>

<mosaic_0001>
#map = affine_map<(d0, d1) -> (0, 0)>
#map1 = affine_map<(d0, d1) -> (0)>
module attributes {stable_mosaic.version = 14 : i64} {
  func.func @_sc_group_body(%arg0: i32, %arg1: i32, %arg2: memref<4x4096xf32, #tpu.memory_space<hbm>>, %arg3: memref<4x4096xf32, #tpu.memory_space<hbm>>, %arg4: memref<4x4096xf32, #tpu.memory_space<hbm>>, %arg5: memref<4096xf32, #tpu.memory_space<hbm>>, %arg6: memref<4096xf32, #tpu.memory_space<hbm>>, %arg7: memref<4096xf32, #tpu.memory_space<hbm>>, %arg8: memref<16384x32xf32, #tpu.memory_space<hbm>>, %arg9: memref<131072x32xf32, #tpu.memory_space<hbm>>, %arg10: memref<4096xf32, #tpu.memory_space<vmem>>, %arg11: memref<4096xf32, #tpu.memory_space<vmem>>, %arg12: memref<4096xf32, #tpu.memory_space<vmem>>, %arg13: memref<128xf32, #tpu.memory_space<vmem>>, %arg14: memref<128xf32, #tpu.memory_space<vmem>>, %arg15: memref<128xf32, #tpu.memory_space<vmem>>, %arg16: memref<176xi32, #tpu.memory_space<vmem>>, %arg17: memref<4096xi32, #tpu.memory_space<vmem>>, %arg18: memref<128x32xf32, #tpu.memory_space<vmem>>, %arg19: memref<32x128xi32, #tpu.memory_space<vmem>>, %arg20: memref<!tpu.dma_semaphore, #tpu.memory_space<semaphore_mem>>, %arg21: memref<!tpu.dma_semaphore, #tpu.memory_space<semaphore_mem>>) attributes {dimension_semantics = [#tpu.dimension_semantics<core_parallel>, #tpu.dimension_semantics<subcore_parallel>], iteration_bounds = array<i64: 2, 16>, scalar_prefetch = 0 : i64, scratch_operands = 12 : i64, tpu.core_type = #tpu.core_type<sc_vector_subcore>, window_params = [{transform_indices = #map}, {transform_indices = #map}, {transform_indices = #map}, {transform_indices = #map1}, {transform_indices = #map1}, {transform_indices = #map1}, {transform_indices = #map}, {transform_indices = #map}]} {
    %mul3A = arith.constant 2 : i32
    %mul3A_0 = arith.muli %arg1, %mul3A : i32
    %add3A = arith.addi %mul3A_0, %arg0 : i32
    %mul3A_1 = arith.constant 128 : i32
    %mul3A_2 = arith.muli %add3A, %mul3A_1 : i32
    %jit3A = arith.constant 1024 : i32
    %div3A = arith.divsi %mul3A_2, %jit3A : i32
    %sign3A = arith.constant 0 : i32
    %sign3A_3 = arith.cmpi sgt, %mul3A_2, %sign3A : i32
    %sign3A_4 = arith.extui %sign3A_3 : i1 to i32
    %sign3A_5 = arith.constant 0 : i32
    %sign3A_6 = arith.cmpi slt, %mul3A_2, %sign3A_5 : i32
    %sign3A_7 = arith.extui %sign3A_6 : i1 to i32
    %sign3A_8 = arith.subi %sign3A_4, %sign3A_7 : i32
    %sign3A_9 = arith.constant 0 : i32
    %sign3A_10 = arith.cmpi sgt, %jit3A, %sign3A_9 : i32
    %sign3A_11 = arith.extui %sign3A_10 : i1 to i32
    %sign3A_12 = arith.constant 0 : i32
    %sign3A_13 = arith.cmpi slt, %jit3A, %sign3A_12 : i32
    %sign3A_14 = arith.extui %sign3A_13 : i1 to i32
    %sign3A_15 = arith.subi %sign3A_11, %sign3A_14 : i32
    %ne3A = arith.cmpi ne, %sign3A_8, %sign3A_15 : i32
    %rem3A = arith.remsi %mul3A_2, %jit3A : i32
    %ne3A_16 = arith.constant 0 : i32
    %ne3A_17 = arith.cmpi ne, %rem3A, %ne3A_16 : i32
    %and3A = arith.andi %ne3A, %ne3A_17 : i1
    %sub3A = arith.constant 1 : i32
    %sub3A_18 = arith.subi %div3A, %sub3A : i32
    %select_n3A = arith.select %and3A, %sub3A_18, %div3A : i32
    %mul3A_19 = arith.constant 4096 : i32
    %mul3A_20 = arith.muli %select_n3A, %mul3A_19 : i32
    %iota3A = tpu.iota {dimensions = array<i32: 0>} : vector<16xi32>
    %broadcast_in_dim3A = arith.constant 0 : i32
    %broadcast_in_dim3A_21 = vector.broadcast %broadcast_in_dim3A : i32 to vector<16xi32>
    "tpu.region"() ({
      %run_scoped3A = tpu.sem_alloc : memref<!tpu.dma_semaphore, #tpu.memory_space<semaphore_mem>>
      %dma_start3A = arith.constant 0 : i32
      %dma_start3A_28 = tpu.memref_slice %arg2[%select_n3A, %dma_start3A] : memref<4x4096xf32, #tpu.memory_space<hbm>> -> memref<1x4096xf32, #tpu.memory_space<hbm>>
      %dma_start3A_29 = tpu.memref_squeeze %dma_start3A_28 : memref<1x4096xf32, #tpu.memory_space<hbm>> -> memref<4096xf32, #tpu.memory_space<hbm>>
      %dma_start3A_30 = arith.constant 0 : i32
      %dma_start3A_31 = tpu.memref_slice %arg2[%select_n3A, %dma_start3A_30] : memref<4x4096xf32, #tpu.memory_space<hbm>> -> memref<1x4096xf32, #tpu.memory_space<hbm>>
      %dma_start3A_32 = tpu.memref_squeeze %dma_start3A_31 : memref<1x4096xf32, #tpu.memory_space<hbm>> -> memref<4096xf32, #tpu.memory_space<hbm>>
      tpu.enqueue_dma source(%dma_start3A_32 : memref<4096xf32, #tpu.memory_space<hbm>>) target(%arg10 : memref<4096xf32, #tpu.memory_space<vmem>>) target_semaphore(%run_scoped3A : memref<!tpu.dma_semaphore, #tpu.memory_space<semaphore_mem>>)
      %dma_wait3A = arith.constant 0 : i32
      %dma_wait3A_33 = tpu.memref_slice %arg2[%select_n3A, %dma_wait3A] : memref<4x4096xf32, #tpu.memory_space<hbm>> -> memref<1x4096xf32, #tpu.memory_space<hbm>>
      %dma_wait3A_34 = tpu.memref_squeeze %dma_wait3A_33 : memref<1x4096xf32, #tpu.memory_space<hbm>> -> memref<4096xf32, #tpu.memory_space<hbm>>
      %dma_wait3A_35 = arith.constant 0 : i32
      %dma_wait3A_36 = tpu.memref_slice %arg2[%select_n3A, %dma_wait3A_35] : memref<4x4096xf32, #tpu.memory_space<hbm>> -> memref<1x4096xf32, #tpu.memory_space<hbm>>
      %dma_wait3A_37 = tpu.memref_squeeze %dma_wait3A_36 : memref<1x4096xf32, #tpu.memory_space<hbm>> -> memref<4096xf32, #tpu.memory_space<hbm>>
      tpu.wait_dma2 semaphore(%run_scoped3A : memref<!tpu.dma_semaphore, #tpu.memory_space<semaphore_mem>>) src(%dma_wait3A_37 : memref<4096xf32, #tpu.memory_space<hbm>>) dst(%arg10 : memref<4096xf32, #tpu.memory_space<vmem>>)
      tpu.yield
    }) : () -> ()
    "tpu.region"() ({
      %run_scoped3A = tpu.sem_alloc : memref<!tpu.dma_semaphore, #tpu.memory_space<semaphore_mem>>
      %dma_start3A = arith.constant 0 : i32
      %dma_start3A_28 = tpu.memref_slice %arg3[%select_n3A, %dma_start3A] : memref<4x4096xf32, #tpu.memory_space<hbm>> -> memref<1x4096xf32, #tpu.memory_space<hbm>>
      %dma_start3A_29 = tpu.memref_squeeze %dma_start3A_28 : memref<1x4096xf32, #tpu.memory_space<hbm>> -> memref<4096xf32, #tpu.memory_space<hbm>>
      %dma_start3A_30 = arith.constant 0 : i32
      %dma_start3A_31 = tpu.memref_slice %arg3[%select_n3A, %dma_start3A_30] : memref<4x4096xf32, #tpu.memory_space<hbm>> -> memref<1x4096xf32, #tpu.memory_space<hbm>>
      %dma_start3A_32 = tpu.memref_squeeze %dma_start3A_31 : memref<1x4096xf32, #tpu.memory_space<hbm>> -> memref<4096xf32, #tpu.memory_space<hbm>>
      tpu.enqueue_dma source(%dma_start3A_32 : memref<4096xf32, #tpu.memory_space<hbm>>) target(%arg11 : memref<4096xf32, #tpu.memory_space<vmem>>) target_semaphore(%run_scoped3A : memref<!tpu.dma_semaphore, #tpu.memory_space<semaphore_mem>>)
      %dma_wait3A = arith.constant 0 : i32
      %dma_wait3A_33 = tpu.memref_slice %arg3[%select_n3A, %dma_wait3A] : memref<4x4096xf32, #tpu.memory_space<hbm>> -> memref<1x4096xf32, #tpu.memory_space<hbm>>
      %dma_wait3A_34 = tpu.memref_squeeze %dma_wait3A_33 : memref<1x4096xf32, #tpu.memory_space<hbm>> -> memref<4096xf32, #tpu.memory_space<hbm>>
      %dma_wait3A_35 = arith.constant 0 : i32
      %dma_wait3A_36 = tpu.memref_slice %arg3[%select_n3A, %dma_wait3A_35] : memref<4x4096xf32, #tpu.memory_space<hbm>> -> memref<1x4096xf32, #tpu.memory_space<hbm>>
      %dma_wait3A_37 = tpu.memref_squeeze %dma_wait3A_36 : memref<1x4096xf32, #tpu.memory_space<hbm>> -> memref<4096xf32, #tpu.memory_space<hbm>>
      tpu.wait_dma2 semaphore(%run_scoped3A : memref<!tpu.dma_semaphore, #tpu.memory_space<semaphore_mem>>) src(%dma_wait3A_37 : memref<4096xf32, #tpu.memory_space<hbm>>) dst(%arg11 : memref<4096xf32, #tpu.memory_space<vmem>>)
      tpu.yield
    }) : () -> ()
    "tpu.region"() ({
      %run_scoped3A = tpu.sem_alloc : memref<!tpu.dma_semaphore, #tpu.memory_space<semaphore_mem>>
      %dma_start3A = arith.constant 0 : i32
      %dma_start3A_28 = tpu.memref_slice %arg4[%select_n3A, %dma_start3A] : memref<4x4096xf32, #tpu.memory_space<hbm>> -> memref<1x4096xf32, #tpu.memory_space<hbm>>
      %dma_start3A_29 = tpu.memref_squeeze %dma_start3A_28 : memref<1x4096xf32, #tpu.memory_space<hbm>> -> memref<4096xf32, #tpu.memory_space<hbm>>
      %dma_start3A_30 = arith.constant 0 : i32
      %dma_start3A_31 = tpu.memref_slice %arg4[%select_n3A, %dma_start3A_30] : memref<4x4096xf32, #tpu.memory_space<hbm>> -> memref<1x4096xf32, #tpu.memory_space<hbm>>
      %dma_start3A_32 = tpu.memref_squeeze %dma_start3A_31 : memref<1x4096xf32, #tpu.memory_space<hbm>> -> memref<4096xf32, #tpu.memory_space<hbm>>
      tpu.enqueue_dma source(%dma_start3A_32 : memref<4096xf32, #tpu.memory_space<hbm>>) target(%arg12 : memref<4096xf32, #tpu.memory_space<vmem>>) target_semaphore(%run_scoped3A : memref<!tpu.dma_semaphore, #tpu.memory_space<semaphore_mem>>)
      %dma_wait3A = arith.constant 0 : i32
      %dma_wait3A_33 = tpu.memref_slice %arg4[%select_n3A, %dma_wait3A] : memref<4x4096xf32, #tpu.memory_space<hbm>> -> memref<1x4096xf32, #tpu.memory_space<hbm>>
      %dma_wait3A_34 = tpu.memref_squeeze %dma_wait3A_33 : memref<1x4096xf32, #tpu.memory_space<hbm>> -> memref<4096xf32, #tpu.memory_space<hbm>>
      %dma_wait3A_35 = arith.constant 0 : i32
      %dma_wait3A_36 = tpu.memref_slice %arg4[%select_n3A, %dma_wait3A_35] : memref<4x4096xf32, #tpu.memory_space<hbm>> -> memref<1x4096xf32, #tpu.memory_space<hbm>>
      %dma_wait3A_37 = tpu.memref_squeeze %dma_wait3A_36 : memref<1x4096xf32, #tpu.memory_space<hbm>> -> memref<4096xf32, #tpu.memory_space<hbm>>
      tpu.wait_dma2 semaphore(%run_scoped3A : memref<!tpu.dma_semaphore, #tpu.memory_space<semaphore_mem>>) src(%dma_wait3A_37 : memref<4096xf32, #tpu.memory_space<hbm>>) dst(%arg12 : memref<4096xf32, #tpu.memory_space<vmem>>)
      tpu.yield
    }) : () -> ()
    "tpu.region"() ({
      %run_scoped3A = tpu.sem_alloc : memref<!tpu.dma_semaphore, #tpu.memory_space<semaphore_mem>>
      %dma_start3A = tpu.memref_slice %arg5[%mul3A_2] : memref<4096xf32, #tpu.memory_space<hbm>> -> memref<128xf32, #tpu.memory_space<hbm>>
      %dma_start3A_28 = tpu.memref_slice %arg5[%mul3A_2] : memref<4096xf32, #tpu.memory_space<hbm>> -> memref<128xf32, #tpu.memory_space<hbm>>
      tpu.enqueue_dma source(%dma_start3A_28 : memref<128xf32, #tpu.memory_space<hbm>>) target(%arg13 : memref<128xf32, #tpu.memory_space<vmem>>) target_semaphore(%run_scoped3A : memref<!tpu.dma_semaphore, #tpu.memory_space<semaphore_mem>>)
      %dma_wait3A = tpu.memref_slice %arg5[%mul3A_2] : memref<4096xf32, #tpu.memory_space<hbm>> -> memref<128xf32, #tpu.memory_space<hbm>>
      %dma_wait3A_29 = tpu.memref_slice %arg5[%mul3A_2] : memref<4096xf32, #tpu.memory_space<hbm>> -> memref<128xf32, #tpu.memory_space<hbm>>
      tpu.wait_dma2 semaphore(%run_scoped3A : memref<!tpu.dma_semaphore, #tpu.memory_space<semaphore_mem>>) src(%dma_wait3A_29 : memref<128xf32, #tpu.memory_space<hbm>>) dst(%arg13 : memref<128xf32, #tpu.memory_space<vmem>>)
      tpu.yield
    }) : () -> ()
    "tpu.region"() ({
      %run_scoped3A = tpu.sem_alloc : memref<!tpu.dma_semaphore, #tpu.memory_space<semaphore_mem>>
      %dma_start3A = tpu.memref_slice %arg6[%mul3A_2] : memref<4096xf32, #tpu.memory_space<hbm>> -> memref<128xf32, #tpu.memory_space<hbm>>
      %dma_start3A_28 = tpu.memref_slice %arg6[%mul3A_2] : memref<4096xf32, #tpu.memory_space<hbm>> -> memref<128xf32, #tpu.memory_space<hbm>>
      tpu.enqueue_dma source(%dma_start3A_28 : memref<128xf32, #tpu.memory_space<hbm>>) target(%arg14 : memref<128xf32, #tpu.memory_space<vmem>>) target_semaphore(%run_scoped3A : memref<!tpu.dma_semaphore, #tpu.memory_space<semaphore_mem>>)
      %dma_wait3A = tpu.memref_slice %arg6[%mul3A_2] : memref<4096xf32, #tpu.memory_space<hbm>> -> memref<128xf32, #tpu.memory_space<hbm>>
      %dma_wait3A_29 = tpu.memref_slice %arg6[%mul3A_2] : memref<4096xf32, #tpu.memory_space<hbm>> -> memref<128xf32, #tpu.memory_space<hbm>>
      tpu.wait_dma2 semaphore(%run_scoped3A : memref<!tpu.dma_semaphore, #tpu.memory_space<semaphore_mem>>) src(%dma_wait3A_29 : memref<128xf32, #tpu.memory_space<hbm>>) dst(%arg14 : memref<128xf32, #tpu.memory_space<vmem>>)
      tpu.yield
    }) : () -> ()
    "tpu.region"() ({
      %run_scoped3A = tpu.sem_alloc : memref<!tpu.dma_semaphore, #tpu.memory_space<semaphore_mem>>
      %dma_start3A = tpu.memref_slice %arg7[%mul3A_2] : memref<4096xf32, #tpu.memory_space<hbm>> -> memref<128xf32, #tpu.memory_space<hbm>>
      %dma_start3A_28 = tpu.memref_slice %arg7[%mul3A_2] : memref<4096xf32, #tpu.memory_space<hbm>> -> memref<128xf32, #tpu.memory_space<hbm>>
      tpu.enqueue_dma source(%dma_start3A_28 : memref<128xf32, #tpu.memory_space<hbm>>) target(%arg15 : memref<128xf32, #tpu.memory_space<vmem>>) target_semaphore(%run_scoped3A : memref<!tpu.dma_semaphore, #tpu.memory_space<semaphore_mem>>)
      %dma_wait3A = tpu.memref_slice %arg7[%mul3A_2] : memref<4096xf32, #tpu.memory_space<hbm>> -> memref<128xf32, #tpu.memory_space<hbm>>
      %dma_wait3A_29 = tpu.memref_slice %arg7[%mul3A_2] : memref<4096xf32, #tpu.memory_space<hbm>> -> memref<128xf32, #tpu.memory_space<hbm>>
      tpu.wait_dma2 semaphore(%run_scoped3A : memref<!tpu.dma_semaphore, #tpu.memory_space<semaphore_mem>>) src(%dma_wait3A_29 : memref<128xf32, #tpu.memory_space<hbm>>) dst(%arg15 : memref<128xf32, #tpu.memory_space<vmem>>)
      tpu.yield
    }) : () -> ()
    %scan3A = arith.constant 0 : i32
    %scan3A_22 = arith.constant 0 : i32
    %scan3A_23 = arith.constant 32 : i32
    %scan3A_24 = arith.addi %scan3A_22, %scan3A_23 : i32
    %scan3A_25 = arith.constant 1 : i32
    %scan3A_26 = scf.for %scan3A_28 = %scan3A_22 to %scan3A_24 step %scan3A_25 iter_args(%scan3A_29 = %scan3A) -> (i32)  : i32 {
      %mul3A_30 = arith.constant 4 : i32
      %mul3A_31 = arith.muli %scan3A_28, %mul3A_30 : i32
      %add3A_32 = arith.constant 0 : i32
      %add3A_33 = arith.addi %mul3A_31, %add3A_32 : i32
      %add3A_34 = vector.broadcast %add3A_33 : i32 to vector<16xi32>
      %add3A_35 = arith.addi %broadcast_in_dim3A_21, %add3A_34 : vector<16xi32>
      %gather3A = tpu.vector_load_idx %arg13[%add3A_35] : memref<128xf32, #tpu.memory_space<vmem>>[vector<16xi32>], vector<16xf32>,
      %gather3A_36 = tpu.vector_load_idx %arg14[%add3A_35] : memref<128xf32, #tpu.memory_space<vmem>>[vector<16xi32>], vector<16xf32>,
      %gather3A_37 = tpu.vector_load_idx %arg15[%add3A_35] : memref<128xf32, #tpu.memory_space<vmem>>[vector<16xi32>], vector<16xf32>,
      %swap3A = arith.constant 0 : index
      %swap3A_38 = tpu.vector_load %arg16[%swap3A] {strides = array<i32>} : memref<176xi32, #tpu.memory_space<vmem>>, vector<16xi32>,
      tpu.vector_store %arg16[%swap3A], %broadcast_in_dim3A_21 {strides = array<i32>} : memref<176xi32, #tpu.memory_space<vmem>>, vector<16xi32>,
      %while3A = arith.constant 0 : i32
      %while3A_39 = arith.constant 0 : i32
      %while3A_40:2 = scf.while (%while3A_590 = %while3A, %while3A_591 = %while3A_39) : (i32, i32) -> (i32, i32) {
        %lt3A_592 = arith.constant 32 : i32
        %lt3A_593 = arith.cmpi slt, %while3A_591, %lt3A_592 : i32
        %lt3A_594 = arith.constant 32 : i32
        %lt3A_595 = arith.cmpi slt, %while3A_590, %lt3A_594 : i32
        %and3A_596 = arith.andi %lt3A_593, %lt3A_595 : i1
        scf.condition(%and3A_596) %while3A_590, %while3A_591 : i32, i32
      } do {
      ^bb0(%while3A_590: i32, %while3A_591: i32):
        %mul3A_592 = arith.constant 128 : i32
        %mul3A_593 = arith.muli %while3A_590, %mul3A_592 : i32
        %add3A_594 = arith.constant 0 : i32
        %add3A_595 = arith.addi %mul3A_593, %add3A_594 : i32
        %get3A_596 = arith.index_cast %add3A_595 : i32 to index
        %get3A_597 = tpu.vector_load %arg10[%get3A_596] {strides = array<i32>} : memref<4096xf32, #tpu.memory_space<vmem>>, vector<16xf32>,
        %sub3A_598 = arith.subf %get3A_597, %gather3A : vector<16xf32>
        %get3A_599 = arith.index_cast %add3A_595 : i32 to index
        %get3A_600 = tpu.vector_load %arg11[%get3A_599] {strides = array<i32>} : memref<4096xf32, #tpu.memory_space<vmem>>, vector<16xf32>,
        %sub3A_601 = arith.subf %get3A_600, %gather3A_36 : vector<16xf32>
        %get3A_602 = arith.index_cast %add3A_595 : i32 to index
        %get3A_603 = tpu.vector_load %arg12[%get3A_602] {strides = array<i32>} : memref<4096xf32, #tpu.memory_space<vmem>>, vector<16xf32>,
        %sub3A_604 = arith.subf %get3A_603, %gather3A_37 : vector<16xf32>
        %mul3A_605 = arith.mulf %sub3A_598, %sub3A_598 : vector<16xf32>
        %mul3A_606 = arith.mulf %sub3A_601, %sub3A_601 : vector<16xf32>
        %add3A_607 = arith.addf %mul3A_605, %mul3A_606 : vector<16xf32>
        %mul3A_608 = arith.mulf %sub3A_604, %sub3A_604 : vector<16xf32>
        %add3A_609 = arith.addf %add3A_607, %mul3A_608 : vector<16xf32>
        %le3A = arith.constant 4.000000e-02 : f32
        %le3A_610 = vector.broadcast %le3A : f32 to vector<16xf32>
        %le3A_611 = arith.cmpf ole, %add3A_609, %le3A_610 : vector<16xf32>
        %convert_element_type3A = arith.extui %le3A_611 : vector<16xi1> to vector<16xi32>
        %broadcast_in_dim3A_612 = arith.constant true
        %broadcast_in_dim3A_613 = vector.broadcast %broadcast_in_dim3A_612 : i1 to vector<16xi1>
        %masked_cumsum3A = tpu.scan <sum>, %convert_element_type3A masked %broadcast_in_dim3A_613 : vector<16xi32>, vector<16xi1> -> vector<16xi32>
        %reduce_max3A = arith.constant true
        %reduce_max3A_614 = vector.broadcast %reduce_max3A : i1 to vector<16xi1>
        %reduce_max3A_615 = arith.constant -2147483648 : i32
        %reduce_max3A_616 = vector.broadcast %reduce_max3A_615 : i32 to vector<16xi32>
        %reduce_max3A_617 = arith.xori %masked_cumsum3A, %reduce_max3A_616 : vector<16xi32>
        %reduce_max3A_618 = tpu.scan <max>, %reduce_max3A_617 masked %reduce_max3A_614 : vector<16xi32>, vector<16xi1> -> vector<16xi32>
        %reduce_max3A_619 = arith.xori %reduce_max3A_618, %reduce_max3A_616 : vector<16xi32>
        %reduce_max3A_620 = vector.extract %reduce_max3A_619[15] : i32 from vector<16xi32>
        %add3A_621 = arith.constant 16 : i32
        %add3A_622 = arith.addi %mul3A_593, %add3A_621 : i32
        %get3A_623 = arith.index_cast %add3A_622 : i32 to index
        %get3A_624 = tpu.vector_load %arg10[%get3A_623] {strides = array<i32>} : memref<4096xf32, #tpu.memory_space<vmem>>, vector<16xf32>,
        %sub3A_625 = arith.subf %get3A_624, %gather3A : vector<16xf32>
        %get3A_626 = arith.index_cast %add3A_622 : i32 to index
        %get3A_627 = tpu.vector_load %arg11[%get3A_626] {strides = array<i32>} : memref<4096xf32, #tpu.memory_space<vmem>>, vector<16xf32>,
        %sub3A_628 = arith.subf %get3A_627, %gather3A_36 : vector<16xf32>
        %get3A_629 = arith.index_cast %add3A_622 : i32 to index
        %get3A_630 = tpu.vector_load %arg12[%get3A_629] {strides = array<i32>} : memref<4096xf32, #tpu.memory_space<vmem>>, vector<16xf32>,
        %sub3A_631 = arith.subf %get3A_630, %gather3A_37 : vector<16xf32>
        %mul3A_632 = arith.mulf %sub3A_625, %sub3A_625 : vector<16xf32>
        %mul3A_633 = arith.mulf %sub3A_628, %sub3A_628 : vector<16xf32>
        %add3A_634 = arith.addf %mul3A_632, %mul3A_633 : vector<16xf32>
        %mul3A_635 = arith.mulf %sub3A_631, %sub3A_631 : vector<16xf32>
        %add3A_636 = arith.addf %add3A_634, %mul3A_635 : vector<16xf32>
        %le3A_637 = arith.constant 4.000000e-02 : f32
        %le3A_638 = vector.broadcast %le3A_637 : f32 to vector<16xf32>
        %le3A_639 = arith.cmpf ole, %add3A_636, %le3A_638 : vector<16xf32>
        %convert_element_type3A_640 = arith.extui %le3A_639 : vector<16xi1> to vector<16xi32>
        %broadcast_in_dim3A_641 = arith.constant true
        %broadcast_in_dim3A_642 = vector.broadcast %broadcast_in_dim3A_641 : i1 to vector<16xi1>
        %masked_cumsum3A_643 = tpu.scan <sum>, %convert_element_type3A_640 masked %broadcast_in_dim3A_642 : vector<16xi32>, vector<16xi1> -> vector<16xi32>
        %reduce_max3A_644 = arith.constant true
        %reduce_max3A_645 = vector.broadcast %reduce_max3A_644 : i1 to vector<16xi1>
        %reduce_max3A_646 = arith.constant -2147483648 : i32
        %reduce_max3A_647 = vector.broadcast %reduce_max3A_646 : i32 to vector<16xi32>
        %reduce_max3A_648 = arith.xori %masked_cumsum3A_643, %reduce_max3A_647 : vector<16xi32>
        %reduce_max3A_649 = tpu.scan <max>, %reduce_max3A_648 masked %reduce_max3A_645 : vector<16xi32>, vector<16xi1> -> vector<16xi32>
        %reduce_max3A_650 = arith.xori %reduce_max3A_649, %reduce_max3A_647 : vector<16xi32>
        %reduce_max3A_651 = vector.extract %reduce_max3A_650[15] : i32 from vector<16xi32>
        %add3A_652 = arith.constant 32 : i32
        %add3A_653 = arith.addi %mul3A_593, %add3A_652 : i32
        %get3A_654 = arith.index_cast %add3A_653 : i32 to index
        %get3A_655 = tpu.vector_load %arg10[%get3A_654] {strides = array<i32>} : memref<4096xf32, #tpu.memory_space<vmem>>, vector<16xf32>,
        %sub3A_656 = arith.subf %get3A_655, %gather3A : vector<16xf32>
        %get3A_657 = arith.index_cast %add3A_653 : i32 to index
        %get3A_658 = tpu.vector_load %arg11[%get3A_657] {strides = array<i32>} : memref<4096xf32, #tpu.memory_space<vmem>>, vector<16xf32>,
        %sub3A_659 = arith.subf %get3A_658, %gather3A_36 : vector<16xf32>
        %get3A_660 = arith.index_cast %add3A_653 : i32 to index
        %get3A_661 = tpu.vector_load %arg12[%get3A_660] {strides = array<i32>} : memref<4096xf32, #tpu.memory_space<vmem>>, vector<16xf32>,
        %sub3A_662 = arith.subf %get3A_661, %gather3A_37 : vector<16xf32>
        %mul3A_663 = arith.mulf %sub3A_656, %sub3A_656 : vector<16xf32>
        %mul3A_664 = arith.mulf %sub3A_659, %sub3A_659 : vector<16xf32>
        %add3A_665 = arith.addf %mul3A_663, %mul3A_664 : vector<16xf32>
        %mul3A_666 = arith.mulf %sub3A_662, %sub3A_662 : vector<16xf32>
        %add3A_667 = arith.addf %add3A_665, %mul3A_666 : vector<16xf32>
        %le3A_668 = arith.constant 4.000000e-02 : f32
        %le3A_669 = vector.broadcast %le3A_668 : f32 to vector<16xf32>
        %le3A_670 = arith.cmpf ole, %add3A_667, %le3A_669 : vector<16xf32>
        %convert_element_type3A_671 = arith.extui %le3A_670 : vector<16xi1> to vector<16xi32>
        %broadcast_in_dim3A_672 = arith.constant true
        %broadcast_in_dim3A_673 = vector.broadcast %broadcast_in_dim3A_672 : i1 to vector<16xi1>
        %masked_cumsum3A_674 = tpu.scan <sum>, %convert_element_type3A_671 masked %broadcast_in_dim3A_673 : vector<16xi32>, vector<16xi1> -> vector<16xi32>
        %reduce_max3A_675 = arith.constant true
        %reduce_max3A_676 = vector.broadcast %reduce_max3A_675 : i1 to vector<16xi1>
        %reduce_max3A_677 = arith.constant -2147483648 : i32
        %reduce_max3A_678 = vector.broadcast %reduce_max3A_677 : i32 to vector<16xi32>
        %reduce_max3A_679 = arith.xori %masked_cumsum3A_674, %reduce_max3A_678 : vector<16xi32>
        %reduce_max3A_680 = tpu.scan <max>, %reduce_max3A_679 masked %reduce_max3A_676 : vector<16xi32>, vector<16xi1> -> vector<16xi32>
        %reduce_max3A_681 = arith.xori %reduce_max3A_680, %reduce_max3A_678 : vector<16xi32>
        %reduce_max3A_682 = vector.extract %reduce_max3A_681[15] : i32 from vector<16xi32>
        %add3A_683 = arith.constant 48 : i32
        %add3A_684 = arith.addi %mul3A_593, %add3A_683 : i32
        %get3A_685 = arith.index_cast %add3A_684 : i32 to index
        %get3A_686 = tpu.vector_load %arg10[%get3A_685] {strides = array<i32>} : memref<4096xf32, #tpu.memory_space<vmem>>, vector<16xf32>,
        %sub3A_687 = arith.subf %get3A_686, %gather3A : vector<16xf32>
        %get3A_688 = arith.index_cast %add3A_684 : i32 to index
        %get3A_689 = tpu.vector_load %arg11[%get3A_688] {strides = array<i32>} : memref<4096xf32, #tpu.memory_space<vmem>>, vector<16xf32>,
        %sub3A_690 = arith.subf %get3A_689, %gather3A_36 : vector<16xf32>
        %get3A_691 = arith.index_cast %add3A_684 : i32 to index
        %get3A_692 = tpu.vector_load %arg12[%get3A_691] {strides = array<i32>} : memref<4096xf32, #tpu.memory_space<vmem>>, vector<16xf32>,
        %sub3A_693 = arith.subf %get3A_692, %gather3A_37 : vector<16xf32>
        %mul3A_694 = arith.mulf %sub3A_687, %sub3A_687 : vector<16xf32>
        %mul3A_695 = arith.mulf %sub3A_690, %sub3A_690 : vector<16xf32>
        %add3A_696 = arith.addf %mul3A_694, %mul3A_695 : vector<16xf32>
        %mul3A_697 = arith.mulf %sub3A_693, %sub3A_693 : vector<16xf32>
        %add3A_698 = arith.addf %add3A_696, %mul3A_697 : vector<16xf32>
        %le3A_699 = arith.constant 4.000000e-02 : f32
        %le3A_700 = vector.broadcast %le3A_699 : f32 to vector<16xf32>
        %le3A_701 = arith.cmpf ole, %add3A_698, %le3A_700 : vector<16xf32>
        %convert_element_type3A_702 = arith.extui %le3A_701 : vector<16xi1> to vector<16xi32>
        %broadcast_in_dim3A_703 = arith.constant true
        %broadcast_in_dim3A_704 = vector.broadcast %broadcast_in_dim3A_703 : i1 to vector<16xi1>
        %masked_cumsum3A_705 = tpu.scan <sum>, %convert_element_type3A_702 masked %broadcast_in_dim3A_704 : vector<16xi32>, vector<16xi1> -> vector<16xi32>
        %reduce_max3A_706 = arith.constant true
        %reduce_max3A_707 = vector.broadcast %reduce_max3A_706 : i1 to vector<16xi1>
        %reduce_max3A_708 = arith.constant -2147483648 : i32
        %reduce_max3A_709 = vector.broadcast %reduce_max3A_708 : i32 to vector<16xi32>
        %reduce_max3A_710 = arith.xori %masked_cumsum3A_705, %reduce_max3A_709 : vector<16xi32>
        %reduce_max3A_711 = tpu.scan <max>, %reduce_max3A_710 masked %reduce_max3A_707 : vector<16xi32>, vector<16xi1> -> vector<16xi32>
        %reduce_max3A_712 = arith.xori %reduce_max3A_711, %reduce_max3A_709 : vector<16xi32>
        %reduce_max3A_713 = vector.extract %reduce_max3A_712[15] : i32 from vector<16xi32>
        %add3A_714 = arith.constant 64 : i32
        %add3A_715 = arith.addi %mul3A_593, %add3A_714 : i32
        %get3A_716 = arith.index_cast %add3A_715 : i32 to index
        %get3A_717 = tpu.vector_load %arg10[%get3A_716] {strides = array<i32>} : memref<4096xf32, #tpu.memory_space<vmem>>, vector<16xf32>,
        %sub3A_718 = arith.subf %get3A_717, %gather3A : vector<16xf32>
        %get3A_719 = arith.index_cast %add3A_715 : i32 to index
        %get3A_720 = tpu.vector_load %arg11[%get3A_719] {strides = array<i32>} : memref<4096xf32, #tpu.memory_space<vmem>>, vector<16xf32>,
        %sub3A_721 = arith.subf %get3A_720, %gather3A_36 : vector<16xf32>
        %get3A_722 = arith.index_cast %add3A_715 : i32 to index
        %get3A_723 = tpu.vector_load %arg12[%get3A_722] {strides = array<i32>} : memref<4096xf32, #tpu.memory_space<vmem>>, vector<16xf32>,
        %sub3A_724 = arith.subf %get3A_723, %gather3A_37 : vector<16xf32>
        %mul3A_725 = arith.mulf %sub3A_718, %sub3A_718 : vector<16xf32>
        %mul3A_726 = arith.mulf %sub3A_721, %sub3A_721 : vector<16xf32>
        %add3A_727 = arith.addf %mul3A_725, %mul3A_726 : vector<16xf32>
        %mul3A_728 = arith.mulf %sub3A_724, %sub3A_724 : vector<16xf32>
        %add3A_729 = arith.addf %add3A_727, %mul3A_728 : vector<16xf32>
        %le3A_730 = arith.constant 4.000000e-02 : f32
        %le3A_731 = vector.broadcast %le3A_730 : f32 to vector<16xf32>
        %le3A_732 = arith.cmpf ole, %add3A_729, %le3A_731 : vector<16xf32>
        %convert_element_type3A_733 = arith.extui %le3A_732 : vector<16xi1> to vector<16xi32>
        %broadcast_in_dim3A_734 = arith.constant true
        %broadcast_in_dim3A_735 = vector.broadcast %broadcast_in_dim3A_734 : i1 to vector<16xi1>
        %masked_cumsum3A_736 = tpu.scan <sum>, %convert_element_type3A_733 masked %broadcast_in_dim3A_735 : vector<16xi32>, vector<16xi1> -> vector<16xi32>
        %reduce_max3A_737 = arith.constant true
        %reduce_max3A_738 = vector.broadcast %reduce_max3A_737 : i1 to vector<16xi1>
        %reduce_max3A_739 = arith.constant -2147483648 : i32
        %reduce_max3A_740 = vector.broadcast %reduce_max3A_739 : i32 to vector<16xi32>
        %reduce_max3A_741 = arith.xori %masked_cumsum3A_736, %reduce_max3A_740 : vector<16xi32>
        %reduce_max3A_742 = tpu.scan <max>, %reduce_max3A_741 masked %reduce_max3A_738 : vector<16xi32>, vector<16xi1> -> vector<16xi32>
        %reduce_max3A_743 = arith.xori %reduce_max3A_742, %reduce_max3A_740 : vector<16xi32>
        %reduce_max3A_744 = vector.extract %reduce_max3A_743[15] : i32 from vector<16xi32>
        %add3A_745 = arith.constant 80 : i32
        %add3A_746 = arith.addi %mul3A_593, %add3A_745 : i32
        %get3A_747 = arith.index_cast %add3A_746 : i32 to index
        %get3A_748 = tpu.vector_load %arg10[%get3A_747] {strides = array<i32>} : memref<4096xf32, #tpu.memory_space<vmem>>, vector<16xf32>,
        %sub3A_749 = arith.subf %get3A_748, %gather3A : vector<16xf32>
        %get3A_750 = arith.index_cast %add3A_746 : i32 to index
        %get3A_751 = tpu.vector_load %arg11[%get3A_750] {strides = array<i32>} : memref<4096xf32, #tpu.memory_space<vmem>>, vector<16xf32>,
        %sub3A_752 = arith.subf %get3A_751, %gather3A_36 : vector<16xf32>
        %get3A_753 = arith.index_cast %add3A_746 : i32 to index
        %get3A_754 = tpu.vector_load %arg12[%get3A_753] {strides = array<i32>} : memref<4096xf32, #tpu.memory_space<vmem>>, vector<16xf32>,
        %sub3A_755 = arith.subf %get3A_754, %gather3A_37 : vector<16xf32>
        %mul3A_756 = arith.mulf %sub3A_749, %sub3A_749 : vector<16xf32>
        %mul3A_757 = arith.mulf %sub3A_752, %sub3A_752 : vector<16xf32>
        %add3A_758 = arith.addf %mul3A_756, %mul3A_757 : vector<16xf32>
        %mul3A_759 = arith.mulf %sub3A_755, %sub3A_755 : vector<16xf32>
        %add3A_760 = arith.addf %add3A_758, %mul3A_759 : vector<16xf32>
        %le3A_761 = arith.constant 4.000000e-02 : f32
        %le3A_762 = vector.broadcast %le3A_761 : f32 to vector<16xf32>
        %le3A_763 = arith.cmpf ole, %add3A_760, %le3A_762 : vector<16xf32>
        %convert_element_type3A_764 = arith.extui %le3A_763 : vector<16xi1> to vector<16xi32>
        %broadcast_in_dim3A_765 = arith.constant true
        %broadcast_in_dim3A_766 = vector.broadcast %broadcast_in_dim3A_765 : i1 to vector<16xi1>
        %masked_cumsum3A_767 = tpu.scan <sum>, %convert_element_type3A_764 masked %broadcast_in_dim3A_766 : vector<16xi32>, vector<16xi1> -> vector<16xi32>
        %reduce_max3A_768 = arith.constant true
        %reduce_max3A_769 = vector.broadcast %reduce_max3A_768 : i1 to vector<16xi1>
        %reduce_max3A_770 = arith.constant -2147483648 : i32
        %reduce_max3A_771 = vector.broadcast %reduce_max3A_770 : i32 to vector<16xi32>
        %reduce_max3A_772 = arith.xori %masked_cumsum3A_767, %reduce_max3A_771 : vector<16xi32>
        %reduce_max3A_773 = tpu.scan <max>, %reduce_max3A_772 masked %reduce_max3A_769 : vector<16xi32>, vector<16xi1> -> vector<16xi32>
        %reduce_max3A_774 = arith.xori %reduce_max3A_773, %reduce_max3A_771 : vector<16xi32>
        %reduce_max3A_775 = vector.extract %reduce_max3A_774[15] : i32 from vector<16xi32>
        %add3A_776 = arith.constant 96 : i32
        %add3A_777 = arith.addi %mul3A_593, %add3A_776 : i32
        %get3A_778 = arith.index_cast %add3A_777 : i32 to index
        %get3A_779 = tpu.vector_load %arg10[%get3A_778] {strides = array<i32>} : memref<4096xf32, #tpu.memory_space<vmem>>, vector<16xf32>,
        %sub3A_780 = arith.subf %get3A_779, %gather3A : vector<16xf32>
        %get3A_781 = arith.index_cast %add3A_777 : i32 to index
        %get3A_782 = tpu.vector_load %arg11[%get3A_781] {strides = array<i32>} : memref<4096xf32, #tpu.memory_space<vmem>>, vector<16xf32>,
        %sub3A_783 = arith.subf %get3A_782, %gather3A_36 : vector<16xf32>
        %get3A_784 = arith.index_cast %add3A_777 : i32 to index
        %get3A_785 = tpu.vector_load %arg12[%get3A_784] {strides = array<i32>} : memref<4096xf32, #tpu.memory_space<vmem>>, vector<16xf32>,
        %sub3A_786 = arith.subf %get3A_785, %gather3A_37 : vector<16xf32>
        %mul3A_787 = arith.mulf %sub3A_780, %sub3A_780 : vector<16xf32>
        %mul3A_788 = arith.mulf %sub3A_783, %sub3A_783 : vector<16xf32>
        %add3A_789 = arith.addf %mul3A_787, %mul3A_788 : vector<16xf32>
        %mul3A_790 = arith.mulf %sub3A_786, %sub3A_786 : vector<16xf32>
        %add3A_791 = arith.addf %add3A_789, %mul3A_790 : vector<16xf32>
        %le3A_792 = arith.constant 4.000000e-02 : f32
        %le3A_793 = vector.broadcast %le3A_792 : f32 to vector<16xf32>
        %le3A_794 = arith.cmpf ole, %add3A_791, %le3A_793 : vector<16xf32>
        %convert_element_type3A_795 = arith.extui %le3A_794 : vector<16xi1> to vector<16xi32>
        %broadcast_in_dim3A_796 = arith.constant true
        %broadcast_in_dim3A_797 = vector.broadcast %broadcast_in_dim3A_796 : i1 to vector<16xi1>
        %masked_cumsum3A_798 = tpu.scan <sum>, %convert_element_type3A_795 masked %broadcast_in_dim3A_797 : vector<16xi32>, vector<16xi1> -> vector<16xi32>
        %reduce_max3A_799 = arith.constant true
        %reduce_max3A_800 = vector.broadcast %reduce_max3A_799 : i1 to vector<16xi1>
        %reduce_max3A_801 = arith.constant -2147483648 : i32
        %reduce_max3A_802 = vector.broadcast %reduce_max3A_801 : i32 to vector<16xi32>
        %reduce_max3A_803 = arith.xori %masked_cumsum3A_798, %reduce_max3A_802 : vector<16xi32>
        %reduce_max3A_804 = tpu.scan <max>, %reduce_max3A_803 masked %reduce_max3A_800 : vector<16xi32>, vector<16xi1> -> vector<16xi32>
        %reduce_max3A_805 = arith.xori %reduce_max3A_804, %reduce_max3A_802 : vector<16xi32>
        %reduce_max3A_806 = vector.extract %reduce_max3A_805[15] : i32 from vector<16xi32>
        %add3A_807 = arith.constant 112 : i32
        %add3A_808 = arith.addi %mul3A_593, %add3A_807 : i32
        %get3A_809 = arith.index_cast %add3A_808 : i32 to index
        %get3A_810 = tpu.vector_load %arg10[%get3A_809] {strides = array<i32>} : memref<4096xf32, #tpu.memory_space<vmem>>, vector<16xf32>,
        %sub3A_811 = arith.subf %get3A_810, %gather3A : vector<16xf32>
        %get3A_812 = arith.index_cast %add3A_808 : i32 to index
        %get3A_813 = tpu.vector_load %arg11[%get3A_812] {strides = array<i32>} : memref<4096xf32, #tpu.memory_space<vmem>>, vector<16xf32>,
        %sub3A_814 = arith.subf %get3A_813, %gather3A_36 : vector<16xf32>
        %get3A_815 = arith.index_cast %add3A_808 : i32 to index
        %get3A_816 = tpu.vector_load %arg12[%get3A_815] {strides = array<i32>} : memref<4096xf32, #tpu.memory_space<vmem>>, vector<16xf32>,
        %sub3A_817 = arith.subf %get3A_816, %gather3A_37 : vector<16xf32>
        %mul3A_818 = arith.mulf %sub3A_811, %sub3A_811 : vector<16xf32>
        %mul3A_819 = arith.mulf %sub3A_814, %sub3A_814 : vector<16xf32>
        %add3A_820 = arith.addf %mul3A_818, %mul3A_819 : vector<16xf32>
        %mul3A_821 = arith.mulf %sub3A_817, %sub3A_817 : vector<16xf32>
        %add3A_822 = arith.addf %add3A_820, %mul3A_821 : vector<16xf32>
        %le3A_823 = arith.constant 4.000000e-02 : f32
        %le3A_824 = vector.broadcast %le3A_823 : f32 to vector<16xf32>
        %le3A_825 = arith.cmpf ole, %add3A_822, %le3A_824 : vector<16xf32>
        %convert_element_type3A_826 = arith.extui %le3A_825 : vector<16xi1> to vector<16xi32>
        %broadcast_in_dim3A_827 = arith.constant true
        %broadcast_in_dim3A_828 = vector.broadcast %broadcast_in_dim3A_827 : i1 to vector<16xi1>
        %masked_cumsum3A_829 = tpu.scan <sum>, %convert_element_type3A_826 masked %broadcast_in_dim3A_828 : vector<16xi32>, vector<16xi1> -> vector<16xi32>
        %reduce_max3A_830 = arith.constant true
        %reduce_max3A_831 = vector.broadcast %reduce_max3A_830 : i1 to vector<16xi1>
        %reduce_max3A_832 = arith.constant -2147483648 : i32
        %reduce_max3A_833 = vector.broadcast %reduce_max3A_832 : i32 to vector<16xi32>
        %reduce_max3A_834 = arith.xori %masked_cumsum3A_829, %reduce_max3A_833 : vector<16xi32>
        %reduce_max3A_835 = tpu.scan <max>, %reduce_max3A_834 masked %reduce_max3A_831 : vector<16xi32>, vector<16xi1> -> vector<16xi32>
        %reduce_max3A_836 = arith.xori %reduce_max3A_835, %reduce_max3A_833 : vector<16xi32>
        %reduce_max3A_837 = vector.extract %reduce_max3A_836[15] : i32 from vector<16xi32>
        %add3A_838 = vector.broadcast %while3A_591 : i32 to vector<16xi32>
        %add3A_839 = arith.addi %add3A_838, %masked_cumsum3A : vector<16xi32>
        %sub3A_840 = arith.constant 1 : i32
        %sub3A_841 = vector.broadcast %sub3A_840 : i32 to vector<16xi32>
        %sub3A_842 = arith.subi %add3A_839, %sub3A_841 : vector<16xi32>
        %lt3A_843 = arith.constant 160 : i32
        %lt3A_844 = vector.broadcast %lt3A_843 : i32 to vector<16xi32>
        %lt3A_845 = arith.cmpi slt, %sub3A_842, %lt3A_844 : vector<16xi32>
        %and3A_846 = arith.andi %le3A_611, %lt3A_845 : vector<16xi1>
        %add3A_847 = arith.constant 0 : i32
        %add3A_848 = arith.addi %mul3A_593, %add3A_847 : i32
        %add3A_849 = vector.broadcast %add3A_848 : i32 to vector<16xi32>
        %add3A_850 = arith.addi %iota3A, %add3A_849 : vector<16xi32>
        tpu.vector_store_idx %arg16[%sub3A_842], %add3A_850 masked %and3A_846 : memref<176xi32, #tpu.memory_space<vmem>>[vector<16xi32>], vector<16xi32>, vector<16xi1>
        %add3A_851 = arith.addi %while3A_591, %reduce_max3A_620 : i32
        %add3A_852 = vector.broadcast %add3A_851 : i32 to vector<16xi32>
        %add3A_853 = arith.addi %add3A_852, %masked_cumsum3A_643 : vector<16xi32>
        %sub3A_854 = arith.constant 1 : i32
        %sub3A_855 = vector.broadcast %sub3A_854 : i32 to vector<16xi32>
        %sub3A_856 = arith.subi %add3A_853, %sub3A_855 : vector<16xi32>
        %lt3A_857 = arith.constant 160 : i32
        %lt3A_858 = vector.broadcast %lt3A_857 : i32 to vector<16xi32>
        %lt3A_859 = arith.cmpi slt, %sub3A_856, %lt3A_858 : vector<16xi32>
        %and3A_860 = arith.andi %le3A_639, %lt3A_859 : vector<16xi1>
        %add3A_861 = arith.constant 16 : i32
        %add3A_862 = arith.addi %mul3A_593, %add3A_861 : i32
        %add3A_863 = vector.broadcast %add3A_862 : i32 to vector<16xi32>
        %add3A_864 = arith.addi %iota3A, %add3A_863 : vector<16xi32>
        tpu.vector_store_idx %arg16[%sub3A_856], %add3A_864 masked %and3A_860 : memref<176xi32, #tpu.memory_space<vmem>>[vector<16xi32>], vector<16xi32>, vector<16xi1>
        %add3A_865 = arith.addi %add3A_851, %reduce_max3A_651 : i32
        %add3A_866 = vector.broadcast %add3A_865 : i32 to vector<16xi32>
        %add3A_867 = arith.addi %add3A_866, %masked_cumsum3A_674 : vector<16xi32>
        %sub3A_868 = arith.constant 1 : i32
        %sub3A_869 = vector.broadcast %sub3A_868 : i32 to vector<16xi32>
        %sub3A_870 = arith.subi %add3A_867, %sub3A_869 : vector<16xi32>
        %lt3A_871 = arith.constant 160 : i32
        %lt3A_872 = vector.broadcast %lt3A_871 : i32 to vector<16xi32>
        %lt3A_873 = arith.cmpi slt, %sub3A_870, %lt3A_872 : vector<16xi32>
        %and3A_874 = arith.andi %le3A_670, %lt3A_873 : vector<16xi1>
        %add3A_875 = arith.constant 32 : i32
        %add3A_876 = arith.addi %mul3A_593, %add3A_875 : i32
        %add3A_877 = vector.broadcast %add3A_876 : i32 to vector<16xi32>
        %add3A_878 = arith.addi %iota3A, %add3A_877 : vector<16xi32>
        tpu.vector_store_idx %arg16[%sub3A_870], %add3A_878 masked %and3A_874 : memref<176xi32, #tpu.memory_space<vmem>>[vector<16xi32>], vector<16xi32>, vector<16xi1>
        %add3A_879 = arith.addi %add3A_865, %reduce_max3A_682 : i32
        %add3A_880 = vector.broadcast %add3A_879 : i32 to vector<16xi32>
        %add3A_881 = arith.addi %add3A_880, %masked_cumsum3A_705 : vector<16xi32>
        %sub3A_882 = arith.constant 1 : i32
        %sub3A_883 = vector.broadcast %sub3A_882 : i32 to vector<16xi32>
        %sub3A_884 = arith.subi %add3A_881, %sub3A_883 : vector<16xi32>
        %lt3A_885 = arith.constant 160 : i32
        %lt3A_886 = vector.broadcast %lt3A_885 : i32 to vector<16xi32>
        %lt3A_887 = arith.cmpi slt, %sub3A_884, %lt3A_886 : vector<16xi32>
        %and3A_888 = arith.andi %le3A_701, %lt3A_887 : vector<16xi1>
        %add3A_889 = arith.constant 48 : i32
        %add3A_890 = arith.addi %mul3A_593, %add3A_889 : i32
        %add3A_891 = vector.broadcast %add3A_890 : i32 to vector<16xi32>
        %add3A_892 = arith.addi %iota3A, %add3A_891 : vector<16xi32>
        tpu.vector_store_idx %arg16[%sub3A_884], %add3A_892 masked %and3A_888 : memref<176xi32, #tpu.memory_space<vmem>>[vector<16xi32>], vector<16xi32>, vector<16xi1>
        %add3A_893 = arith.addi %add3A_879, %reduce_max3A_713 : i32
        %add3A_894 = vector.broadcast %add3A_893 : i32 to vector<16xi32>
        %add3A_895 = arith.addi %add3A_894, %masked_cumsum3A_736 : vector<16xi32>
        %sub3A_896 = arith.constant 1 : i32
        %sub3A_897 = vector.broadcast %sub3A_896 : i32 to vector<16xi32>
        %sub3A_898 = arith.subi %add3A_895, %sub3A_897 : vector<16xi32>
        %lt3A_899 = arith.constant 160 : i32
        %lt3A_900 = vector.broadcast %lt3A_899 : i32 to vector<16xi32>
        %lt3A_901 = arith.cmpi slt, %sub3A_898, %lt3A_900 : vector<16xi32>
        %and3A_902 = arith.andi %le3A_732, %lt3A_901 : vector<16xi1>
        %add3A_903 = arith.constant 64 : i32
        %add3A_904 = arith.addi %mul3A_593, %add3A_903 : i32
        %add3A_905 = vector.broadcast %add3A_904 : i32 to vector<16xi32>
        %add3A_906 = arith.addi %iota3A, %add3A_905 : vector<16xi32>
        tpu.vector_store_idx %arg16[%sub3A_898], %add3A_906 masked %and3A_902 : memref<176xi32, #tpu.memory_space<vmem>>[vector<16xi32>], vector<16xi32>, vector<16xi1>
        %add3A_907 = arith.addi %add3A_893, %reduce_max3A_744 : i32
        %add3A_908 = vector.broadcast %add3A_907 : i32 to vector<16xi32>
        %add3A_909 = arith.addi %add3A_908, %masked_cumsum3A_767 : vector<16xi32>
        %sub3A_910 = arith.constant 1 : i32
        %sub3A_911 = vector.broadcast %sub3A_910 : i32 to vector<16xi32>
        %sub3A_912 = arith.subi %add3A_909, %sub3A_911 : vector<16xi32>
        %lt3A_913 = arith.constant 160 : i32
        %lt3A_914 = vector.broadcast %lt3A_913 : i32 to vector<16xi32>
        %lt3A_915 = arith.cmpi slt, %sub3A_912, %lt3A_914 : vector<16xi32>
        %and3A_916 = arith.andi %le3A_763, %lt3A_915 : vector<16xi1>
        %add3A_917 = arith.constant 80 : i32
        %add3A_918 = arith.addi %mul3A_593, %add3A_917 : i32
        %add3A_919 = vector.broadcast %add3A_918 : i32 to vector<16xi32>
        %add3A_920 = arith.addi %iota3A, %add3A_919 : vector<16xi32>
        tpu.vector_store_idx %arg16[%sub3A_912], %add3A_920 masked %and3A_916 : memref<176xi32, #tpu.memory_space<vmem>>[vector<16xi32>], vector<16xi32>, vector<16xi1>
        %add3A_921 = arith.addi %add3A_907, %reduce_max3A_775 : i32
        %add3A_922 = vector.broadcast %add3A_921 : i32 to vector<16xi32>
        %add3A_923 = arith.addi %add3A_922, %masked_cumsum3A_798 : vector<16xi32>
        %sub3A_924 = arith.constant 1 : i32
        %sub3A_925 = vector.broadcast %sub3A_924 : i32 to vector<16xi32>
        %sub3A_926 = arith.subi %add3A_923, %sub3A_925 : vector<16xi32>
        %lt3A_927 = arith.constant 160 : i32
        %lt3A_928 = vector.broadcast %lt3A_927 : i32 to vector<16xi32>
        %lt3A_929 = arith.cmpi slt, %sub3A_926, %lt3A_928 : vector<16xi32>
        %and3A_930 = arith.andi %le3A_794, %lt3A_929 : vector<16xi1>
        %add3A_931 = arith.constant 96 : i32
        %add3A_932 = arith.addi %mul3A_593, %add3A_931 : i32
        %add3A_933 = vector.broadcast %add3A_932 : i32 to vector<16xi32>
        %add3A_934 = arith.addi %iota3A, %add3A_933 : vector<16xi32>
        tpu.vector_store_idx %arg16[%sub3A_926], %add3A_934 masked %and3A_930 : memref<176xi32, #tpu.memory_space<vmem>>[vector<16xi32>], vector<16xi32>, vector<16xi1>
        %add3A_935 = arith.addi %add3A_921, %reduce_max3A_806 : i32
        %add3A_936 = vector.broadcast %add3A_935 : i32 to vector<16xi32>
        %add3A_937 = arith.addi %add3A_936, %masked_cumsum3A_829 : vector<16xi32>
        %sub3A_938 = arith.constant 1 : i32
        %sub3A_939 = vector.broadcast %sub3A_938 : i32 to vector<16xi32>
        %sub3A_940 = arith.subi %add3A_937, %sub3A_939 : vector<16xi32>
        %lt3A_941 = arith.constant 160 : i32
        %lt3A_942 = vector.broadcast %lt3A_941 : i32 to vector<16xi32>
        %lt3A_943 = arith.cmpi slt, %sub3A_940, %lt3A_942 : vector<16xi32>
        %and3A_944 = arith.andi %le3A_825, %lt3A_943 : vector<16xi1>
        %add3A_945 = arith.constant 112 : i32
        %add3A_946 = arith.addi %mul3A_593, %add3A_945 : i32
        %add3A_947 = vector.broadcast %add3A_946 : i32 to vector<16xi32>
        %add3A_948 = arith.addi %iota3A, %add3A_947 : vector<16xi32>
        tpu.vector_store_idx %arg16[%sub3A_940], %add3A_948 masked %and3A_944 : memref<176xi32, #tpu.memory_space<vmem>>[vector<16xi32>], vector<16xi32>, vector<16xi1>
        %add3A_949 = arith.addi %add3A_935, %reduce_max3A_837 : i32
        %add3A_950 = arith.constant 1 : i32
        %add3A_951 = arith.addi %while3A_590, %add3A_950 : i32
        scf.yield %add3A_951, %add3A_949 : i32, i32
      }
      %gather3A_41 = tpu.vector_load_idx %arg16[%broadcast_in_dim3A_21] : memref<176xi32, #tpu.memory_space<vmem>>[vector<16xi32>], vector<16xi32>,
      %lt3A = vector.broadcast %while3A_40#1 : i32 to vector<16xi32>
      %lt3A_42 = arith.cmpi slt, %iota3A, %lt3A : vector<16xi32>
      %get3A = arith.constant 0 : index
      %get3A_43 = tpu.vector_load %arg16[%get3A] {strides = array<i32>} : memref<176xi32, #tpu.memory_space<vmem>>, vector<16xi32>,
      %select_n3A_44 = arith.select %lt3A_42, %get3A_43, %gather3A_41 : vector<16xi1>, vector<16xi32>
      %add3A_45 = vector.broadcast %mul3A_20 : i32 to vector<16xi32>
      %add3A_46 = arith.addi %select_n3A_44, %add3A_45 : vector<16xi32>
      %add3A_47 = arith.constant 16 : i32
      %add3A_48 = vector.broadcast %add3A_47 : i32 to vector<16xi32>
      %add3A_49 = arith.addi %iota3A, %add3A_48 : vector<16xi32>
      %lt3A_50 = vector.broadcast %while3A_40#1 : i32 to vector<16xi32>
      %lt3A_51 = arith.cmpi slt, %add3A_49, %lt3A_50 : vector<16xi32>
      %get3A_52 = arith.constant 16 : index
      %get3A_53 = tpu.vector_load %arg16[%get3A_52] {strides = array<i32>} : memref<176xi32, #tpu.memory_space<vmem>>, vector<16xi32>,
      %select_n3A_54 = arith.select %lt3A_51, %get3A_53, %gather3A_41 : vector<16xi1>, vector<16xi32>
      %add3A_55 = vector.broadcast %mul3A_20 : i32 to vector<16xi32>
      %add3A_56 = arith.addi %select_n3A_54, %add3A_55 : vector<16xi32>
      %mul3A_57 = arith.constant 32 : i32
      %mul3A_58 = arith.muli %add3A_33, %mul3A_57 : i32
      %swap3A_59 = arith.index_cast %mul3A_58 : i32 to index
      %swap3A_60 = tpu.vector_load %arg17[%swap3A_59] {strides = array<i32>} : memref<4096xi32, #tpu.memory_space<vmem>>, vector<16xi32>,
      tpu.vector_store %arg17[%swap3A_59], %add3A_46 {strides = array<i32>} : memref<4096xi32, #tpu.memory_space<vmem>>, vector<16xi32>,
      %mul3A_61 = arith.constant 32 : i32
      %mul3A_62 = arith.muli %add3A_33, %mul3A_61 : i32
      %add3A_63 = arith.constant 16 : i32
      %add3A_64 = arith.addi %mul3A_62, %add3A_63 : i32
      %swap3A_65 = arith.index_cast %add3A_64 : i32 to index
      %swap3A_66 = tpu.vector_load %arg17[%swap3A_65] {strides = array<i32>} : memref<4096xi32, #tpu.memory_space<vmem>>, vector<16xi32>,
      tpu.vector_store %arg17[%swap3A_65], %add3A_56 {strides = array<i32>} : memref<4096xi32, #tpu.memory_space<vmem>>, vector<16xi32>,
      %mul3A_67 = arith.constant 4 : i32
      %mul3A_68 = arith.muli %scan3A_28, %mul3A_67 : i32
      %add3A_69 = arith.constant 1 : i32
      %add3A_70 = arith.addi %mul3A_68, %add3A_69 : i32
      %add3A_71 = vector.broadcast %add3A_70 : i32 to vector<16xi32>
      %add3A_72 = arith.addi %broadcast_in_dim3A_21, %add3A_71 : vector<16xi32>
      %gather3A_73 = tpu.vector_load_idx %arg13[%add3A_72] : memref<128xf32, #tpu.memory_space<vmem>>[vector<16xi32>], vector<16xf32>,
      %gather3A_74 = tpu.vector_load_idx %arg14[%add3A_72] : memref<128xf32, #tpu.memory_space<vmem>>[vector<16xi32>], vector<16xf32>,
      %gather3A_75 = tpu.vector_load_idx %arg15[%add3A_72] : memref<128xf32, #tpu.memory_space<vmem>>[vector<16xi32>], vector<16xf32>,
      %swap3A_76 = arith.constant 0 : index
      %swap3A_77 = tpu.vector_load %arg16[%swap3A_76] {strides = array<i32>} : memref<176xi32, #tpu.memory_space<vmem>>, vector<16xi32>,
      tpu.vector_store %arg16[%swap3A_76], %broadcast_in_dim3A_21 {strides = array<i32>} : memref<176xi32, #tpu.memory_space<vmem>>, vector<16xi32>,
      %while3A_78 = arith.constant 0 : i32
      %while3A_79 = arith.constant 0 : i32
      %while3A_80:2 = scf.while (%while3A_590 = %while3A_78, %while3A_591 = %while3A_79) : (i32, i32) -> (i32, i32) {
        %lt3A_592 = arith.constant 32 : i32
        %lt3A_593 = arith.cmpi slt, %while3A_591, %lt3A_592 : i32
        %lt3A_594 = arith.constant 32 : i32
        %lt3A_595 = arith.cmpi slt, %while3A_590, %lt3A_594 : i32
        %and3A_596 = arith.andi %lt3A_593, %lt3A_595 : i1
        scf.condition(%and3A_596) %while3A_590, %while3A_591 : i32, i32
      } do {
      ^bb0(%while3A_590: i32, %while3A_591: i32):
        %mul3A_592 = arith.constant 128 : i32
        %mul3A_593 = arith.muli %while3A_590, %mul3A_592 : i32
        %add3A_594 = arith.constant 0 : i32
        %add3A_595 = arith.addi %mul3A_593, %add3A_594 : i32
        %get3A_596 = arith.index_cast %add3A_595 : i32 to index
        %get3A_597 = tpu.vector_load %arg10[%get3A_596] {strides = array<i32>} : memref<4096xf32, #tpu.memory_space<vmem>>, vector<16xf32>,
        %sub3A_598 = arith.subf %get3A_597, %gather3A_73 : vector<16xf32>
        %get3A_599 = arith.index_cast %add3A_595 : i32 to index
        %get3A_600 = tpu.vector_load %arg11[%get3A_599] {strides = array<i32>} : memref<4096xf32, #tpu.memory_space<vmem>>, vector<16xf32>,
        %sub3A_601 = arith.subf %get3A_600, %gather3A_74 : vector<16xf32>
        %get3A_602 = arith.index_cast %add3A_595 : i32 to index
        %get3A_603 = tpu.vector_load %arg12[%get3A_602] {strides = array<i32>} : memref<4096xf32, #tpu.memory_space<vmem>>, vector<16xf32>,
        %sub3A_604 = arith.subf %get3A_603, %gather3A_75 : vector<16xf32>
        %mul3A_605 = arith.mulf %sub3A_598, %sub3A_598 : vector<16xf32>
        %mul3A_606 = arith.mulf %sub3A_601, %sub3A_601 : vector<16xf32>
        %add3A_607 = arith.addf %mul3A_605, %mul3A_606 : vector<16xf32>
        %mul3A_608 = arith.mulf %sub3A_604, %sub3A_604 : vector<16xf32>
        %add3A_609 = arith.addf %add3A_607, %mul3A_608 : vector<16xf32>
        %le3A = arith.constant 4.000000e-02 : f32
        %le3A_610 = vector.broadcast %le3A : f32 to vector<16xf32>
        %le3A_611 = arith.cmpf ole, %add3A_609, %le3A_610 : vector<16xf32>
        %convert_element_type3A = arith.extui %le3A_611 : vector<16xi1> to vector<16xi32>
        %broadcast_in_dim3A_612 = arith.constant true
        %broadcast_in_dim3A_613 = vector.broadcast %broadcast_in_dim3A_612 : i1 to vector<16xi1>
        %masked_cumsum3A = tpu.scan <sum>, %convert_element_type3A masked %broadcast_in_dim3A_613 : vector<16xi32>, vector<16xi1> -> vector<16xi32>
        %reduce_max3A = arith.constant true
        %reduce_max3A_614 = vector.broadcast %reduce_max3A : i1 to vector<16xi1>
        %reduce_max3A_615 = arith.constant -2147483648 : i32
        %reduce_max3A_616 = vector.broadcast %reduce_max3A_615 : i32 to vector<16xi32>
        %reduce_max3A_617 = arith.xori %masked_cumsum3A, %reduce_max3A_616 : vector<16xi32>
        %reduce_max3A_618 = tpu.scan <max>, %reduce_max3A_617 masked %reduce_max3A_614 : vector<16xi32>, vector<16xi1> -> vector<16xi32>
        %reduce_max3A_619 = arith.xori %reduce_max3A_618, %reduce_max3A_616 : vector<16xi32>
        %reduce_max3A_620 = vector.extract %reduce_max3A_619[15] : i32 from vector<16xi32>
        %add3A_621 = arith.constant 16 : i32
        %add3A_622 = arith.addi %mul3A_593, %add3A_621 : i32
        %get3A_623 = arith.index_cast %add3A_622 : i32 to index
        %get3A_624 = tpu.vector_load %arg10[%get3A_623] {strides = array<i32>} : memref<4096xf32, #tpu.memory_space<vmem>>, vector<16xf32>,
        %sub3A_625 = arith.subf %get3A_624, %gather3A_73 : vector<16xf32>
        %get3A_626 = arith.index_cast %add3A_622 : i32 to index
        %get3A_627 = tpu.vector_load %arg11[%get3A_626] {strides = array<i32>} : memref<4096xf32, #tpu.memory_space<vmem>>, vector<16xf32>,
        %sub3A_628 = arith.subf %get3A_627, %gather3A_74 : vector<16xf32>
        %get3A_629 = arith.index_cast %add3A_622 : i32 to index
        %get3A_630 = tpu.vector_load %arg12[%get3A_629] {strides = array<i32>} : memref<4096xf32, #tpu.memory_space<vmem>>, vector<16xf32>,
        %sub3A_631 = arith.subf %get3A_630, %gather3A_75 : vector<16xf32>
        %mul3A_632 = arith.mulf %sub3A_625, %sub3A_625 : vector<16xf32>
        %mul3A_633 = arith.mulf %sub3A_628, %sub3A_628 : vector<16xf32>
        %add3A_634 = arith.addf %mul3A_632, %mul3A_633 : vector<16xf32>
        %mul3A_635 = arith.mulf %sub3A_631, %sub3A_631 : vector<16xf32>
        %add3A_636 = arith.addf %add3A_634, %mul3A_635 : vector<16xf32>
        %le3A_637 = arith.constant 4.000000e-02 : f32
        %le3A_638 = vector.broadcast %le3A_637 : f32 to vector<16xf32>
        %le3A_639 = arith.cmpf ole, %add3A_636, %le3A_638 : vector<16xf32>
        %convert_element_type3A_640 = arith.extui %le3A_639 : vector<16xi1> to vector<16xi32>
        %broadcast_in_dim3A_641 = arith.constant true
        %broadcast_in_dim3A_642 = vector.broadcast %broadcast_in_dim3A_641 : i1 to vector<16xi1>
        %masked_cumsum3A_643 = tpu.scan <sum>, %convert_element_type3A_640 masked %broadcast_in_dim3A_642 : vector<16xi32>, vector<16xi1> -> vector<16xi32>
        %reduce_max3A_644 = arith.constant true
        %reduce_max3A_645 = vector.broadcast %reduce_max3A_644 : i1 to vector<16xi1>
        %reduce_max3A_646 = arith.constant -2147483648 : i32
        %reduce_max3A_647 = vector.broadcast %reduce_max3A_646 : i32 to vector<16xi32>
        %reduce_max3A_648 = arith.xori %masked_cumsum3A_643, %reduce_max3A_647 : vector<16xi32>
        %reduce_max3A_649 = tpu.scan <max>, %reduce_max3A_648 masked %reduce_max3A_645 : vector<16xi32>, vector<16xi1> -> vector<16xi32>
        %reduce_max3A_650 = arith.xori %reduce_max3A_649, %reduce_max3A_647 : vector<16xi32>
        %reduce_max3A_651 = vector.extract %reduce_max3A_650[15] : i32 from vector<16xi32>
        %add3A_652 = arith.constant 32 : i32
        %add3A_653 = arith.addi %mul3A_593, %add3A_652 : i32
        %get3A_654 = arith.index_cast %add3A_653 : i32 to index
        %get3A_655 = tpu.vector_load %arg10[%get3A_654] {strides = array<i32>} : memref<4096xf32, #tpu.memory_space<vmem>>, vector<16xf32>,
        %sub3A_656 = arith.subf %get3A_655, %gather3A_73 : vector<16xf32>
        %get3A_657 = arith.index_cast %add3A_653 : i32 to index
        %get3A_658 = tpu.vector_load %arg11[%get3A_657] {strides = array<i32>} : memref<4096xf32, #tpu.memory_space<vmem>>, vector<16xf32>,
        %sub3A_659 = arith.subf %get3A_658, %gather3A_74 : vector<16xf32>
        %get3A_660 = arith.index_cast %add3A_653 : i32 to index
        %get3A_661 = tpu.vector_load %arg12[%get3A_660] {strides = array<i32>} : memref<4096xf32, #tpu.memory_space<vmem>>, vector<16xf32>,
        %sub3A_662 = arith.subf %get3A_661, %gather3A_75 : vector<16xf32>
        %mul3A_663 = arith.mulf %sub3A_656, %sub3A_656 : vector<16xf32>
        %mul3A_664 = arith.mulf %sub3A_659, %sub3A_659 : vector<16xf32>
        %add3A_665 = arith.addf %mul3A_663, %mul3A_664 : vector<16xf32>
        %mul3A_666 = arith.mulf %sub3A_662, %sub3A_662 : vector<16xf32>
        %add3A_667 = arith.addf %add3A_665, %mul3A_666 : vector<16xf32>
        %le3A_668 = arith.constant 4.000000e-02 : f32
        %le3A_669 = vector.broadcast %le3A_668 : f32 to vector<16xf32>
        %le3A_670 = arith.cmpf ole, %add3A_667, %le3A_669 : vector<16xf32>
        %convert_element_type3A_671 = arith.extui %le3A_670 : vector<16xi1> to vector<16xi32>
        %broadcast_in_dim3A_672 = arith.constant true
        %broadcast_in_dim3A_673 = vector.broadcast %broadcast_in_dim3A_672 : i1 to vector<16xi1>
        %masked_cumsum3A_674 = tpu.scan <sum>, %convert_element_type3A_671 masked %broadcast_in_dim3A_673 : vector<16xi32>, vector<16xi1> -> vector<16xi32>
        %reduce_max3A_675 = arith.constant true
        %reduce_max3A_676 = vector.broadcast %reduce_max3A_675 : i1 to vector<16xi1>
        %reduce_max3A_677 = arith.constant -2147483648 : i32
        %reduce_max3A_678 = vector.broadcast %reduce_max3A_677 : i32 to vector<16xi32>
        %reduce_max3A_679 = arith.xori %masked_cumsum3A_674, %reduce_max3A_678 : vector<16xi32>
        %reduce_max3A_680 = tpu.scan <max>, %reduce_max3A_679 masked %reduce_max3A_676 : vector<16xi32>, vector<16xi1> -> vector<16xi32>
        %reduce_max3A_681 = arith.xori %reduce_max3A_680, %reduce_max3A_678 : vector<16xi32>
        %reduce_max3A_682 = vector.extract %reduce_max3A_681[15] : i32 from vector<16xi32>
        %add3A_683 = arith.constant 48 : i32
        %add3A_684 = arith.addi %mul3A_593, %add3A_683 : i32
        %get3A_685 = arith.index_cast %add3A_684 : i32 to index
        %get3A_686 = tpu.vector_load %arg10[%get3A_685] {strides = array<i32>} : memref<4096xf32, #tpu.memory_space<vmem>>, vector<16xf32>,
        %sub3A_687 = arith.subf %get3A_686, %gather3A_73 : vector<16xf32>
        %get3A_688 = arith.index_cast %add3A_684 : i32 to index
        %get3A_689 = tpu.vector_load %arg11[%get3A_688] {strides = array<i32>} : memref<4096xf32, #tpu.memory_space<vmem>>, vector<16xf32>,
        %sub3A_690 = arith.subf %get3A_689, %gather3A_74 : vector<16xf32>
        %get3A_691 = arith.index_cast %add3A_684 : i32 to index
        %get3A_692 = tpu.vector_load %arg12[%get3A_691] {strides = array<i32>} : memref<4096xf32, #tpu.memory_space<vmem>>, vector<16xf32>,
        %sub3A_693 = arith.subf %get3A_692, %gather3A_75 : vector<16xf32>
        %mul3A_694 = arith.mulf %sub3A_687, %sub3A_687 : vector<16xf32>
        %mul3A_695 = arith.mulf %sub3A_690, %sub3A_690 : vector<16xf32>
        %add3A_696 = arith.addf %mul3A_694, %mul3A_695 : vector<16xf32>
        %mul3A_697 = arith.mulf %sub3A_693, %sub3A_693 : vector<16xf32>
        %add3A_698 = arith.addf %add3A_696, %mul3A_697 : vector<16xf32>
        %le3A_699 = arith.constant 4.000000e-02 : f32
        %le3A_700 = vector.broadcast %le3A_699 : f32 to vector<16xf32>
        %le3A_701 = arith.cmpf ole, %add3A_698, %le3A_700 : vector<16xf32>
        %convert_element_type3A_702 = arith.extui %le3A_701 : vector<16xi1> to vector<16xi32>
        %broadcast_in_dim3A_703 = arith.constant true
        %broadcast_in_dim3A_704 = vector.broadcast %broadcast_in_dim3A_703 : i1 to vector<16xi1>
        %masked_cumsum3A_705 = tpu.scan <sum>, %convert_element_type3A_702 masked %broadcast_in_dim3A_704 : vector<16xi32>, vector<16xi1> -> vector<16xi32>
        %reduce_max3A_706 = arith.constant true
        %reduce_max3A_707 = vector.broadcast %reduce_max3A_706 : i1 to vector<16xi1>
        %reduce_max3A_708 = arith.constant -2147483648 : i32
        %reduce_max3A_709 = vector.broadcast %reduce_max3A_708 : i32 to vector<16xi32>
        %reduce_max3A_710 = arith.xori %masked_cumsum3A_705, %reduce_max3A_709 : vector<16xi32>
        %reduce_max3A_711 = tpu.scan <max>, %reduce_max3A_710 masked %reduce_max3A_707 : vector<16xi32>, vector<16xi1> -> vector<16xi32>
        %reduce_max3A_712 = arith.xori %reduce_max3A_711, %reduce_max3A_709 : vector<16xi32>
        %reduce_max3A_713 = vector.extract %reduce_max3A_712[15] : i32 from vector<16xi32>
        %add3A_714 = arith.constant 64 : i32
        %add3A_715 = arith.addi %mul3A_593, %add3A_714 : i32
        %get3A_716 = arith.index_cast %add3A_715 : i32 to index
        %get3A_717 = tpu.vector_load %arg10[%get3A_716] {strides = array<i32>} : memref<4096xf32, #tpu.memory_space<vmem>>, vector<16xf32>,
        %sub3A_718 = arith.subf %get3A_717, %gather3A_73 : vector<16xf32>
        %get3A_719 = arith.index_cast %add3A_715 : i32 to index
        %get3A_720 = tpu.vector_load %arg11[%get3A_719] {strides = array<i32>} : memref<4096xf32, #tpu.memory_space<vmem>>, vector<16xf32>,
        %sub3A_721 = arith.subf %get3A_720, %gather3A_74 : vector<16xf32>
        %get3A_722 = arith.index_cast %add3A_715 : i32 to index
        %get3A_723 = tpu.vector_load %arg12[%get3A_722] {strides = array<i32>} : memref<4096xf32, #tpu.memory_space<vmem>>, vector<16xf32>,
        %sub3A_724 = arith.subf %get3A_723, %gather3A_75 : vector<16xf32>
        %mul3A_725 = arith.mulf %sub3A_718, %sub3A_718 : vector<16xf32>
        %mul3A_726 = arith.mulf %sub3A_721, %sub3A_721 : vector<16xf32>
        %add3A_727 = arith.addf %mul3A_725, %mul3A_726 : vector<16xf32>
        %mul3A_728 = arith.mulf %sub3A_724, %sub3A_724 : vector<16xf32>
        %add3A_729 = arith.addf %add3A_727, %mul3A_728 : vector<16xf32>
        %le3A_730 = arith.constant 4.000000e-02 : f32
        %le3A_731 = vector.broadcast %le3A_730 : f32 to vector<16xf32>
        %le3A_732 = arith.cmpf ole, %add3A_729, %le3A_731 : vector<16xf32>
        %convert_element_type3A_733 = arith.extui %le3A_732 : vector<16xi1> to vector<16xi32>
        %broadcast_in_dim3A_734 = arith.constant true
        %broadcast_in_dim3A_735 = vector.broadcast %broadcast_in_dim3A_734 : i1 to vector<16xi1>
        %masked_cumsum3A_736 = tpu.scan <sum>, %convert_element_type3A_733 masked %broadcast_in_dim3A_735 : vector<16xi32>, vector<16xi1> -> vector<16xi32>
        %reduce_max3A_737 = arith.constant true
        %reduce_max3A_738 = vector.broadcast %reduce_max3A_737 : i1 to vector<16xi1>
        %reduce_max3A_739 = arith.constant -2147483648 : i32
        %reduce_max3A_740 = vector.broadcast %reduce_max3A_739 : i32 to vector<16xi32>
        %reduce_max3A_741 = arith.xori %masked_cumsum3A_736, %reduce_max3A_740 : vector<16xi32>
        %reduce_max3A_742 = tpu.scan <max>, %reduce_max3A_741 masked %reduce_max3A_738 : vector<16xi32>, vector<16xi1> -> vector<16xi32>
        %reduce_max3A_743 = arith.xori %reduce_max3A_742, %reduce_max3A_740 : vector<16xi32>
        %reduce_max3A_744 = vector.extract %reduce_max3A_743[15] : i32 from vector<16xi32>
        %add3A_745 = arith.constant 80 : i32
        %add3A_746 = arith.addi %mul3A_593, %add3A_745 : i32
        %get3A_747 = arith.index_cast %add3A_746 : i32 to index
        %get3A_748 = tpu.vector_load %arg10[%get3A_747] {strides = array<i32>} : memref<4096xf32, #tpu.memory_space<vmem>>, vector<16xf32>,
        %sub3A_749 = arith.subf %get3A_748, %gather3A_73 : vector<16xf32>
        %get3A_750 = arith.index_cast %add3A_746 : i32 to index
        %get3A_751 = tpu.vector_load %arg11[%get3A_750] {strides = array<i32>} : memref<4096xf32, #tpu.memory_space<vmem>>, vector<16xf32>,
        %sub3A_752 = arith.subf %get3A_751, %gather3A_74 : vector<16xf32>
        %get3A_753 = arith.index_cast %add3A_746 : i32 to index
        %get3A_754 = tpu.vector_load %arg12[%get3A_753] {strides = array<i32>} : memref<4096xf32, #tpu.memory_space<vmem>>, vector<16xf32>,
        %sub3A_755 = arith.subf %get3A_754, %gather3A_75 : vector<16xf32>
        %mul3A_756 = arith.mulf %sub3A_749, %sub3A_749 : vector<16xf32>
        %mul3A_757 = arith.mulf %sub3A_752, %sub3A_752 : vector<16xf32>
        %add3A_758 = arith.addf %mul3A_756, %mul3A_757 : vector<16xf32>
        %mul3A_759 = arith.mulf %sub3A_755, %sub3A_755 : vector<16xf32>
        %add3A_760 = arith.addf %add3A_758, %mul3A_759 : vector<16xf32>
        %le3A_761 = arith.constant 4.000000e-02 : f32
        %le3A_762 = vector.broadcast %le3A_761 : f32 to vector<16xf32>
        %le3A_763 = arith.cmpf ole, %add3A_760, %le3A_762 : vector<16xf32>
        %convert_element_type3A_764 = arith.extui %le3A_763 : vector<16xi1> to vector<16xi32>
        %broadcast_in_dim3A_765 = arith.constant true
        %broadcast_in_dim3A_766 = vector.broadcast %broadcast_in_dim3A_765 : i1 to vector<16xi1>
        %masked_cumsum3A_767 = tpu.scan <sum>, %convert_element_type3A_764 masked %broadcast_in_dim3A_766 : vector<16xi32>, vector<16xi1> -> vector<16xi32>
        %reduce_max3A_768 = arith.constant true
        %reduce_max3A_769 = vector.broadcast %reduce_max3A_768 : i1 to vector<16xi1>
        %reduce_max3A_770 = arith.constant -2147483648 : i32
        %reduce_max3A_771 = vector.broadcast %reduce_max3A_770 : i32 to vector<16xi32>
        %reduce_max3A_772 = arith.xori %masked_cumsum3A_767, %reduce_max3A_771 : vector<16xi32>
        %reduce_max3A_773 = tpu.scan <max>, %reduce_max3A_772 masked %reduce_max3A_769 : vector<16xi32>, vector<16xi1> -> vector<16xi32>
        %reduce_max3A_774 = arith.xori %reduce_max3A_773, %reduce_max3A_771 : vector<16xi32>
        %reduce_max3A_775 = vector.extract %reduce_max3A_774[15] : i32 from vector<16xi32>
        %add3A_776 = arith.constant 96 : i32
        %add3A_777 = arith.addi %mul3A_593, %add3A_776 : i32
        %get3A_778 = arith.index_cast %add3A_777 : i32 to index
        %get3A_779 = tpu.vector_load %arg10[%get3A_778] {strides = array<i32>} : memref<4096xf32, #tpu.memory_space<vmem>>, vector<16xf32>,
        %sub3A_780 = arith.subf %get3A_779, %gather3A_73 : vector<16xf32>
        %get3A_781 = arith.index_cast %add3A_777 : i32 to index
        %get3A_782 = tpu.vector_load %arg11[%get3A_781] {strides = array<i32>} : memref<4096xf32, #tpu.memory_space<vmem>>, vector<16xf32>,
        %sub3A_783 = arith.subf %get3A_782, %gather3A_74 : vector<16xf32>
        %get3A_784 = arith.index_cast %add3A_777 : i32 to index
        %get3A_785 = tpu.vector_load %arg12[%get3A_784] {strides = array<i32>} : memref<4096xf32, #tpu.memory_space<vmem>>, vector<16xf32>,
        %sub3A_786 = arith.subf %get3A_785, %gather3A_75 : vector<16xf32>
        %mul3A_787 = arith.mulf %sub3A_780, %sub3A_780 : vector<16xf32>
        %mul3A_788 = arith.mulf %sub3A_783, %sub3A_783 : vector<16xf32>
        %add3A_789 = arith.addf %mul3A_787, %mul3A_788 : vector<16xf32>
        %mul3A_790 = arith.mulf %sub3A_786, %sub3A_786 : vector<16xf32>
        %add3A_791 = arith.addf %add3A_789, %mul3A_790 : vector<16xf32>
        %le3A_792 = arith.constant 4.000000e-02 : f32
        %le3A_793 = vector.broadcast %le3A_792 : f32 to vector<16xf32>
        %le3A_794 = arith.cmpf ole, %add3A_791, %le3A_793 : vector<16xf32>
        %convert_element_type3A_795 = arith.extui %le3A_794 : vector<16xi1> to vector<16xi32>
        %broadcast_in_dim3A_796 = arith.constant true
        %broadcast_in_dim3A_797 = vector.broadcast %broadcast_in_dim3A_796 : i1 to vector<16xi1>
        %masked_cumsum3A_798 = tpu.scan <sum>, %convert_element_type3A_795 masked %broadcast_in_dim3A_797 : vector<16xi32>, vector<16xi1> -> vector<16xi32>
        %reduce_max3A_799 = arith.constant true
        %reduce_max3A_800 = vector.broadcast %reduce_max3A_799 : i1 to vector<16xi1>
        %reduce_max3A_801 = arith.constant -2147483648 : i32
        %reduce_max3A_802 = vector.broadcast %reduce_max3A_801 : i32 to vector<16xi32>
        %reduce_max3A_803 = arith.xori %masked_cumsum3A_798, %reduce_max3A_802 : vector<16xi32>
        %reduce_max3A_804 = tpu.scan <max>, %reduce_max3A_803 masked %reduce_max3A_800 : vector<16xi32>, vector<16xi1> -> vector<16xi32>
        %reduce_max3A_805 = arith.xori %reduce_max3A_804, %reduce_max3A_802 : vector<16xi32>
        %reduce_max3A_806 = vector.extract %reduce_max3A_805[15] : i32 from vector<16xi32>
        %add3A_807 = arith.constant 112 : i32
        %add3A_808 = arith.addi %mul3A_593, %add3A_807 : i32
        %get3A_809 = arith.index_cast %add3A_808 : i32 to index
        %get3A_810 = tpu.vector_load %arg10[%get3A_809] {strides = array<i32>} : memref<4096xf32, #tpu.memory_space<vmem>>, vector<16xf32>,
        %sub3A_811 = arith.subf %get3A_810, %gather3A_73 : vector<16xf32>
        %get3A_812 = arith.index_cast %add3A_808 : i32 to index
        %get3A_813 = tpu.vector_load %arg11[%get3A_812] {strides = array<i32>} : memref<4096xf32, #tpu.memory_space<vmem>>, vector<16xf32>,
        %sub3A_814 = arith.subf %get3A_813, %gather3A_74 : vector<16xf32>
        %get3A_815 = arith.index_cast %add3A_808 : i32 to index
        %get3A_816 = tpu.vector_load %arg12[%get3A_815] {strides = array<i32>} : memref<4096xf32, #tpu.memory_space<vmem>>, vector<16xf32>,
        %sub3A_817 = arith.subf %get3A_816, %gather3A_75 : vector<16xf32>
        %mul3A_818 = arith.mulf %sub3A_811, %sub3A_811 : vector<16xf32>
        %mul3A_819 = arith.mulf %sub3A_814, %sub3A_814 : vector<16xf32>
        %add3A_820 = arith.addf %mul3A_818, %mul3A_819 : vector<16xf32>
        %mul3A_821 = arith.mulf %sub3A_817, %sub3A_817 : vector<16xf32>
        %add3A_822 = arith.addf %add3A_820, %mul3A_821 : vector<16xf32>
        %le3A_823 = arith.constant 4.000000e-02 : f32
        %le3A_824 = vector.broadcast %le3A_823 : f32 to vector<16xf32>
        %le3A_825 = arith.cmpf ole, %add3A_822, %le3A_824 : vector<16xf32>
        %convert_element_type3A_826 = arith.extui %le3A_825 : vector<16xi1> to vector<16xi32>
        %broadcast_in_dim3A_827 = arith.constant true
        %broadcast_in_dim3A_828 = vector.broadcast %broadcast_in_dim3A_827 : i1 to vector<16xi1>
        %masked_cumsum3A_829 = tpu.scan <sum>, %convert_element_type3A_826 masked %broadcast_in_dim3A_828 : vector<16xi32>, vector<16xi1> -> vector<16xi32>
        %reduce_max3A_830 = arith.constant true
        %reduce_max3A_831 = vector.broadcast %reduce_max3A_830 : i1 to vector<16xi1>
        %reduce_max3A_832 = arith.constant -2147483648 : i32
        %reduce_max3A_833 = vector.broadcast %reduce_max3A_832 : i32 to vector<16xi32>
        %reduce_max3A_834 = arith.xori %masked_cumsum3A_829, %reduce_max3A_833 : vector<16xi32>
        %reduce_max3A_835 = tpu.scan <max>, %reduce_max3A_834 masked %reduce_max3A_831 : vector<16xi32>, vector<16xi1> -> vector<16xi32>
        %reduce_max3A_836 = arith.xori %reduce_max3A_835, %reduce_max3A_833 : vector<16xi32>
        %reduce_max3A_837 = vector.extract %reduce_max3A_836[15] : i32 from vector<16xi32>
        %add3A_838 = vector.broadcast %while3A_591 : i32 to vector<16xi32>
        %add3A_839 = arith.addi %add3A_838, %masked_cumsum3A : vector<16xi32>
        %sub3A_840 = arith.constant 1 : i32
        %sub3A_841 = vector.broadcast %sub3A_840 : i32 to vector<16xi32>
        %sub3A_842 = arith.subi %add3A_839, %sub3A_841 : vector<16xi32>
        %lt3A_843 = arith.constant 160 : i32
        %lt3A_844 = vector.broadcast %lt3A_843 : i32 to vector<16xi32>
        %lt3A_845 = arith.cmpi slt, %sub3A_842, %lt3A_844 : vector<16xi32>
        %and3A_846 = arith.andi %le3A_611, %lt3A_845 : vector<16xi1>
        %add3A_847 = arith.constant 0 : i32
        %add3A_848 = arith.addi %mul3A_593, %add3A_847 : i32
        %add3A_849 = vector.broadcast %add3A_848 : i32 to vector<16xi32>
        %add3A_850 = arith.addi %iota3A, %add3A_849 : vector<16xi32>
        tpu.vector_store_idx %arg16[%sub3A_842], %add3A_850 masked %and3A_846 : memref<176xi32, #tpu.memory_space<vmem>>[vector<16xi32>], vector<16xi32>, vector<16xi1>
        %add3A_851 = arith.addi %while3A_591, %reduce_max3A_620 : i32
        %add3A_852 = vector.broadcast %add3A_851 : i32 to vector<16xi32>
        %add3A_853 = arith.addi %add3A_852, %masked_cumsum3A_643 : vector<16xi32>
        %sub3A_854 = arith.constant 1 : i32
        %sub3A_855 = vector.broadcast %sub3A_854 : i32 to vector<16xi32>
        %sub3A_856 = arith.subi %add3A_853, %sub3A_855 : vector<16xi32>
        %lt3A_857 = arith.constant 160 : i32
        %lt3A_858 = vector.broadcast %lt3A_857 : i32 to vector<16xi32>
        %lt3A_859 = arith.cmpi slt, %sub3A_856, %lt3A_858 : vector<16xi32>
        %and3A_860 = arith.andi %le3A_639, %lt3A_859 : vector<16xi1>
        %add3A_861 = arith.constant 16 : i32
        %add3A_862 = arith.addi %mul3A_593, %add3A_861 : i32
        %add3A_863 = vector.broadcast %add3A_862 : i32 to vector<16xi32>
        %add3A_864 = arith.addi %iota3A, %add3A_863 : vector<16xi32>
        tpu.vector_store_idx %arg16[%sub3A_856], %add3A_864 masked %and3A_860 : memref<176xi32, #tpu.memory_space<vmem>>[vector<16xi32>], vector<16xi32>, vector<16xi1>
        %add3A_865 = arith.addi %add3A_851, %reduce_max3A_651 : i32
        %add3A_866 = vector.broadcast %add3A_865 : i32 to vector<16xi32>
        %add3A_867 = arith.addi %add3A_866, %masked_cumsum3A_674 : vector<16xi32>
        %sub3A_868 = arith.constant 1 : i32
        %sub3A_869 = vector.broadcast %sub3A_868 : i32 to vector<16xi32>
        %sub3A_870 = arith.subi %add3A_867, %sub3A_869 : vector<16xi32>
        %lt3A_871 = arith.constant 160 : i32
        %lt3A_872 = vector.broadcast %lt3A_871 : i32 to vector<16xi32>
        %lt3A_873 = arith.cmpi slt, %sub3A_870, %lt3A_872 : vector<16xi32>
        %and3A_874 = arith.andi %le3A_670, %lt3A_873 : vector<16xi1>
        %add3A_875 = arith.constant 32 : i32
        %add3A_876 = arith.addi %mul3A_593, %add3A_875 : i32
        %add3A_877 = vector.broadcast %add3A_876 : i32 to vector<16xi32>
        %add3A_878 = arith.addi %iota3A, %add3A_877 : vector<16xi32>
        tpu.vector_store_idx %arg16[%sub3A_870], %add3A_878 masked %and3A_874 : memref<176xi32, #tpu.memory_space<vmem>>[vector<16xi32>], vector<16xi32>, vector<16xi1>
        %add3A_879 = arith.addi %add3A_865, %reduce_max3A_682 : i32
        %add3A_880 = vector.broadcast %add3A_879 : i32 to vector<16xi32>
        %add3A_881 = arith.addi %add3A_880, %masked_cumsum3A_705 : vector<16xi32>
        %sub3A_882 = arith.constant 1 : i32
        %sub3A_883 = vector.broadcast %sub3A_882 : i32 to vector<16xi32>
        %sub3A_884 = arith.subi %add3A_881, %sub3A_883 : vector<16xi32>
        %lt3A_885 = arith.constant 160 : i32
        %lt3A_886 = vector.broadcast %lt3A_885 : i32 to vector<16xi32>
        %lt3A_887 = arith.cmpi slt, %sub3A_884, %lt3A_886 : vector<16xi32>
        %and3A_888 = arith.andi %le3A_701, %lt3A_887 : vector<16xi1>
        %add3A_889 = arith.constant 48 : i32
        %add3A_890 = arith.addi %mul3A_593, %add3A_889 : i32
        %add3A_891 = vector.broadcast %add3A_890 : i32 to vector<16xi32>
        %add3A_892 = arith.addi %iota3A, %add3A_891 : vector<16xi32>
        tpu.vector_store_idx %arg16[%sub3A_884], %add3A_892 masked %and3A_888 : memref<176xi32, #tpu.memory_space<vmem>>[vector<16xi32>], vector<16xi32>, vector<16xi1>
        %add3A_893 = arith.addi %add3A_879, %reduce_max3A_713 : i32
        %add3A_894 = vector.broadcast %add3A_893 : i32 to vector<16xi32>
        %add3A_895 = arith.addi %add3A_894, %masked_cumsum3A_736 : vector<16xi32>
        %sub3A_896 = arith.constant 1 : i32
        %sub3A_897 = vector.broadcast %sub3A_896 : i32 to vector<16xi32>
        %sub3A_898 = arith.subi %add3A_895, %sub3A_897 : vector<16xi32>
        %lt3A_899 = arith.constant 160 : i32
        %lt3A_900 = vector.broadcast %lt3A_899 : i32 to vector<16xi32>
        %lt3A_901 = arith.cmpi slt, %sub3A_898, %lt3A_900 : vector<16xi32>
        %and3A_902 = arith.andi %le3A_732, %lt3A_901 : vector<16xi1>
        %add3A_903 = arith.constant 64 : i32
        %add3A_904 = arith.addi %mul3A_593, %add3A_903 : i32
        %add3A_905 = vector.broadcast %add3A_904 : i32 to vector<16xi32>
        %add3A_906 = arith.addi %iota3A, %add3A_905 : vector<16xi32>
        tpu.vector_store_idx %arg16[%sub3A_898], %add3A_906 masked %and3A_902 : memref<176xi32, #tpu.memory_space<vmem>>[vector<16xi32>], vector<16xi32>, vector<16xi1>
        %add3A_907 = arith.addi %add3A_893, %reduce_max3A_744 : i32
        %add3A_908 = vector.broadcast %add3A_907 : i32 to vector<16xi32>
        %add3A_909 = arith.addi %add3A_908, %masked_cumsum3A_767 : vector<16xi32>
        %sub3A_910 = arith.constant 1 : i32
        %sub3A_911 = vector.broadcast %sub3A_910 : i32 to vector<16xi32>
        %sub3A_912 = arith.subi %add3A_909, %sub3A_911 : vector<16xi32>
        %lt3A_913 = arith.constant 160 : i32
        %lt3A_914 = vector.broadcast %lt3A_913 : i32 to vector<16xi32>
        %lt3A_915 = arith.cmpi slt, %sub3A_912, %lt3A_914 : vector<16xi32>
        %and3A_916 = arith.andi %le3A_763, %lt3A_915 : vector<16xi1>
        %add3A_917 = arith.constant 80 : i32
        %add3A_918 = arith.addi %mul3A_593, %add3A_917 : i32
        %add3A_919 = vector.broadcast %add3A_918 : i32 to vector<16xi32>
        %add3A_920 = arith.addi %iota3A, %add3A_919 : vector<16xi32>
        tpu.vector_store_idx %arg16[%sub3A_912], %add3A_920 masked %and3A_916 : memref<176xi32, #tpu.memory_space<vmem>>[vector<16xi32>], vector<16xi32>, vector<16xi1>
        %add3A_921 = arith.addi %add3A_907, %reduce_max3A_775 : i32
        %add3A_922 = vector.broadcast %add3A_921 : i32 to vector<16xi32>
        %add3A_923 = arith.addi %add3A_922, %masked_cumsum3A_798 : vector<16xi32>
        %sub3A_924 = arith.constant 1 : i32
        %sub3A_925 = vector.broadcast %sub3A_924 : i32 to vector<16xi32>
        %sub3A_926 = arith.subi %add3A_923, %sub3A_925 : vector<16xi32>
        %lt3A_927 = arith.constant 160 : i32
        %lt3A_928 = vector.broadcast %lt3A_927 : i32 to vector<16xi32>
        %lt3A_929 = arith.cmpi slt, %sub3A_926, %lt3A_928 : vector<16xi32>
        %and3A_930 = arith.andi %le3A_794, %lt3A_929 : vector<16xi1>
        %add3A_931 = arith.constant 96 : i32
        %add3A_932 = arith.addi %mul3A_593, %add3A_931 : i32
        %add3A_933 = vector.broadcast %add3A_932 : i32 to vector<16xi32>
        %add3A_934 = arith.addi %iota3A, %add3A_933 : vector<16xi32>
        tpu.vector_store_idx %arg16[%sub3A_926], %add3A_934 masked %and3A_930 : memref<176xi32, #tpu.memory_space<vmem>>[vector<16xi32>], vector<16xi32>, vector<16xi1>
        %add3A_935 = arith.addi %add3A_921, %reduce_max3A_806 : i32
        %add3A_936 = vector.broadcast %add3A_935 : i32 to vector<16xi32>
        %add3A_937 = arith.addi %add3A_936, %masked_cumsum3A_829 : vector<16xi32>
        %sub3A_938 = arith.constant 1 : i32
        %sub3A_939 = vector.broadcast %sub3A_938 : i32 to vector<16xi32>
        %sub3A_940 = arith.subi %add3A_937, %sub3A_939 : vector<16xi32>
        %lt3A_941 = arith.constant 160 : i32
        %lt3A_942 = vector.broadcast %lt3A_941 : i32 to vector<16xi32>
        %lt3A_943 = arith.cmpi slt, %sub3A_940, %lt3A_942 : vector<16xi32>
        %and3A_944 = arith.andi %le3A_825, %lt3A_943 : vector<16xi1>
        %add3A_945 = arith.constant 112 : i32
        %add3A_946 = arith.addi %mul3A_593, %add3A_945 : i32
        %add3A_947 = vector.broadcast %add3A_946 : i32 to vector<16xi32>
        %add3A_948 = arith.addi %iota3A, %add3A_947 : vector<16xi32>
        tpu.vector_store_idx %arg16[%sub3A_940], %add3A_948 masked %and3A_944 : memref<176xi32, #tpu.memory_space<vmem>>[vector<16xi32>], vector<16xi32>, vector<16xi1>
        %add3A_949 = arith.addi %add3A_935, %reduce_max3A_837 : i32
        %add3A_950 = arith.constant 1 : i32
        %add3A_951 = arith.addi %while3A_590, %add3A_950 : i32
        scf.yield %add3A_951, %add3A_949 : i32, i32
      }
      %gather3A_81 = tpu.vector_load_idx %arg16[%broadcast_in_dim3A_21] : memref<176xi32, #tpu.memory_space<vmem>>[vector<16xi32>], vector<16xi32>,
      %lt3A_82 = vector.broadcast %while3A_80#1 : i32 to vector<16xi32>
      %lt3A_83 = arith.cmpi slt, %iota3A, %lt3A_82 : vector<16xi32>
      %get3A_84 = arith.constant 0 : index
      %get3A_85 = tpu.vector_load %arg16[%get3A_84] {strides = array<i32>} : memref<176xi32, #tpu.memory_space<vmem>>, vector<16xi32>,
      %select_n3A_86 = arith.select %lt3A_83, %get3A_85, %gather3A_81 : vector<16xi1>, vector<16xi32>
      %add3A_87 = vector.broadcast %mul3A_20 : i32 to vector<16xi32>
      %add3A_88 = arith.addi %select_n3A_86, %add3A_87 : vector<16xi32>
      %add3A_89 = arith.constant 16 : i32
      %add3A_90 = vector.broadcast %add3A_89 : i32 to vector<16xi32>
      %add3A_91 = arith.addi %iota3A, %add3A_90 : vector<16xi32>
      %lt3A_92 = vector.broadcast %while3A_80#1 : i32 to vector<16xi32>
      %lt3A_93 = arith.cmpi slt, %add3A_91, %lt3A_92 : vector<16xi32>
      %get3A_94 = arith.constant 16 : index
      %get3A_95 = tpu.vector_load %arg16[%get3A_94] {strides = array<i32>} : memref<176xi32, #tpu.memory_space<vmem>>, vector<16xi32>,
      %select_n3A_96 = arith.select %lt3A_93, %get3A_95, %gather3A_81 : vector<16xi1>, vector<16xi32>
      %add3A_97 = vector.broadcast %mul3A_20 : i32 to vector<16xi32>
      %add3A_98 = arith.addi %select_n3A_96, %add3A_97 : vector<16xi32>
      %mul3A_99 = arith.constant 32 : i32
      %mul3A_100 = arith.muli %add3A_70, %mul3A_99 : i32
      %swap3A_101 = arith.index_cast %mul3A_100 : i32 to index
      %swap3A_102 = tpu.vector_load %arg17[%swap3A_101] {strides = array<i32>} : memref<4096xi32, #tpu.memory_space<vmem>>, vector<16xi32>,
      tpu.vector_store %arg17[%swap3A_101], %add3A_88 {strides = array<i32>} : memref<4096xi32, #tpu.memory_space<vmem>>, vector<16xi32>,
      %mul3A_103 = arith.constant 32 : i32
      %mul3A_104 = arith.muli %add3A_70, %mul3A_103 : i32
      %add3A_105 = arith.constant 16 : i32
      %add3A_106 = arith.addi %mul3A_104, %add3A_105 : i32
      %swap3A_107 = arith.index_cast %add3A_106 : i32 to index
      %swap3A_108 = tpu.vector_load %arg17[%swap3A_107] {strides = array<i32>} : memref<4096xi32, #tpu.memory_space<vmem>>, vector<16xi32>,
      tpu.vector_store %arg17[%swap3A_107], %add3A_98 {strides = array<i32>} : memref<4096xi32, #tpu.memory_space<vmem>>, vector<16xi32>,
      %mul3A_109 = arith.constant 4 : i32
      %mul3A_110 = arith.muli %scan3A_28, %mul3A_109 : i32
      %add3A_111 = arith.constant 2 : i32
      %add3A_112 = arith.addi %mul3A_110, %add3A_111 : i32
      %add3A_113 = vector.broadcast %add3A_112 : i32 to vector<16xi32>
      %add3A_114 = arith.addi %broadcast_in_dim3A_21, %add3A_113 : vector<16xi32>
      %gather3A_115 = tpu.vector_load_idx %arg13[%add3A_114] : memref<128xf32, #tpu.memory_space<vmem>>[vector<16xi32>], vector<16xf32>,
      %gather3A_116 = tpu.vector_load_idx %arg14[%add3A_114] : memref<128xf32, #tpu.memory_space<vmem>>[vector<16xi32>], vector<16xf32>,
      %gather3A_117 = tpu.vector_load_idx %arg15[%add3A_114] : memref<128xf32, #tpu.memory_space<vmem>>[vector<16xi32>], vector<16xf32>,
      %swap3A_118 = arith.constant 0 : index
      %swap3A_119 = tpu.vector_load %arg16[%swap3A_118] {strides = array<i32>} : memref<176xi32, #tpu.memory_space<vmem>>, vector<16xi32>,
      tpu.vector_store %arg16[%swap3A_118], %broadcast_in_dim3A_21 {strides = array<i32>} : memref<176xi32, #tpu.memory_space<vmem>>, vector<16xi32>,
      %while3A_120 = arith.constant 0 : i32
      %while3A_121 = arith.constant 0 : i32
      %while3A_122:2 = scf.while (%while3A_590 = %while3A_120, %while3A_591 = %while3A_121) : (i32, i32) -> (i32, i32) {
        %lt3A_592 = arith.constant 32 : i32
        %lt3A_593 = arith.cmpi slt, %while3A_591, %lt3A_592 : i32
        %lt3A_594 = arith.constant 32 : i32
        %lt3A_595 = arith.cmpi slt, %while3A_590, %lt3A_594 : i32
        %and3A_596 = arith.andi %lt3A_593, %lt3A_595 : i1
        scf.condition(%and3A_596) %while3A_590, %while3A_591 : i32, i32
      } do {
      ^bb0(%while3A_590: i32, %while3A_591: i32):
        %mul3A_592 = arith.constant 128 : i32
        %mul3A_593 = arith.muli %while3A_590, %mul3A_592 : i32
        %add3A_594 = arith.constant 0 : i32
        %add3A_595 = arith.addi %mul3A_593, %add3A_594 : i32
        %get3A_596 = arith.index_cast %add3A_595 : i32 to index
        %get3A_597 = tpu.vector_load %arg10[%get3A_596] {strides = array<i32>} : memref<4096xf32, #tpu.memory_space<vmem>>, vector<16xf32>,
        %sub3A_598 = arith.subf %get3A_597, %gather3A_115 : vector<16xf32>
        %get3A_599 = arith.index_cast %add3A_595 : i32 to index
        %get3A_600 = tpu.vector_load %arg11[%get3A_599] {strides = array<i32>} : memref<4096xf32, #tpu.memory_space<vmem>>, vector<16xf32>,
        %sub3A_601 = arith.subf %get3A_600, %gather3A_116 : vector<16xf32>
        %get3A_602 = arith.index_cast %add3A_595 : i32 to index
        %get3A_603 = tpu.vector_load %arg12[%get3A_602] {strides = array<i32>} : memref<4096xf32, #tpu.memory_space<vmem>>, vector<16xf32>,
        %sub3A_604 = arith.subf %get3A_603, %gather3A_117 : vector<16xf32>
        %mul3A_605 = arith.mulf %sub3A_598, %sub3A_598 : vector<16xf32>
        %mul3A_606 = arith.mulf %sub3A_601, %sub3A_601 : vector<16xf32>
        %add3A_607 = arith.addf %mul3A_605, %mul3A_606 : vector<16xf32>
        %mul3A_608 = arith.mulf %sub3A_604, %sub3A_604 : vector<16xf32>
        %add3A_609 = arith.addf %add3A_607, %mul3A_608 : vector<16xf32>
        %le3A = arith.constant 4.000000e-02 : f32
        %le3A_610 = vector.broadcast %le3A : f32 to vector<16xf32>
        %le3A_611 = arith.cmpf ole, %add3A_609, %le3A_610 : vector<16xf32>
        %convert_element_type3A = arith.extui %le3A_611 : vector<16xi1> to vector<16xi32>
        %broadcast_in_dim3A_612 = arith.constant true
        %broadcast_in_dim3A_613 = vector.broadcast %broadcast_in_dim3A_612 : i1 to vector<16xi1>
        %masked_cumsum3A = tpu.scan <sum>, %convert_element_type3A masked %broadcast_in_dim3A_613 : vector<16xi32>, vector<16xi1> -> vector<16xi32>
        %reduce_max3A = arith.constant true
        %reduce_max3A_614 = vector.broadcast %reduce_max3A : i1 to vector<16xi1>
        %reduce_max3A_615 = arith.constant -2147483648 : i32
        %reduce_max3A_616 = vector.broadcast %reduce_max3A_615 : i32 to vector<16xi32>
        %reduce_max3A_617 = arith.xori %masked_cumsum3A, %reduce_max3A_616 : vector<16xi32>
        %reduce_max3A_618 = tpu.scan <max>, %reduce_max3A_617 masked %reduce_max3A_614 : vector<16xi32>, vector<16xi1> -> vector<16xi32>
        %reduce_max3A_619 = arith.xori %reduce_max3A_618, %reduce_max3A_616 : vector<16xi32>
        %reduce_max3A_620 = vector.extract %reduce_max3A_619[15] : i32 from vector<16xi32>
        %add3A_621 = arith.constant 16 : i32
        %add3A_622 = arith.addi %mul3A_593, %add3A_621 : i32
        %get3A_623 = arith.index_cast %add3A_622 : i32 to index
        %get3A_624 = tpu.vector_load %arg10[%get3A_623] {strides = array<i32>} : memref<4096xf32, #tpu.memory_space<vmem>>, vector<16xf32>,
        %sub3A_625 = arith.subf %get3A_624, %gather3A_115 : vector<16xf32>
        %get3A_626 = arith.index_cast %add3A_622 : i32 to index
        %get3A_627 = tpu.vector_load %arg11[%get3A_626] {strides = array<i32>} : memref<4096xf32, #tpu.memory_space<vmem>>, vector<16xf32>,
        %sub3A_628 = arith.subf %get3A_627, %gather3A_116 : vector<16xf32>
        %get3A_629 = arith.index_cast %add3A_622 : i32 to index
        %get3A_630 = tpu.vector_load %arg12[%get3A_629] {strides = array<i32>} : memref<4096xf32, #tpu.memory_space<vmem>>, vector<16xf32>,
        %sub3A_631 = arith.subf %get3A_630, %gather3A_117 : vector<16xf32>
        %mul3A_632 = arith.mulf %sub3A_625, %sub3A_625 : vector<16xf32>
        %mul3A_633 = arith.mulf %sub3A_628, %sub3A_628 : vector<16xf32>
        %add3A_634 = arith.addf %mul3A_632, %mul3A_633 : vector<16xf32>
        %mul3A_635 = arith.mulf %sub3A_631, %sub3A_631 : vector<16xf32>
        %add3A_636 = arith.addf %add3A_634, %mul3A_635 : vector<16xf32>
        %le3A_637 = arith.constant 4.000000e-02 : f32
        %le3A_638 = vector.broadcast %le3A_637 : f32 to vector<16xf32>
        %le3A_639 = arith.cmpf ole, %add3A_636, %le3A_638 : vector<16xf32>
        %convert_element_type3A_640 = arith.extui %le3A_639 : vector<16xi1> to vector<16xi32>
        %broadcast_in_dim3A_641 = arith.constant true
        %broadcast_in_dim3A_642 = vector.broadcast %broadcast_in_dim3A_641 : i1 to vector<16xi1>
        %masked_cumsum3A_643 = tpu.scan <sum>, %convert_element_type3A_640 masked %broadcast_in_dim3A_642 : vector<16xi32>, vector<16xi1> -> vector<16xi32>
        %reduce_max3A_644 = arith.constant true
        %reduce_max3A_645 = vector.broadcast %reduce_max3A_644 : i1 to vector<16xi1>
        %reduce_max3A_646 = arith.constant -2147483648 : i32
        %reduce_max3A_647 = vector.broadcast %reduce_max3A_646 : i32 to vector<16xi32>
        %reduce_max3A_648 = arith.xori %masked_cumsum3A_643, %reduce_max3A_647 : vector<16xi32>
        %reduce_max3A_649 = tpu.scan <max>, %reduce_max3A_648 masked %reduce_max3A_645 : vector<16xi32>, vector<16xi1> -> vector<16xi32>
        %reduce_max3A_650 = arith.xori %reduce_max3A_649, %reduce_max3A_647 : vector<16xi32>
        %reduce_max3A_651 = vector.extract %reduce_max3A_650[15] : i32 from vector<16xi32>
        %add3A_652 = arith.constant 32 : i32
        %add3A_653 = arith.addi %mul3A_593, %add3A_652 : i32
        %get3A_654 = arith.index_cast %add3A_653 : i32 to index
        %get3A_655 = tpu.vector_load %arg10[%get3A_654] {strides = array<i32>} : memref<4096xf32, #tpu.memory_space<vmem>>, vector<16xf32>,
        %sub3A_656 = arith.subf %get3A_655, %gather3A_115 : vector<16xf32>
        %get3A_657 = arith.index_cast %add3A_653 : i32 to index
        %get3A_658 = tpu.vector_load %arg11[%get3A_657] {strides = array<i32>} : memref<4096xf32, #tpu.memory_space<vmem>>, vector<16xf32>,
        %sub3A_659 = arith.subf %get3A_658, %gather3A_116 : vector<16xf32>
        %get3A_660 = arith.index_cast %add3A_653 : i32 to index
        %get3A_661 = tpu.vector_load %arg12[%get3A_660] {strides = array<i32>} : memref<4096xf32, #tpu.memory_space<vmem>>, vector<16xf32>,
        %sub3A_662 = arith.subf %get3A_661, %gather3A_117 : vector<16xf32>
        %mul3A_663 = arith.mulf %sub3A_656, %sub3A_656 : vector<16xf32>
        %mul3A_664 = arith.mulf %sub3A_659, %sub3A_659 : vector<16xf32>
        %add3A_665 = arith.addf %mul3A_663, %mul3A_664 : vector<16xf32>
        %mul3A_666 = arith.mulf %sub3A_662, %sub3A_662 : vector<16xf32>
        %add3A_667 = arith.addf %add3A_665, %mul3A_666 : vector<16xf32>
        %le3A_668 = arith.constant 4.000000e-02 : f32
        %le3A_669 = vector.broadcast %le3A_668 : f32 to vector<16xf32>
        %le3A_670 = arith.cmpf ole, %add3A_667, %le3A_669 : vector<16xf32>
        %convert_element_type3A_671 = arith.extui %le3A_670 : vector<16xi1> to vector<16xi32>
        %broadcast_in_dim3A_672 = arith.constant true
        %broadcast_in_dim3A_673 = vector.broadcast %broadcast_in_dim3A_672 : i1 to vector<16xi1>
        %masked_cumsum3A_674 = tpu.scan <sum>, %convert_element_type3A_671 masked %broadcast_in_dim3A_673 : vector<16xi32>, vector<16xi1> -> vector<16xi32>
        %reduce_max3A_675 = arith.constant true
        %reduce_max3A_676 = vector.broadcast %reduce_max3A_675 : i1 to vector<16xi1>
        %reduce_max3A_677 = arith.constant -2147483648 : i32
        %reduce_max3A_678 = vector.broadcast %reduce_max3A_677 : i32 to vector<16xi32>
        %reduce_max3A_679 = arith.xori %masked_cumsum3A_674, %reduce_max3A_678 : vector<16xi32>
        %reduce_max3A_680 = tpu.scan <max>, %reduce_max3A_679 masked %reduce_max3A_676 : vector<16xi32>, vector<16xi1> -> vector<16xi32>
        %reduce_max3A_681 = arith.xori %reduce_max3A_680, %reduce_max3A_678 : vector<16xi32>
        %reduce_max3A_682 = vector.extract %reduce_max3A_681[15] : i32 from vector<16xi32>
        %add3A_683 = arith.constant 48 : i32
        %add3A_684 = arith.addi %mul3A_593, %add3A_683 : i32
        %get3A_685 = arith.index_cast %add3A_684 : i32 to index
        %get3A_686 = tpu.vector_load %arg10[%get3A_685] {strides = array<i32>} : memref<4096xf32, #tpu.memory_space<vmem>>, vector<16xf32>,
        %sub3A_687 = arith.subf %get3A_686, %gather3A_115 : vector<16xf32>
        %get3A_688 = arith.index_cast %add3A_684 : i32 to index
        %get3A_689 = tpu.vector_load %arg11[%get3A_688] {strides = array<i32>} : memref<4096xf32, #tpu.memory_space<vmem>>, vector<16xf32>,
        %sub3A_690 = arith.subf %get3A_689, %gather3A_116 : vector<16xf32>
        %get3A_691 = arith.index_cast %add3A_684 : i32 to index
        %get3A_692 = tpu.vector_load %arg12[%get3A_691] {strides = array<i32>} : memref<4096xf32, #tpu.memory_space<vmem>>, vector<16xf32>,
        %sub3A_693 = arith.subf %get3A_692, %gather3A_117 : vector<16xf32>
        %mul3A_694 = arith.mulf %sub3A_687, %sub3A_687 : vector<16xf32>
        %mul3A_695 = arith.mulf %sub3A_690, %sub3A_690 : vector<16xf32>
        %add3A_696 = arith.addf %mul3A_694, %mul3A_695 : vector<16xf32>
        %mul3A_697 = arith.mulf %sub3A_693, %sub3A_693 : vector<16xf32>
        %add3A_698 = arith.addf %add3A_696, %mul3A_697 : vector<16xf32>
        %le3A_699 = arith.constant 4.000000e-02 : f32
        %le3A_700 = vector.broadcast %le3A_699 : f32 to vector<16xf32>
        %le3A_701 = arith.cmpf ole, %add3A_698, %le3A_700 : vector<16xf32>
        %convert_element_type3A_702 = arith.extui %le3A_701 : vector<16xi1> to vector<16xi32>
        %broadcast_in_dim3A_703 = arith.constant true
        %broadcast_in_dim3A_704 = vector.broadcast %broadcast_in_dim3A_703 : i1 to vector<16xi1>
        %masked_cumsum3A_705 = tpu.scan <sum>, %convert_element_type3A_702 masked %broadcast_in_dim3A_704 : vector<16xi32>, vector<16xi1> -> vector<16xi32>
        %reduce_max3A_706 = arith.constant true
        %reduce_max3A_707 = vector.broadcast %reduce_max3A_706 : i1 to vector<16xi1>
        %reduce_max3A_708 = arith.constant -2147483648 : i32
        %reduce_max3A_709 = vector.broadcast %reduce_max3A_708 : i32 to vector<16xi32>
        %reduce_max3A_710 = arith.xori %masked_cumsum3A_705, %reduce_max3A_709 : vector<16xi32>
        %reduce_max3A_711 = tpu.scan <max>, %reduce_max3A_710 masked %reduce_max3A_707 : vector<16xi32>, vector<16xi1> -> vector<16xi32>
        %reduce_max3A_712 = arith.xori %reduce_max3A_711, %reduce_max3A_709 : vector<16xi32>
        %reduce_max3A_713 = vector.extract %reduce_max3A_712[15] : i32 from vector<16xi32>
        %add3A_714 = arith.constant 64 : i32
        %add3A_715 = arith.addi %mul3A_593, %add3A_714 : i32
        %get3A_716 = arith.index_cast %add3A_715 : i32 to index
        %get3A_717 = tpu.vector_load %arg10[%get3A_716] {strides = array<i32>} : memref<4096xf32, #tpu.memory_space<vmem>>, vector<16xf32>,
        %sub3A_718 = arith.subf %get3A_717, %gather3A_115 : vector<16xf32>
        %get3A_719 = arith.index_cast %add3A_715 : i32 to index
        %get3A_720 = tpu.vector_load %arg11[%get3A_719] {strides = array<i32>} : memref<4096xf32, #tpu.memory_space<vmem>>, vector<16xf32>,
        %sub3A_721 = arith.subf %get3A_720, %gather3A_116 : vector<16xf32>
        %get3A_722 = arith.index_cast %add3A_715 : i32 to index
        %get3A_723 = tpu.vector_load %arg12[%get3A_722] {strides = array<i32>} : memref<4096xf32, #tpu.memory_space<vmem>>, vector<16xf32>,
        %sub3A_724 = arith.subf %get3A_723, %gather3A_117 : vector<16xf32>
        %mul3A_725 = arith.mulf %sub3A_718, %sub3A_718 : vector<16xf32>
        %mul3A_726 = arith.mulf %sub3A_721, %sub3A_721 : vector<16xf32>
        %add3A_727 = arith.addf %mul3A_725, %mul3A_726 : vector<16xf32>
        %mul3A_728 = arith.mulf %sub3A_724, %sub3A_724 : vector<16xf32>
        %add3A_729 = arith.addf %add3A_727, %mul3A_728 : vector<16xf32>
        %le3A_730 = arith.constant 4.000000e-02 : f32
        %le3A_731 = vector.broadcast %le3A_730 : f32 to vector<16xf32>
        %le3A_732 = arith.cmpf ole, %add3A_729, %le3A_731 : vector<16xf32>
        %convert_element_type3A_733 = arith.extui %le3A_732 : vector<16xi1> to vector<16xi32>
        %broadcast_in_dim3A_734 = arith.constant true
        %broadcast_in_dim3A_735 = vector.broadcast %broadcast_in_dim3A_734 : i1 to vector<16xi1>
        %masked_cumsum3A_736 = tpu.scan <sum>, %convert_element_type3A_733 masked %broadcast_in_dim3A_735 : vector<16xi32>, vector<16xi1> -> vector<16xi32>
        %reduce_max3A_737 = arith.constant true
        %reduce_max3A_738 = vector.broadcast %reduce_max3A_737 : i1 to vector<16xi1>
        %reduce_max3A_739 = arith.constant -2147483648 : i32
        %reduce_max3A_740 = vector.broadcast %reduce_max3A_739 : i32 to vector<16xi32>
        %reduce_max3A_741 = arith.xori %masked_cumsum3A_736, %reduce_max3A_740 : vector<16xi32>
        %reduce_max3A_742 = tpu.scan <max>, %reduce_max3A_741 masked %reduce_max3A_738 : vector<16xi32>, vector<16xi1> -> vector<16xi32>
        %reduce_max3A_743 = arith.xori %reduce_max3A_742, %reduce_max3A_740 : vector<16xi32>
        %reduce_max3A_744 = vector.extract %reduce_max3A_743[15] : i32 from vector<16xi32>
        %add3A_745 = arith.constant 80 : i32
        %add3A_746 = arith.addi %mul3A_593, %add3A_745 : i32
        %get3A_747 = arith.index_cast %add3A_746 : i32 to index
        %get3A_748 = tpu.vector_load %arg10[%get3A_747] {strides = array<i32>} : memref<4096xf32, #tpu.memory_space<vmem>>, vector<16xf32>,
        %sub3A_749 = arith.subf %get3A_748, %gather3A_115 : vector<16xf32>
        %get3A_750 = arith.index_cast %add3A_746 : i32 to index
        %get3A_751 = tpu.vector_load %arg11[%get3A_750] {strides = array<i32>} : memref<4096xf32, #tpu.memory_space<vmem>>, vector<16xf32>,
        %sub3A_752 = arith.subf %get3A_751, %gather3A_116 : vector<16xf32>
        %get3A_753 = arith.index_cast %add3A_746 : i32 to index
        %get3A_754 = tpu.vector_load %arg12[%get3A_753] {strides = array<i32>} : memref<4096xf32, #tpu.memory_space<vmem>>, vector<16xf32>,
        %sub3A_755 = arith.subf %get3A_754, %gather3A_117 : vector<16xf32>
        %mul3A_756 = arith.mulf %sub3A_749, %sub3A_749 : vector<16xf32>
        %mul3A_757 = arith.mulf %sub3A_752, %sub3A_752 : vector<16xf32>
        %add3A_758 = arith.addf %mul3A_756, %mul3A_757 : vector<16xf32>
        %mul3A_759 = arith.mulf %sub3A_755, %sub3A_755 : vector<16xf32>
        %add3A_760 = arith.addf %add3A_758, %mul3A_759 : vector<16xf32>
        %le3A_761 = arith.constant 4.000000e-02 : f32
        %le3A_762 = vector.broadcast %le3A_761 : f32 to vector<16xf32>
        %le3A_763 = arith.cmpf ole, %add3A_760, %le3A_762 : vector<16xf32>
        %convert_element_type3A_764 = arith.extui %le3A_763 : vector<16xi1> to vector<16xi32>
        %broadcast_in_dim3A_765 = arith.constant true
        %broadcast_in_dim3A_766 = vector.broadcast %broadcast_in_dim3A_765 : i1 to vector<16xi1>
        %masked_cumsum3A_767 = tpu.scan <sum>, %convert_element_type3A_764 masked %broadcast_in_dim3A_766 : vector<16xi32>, vector<16xi1> -> vector<16xi32>
        %reduce_max3A_768 = arith.constant true
        %reduce_max3A_769 = vector.broadcast %reduce_max3A_768 : i1 to vector<16xi1>
        %reduce_max3A_770 = arith.constant -2147483648 : i32
        %reduce_max3A_771 = vector.broadcast %reduce_max3A_770 : i32 to vector<16xi32>
        %reduce_max3A_772 = arith.xori %masked_cumsum3A_767, %reduce_max3A_771 : vector<16xi32>
        %reduce_max3A_773 = tpu.scan <max>, %reduce_max3A_772 masked %reduce_max3A_769 : vector<16xi32>, vector<16xi1> -> vector<16xi32>
        %reduce_max3A_774 = arith.xori %reduce_max3A_773, %reduce_max3A_771 : vector<16xi32>
        %reduce_max3A_775 = vector.extract %reduce_max3A_774[15] : i32 from vector<16xi32>
        %add3A_776 = arith.constant 96 : i32
        %add3A_777 = arith.addi %mul3A_593, %add3A_776 : i32
        %get3A_778 = arith.index_cast %add3A_777 : i32 to index
        %get3A_779 = tpu.vector_load %arg10[%get3A_778] {strides = array<i32>} : memref<4096xf32, #tpu.memory_space<vmem>>, vector<16xf32>,
        %sub3A_780 = arith.subf %get3A_779, %gather3A_115 : vector<16xf32>
        %get3A_781 = arith.index_cast %add3A_777 : i32 to index
        %get3A_782 = tpu.vector_load %arg11[%get3A_781] {strides = array<i32>} : memref<4096xf32, #tpu.memory_space<vmem>>, vector<16xf32>,
        %sub3A_783 = arith.subf %get3A_782, %gather3A_116 : vector<16xf32>
        %get3A_784 = arith.index_cast %add3A_777 : i32 to index
        %get3A_785 = tpu.vector_load %arg12[%get3A_784] {strides = array<i32>} : memref<4096xf32, #tpu.memory_space<vmem>>, vector<16xf32>,
        %sub3A_786 = arith.subf %get3A_785, %gather3A_117 : vector<16xf32>
        %mul3A_787 = arith.mulf %sub3A_780, %sub3A_780 : vector<16xf32>
        %mul3A_788 = arith.mulf %sub3A_783, %sub3A_783 : vector<16xf32>
        %add3A_789 = arith.addf %mul3A_787, %mul3A_788 : vector<16xf32>
        %mul3A_790 = arith.mulf %sub3A_786, %sub3A_786 : vector<16xf32>
        %add3A_791 = arith.addf %add3A_789, %mul3A_790 : vector<16xf32>
        %le3A_792 = arith.constant 4.000000e-02 : f32
        %le3A_793 = vector.broadcast %le3A_792 : f32 to vector<16xf32>
        %le3A_794 = arith.cmpf ole, %add3A_791, %le3A_793 : vector<16xf32>
        %convert_element_type3A_795 = arith.extui %le3A_794 : vector<16xi1> to vector<16xi32>
        %broadcast_in_dim3A_796 = arith.constant true
        %broadcast_in_dim3A_797 = vector.broadcast %broadcast_in_dim3A_796 : i1 to vector<16xi1>
        %masked_cumsum3A_798 = tpu.scan <sum>, %convert_element_type3A_795 masked %broadcast_in_dim3A_797 : vector<16xi32>, vector<16xi1> -> vector<16xi32>
        %reduce_max3A_799 = arith.constant true
        %reduce_max3A_800 = vector.broadcast %reduce_max3A_799 : i1 to vector<16xi1>
        %reduce_max3A_801 = arith.constant -2147483648 : i32
        %reduce_max3A_802 = vector.broadcast %reduce_max3A_801 : i32 to vector<16xi32>
        %reduce_max3A_803 = arith.xori %masked_cumsum3A_798, %reduce_max3A_802 : vector<16xi32>
        %reduce_max3A_804 = tpu.scan <max>, %reduce_max3A_803 masked %reduce_max3A_800 : vector<16xi32>, vector<16xi1> -> vector<16xi32>
        %reduce_max3A_805 = arith.xori %reduce_max3A_804, %reduce_max3A_802 : vector<16xi32>
        %reduce_max3A_806 = vector.extract %reduce_max3A_805[15] : i32 from vector<16xi32>
        %add3A_807 = arith.constant 112 : i32
        %add3A_808 = arith.addi %mul3A_593, %add3A_807 : i32
        %get3A_809 = arith.index_cast %add3A_808 : i32 to index
        %get3A_810 = tpu.vector_load %arg10[%get3A_809] {strides = array<i32>} : memref<4096xf32, #tpu.memory_space<vmem>>, vector<16xf32>,
        %sub3A_811 = arith.subf %get3A_810, %gather3A_115 : vector<16xf32>
        %get3A_812 = arith.index_cast %add3A_808 : i32 to index
        %get3A_813 = tpu.vector_load %arg11[%get3A_812] {strides = array<i32>} : memref<4096xf32, #tpu.memory_space<vmem>>, vector<16xf32>,
        %sub3A_814 = arith.subf %get3A_813, %gather3A_116 : vector<16xf32>
        %get3A_815 = arith.index_cast %add3A_808 : i32 to index
        %get3A_816 = tpu.vector_load %arg12[%get3A_815] {strides = array<i32>} : memref<4096xf32, #tpu.memory_space<vmem>>, vector<16xf32>,
        %sub3A_817 = arith.subf %get3A_816, %gather3A_117 : vector<16xf32>
        %mul3A_818 = arith.mulf %sub3A_811, %sub3A_811 : vector<16xf32>
        %mul3A_819 = arith.mulf %sub3A_814, %sub3A_814 : vector<16xf32>
        %add3A_820 = arith.addf %mul3A_818, %mul3A_819 : vector<16xf32>
        %mul3A_821 = arith.mulf %sub3A_817, %sub3A_817 : vector<16xf32>
        %add3A_822 = arith.addf %add3A_820, %mul3A_821 : vector<16xf32>
        %le3A_823 = arith.constant 4.000000e-02 : f32
        %le3A_824 = vector.broadcast %le3A_823 : f32 to vector<16xf32>
        %le3A_825 = arith.cmpf ole, %add3A_822, %le3A_824 : vector<16xf32>
        %convert_element_type3A_826 = arith.extui %le3A_825 : vector<16xi1> to vector<16xi32>
        %broadcast_in_dim3A_827 = arith.constant true
        %broadcast_in_dim3A_828 = vector.broadcast %broadcast_in_dim3A_827 : i1 to vector<16xi1>
        %masked_cumsum3A_829 = tpu.scan <sum>, %convert_element_type3A_826 masked %broadcast_in_dim3A_828 : vector<16xi32>, vector<16xi1> -> vector<16xi32>
        %reduce_max3A_830 = arith.constant true
        %reduce_max3A_831 = vector.broadcast %reduce_max3A_830 : i1 to vector<16xi1>
        %reduce_max3A_832 = arith.constant -2147483648 : i32
        %reduce_max3A_833 = vector.broadcast %reduce_max3A_832 : i32 to vector<16xi32>
        %reduce_max3A_834 = arith.xori %masked_cumsum3A_829, %reduce_max3A_833 : vector<16xi32>
        %reduce_max3A_835 = tpu.scan <max>, %reduce_max3A_834 masked %reduce_max3A_831 : vector<16xi32>, vector<16xi1> -> vector<16xi32>
        %reduce_max3A_836 = arith.xori %reduce_max3A_835, %reduce_max3A_833 : vector<16xi32>
        %reduce_max3A_837 = vector.extract %reduce_max3A_836[15] : i32 from vector<16xi32>
        %add3A_838 = vector.broadcast %while3A_591 : i32 to vector<16xi32>
        %add3A_839 = arith.addi %add3A_838, %masked_cumsum3A : vector<16xi32>
        %sub3A_840 = arith.constant 1 : i32
        %sub3A_841 = vector.broadcast %sub3A_840 : i32 to vector<16xi32>
        %sub3A_842 = arith.subi %add3A_839, %sub3A_841 : vector<16xi32>
        %lt3A_843 = arith.constant 160 : i32
        %lt3A_844 = vector.broadcast %lt3A_843 : i32 to vector<16xi32>
        %lt3A_845 = arith.cmpi slt, %sub3A_842, %lt3A_844 : vector<16xi32>
        %and3A_846 = arith.andi %le3A_611, %lt3A_845 : vector<16xi1>
        %add3A_847 = arith.constant 0 : i32
        %add3A_848 = arith.addi %mul3A_593, %add3A_847 : i32
        %add3A_849 = vector.broadcast %add3A_848 : i32 to vector<16xi32>
        %add3A_850 = arith.addi %iota3A, %add3A_849 : vector<16xi32>
        tpu.vector_store_idx %arg16[%sub3A_842], %add3A_850 masked %and3A_846 : memref<176xi32, #tpu.memory_space<vmem>>[vector<16xi32>], vector<16xi32>, vector<16xi1>
        %add3A_851 = arith.addi %while3A_591, %reduce_max3A_620 : i32
        %add3A_852 = vector.broadcast %add3A_851 : i32 to vector<16xi32>
        %add3A_853 = arith.addi %add3A_852, %masked_cumsum3A_643 : vector<16xi32>
        %sub3A_854 = arith.constant 1 : i32
        %sub3A_855 = vector.broadcast %sub3A_854 : i32 to vector<16xi32>
        %sub3A_856 = arith.subi %add3A_853, %sub3A_855 : vector<16xi32>
        %lt3A_857 = arith.constant 160 : i32
        %lt3A_858 = vector.broadcast %lt3A_857 : i32 to vector<16xi32>
        %lt3A_859 = arith.cmpi slt, %sub3A_856, %lt3A_858 : vector<16xi32>
        %and3A_860 = arith.andi %le3A_639, %lt3A_859 : vector<16xi1>
        %add3A_861 = arith.constant 16 : i32
        %add3A_862 = arith.addi %mul3A_593, %add3A_861 : i32
        %add3A_863 = vector.broadcast %add3A_862 : i32 to vector<16xi32>
        %add3A_864 = arith.addi %iota3A, %add3A_863 : vector<16xi32>
        tpu.vector_store_idx %arg16[%sub3A_856], %add3A_864 masked %and3A_860 : memref<176xi32, #tpu.memory_space<vmem>>[vector<16xi32>], vector<16xi32>, vector<16xi1>
        %add3A_865 = arith.addi %add3A_851, %reduce_max3A_651 : i32
        %add3A_866 = vector.broadcast %add3A_865 : i32 to vector<16xi32>
        %add3A_867 = arith.addi %add3A_866, %masked_cumsum3A_674 : vector<16xi32>
        %sub3A_868 = arith.constant 1 : i32
        %sub3A_869 = vector.broadcast %sub3A_868 : i32 to vector<16xi32>
        %sub3A_870 = arith.subi %add3A_867, %sub3A_869 : vector<16xi32>
        %lt3A_871 = arith.constant 160 : i32
        %lt3A_872 = vector.broadcast %lt3A_871 : i32 to vector<16xi32>
        %lt3A_873 = arith.cmpi slt, %sub3A_870, %lt3A_872 : vector<16xi32>
        %and3A_874 = arith.andi %le3A_670, %lt3A_873 : vector<16xi1>
        %add3A_875 = arith.constant 32 : i32
        %add3A_876 = arith.addi %mul3A_593, %add3A_875 : i32
        %add3A_877 = vector.broadcast %add3A_876 : i32 to vector<16xi32>
        %add3A_878 = arith.addi %iota3A, %add3A_877 : vector<16xi32>
        tpu.vector_store_idx %arg16[%sub3A_870], %add3A_878 masked %and3A_874 : memref<176xi32, #tpu.memory_space<vmem>>[vector<16xi32>], vector<16xi32>, vector<16xi1>
        %add3A_879 = arith.addi %add3A_865, %reduce_max3A_682 : i32
        %add3A_880 = vector.broadcast %add3A_879 : i32 to vector<16xi32>
        %add3A_881 = arith.addi %add3A_880, %masked_cumsum3A_705 : vector<16xi32>
        %sub3A_882 = arith.constant 1 : i32
        %sub3A_883 = vector.broadcast %sub3A_882 : i32 to vector<16xi32>
        %sub3A_884 = arith.subi %add3A_881, %sub3A_883 : vector<16xi32>
        %lt3A_885 = arith.constant 160 : i32
        %lt3A_886 = vector.broadcast %lt3A_885 : i32 to vector<16xi32>
        %lt3A_887 = arith.cmpi slt, %sub3A_884, %lt3A_886 : vector<16xi32>
        %and3A_888 = arith.andi %le3A_701, %lt3A_887 : vector<16xi1>
        %add3A_889 = arith.constant 48 : i32
        %add3A_890 = arith.addi %mul3A_593, %add3A_889 : i32
        %add3A_891 = vector.broadcast %add3A_890 : i32 to vector<16xi32>
        %add3A_892 = arith.addi %iota3A, %add3A_891 : vector<16xi32>
        tpu.vector_store_idx %arg16[%sub3A_884], %add3A_892 masked %and3A_888 : memref<176xi32, #tpu.memory_space<vmem>>[vector<16xi32>], vector<16xi32>, vector<16xi1>
        %add3A_893 = arith.addi %add3A_879, %reduce_max3A_713 : i32
        %add3A_894 = vector.broadcast %add3A_893 : i32 to vector<16xi32>
        %add3A_895 = arith.addi %add3A_894, %masked_cumsum3A_736 : vector<16xi32>
        %sub3A_896 = arith.constant 1 : i32
        %sub3A_897 = vector.broadcast %sub3A_896 : i32 to vector<16xi32>
        %sub3A_898 = arith.subi %add3A_895, %sub3A_897 : vector<16xi32>
        %lt3A_899 = arith.constant 160 : i32
        %lt3A_900 = vector.broadcast %lt3A_899 : i32 to vector<16xi32>
        %lt3A_901 = arith.cmpi slt, %sub3A_898, %lt3A_900 : vector<16xi32>
        %and3A_902 = arith.andi %le3A_732, %lt3A_901 : vector<16xi1>
        %add3A_903 = arith.constant 64 : i32
        %add3A_904 = arith.addi %mul3A_593, %add3A_903 : i32
        %add3A_905 = vector.broadcast %add3A_904 : i32 to vector<16xi32>
        %add3A_906 = arith.addi %iota3A, %add3A_905 : vector<16xi32>
        tpu.vector_store_idx %arg16[%sub3A_898], %add3A_906 masked %and3A_902 : memref<176xi32, #tpu.memory_space<vmem>>[vector<16xi32>], vector<16xi32>, vector<16xi1>
        %add3A_907 = arith.addi %add3A_893, %reduce_max3A_744 : i32
        %add3A_908 = vector.broadcast %add3A_907 : i32 to vector<16xi32>
        %add3A_909 = arith.addi %add3A_908, %masked_cumsum3A_767 : vector<16xi32>
        %sub3A_910 = arith.constant 1 : i32
        %sub3A_911 = vector.broadcast %sub3A_910 : i32 to vector<16xi32>
        %sub3A_912 = arith.subi %add3A_909, %sub3A_911 : vector<16xi32>
        %lt3A_913 = arith.constant 160 : i32
        %lt3A_914 = vector.broadcast %lt3A_913 : i32 to vector<16xi32>
        %lt3A_915 = arith.cmpi slt, %sub3A_912, %lt3A_914 : vector<16xi32>
        %and3A_916 = arith.andi %le3A_763, %lt3A_915 : vector<16xi1>
        %add3A_917 = arith.constant 80 : i32
        %add3A_918 = arith.addi %mul3A_593, %add3A_917 : i32
        %add3A_919 = vector.broadcast %add3A_918 : i32 to vector<16xi32>
        %add3A_920 = arith.addi %iota3A, %add3A_919 : vector<16xi32>
        tpu.vector_store_idx %arg16[%sub3A_912], %add3A_920 masked %and3A_916 : memref<176xi32, #tpu.memory_space<vmem>>[vector<16xi32>], vector<16xi32>, vector<16xi1>
        %add3A_921 = arith.addi %add3A_907, %reduce_max3A_775 : i32
        %add3A_922 = vector.broadcast %add3A_921 : i32 to vector<16xi32>
        %add3A_923 = arith.addi %add3A_922, %masked_cumsum3A_798 : vector<16xi32>
        %sub3A_924 = arith.constant 1 : i32
        %sub3A_925 = vector.broadcast %sub3A_924 : i32 to vector<16xi32>
        %sub3A_926 = arith.subi %add3A_923, %sub3A_925 : vector<16xi32>
        %lt3A_927 = arith.constant 160 : i32
        %lt3A_928 = vector.broadcast %lt3A_927 : i32 to vector<16xi32>
        %lt3A_929 = arith.cmpi slt, %sub3A_926, %lt3A_928 : vector<16xi32>
        %and3A_930 = arith.andi %le3A_794, %lt3A_929 : vector<16xi1>
        %add3A_931 = arith.constant 96 : i32
        %add3A_932 = arith.addi %mul3A_593, %add3A_931 : i32
        %add3A_933 = vector.broadcast %add3A_932 : i32 to vector<16xi32>
        %add3A_934 = arith.addi %iota3A, %add3A_933 : vector<16xi32>
        tpu.vector_store_idx %arg16[%sub3A_926], %add3A_934 masked %and3A_930 : memref<176xi32, #tpu.memory_space<vmem>>[vector<16xi32>], vector<16xi32>, vector<16xi1>
        %add3A_935 = arith.addi %add3A_921, %reduce_max3A_806 : i32
        %add3A_936 = vector.broadcast %add3A_935 : i32 to vector<16xi32>
        %add3A_937 = arith.addi %add3A_936, %masked_cumsum3A_829 : vector<16xi32>
        %sub3A_938 = arith.constant 1 : i32
        %sub3A_939 = vector.broadcast %sub3A_938 : i32 to vector<16xi32>
        %sub3A_940 = arith.subi %add3A_937, %sub3A_939 : vector<16xi32>
        %lt3A_941 = arith.constant 160 : i32
        %lt3A_942 = vector.broadcast %lt3A_941 : i32 to vector<16xi32>
        %lt3A_943 = arith.cmpi slt, %sub3A_940, %lt3A_942 : vector<16xi32>
        %and3A_944 = arith.andi %le3A_825, %lt3A_943 : vector<16xi1>
        %add3A_945 = arith.constant 112 : i32
        %add3A_946 = arith.addi %mul3A_593, %add3A_945 : i32
        %add3A_947 = vector.broadcast %add3A_946 : i32 to vector<16xi32>
        %add3A_948 = arith.addi %iota3A, %add3A_947 : vector<16xi32>
        tpu.vector_store_idx %arg16[%sub3A_940], %add3A_948 masked %and3A_944 : memref<176xi32, #tpu.memory_space<vmem>>[vector<16xi32>], vector<16xi32>, vector<16xi1>
        %add3A_949 = arith.addi %add3A_935, %reduce_max3A_837 : i32
        %add3A_950 = arith.constant 1 : i32
        %add3A_951 = arith.addi %while3A_590, %add3A_950 : i32
        scf.yield %add3A_951, %add3A_949 : i32, i32
      }
      %gather3A_123 = tpu.vector_load_idx %arg16[%broadcast_in_dim3A_21] : memref<176xi32, #tpu.memory_space<vmem>>[vector<16xi32>], vector<16xi32>,
      %lt3A_124 = vector.broadcast %while3A_122#1 : i32 to vector<16xi32>
      %lt3A_125 = arith.cmpi slt, %iota3A, %lt3A_124 : vector<16xi32>
      %get3A_126 = arith.constant 0 : index
      %get3A_127 = tpu.vector_load %arg16[%get3A_126] {strides = array<i32>} : memref<176xi32, #tpu.memory_space<vmem>>, vector<16xi32>,
      %select_n3A_128 = arith.select %lt3A_125, %get3A_127, %gather3A_123 : vector<16xi1>, vector<16xi32>
      %add3A_129 = vector.broadcast %mul3A_20 : i32 to vector<16xi32>
      %add3A_130 = arith.addi %select_n3A_128, %add3A_129 : vector<16xi32>
      %add3A_131 = arith.constant 16 : i32
      %add3A_132 = vector.broadcast %add3A_131 : i32 to vector<16xi32>
      %add3A_133 = arith.addi %iota3A, %add3A_132 : vector<16xi32>
      %lt3A_134 = vector.broadcast %while3A_122#1 : i32 to vector<16xi32>
      %lt3A_135 = arith.cmpi slt, %add3A_133, %lt3A_134 : vector<16xi32>
      %get3A_136 = arith.constant 16 : index
      %get3A_137 = tpu.vector_load %arg16[%get3A_136] {strides = array<i32>} : memref<176xi32, #tpu.memory_space<vmem>>, vector<16xi32>,
      %select_n3A_138 = arith.select %lt3A_135, %get3A_137, %gather3A_123 : vector<16xi1>, vector<16xi32>
      %add3A_139 = vector.broadcast %mul3A_20 : i32 to vector<16xi32>
      %add3A_140 = arith.addi %select_n3A_138, %add3A_139 : vector<16xi32>
      %mul3A_141 = arith.constant 32 : i32
      %mul3A_142 = arith.muli %add3A_112, %mul3A_141 : i32
      %swap3A_143 = arith.index_cast %mul3A_142 : i32 to index
      %swap3A_144 = tpu.vector_load %arg17[%swap3A_143] {strides = array<i32>} : memref<4096xi32, #tpu.memory_space<vmem>>, vector<16xi32>,
      tpu.vector_store %arg17[%swap3A_143], %add3A_130 {strides = array<i32>} : memref<4096xi32, #tpu.memory_space<vmem>>, vector<16xi32>,
      %mul3A_145 = arith.constant 32 : i32
      %mul3A_146 = arith.muli %add3A_112, %mul3A_145 : i32
      %add3A_147 = arith.constant 16 : i32
      %add3A_148 = arith.addi %mul3A_146, %add3A_147 : i32
      %swap3A_149 = arith.index_cast %add3A_148 : i32 to index
      %swap3A_150 = tpu.vector_load %arg17[%swap3A_149] {strides = array<i32>} : memref<4096xi32, #tpu.memory_space<vmem>>, vector<16xi32>,
      tpu.vector_store %arg17[%swap3A_149], %add3A_140 {strides = array<i32>} : memref<4096xi32, #tpu.memory_space<vmem>>, vector<16xi32>,
      %mul3A_151 = arith.constant 4 : i32
      %mul3A_152 = arith.muli %scan3A_28, %mul3A_151 : i32
      %add3A_153 = arith.constant 3 : i32
      %add3A_154 = arith.addi %mul3A_152, %add3A_153 : i32
      %add3A_155 = vector.broadcast %add3A_154 : i32 to vector<16xi32>
      %add3A_156 = arith.addi %broadcast_in_dim3A_21, %add3A_155 : vector<16xi32>
      %gather3A_157 = tpu.vector_load_idx %arg13[%add3A_156] : memref<128xf32, #tpu.memory_space<vmem>>[vector<16xi32>], vector<16xf32>,
      %gather3A_158 = tpu.vector_load_idx %arg14[%add3A_156] : memref<128xf32, #tpu.memory_space<vmem>>[vector<16xi32>], vector<16xf32>,
      %gather3A_159 = tpu.vector_load_idx %arg15[%add3A_156] : memref<128xf32, #tpu.memory_space<vmem>>[vector<16xi32>], vector<16xf32>,
      %swap3A_160 = arith.constant 0 : index
      %swap3A_161 = tpu.vector_load %arg16[%swap3A_160] {strides = array<i32>} : memref<176xi32, #tpu.memory_space<vmem>>, vector<16xi32>,
      tpu.vector_store %arg16[%swap3A_160], %broadcast_in_dim3A_21 {strides = array<i32>} : memref<176xi32, #tpu.memory_space<vmem>>, vector<16xi32>,
      %while3A_162 = arith.constant 0 : i32
      %while3A_163 = arith.constant 0 : i32
      %while3A_164:2 = scf.while (%while3A_590 = %while3A_162, %while3A_591 = %while3A_163) : (i32, i32) -> (i32, i32) {
        %lt3A_592 = arith.constant 32 : i32
        %lt3A_593 = arith.cmpi slt, %while3A_591, %lt3A_592 : i32
        %lt3A_594 = arith.constant 32 : i32
        %lt3A_595 = arith.cmpi slt, %while3A_590, %lt3A_594 : i32
        %and3A_596 = arith.andi %lt3A_593, %lt3A_595 : i1
        scf.condition(%and3A_596) %while3A_590, %while3A_591 : i32, i32
      } do {
      ^bb0(%while3A_590: i32, %while3A_591: i32):
        %mul3A_592 = arith.constant 128 : i32
        %mul3A_593 = arith.muli %while3A_590, %mul3A_592 : i32
        %add3A_594 = arith.constant 0 : i32
        %add3A_595 = arith.addi %mul3A_593, %add3A_594 : i32
        %get3A_596 = arith.index_cast %add3A_595 : i32 to index
        %get3A_597 = tpu.vector_load %arg10[%get3A_596] {strides = array<i32>} : memref<4096xf32, #tpu.memory_space<vmem>>, vector<16xf32>,
        %sub3A_598 = arith.subf %get3A_597, %gather3A_157 : vector<16xf32>
        %get3A_599 = arith.index_cast %add3A_595 : i32 to index
        %get3A_600 = tpu.vector_load %arg11[%get3A_599] {strides = array<i32>} : memref<4096xf32, #tpu.memory_space<vmem>>, vector<16xf32>,
        %sub3A_601 = arith.subf %get3A_600, %gather3A_158 : vector<16xf32>
        %get3A_602 = arith.index_cast %add3A_595 : i32 to index
        %get3A_603 = tpu.vector_load %arg12[%get3A_602] {strides = array<i32>} : memref<4096xf32, #tpu.memory_space<vmem>>, vector<16xf32>,
        %sub3A_604 = arith.subf %get3A_603, %gather3A_159 : vector<16xf32>
        %mul3A_605 = arith.mulf %sub3A_598, %sub3A_598 : vector<16xf32>
        %mul3A_606 = arith.mulf %sub3A_601, %sub3A_601 : vector<16xf32>
        %add3A_607 = arith.addf %mul3A_605, %mul3A_606 : vector<16xf32>
        %mul3A_608 = arith.mulf %sub3A_604, %sub3A_604 : vector<16xf32>
        %add3A_609 = arith.addf %add3A_607, %mul3A_608 : vector<16xf32>
        %le3A = arith.constant 4.000000e-02 : f32
        %le3A_610 = vector.broadcast %le3A : f32 to vector<16xf32>
        %le3A_611 = arith.cmpf ole, %add3A_609, %le3A_610 : vector<16xf32>
        %convert_element_type3A = arith.extui %le3A_611 : vector<16xi1> to vector<16xi32>
        %broadcast_in_dim3A_612 = arith.constant true
        %broadcast_in_dim3A_613 = vector.broadcast %broadcast_in_dim3A_612 : i1 to vector<16xi1>
        %masked_cumsum3A = tpu.scan <sum>, %convert_element_type3A masked %broadcast_in_dim3A_613 : vector<16xi32>, vector<16xi1> -> vector<16xi32>
        %reduce_max3A = arith.constant true
        %reduce_max3A_614 = vector.broadcast %reduce_max3A : i1 to vector<16xi1>
        %reduce_max3A_615 = arith.constant -2147483648 : i32
        %reduce_max3A_616 = vector.broadcast %reduce_max3A_615 : i32 to vector<16xi32>
        %reduce_max3A_617 = arith.xori %masked_cumsum3A, %reduce_max3A_616 : vector<16xi32>
        %reduce_max3A_618 = tpu.scan <max>, %reduce_max3A_617 masked %reduce_max3A_614 : vector<16xi32>, vector<16xi1> -> vector<16xi32>
        %reduce_max3A_619 = arith.xori %reduce_max3A_618, %reduce_max3A_616 : vector<16xi32>
        %reduce_max3A_620 = vector.extract %reduce_max3A_619[15] : i32 from vector<16xi32>
        %add3A_621 = arith.constant 16 : i32
        %add3A_622 = arith.addi %mul3A_593, %add3A_621 : i32
        %get3A_623 = arith.index_cast %add3A_622 : i32 to index
        %get3A_624 = tpu.vector_load %arg10[%get3A_623] {strides = array<i32>} : memref<4096xf32, #tpu.memory_space<vmem>>, vector<16xf32>,
        %sub3A_625 = arith.subf %get3A_624, %gather3A_157 : vector<16xf32>
        %get3A_626 = arith.index_cast %add3A_622 : i32 to index
        %get3A_627 = tpu.vector_load %arg11[%get3A_626] {strides = array<i32>} : memref<4096xf32, #tpu.memory_space<vmem>>, vector<16xf32>,
        %sub3A_628 = arith.subf %get3A_627, %gather3A_158 : vector<16xf32>
        %get3A_629 = arith.index_cast %add3A_622 : i32 to index
        %get3A_630 = tpu.vector_load %arg12[%get3A_629] {strides = array<i32>} : memref<4096xf32, #tpu.memory_space<vmem>>, vector<16xf32>,
        %sub3A_631 = arith.subf %get3A_630, %gather3A_159 : vector<16xf32>
        %mul3A_632 = arith.mulf %sub3A_625, %sub3A_625 : vector<16xf32>
        %mul3A_633 = arith.mulf %sub3A_628, %sub3A_628 : vector<16xf32>
        %add3A_634 = arith.addf %mul3A_632, %mul3A_633 : vector<16xf32>
        %mul3A_635 = arith.mulf %sub3A_631, %sub3A_631 : vector<16xf32>
        %add3A_636 = arith.addf %add3A_634, %mul3A_635 : vector<16xf32>
        %le3A_637 = arith.constant 4.000000e-02 : f32
        %le3A_638 = vector.broadcast %le3A_637 : f32 to vector<16xf32>
        %le3A_639 = arith.cmpf ole, %add3A_636, %le3A_638 : vector<16xf32>
        %convert_element_type3A_640 = arith.extui %le3A_639 : vector<16xi1> to vector<16xi32>
        %broadcast_in_dim3A_641 = arith.constant true
        %broadcast_in_dim3A_642 = vector.broadcast %broadcast_in_dim3A_641 : i1 to vector<16xi1>
        %masked_cumsum3A_643 = tpu.scan <sum>, %convert_element_type3A_640 masked %broadcast_in_dim3A_642 : vector<16xi32>, vector<16xi1> -> vector<16xi32>
        %reduce_max3A_644 = arith.constant true
        %reduce_max3A_645 = vector.broadcast %reduce_max3A_644 : i1 to vector<16xi1>
        %reduce_max3A_646 = arith.constant -2147483648 : i32
        %reduce_max3A_647 = vector.broadcast %reduce_max3A_646 : i32 to vector<16xi32>
        %reduce_max3A_648 = arith.xori %masked_cumsum3A_643, %reduce_max3A_647 : vector<16xi32>
        %reduce_max3A_649 = tpu.scan <max>, %reduce_max3A_648 masked %reduce_max3A_645 : vector<16xi32>, vector<16xi1> -> vector<16xi32>
        %reduce_max3A_650 = arith.xori %reduce_max3A_649, %reduce_max3A_647 : vector<16xi32>
        %reduce_max3A_651 = vector.extract %reduce_max3A_650[15] : i32 from vector<16xi32>
        %add3A_652 = arith.constant 32 : i32
        %add3A_653 = arith.addi %mul3A_593, %add3A_652 : i32
        %get3A_654 = arith.index_cast %add3A_653 : i32 to index
        %get3A_655 = tpu.vector_load %arg10[%get3A_654] {strides = array<i32>} : memref<4096xf32, #tpu.memory_space<vmem>>, vector<16xf32>,
        %sub3A_656 = arith.subf %get3A_655, %gather3A_157 : vector<16xf32>
        %get3A_657 = arith.index_cast %add3A_653 : i32 to index
        %get3A_658 = tpu.vector_load %arg11[%get3A_657] {strides = array<i32>} : memref<4096xf32, #tpu.memory_space<vmem>>, vector<16xf32>,
        %sub3A_659 = arith.subf %get3A_658, %gather3A_158 : vector<16xf32>
        %get3A_660 = arith.index_cast %add3A_653 : i32 to index
        %get3A_661 = tpu.vector_load %arg12[%get3A_660] {strides = array<i32>} : memref<4096xf32, #tpu.memory_space<vmem>>, vector<16xf32>,
        %sub3A_662 = arith.subf %get3A_661, %gather3A_159 : vector<16xf32>
        %mul3A_663 = arith.mulf %sub3A_656, %sub3A_656 : vector<16xf32>
        %mul3A_664 = arith.mulf %sub3A_659, %sub3A_659 : vector<16xf32>
        %add3A_665 = arith.addf %mul3A_663, %mul3A_664 : vector<16xf32>
        %mul3A_666 = arith.mulf %sub3A_662, %sub3A_662 : vector<16xf32>
        %add3A_667 = arith.addf %add3A_665, %mul3A_666 : vector<16xf32>
        %le3A_668 = arith.constant 4.000000e-02 : f32
        %le3A_669 = vector.broadcast %le3A_668 : f32 to vector<16xf32>
        %le3A_670 = arith.cmpf ole, %add3A_667, %le3A_669 : vector<16xf32>
        %convert_element_type3A_671 = arith.extui %le3A_670 : vector<16xi1> to vector<16xi32>
        %broadcast_in_dim3A_672 = arith.constant true
        %broadcast_in_dim3A_673 = vector.broadcast %broadcast_in_dim3A_672 : i1 to vector<16xi1>
        %masked_cumsum3A_674 = tpu.scan <sum>, %convert_element_type3A_671 masked %broadcast_in_dim3A_673 : vector<16xi32>, vector<16xi1> -> vector<16xi32>
        %reduce_max3A_675 = arith.constant true
        %reduce_max3A_676 = vector.broadcast %reduce_max3A_675 : i1 to vector<16xi1>
        %reduce_max3A_677 = arith.constant -2147483648 : i32
        %reduce_max3A_678 = vector.broadcast %reduce_max3A_677 : i32 to vector<16xi32>
        %reduce_max3A_679 = arith.xori %masked_cumsum3A_674, %reduce_max3A_678 : vector<16xi32>
        %reduce_max3A_680 = tpu.scan <max>, %reduce_max3A_679 masked %reduce_max3A_676 : vector<16xi32>, vector<16xi1> -> vector<16xi32>
        %reduce_max3A_681 = arith.xori %reduce_max3A_680, %reduce_max3A_678 : vector<16xi32>
        %reduce_max3A_682 = vector.extract %reduce_max3A_681[15] : i32 from vector<16xi32>
        %add3A_683 = arith.constant 48 : i32
        %add3A_684 = arith.addi %mul3A_593, %add3A_683 : i32
        %get3A_685 = arith.index_cast %add3A_684 : i32 to index
        %get3A_686 = tpu.vector_load %arg10[%get3A_685] {strides = array<i32>} : memref<4096xf32, #tpu.memory_space<vmem>>, vector<16xf32>,
        %sub3A_687 = arith.subf %get3A_686, %gather3A_157 : vector<16xf32>
        %get3A_688 = arith.index_cast %add3A_684 : i32 to index
        %get3A_689 = tpu.vector_load %arg11[%get3A_688] {strides = array<i32>} : memref<4096xf32, #tpu.memory_space<vmem>>, vector<16xf32>,
        %sub3A_690 = arith.subf %get3A_689, %gather3A_158 : vector<16xf32>
        %get3A_691 = arith.index_cast %add3A_684 : i32 to index
        %get3A_692 = tpu.vector_load %arg12[%get3A_691] {strides = array<i32>} : memref<4096xf32, #tpu.memory_space<vmem>>, vector<16xf32>,
        %sub3A_693 = arith.subf %get3A_692, %gather3A_159 : vector<16xf32>
        %mul3A_694 = arith.mulf %sub3A_687, %sub3A_687 : vector<16xf32>
        %mul3A_695 = arith.mulf %sub3A_690, %sub3A_690 : vector<16xf32>
        %add3A_696 = arith.addf %mul3A_694, %mul3A_695 : vector<16xf32>
        %mul3A_697 = arith.mulf %sub3A_693, %sub3A_693 : vector<16xf32>
        %add3A_698 = arith.addf %add3A_696, %mul3A_697 : vector<16xf32>
        %le3A_699 = arith.constant 4.000000e-02 : f32
        %le3A_700 = vector.broadcast %le3A_699 : f32 to vector<16xf32>
        %le3A_701 = arith.cmpf ole, %add3A_698, %le3A_700 : vector<16xf32>
        %convert_element_type3A_702 = arith.extui %le3A_701 : vector<16xi1> to vector<16xi32>
        %broadcast_in_dim3A_703 = arith.constant true
        %broadcast_in_dim3A_704 = vector.broadcast %broadcast_in_dim3A_703 : i1 to vector<16xi1>
        %masked_cumsum3A_705 = tpu.scan <sum>, %convert_element_type3A_702 masked %broadcast_in_dim3A_704 : vector<16xi32>, vector<16xi1> -> vector<16xi32>
        %reduce_max3A_706 = arith.constant true
        %reduce_max3A_707 = vector.broadcast %reduce_max3A_706 : i1 to vector<16xi1>
        %reduce_max3A_708 = arith.constant -2147483648 : i32
        %reduce_max3A_709 = vector.broadcast %reduce_max3A_708 : i32 to vector<16xi32>
        %reduce_max3A_710 = arith.xori %masked_cumsum3A_705, %reduce_max3A_709 : vector<16xi32>
        %reduce_max3A_711 = tpu.scan <max>, %reduce_max3A_710 masked %reduce_max3A_707 : vector<16xi32>, vector<16xi1> -> vector<16xi32>
        %reduce_max3A_712 = arith.xori %reduce_max3A_711, %reduce_max3A_709 : vector<16xi32>
        %reduce_max3A_713 = vector.extract %reduce_max3A_712[15] : i32 from vector<16xi32>
        %add3A_714 = arith.constant 64 : i32
        %add3A_715 = arith.addi %mul3A_593, %add3A_714 : i32
        %get3A_716 = arith.index_cast %add3A_715 : i32 to index
        %get3A_717 = tpu.vector_load %arg10[%get3A_716] {strides = array<i32>} : memref<4096xf32, #tpu.memory_space<vmem>>, vector<16xf32>,
        %sub3A_718 = arith.subf %get3A_717, %gather3A_157 : vector<16xf32>
        %get3A_719 = arith.index_cast %add3A_715 : i32 to index
        %get3A_720 = tpu.vector_load %arg11[%get3A_719] {strides = array<i32>} : memref<4096xf32, #tpu.memory_space<vmem>>, vector<16xf32>,
        %sub3A_721 = arith.subf %get3A_720, %gather3A_158 : vector<16xf32>
        %get3A_722 = arith.index_cast %add3A_715 : i32 to index
        %get3A_723 = tpu.vector_load %arg12[%get3A_722] {strides = array<i32>} : memref<4096xf32, #tpu.memory_space<vmem>>, vector<16xf32>,
        %sub3A_724 = arith.subf %get3A_723, %gather3A_159 : vector<16xf32>
        %mul3A_725 = arith.mulf %sub3A_718, %sub3A_718 : vector<16xf32>
        %mul3A_726 = arith.mulf %sub3A_721, %sub3A_721 : vector<16xf32>
        %add3A_727 = arith.addf %mul3A_725, %mul3A_726 : vector<16xf32>
        %mul3A_728 = arith.mulf %sub3A_724, %sub3A_724 : vector<16xf32>
        %add3A_729 = arith.addf %add3A_727, %mul3A_728 : vector<16xf32>
        %le3A_730 = arith.constant 4.000000e-02 : f32
        %le3A_731 = vector.broadcast %le3A_730 : f32 to vector<16xf32>
        %le3A_732 = arith.cmpf ole, %add3A_729, %le3A_731 : vector<16xf32>
        %convert_element_type3A_733 = arith.extui %le3A_732 : vector<16xi1> to vector<16xi32>
        %broadcast_in_dim3A_734 = arith.constant true
        %broadcast_in_dim3A_735 = vector.broadcast %broadcast_in_dim3A_734 : i1 to vector<16xi1>
        %masked_cumsum3A_736 = tpu.scan <sum>, %convert_element_type3A_733 masked %broadcast_in_dim3A_735 : vector<16xi32>, vector<16xi1> -> vector<16xi32>
        %reduce_max3A_737 = arith.constant true
        %reduce_max3A_738 = vector.broadcast %reduce_max3A_737 : i1 to vector<16xi1>
        %reduce_max3A_739 = arith.constant -2147483648 : i32
        %reduce_max3A_740 = vector.broadcast %reduce_max3A_739 : i32 to vector<16xi32>
        %reduce_max3A_741 = arith.xori %masked_cumsum3A_736, %reduce_max3A_740 : vector<16xi32>
        %reduce_max3A_742 = tpu.scan <max>, %reduce_max3A_741 masked %reduce_max3A_738 : vector<16xi32>, vector<16xi1> -> vector<16xi32>
        %reduce_max3A_743 = arith.xori %reduce_max3A_742, %reduce_max3A_740 : vector<16xi32>
        %reduce_max3A_744 = vector.extract %reduce_max3A_743[15] : i32 from vector<16xi32>
        %add3A_745 = arith.constant 80 : i32
        %add3A_746 = arith.addi %mul3A_593, %add3A_745 : i32
        %get3A_747 = arith.index_cast %add3A_746 : i32 to index
        %get3A_748 = tpu.vector_load %arg10[%get3A_747] {strides = array<i32>} : memref<4096xf32, #tpu.memory_space<vmem>>, vector<16xf32>,
        %sub3A_749 = arith.subf %get3A_748, %gather3A_157 : vector<16xf32>
        %get3A_750 = arith.index_cast %add3A_746 : i32 to index
        %get3A_751 = tpu.vector_load %arg11[%get3A_750] {strides = array<i32>} : memref<4096xf32, #tpu.memory_space<vmem>>, vector<16xf32>,
        %sub3A_752 = arith.subf %get3A_751, %gather3A_158 : vector<16xf32>
        %get3A_753 = arith.index_cast %add3A_746 : i32 to index
        %get3A_754 = tpu.vector_load %arg12[%get3A_753] {strides = array<i32>} : memref<4096xf32, #tpu.memory_space<vmem>>, vector<16xf32>,
        %sub3A_755 = arith.subf %get3A_754, %gather3A_159 : vector<16xf32>
        %mul3A_756 = arith.mulf %sub3A_749, %sub3A_749 : vector<16xf32>
        %mul3A_757 = arith.mulf %sub3A_752, %sub3A_752 : vector<16xf32>
        %add3A_758 = arith.addf %mul3A_756, %mul3A_757 : vector<16xf32>
        %mul3A_759 = arith.mulf %sub3A_755, %sub3A_755 : vector<16xf32>
        %add3A_760 = arith.addf %add3A_758, %mul3A_759 : vector<16xf32>
        %le3A_761 = arith.constant 4.000000e-02 : f32
        %le3A_762 = vector.broadcast %le3A_761 : f32 to vector<16xf32>
        %le3A_763 = arith.cmpf ole, %add3A_760, %le3A_762 : vector<16xf32>
        %convert_element_type3A_764 = arith.extui %le3A_763 : vector<16xi1> to vector<16xi32>
        %broadcast_in_dim3A_765 = arith.constant true
        %broadcast_in_dim3A_766 = vector.broadcast %broadcast_in_dim3A_765 : i1 to vector<16xi1>
        %masked_cumsum3A_767 = tpu.scan <sum>, %convert_element_type3A_764 masked %broadcast_in_dim3A_766 : vector<16xi32>, vector<16xi1> -> vector<16xi32>
        %reduce_max3A_768 = arith.constant true
        %reduce_max3A_769 = vector.broadcast %reduce_max3A_768 : i1 to vector<16xi1>
        %reduce_max3A_770 = arith.constant -2147483648 : i32
        %reduce_max3A_771 = vector.broadcast %reduce_max3A_770 : i32 to vector<16xi32>
        %reduce_max3A_772 = arith.xori %masked_cumsum3A_767, %reduce_max3A_771 : vector<16xi32>
        %reduce_max3A_773 = tpu.scan <max>, %reduce_max3A_772 masked %reduce_max3A_769 : vector<16xi32>, vector<16xi1> -> vector<16xi32>
        %reduce_max3A_774 = arith.xori %reduce_max3A_773, %reduce_max3A_771 : vector<16xi32>
        %reduce_max3A_775 = vector.extract %reduce_max3A_774[15] : i32 from vector<16xi32>
        %add3A_776 = arith.constant 96 : i32
        %add3A_777 = arith.addi %mul3A_593, %add3A_776 : i32
        %get3A_778 = arith.index_cast %add3A_777 : i32 to index
        %get3A_779 = tpu.vector_load %arg10[%get3A_778] {strides = array<i32>} : memref<4096xf32, #tpu.memory_space<vmem>>, vector<16xf32>,
        %sub3A_780 = arith.subf %get3A_779, %gather3A_157 : vector<16xf32>
        %get3A_781 = arith.index_cast %add3A_777 : i32 to index
        %get3A_782 = tpu.vector_load %arg11[%get3A_781] {strides = array<i32>} : memref<4096xf32, #tpu.memory_space<vmem>>, vector<16xf32>,
        %sub3A_783 = arith.subf %get3A_782, %gather3A_158 : vector<16xf32>
        %get3A_784 = arith.index_cast %add3A_777 : i32 to index
        %get3A_785 = tpu.vector_load %arg12[%get3A_784] {strides = array<i32>} : memref<4096xf32, #tpu.memory_space<vmem>>, vector<16xf32>,
        %sub3A_786 = arith.subf %get3A_785, %gather3A_159 : vector<16xf32>
        %mul3A_787 = arith.mulf %sub3A_780, %sub3A_780 : vector<16xf32>
        %mul3A_788 = arith.mulf %sub3A_783, %sub3A_783 : vector<16xf32>
        %add3A_789 = arith.addf %mul3A_787, %mul3A_788 : vector<16xf32>
        %mul3A_790 = arith.mulf %sub3A_786, %sub3A_786 : vector<16xf32>
        %add3A_791 = arith.addf %add3A_789, %mul3A_790 : vector<16xf32>
        %le3A_792 = arith.constant 4.000000e-02 : f32
        %le3A_793 = vector.broadcast %le3A_792 : f32 to vector<16xf32>
        %le3A_794 = arith.cmpf ole, %add3A_791, %le3A_793 : vector<16xf32>
        %convert_element_type3A_795 = arith.extui %le3A_794 : vector<16xi1> to vector<16xi32>
        %broadcast_in_dim3A_796 = arith.constant true
        %broadcast_in_dim3A_797 = vector.broadcast %broadcast_in_dim3A_796 : i1 to vector<16xi1>
        %masked_cumsum3A_798 = tpu.scan <sum>, %convert_element_type3A_795 masked %broadcast_in_dim3A_797 : vector<16xi32>, vector<16xi1> -> vector<16xi32>
        %reduce_max3A_799 = arith.constant true
        %reduce_max3A_800 = vector.broadcast %reduce_max3A_799 : i1 to vector<16xi1>
        %reduce_max3A_801 = arith.constant -2147483648 : i32
        %reduce_max3A_802 = vector.broadcast %reduce_max3A_801 : i32 to vector<16xi32>
        %reduce_max3A_803 = arith.xori %masked_cumsum3A_798, %reduce_max3A_802 : vector<16xi32>
        %reduce_max3A_804 = tpu.scan <max>, %reduce_max3A_803 masked %reduce_max3A_800 : vector<16xi32>, vector<16xi1> -> vector<16xi32>
        %reduce_max3A_805 = arith.xori %reduce_max3A_804, %reduce_max3A_802 : vector<16xi32>
        %reduce_max3A_806 = vector.extract %reduce_max3A_805[15] : i32 from vector<16xi32>
        %add3A_807 = arith.constant 112 : i32
        %add3A_808 = arith.addi %mul3A_593, %add3A_807 : i32
        %get3A_809 = arith.index_cast %add3A_808 : i32 to index
        %get3A_810 = tpu.vector_load %arg10[%get3A_809] {strides = array<i32>} : memref<4096xf32, #tpu.memory_space<vmem>>, vector<16xf32>,
        %sub3A_811 = arith.subf %get3A_810, %gather3A_157 : vector<16xf32>
        %get3A_812 = arith.index_cast %add3A_808 : i32 to index
        %get3A_813 = tpu.vector_load %arg11[%get3A_812] {strides = array<i32>} : memref<4096xf32, #tpu.memory_space<vmem>>, vector<16xf32>,
        %sub3A_814 = arith.subf %get3A_813, %gather3A_158 : vector<16xf32>
        %get3A_815 = arith.index_cast %add3A_808 : i32 to index
        %get3A_816 = tpu.vector_load %arg12[%get3A_815] {strides = array<i32>} : memref<4096xf32, #tpu.memory_space<vmem>>, vector<16xf32>,
        %sub3A_817 = arith.subf %get3A_816, %gather3A_159 : vector<16xf32>
        %mul3A_818 = arith.mulf %sub3A_811, %sub3A_811 : vector<16xf32>
        %mul3A_819 = arith.mulf %sub3A_814, %sub3A_814 : vector<16xf32>
        %add3A_820 = arith.addf %mul3A_818, %mul3A_819 : vector<16xf32>
        %mul3A_821 = arith.mulf %sub3A_817, %sub3A_817 : vector<16xf32>
        %add3A_822 = arith.addf %add3A_820, %mul3A_821 : vector<16xf32>
        %le3A_823 = arith.constant 4.000000e-02 : f32
        %le3A_824 = vector.broadcast %le3A_823 : f32 to vector<16xf32>
        %le3A_825 = arith.cmpf ole, %add3A_822, %le3A_824 : vector<16xf32>
        %convert_element_type3A_826 = arith.extui %le3A_825 : vector<16xi1> to vector<16xi32>
        %broadcast_in_dim3A_827 = arith.constant true
        %broadcast_in_dim3A_828 = vector.broadcast %broadcast_in_dim3A_827 : i1 to vector<16xi1>
        %masked_cumsum3A_829 = tpu.scan <sum>, %convert_element_type3A_826 masked %broadcast_in_dim3A_828 : vector<16xi32>, vector<16xi1> -> vector<16xi32>
        %reduce_max3A_830 = arith.constant true
        %reduce_max3A_831 = vector.broadcast %reduce_max3A_830 : i1 to vector<16xi1>
        %reduce_max3A_832 = arith.constant -2147483648 : i32
        %reduce_max3A_833 = vector.broadcast %reduce_max3A_832 : i32 to vector<16xi32>
        %reduce_max3A_834 = arith.xori %masked_cumsum3A_829, %reduce_max3A_833 : vector<16xi32>
        %reduce_max3A_835 = tpu.scan <max>, %reduce_max3A_834 masked %reduce_max3A_831 : vector<16xi32>, vector<16xi1> -> vector<16xi32>
        %reduce_max3A_836 = arith.xori %reduce_max3A_835, %reduce_max3A_833 : vector<16xi32>
        %reduce_max3A_837 = vector.extract %reduce_max3A_836[15] : i32 from vector<16xi32>
        %add3A_838 = vector.broadcast %while3A_591 : i32 to vector<16xi32>
        %add3A_839 = arith.addi %add3A_838, %masked_cumsum3A : vector<16xi32>
        %sub3A_840 = arith.constant 1 : i32
        %sub3A_841 = vector.broadcast %sub3A_840 : i32 to vector<16xi32>
        %sub3A_842 = arith.subi %add3A_839, %sub3A_841 : vector<16xi32>
        %lt3A_843 = arith.constant 160 : i32
        %lt3A_844 = vector.broadcast %lt3A_843 : i32 to vector<16xi32>
        %lt3A_845 = arith.cmpi slt, %sub3A_842, %lt3A_844 : vector<16xi32>
        %and3A_846 = arith.andi %le3A_611, %lt3A_845 : vector<16xi1>
        %add3A_847 = arith.constant 0 : i32
        %add3A_848 = arith.addi %mul3A_593, %add3A_847 : i32
        %add3A_849 = vector.broadcast %add3A_848 : i32 to vector<16xi32>
        %add3A_850 = arith.addi %iota3A, %add3A_849 : vector<16xi32>
        tpu.vector_store_idx %arg16[%sub3A_842], %add3A_850 masked %and3A_846 : memref<176xi32, #tpu.memory_space<vmem>>[vector<16xi32>], vector<16xi32>, vector<16xi1>
        %add3A_851 = arith.addi %while3A_591, %reduce_max3A_620 : i32
        %add3A_852 = vector.broadcast %add3A_851 : i32 to vector<16xi32>
        %add3A_853 = arith.addi %add3A_852, %masked_cumsum3A_643 : vector<16xi32>
        %sub3A_854 = arith.constant 1 : i32
        %sub3A_855 = vector.broadcast %sub3A_854 : i32 to vector<16xi32>
        %sub3A_856 = arith.subi %add3A_853, %sub3A_855 : vector<16xi32>
        %lt3A_857 = arith.constant 160 : i32
        %lt3A_858 = vector.broadcast %lt3A_857 : i32 to vector<16xi32>
        %lt3A_859 = arith.cmpi slt, %sub3A_856, %lt3A_858 : vector<16xi32>
        %and3A_860 = arith.andi %le3A_639, %lt3A_859 : vector<16xi1>
        %add3A_861 = arith.constant 16 : i32
        %add3A_862 = arith.addi %mul3A_593, %add3A_861 : i32
        %add3A_863 = vector.broadcast %add3A_862 : i32 to vector<16xi32>
        %add3A_864 = arith.addi %iota3A, %add3A_863 : vector<16xi32>
        tpu.vector_store_idx %arg16[%sub3A_856], %add3A_864 masked %and3A_860 : memref<176xi32, #tpu.memory_space<vmem>>[vector<16xi32>], vector<16xi32>, vector<16xi1>
        %add3A_865 = arith.addi %add3A_851, %reduce_max3A_651 : i32
        %add3A_866 = vector.broadcast %add3A_865 : i32 to vector<16xi32>
        %add3A_867 = arith.addi %add3A_866, %masked_cumsum3A_674 : vector<16xi32>
        %sub3A_868 = arith.constant 1 : i32
        %sub3A_869 = vector.broadcast %sub3A_868 : i32 to vector<16xi32>
        %sub3A_870 = arith.subi %add3A_867, %sub3A_869 : vector<16xi32>
        %lt3A_871 = arith.constant 160 : i32
        %lt3A_872 = vector.broadcast %lt3A_871 : i32 to vector<16xi32>
        %lt3A_873 = arith.cmpi slt, %sub3A_870, %lt3A_872 : vector<16xi32>
        %and3A_874 = arith.andi %le3A_670, %lt3A_873 : vector<16xi1>
        %add3A_875 = arith.constant 32 : i32
        %add3A_876 = arith.addi %mul3A_593, %add3A_875 : i32
        %add3A_877 = vector.broadcast %add3A_876 : i32 to vector<16xi32>
        %add3A_878 = arith.addi %iota3A, %add3A_877 : vector<16xi32>
        tpu.vector_store_idx %arg16[%sub3A_870], %add3A_878 masked %and3A_874 : memref<176xi32, #tpu.memory_space<vmem>>[vector<16xi32>], vector<16xi32>, vector<16xi1>
        %add3A_879 = arith.addi %add3A_865, %reduce_max3A_682 : i32
        %add3A_880 = vector.broadcast %add3A_879 : i32 to vector<16xi32>
        %add3A_881 = arith.addi %add3A_880, %masked_cumsum3A_705 : vector<16xi32>
        %sub3A_882 = arith.constant 1 : i32
        %sub3A_883 = vector.broadcast %sub3A_882 : i32 to vector<16xi32>
        %sub3A_884 = arith.subi %add3A_881, %sub3A_883 : vector<16xi32>
        %lt3A_885 = arith.constant 160 : i32
        %lt3A_886 = vector.broadcast %lt3A_885 : i32 to vector<16xi32>
        %lt3A_887 = arith.cmpi slt, %sub3A_884, %lt3A_886 : vector<16xi32>
        %and3A_888 = arith.andi %le3A_701, %lt3A_887 : vector<16xi1>
        %add3A_889 = arith.constant 48 : i32
        %add3A_890 = arith.addi %mul3A_593, %add3A_889 : i32
        %add3A_891 = vector.broadcast %add3A_890 : i32 to vector<16xi32>
        %add3A_892 = arith.addi %iota3A, %add3A_891 : vector<16xi32>
        tpu.vector_store_idx %arg16[%sub3A_884], %add3A_892 masked %and3A_888 : memref<176xi32, #tpu.memory_space<vmem>>[vector<16xi32>], vector<16xi32>, vector<16xi1>
        %add3A_893 = arith.addi %add3A_879, %reduce_max3A_713 : i32
        %add3A_894 = vector.broadcast %add3A_893 : i32 to vector<16xi32>
        %add3A_895 = arith.addi %add3A_894, %masked_cumsum3A_736 : vector<16xi32>
        %sub3A_896 = arith.constant 1 : i32
        %sub3A_897 = vector.broadcast %sub3A_896 : i32 to vector<16xi32>
        %sub3A_898 = arith.subi %add3A_895, %sub3A_897 : vector<16xi32>
        %lt3A_899 = arith.constant 160 : i32
        %lt3A_900 = vector.broadcast %lt3A_899 : i32 to vector<16xi32>
        %lt3A_901 = arith.cmpi slt, %sub3A_898, %lt3A_900 : vector<16xi32>
        %and3A_902 = arith.andi %le3A_732, %lt3A_901 : vector<16xi1>
        %add3A_903 = arith.constant 64 : i32
        %add3A_904 = arith.addi %mul3A_593, %add3A_903 : i32
        %add3A_905 = vector.broadcast %add3A_904 : i32 to vector<16xi32>
        %add3A_906 = arith.addi %iota3A, %add3A_905 : vector<16xi32>
        tpu.vector_store_idx %arg16[%sub3A_898], %add3A_906 masked %and3A_902 : memref<176xi32, #tpu.memory_space<vmem>>[vector<16xi32>], vector<16xi32>, vector<16xi1>
        %add3A_907 = arith.addi %add3A_893, %reduce_max3A_744 : i32
        %add3A_908 = vector.broadcast %add3A_907 : i32 to vector<16xi32>
        %add3A_909 = arith.addi %add3A_908, %masked_cumsum3A_767 : vector<16xi32>
        %sub3A_910 = arith.constant 1 : i32
        %sub3A_911 = vector.broadcast %sub3A_910 : i32 to vector<16xi32>
        %sub3A_912 = arith.subi %add3A_909, %sub3A_911 : vector<16xi32>
        %lt3A_913 = arith.constant 160 : i32
        %lt3A_914 = vector.broadcast %lt3A_913 : i32 to vector<16xi32>
        %lt3A_915 = arith.cmpi slt, %sub3A_912, %lt3A_914 : vector<16xi32>
        %and3A_916 = arith.andi %le3A_763, %lt3A_915 : vector<16xi1>
        %add3A_917 = arith.constant 80 : i32
        %add3A_918 = arith.addi %mul3A_593, %add3A_917 : i32
        %add3A_919 = vector.broadcast %add3A_918 : i32 to vector<16xi32>
        %add3A_920 = arith.addi %iota3A, %add3A_919 : vector<16xi32>
        tpu.vector_store_idx %arg16[%sub3A_912], %add3A_920 masked %and3A_916 : memref<176xi32, #tpu.memory_space<vmem>>[vector<16xi32>], vector<16xi32>, vector<16xi1>
        %add3A_921 = arith.addi %add3A_907, %reduce_max3A_775 : i32
        %add3A_922 = vector.broadcast %add3A_921 : i32 to vector<16xi32>
        %add3A_923 = arith.addi %add3A_922, %masked_cumsum3A_798 : vector<16xi32>
        %sub3A_924 = arith.constant 1 : i32
        %sub3A_925 = vector.broadcast %sub3A_924 : i32 to vector<16xi32>
        %sub3A_926 = arith.subi %add3A_923, %sub3A_925 : vector<16xi32>
        %lt3A_927 = arith.constant 160 : i32
        %lt3A_928 = vector.broadcast %lt3A_927 : i32 to vector<16xi32>
        %lt3A_929 = arith.cmpi slt, %sub3A_926, %lt3A_928 : vector<16xi32>
        %and3A_930 = arith.andi %le3A_794, %lt3A_929 : vector<16xi1>
        %add3A_931 = arith.constant 96 : i32
        %add3A_932 = arith.addi %mul3A_593, %add3A_931 : i32
        %add3A_933 = vector.broadcast %add3A_932 : i32 to vector<16xi32>
        %add3A_934 = arith.addi %iota3A, %add3A_933 : vector<16xi32>
        tpu.vector_store_idx %arg16[%sub3A_926], %add3A_934 masked %and3A_930 : memref<176xi32, #tpu.memory_space<vmem>>[vector<16xi32>], vector<16xi32>, vector<16xi1>
        %add3A_935 = arith.addi %add3A_921, %reduce_max3A_806 : i32
        %add3A_936 = vector.broadcast %add3A_935 : i32 to vector<16xi32>
        %add3A_937 = arith.addi %add3A_936, %masked_cumsum3A_829 : vector<16xi32>
        %sub3A_938 = arith.constant 1 : i32
        %sub3A_939 = vector.broadcast %sub3A_938 : i32 to vector<16xi32>
        %sub3A_940 = arith.subi %add3A_937, %sub3A_939 : vector<16xi32>
        %lt3A_941 = arith.constant 160 : i32
        %lt3A_942 = vector.broadcast %lt3A_941 : i32 to vector<16xi32>
        %lt3A_943 = arith.cmpi slt, %sub3A_940, %lt3A_942 : vector<16xi32>
        %and3A_944 = arith.andi %le3A_825, %lt3A_943 : vector<16xi1>
        %add3A_945 = arith.constant 112 : i32
        %add3A_946 = arith.addi %mul3A_593, %add3A_945 : i32
        %add3A_947 = vector.broadcast %add3A_946 : i32 to vector<16xi32>
        %add3A_948 = arith.addi %iota3A, %add3A_947 : vector<16xi32>
        tpu.vector_store_idx %arg16[%sub3A_940], %add3A_948 masked %and3A_944 : memref<176xi32, #tpu.memory_space<vmem>>[vector<16xi32>], vector<16xi32>, vector<16xi1>
        %add3A_949 = arith.addi %add3A_935, %reduce_max3A_837 : i32
        %add3A_950 = arith.constant 1 : i32
        %add3A_951 = arith.addi %while3A_590, %add3A_950 : i32
        scf.yield %add3A_951, %add3A_949 : i32, i32
      }
      %gather3A_165 = tpu.vector_load_idx %arg16[%broadcast_in_dim3A_21] : memref<176xi32, #tpu.memory_space<vmem>>[vector<16xi32>], vector<16xi32>,
      %lt3A_166 = vector.broadcast %while3A_164#1 : i32 to vector<16xi32>
      %lt3A_167 = arith.cmpi slt, %iota3A, %lt3A_166 : vector<16xi32>
      %get3A_168 = arith.constant 0 : index
      %get3A_169 = tpu.vector_load %arg16[%get3A_168] {strides = array<i32>} : memref<176xi32, #tpu.memory_space<vmem>>, vector<16xi32>,
      %select_n3A_170 = arith.select %lt3A_167, %get3A_169, %gather3A_165 : vector<16xi1>, vector<16xi32>
      %add3A_171 = vector.broadcast %mul3A_20 : i32 to vector<16xi32>
      %add3A_172 = arith.addi %select_n3A_170, %add3A_171 : vector<16xi32>
      %add3A_173 = arith.constant 16 : i32
      %add3A_174 = vector.broadcast %add3A_173 : i32 to vector<16xi32>
      %add3A_175 = arith.addi %iota3A, %add3A_174 : vector<16xi32>
      %lt3A_176 = vector.broadcast %while3A_164#1 : i32 to vector<16xi32>
      %lt3A_177 = arith.cmpi slt, %add3A_175, %lt3A_176 : vector<16xi32>
      %get3A_178 = arith.constant 16 : index
      %get3A_179 = tpu.vector_load %arg16[%get3A_178] {strides = array<i32>} : memref<176xi32, #tpu.memory_space<vmem>>, vector<16xi32>,
      %select_n3A_180 = arith.select %lt3A_177, %get3A_179, %gather3A_165 : vector<16xi1>, vector<16xi32>
      %add3A_181 = vector.broadcast %mul3A_20 : i32 to vector<16xi32>
      %add3A_182 = arith.addi %select_n3A_180, %add3A_181 : vector<16xi32>
      %mul3A_183 = arith.constant 32 : i32
      %mul3A_184 = arith.muli %add3A_154, %mul3A_183 : i32
      %swap3A_185 = arith.index_cast %mul3A_184 : i32 to index
      %swap3A_186 = tpu.vector_load %arg17[%swap3A_185] {strides = array<i32>} : memref<4096xi32, #tpu.memory_space<vmem>>, vector<16xi32>,
      tpu.vector_store %arg17[%swap3A_185], %add3A_172 {strides = array<i32>} : memref<4096xi32, #tpu.memory_space<vmem>>, vector<16xi32>,
      %mul3A_187 = arith.constant 32 : i32
      %mul3A_188 = arith.muli %add3A_154, %mul3A_187 : i32
      %add3A_189 = arith.constant 16 : i32
      %add3A_190 = arith.addi %mul3A_188, %add3A_189 : i32
      %swap3A_191 = arith.index_cast %add3A_190 : i32 to index
      %swap3A_192 = tpu.vector_load %arg17[%swap3A_191] {strides = array<i32>} : memref<4096xi32, #tpu.memory_space<vmem>>, vector<16xi32>,
      tpu.vector_store %arg17[%swap3A_191], %add3A_182 {strides = array<i32>} : memref<4096xi32, #tpu.memory_space<vmem>>, vector<16xi32>,
      %mul3A_193 = arith.constant 128 : i32
      %mul3A_194 = arith.muli %scan3A_28, %mul3A_193 : i32
      %dma_start3A = tpu.memref_slice %arg17[%mul3A_194] : memref<4096xi32, #tpu.memory_space<vmem>> -> memref<128xi32, #tpu.memory_space<vmem>>
      %dma_start3A_195 = arith.constant 0 : i32
      %dma_start3A_196 = arith.constant 0 : i32
      %dma_start3A_197 = tpu.memref_slice %arg8[%dma_start3A_195, %dma_start3A_196] : memref<16384x32xf32, #tpu.memory_space<hbm>> -> memref<16384x32xf32, #tpu.memory_space<hbm>>
      tpu.enqueue_indirect_dma source(%dma_start3A_197 : memref<16384x32xf32, #tpu.memory_space<hbm>>) target(%arg18 : memref<128x32xf32, #tpu.memory_space<vmem>>) offsets(%dma_start3A : memref<128xi32, #tpu.memory_space<vmem>>) semaphore(%arg20 : memref<!tpu.dma_semaphore, #tpu.memory_space<semaphore_mem>>)
      %dma_wait3A = tpu.memref_slice %arg17[%mul3A_194] : memref<4096xi32, #tpu.memory_space<vmem>> -> memref<128xi32, #tpu.memory_space<vmem>>
      %dma_wait3A_198 = arith.constant 0 : i32
      %dma_wait3A_199 = arith.constant 0 : i32
      %dma_wait3A_200 = tpu.memref_slice %arg8[%dma_wait3A_198, %dma_wait3A_199] : memref<16384x32xf32, #tpu.memory_space<hbm>> -> memref<16384x32xf32, #tpu.memory_space<hbm>>
      tpu.wait_indirect_dma semaphore(%arg20 : memref<!tpu.dma_semaphore, #tpu.memory_space<semaphore_mem>>) src(%dma_wait3A_200 : memref<16384x32xf32, #tpu.memory_space<hbm>>) dst(%arg18 : memref<128x32xf32, #tpu.memory_space<vmem>>)
      %mul3A_201 = arith.constant 4 : i32
      %mul3A_202 = arith.muli %scan3A_28, %mul3A_201 : i32
      %add3A_203 = arith.constant 0 : i32
      %add3A_204 = arith.addi %mul3A_202, %add3A_203 : i32
      %add3A_205 = arith.constant 0 : i32
      %add3A_206 = vector.broadcast %add3A_205 : i32 to vector<16xi32>
      %add3A_207 = arith.addi %iota3A, %add3A_206 : vector<16xi32>
      %add3A_208 = arith.constant 0 : i32
      %add3A_209 = vector.broadcast %add3A_208 : i32 to vector<16xi32>
      %add3A_210 = arith.addi %broadcast_in_dim3A_21, %add3A_209 : vector<16xi32>
      %add3A_211 = vector.broadcast %add3A_204 : i32 to vector<16xi32>
      %add3A_212 = arith.addi %broadcast_in_dim3A_21, %add3A_211 : vector<16xi32>
      %gather3A_213 = tpu.vector_load_idx %arg13[%add3A_212] : memref<128xf32, #tpu.memory_space<vmem>>[vector<16xi32>], vector<16xf32>,
      %gather3A_214 = tpu.vector_load_idx %arg18[%add3A_207, %add3A_210] : memref<128x32xf32, #tpu.memory_space<vmem>>[vector<16xi32>, vector<16xi32>], vector<16xf32>,
      %sub3A_215 = arith.subf %gather3A_214, %gather3A_213 : vector<16xf32>
      tpu.vector_store_idx %arg18[%add3A_207, %add3A_210], %sub3A_215 : memref<128x32xf32, #tpu.memory_space<vmem>>[vector<16xi32>, vector<16xi32>], vector<16xf32>,
      %add3A_216 = arith.constant 1 : i32
      %add3A_217 = vector.broadcast %add3A_216 : i32 to vector<16xi32>
      %add3A_218 = arith.addi %broadcast_in_dim3A_21, %add3A_217 : vector<16xi32>
      %add3A_219 = vector.broadcast %add3A_204 : i32 to vector<16xi32>
      %add3A_220 = arith.addi %broadcast_in_dim3A_21, %add3A_219 : vector<16xi32>
      %gather3A_221 = tpu.vector_load_idx %arg14[%add3A_220] : memref<128xf32, #tpu.memory_space<vmem>>[vector<16xi32>], vector<16xf32>,
      %gather3A_222 = tpu.vector_load_idx %arg18[%add3A_207, %add3A_218] : memref<128x32xf32, #tpu.memory_space<vmem>>[vector<16xi32>, vector<16xi32>], vector<16xf32>,
      %sub3A_223 = arith.subf %gather3A_222, %gather3A_221 : vector<16xf32>
      tpu.vector_store_idx %arg18[%add3A_207, %add3A_218], %sub3A_223 : memref<128x32xf32, #tpu.memory_space<vmem>>[vector<16xi32>, vector<16xi32>], vector<16xf32>,
      %add3A_224 = arith.constant 2 : i32
      %add3A_225 = vector.broadcast %add3A_224 : i32 to vector<16xi32>
      %add3A_226 = arith.addi %broadcast_in_dim3A_21, %add3A_225 : vector<16xi32>
      %add3A_227 = vector.broadcast %add3A_204 : i32 to vector<16xi32>
      %add3A_228 = arith.addi %broadcast_in_dim3A_21, %add3A_227 : vector<16xi32>
      %gather3A_229 = tpu.vector_load_idx %arg15[%add3A_228] : memref<128xf32, #tpu.memory_space<vmem>>[vector<16xi32>], vector<16xf32>,
      %gather3A_230 = tpu.vector_load_idx %arg18[%add3A_207, %add3A_226] : memref<128x32xf32, #tpu.memory_space<vmem>>[vector<16xi32>, vector<16xi32>], vector<16xf32>,
      %sub3A_231 = arith.subf %gather3A_230, %gather3A_229 : vector<16xf32>
      tpu.vector_store_idx %arg18[%add3A_207, %add3A_226], %sub3A_231 : memref<128x32xf32, #tpu.memory_space<vmem>>[vector<16xi32>, vector<16xi32>], vector<16xf32>,
      %add3A_232 = arith.constant 0 : i32
      %add3A_233 = vector.broadcast %add3A_232 : i32 to vector<16xi32>
      %add3A_234 = arith.addi %add3A_233, %iota3A : vector<16xi32>
      %mul3A_235 = arith.constant 4096 : i32
      %mul3A_236 = vector.broadcast %mul3A_235 : i32 to vector<16xi32>
      %mul3A_237 = arith.muli %add3A_234, %mul3A_236 : vector<16xi32>
      %mul3A_238 = arith.constant 4 : i32
      %mul3A_239 = arith.muli %scan3A_28, %mul3A_238 : i32
      %add3A_240 = arith.addi %mul3A_2, %mul3A_239 : i32
      %add3A_241 = arith.constant 0 : i32
      %add3A_242 = arith.addi %add3A_240, %add3A_241 : i32
      %add3A_243 = vector.broadcast %add3A_242 : i32 to vector<16xi32>
      %add3A_244 = arith.addi %mul3A_237, %add3A_243 : vector<16xi32>
      %swap3A_245 = arith.index_cast %scan3A_28 : i32 to index
      %swap3A_246 = arith.constant 0 : index
      %swap3A_247 = tpu.vector_load %arg19[%swap3A_245, %swap3A_246] {strides = array<i32>} : memref<32x128xi32, #tpu.memory_space<vmem>>, vector<16xi32>,
      tpu.vector_store %arg19[%swap3A_245, %swap3A_246], %add3A_244 {strides = array<i32>} : memref<32x128xi32, #tpu.memory_space<vmem>>, vector<16xi32>,
      %mul3A_248 = arith.constant 4 : i32
      %mul3A_249 = arith.muli %scan3A_28, %mul3A_248 : i32
      %add3A_250 = arith.constant 0 : i32
      %add3A_251 = arith.addi %mul3A_249, %add3A_250 : i32
      %add3A_252 = arith.constant 16 : i32
      %add3A_253 = vector.broadcast %add3A_252 : i32 to vector<16xi32>
      %add3A_254 = arith.addi %iota3A, %add3A_253 : vector<16xi32>
      %add3A_255 = arith.constant 0 : i32
      %add3A_256 = vector.broadcast %add3A_255 : i32 to vector<16xi32>
      %add3A_257 = arith.addi %broadcast_in_dim3A_21, %add3A_256 : vector<16xi32>
      %add3A_258 = vector.broadcast %add3A_251 : i32 to vector<16xi32>
      %add3A_259 = arith.addi %broadcast_in_dim3A_21, %add3A_258 : vector<16xi32>
      %gather3A_260 = tpu.vector_load_idx %arg13[%add3A_259] : memref<128xf32, #tpu.memory_space<vmem>>[vector<16xi32>], vector<16xf32>,
      %gather3A_261 = tpu.vector_load_idx %arg18[%add3A_254, %add3A_257] : memref<128x32xf32, #tpu.memory_space<vmem>>[vector<16xi32>, vector<16xi32>], vector<16xf32>,
      %sub3A_262 = arith.subf %gather3A_261, %gather3A_260 : vector<16xf32>
      tpu.vector_store_idx %arg18[%add3A_254, %add3A_257], %sub3A_262 : memref<128x32xf32, #tpu.memory_space<vmem>>[vector<16xi32>, vector<16xi32>], vector<16xf32>,
      %add3A_263 = arith.constant 1 : i32
      %add3A_264 = vector.broadcast %add3A_263 : i32 to vector<16xi32>
      %add3A_265 = arith.addi %broadcast_in_dim3A_21, %add3A_264 : vector<16xi32>
      %add3A_266 = vector.broadcast %add3A_251 : i32 to vector<16xi32>
      %add3A_267 = arith.addi %broadcast_in_dim3A_21, %add3A_266 : vector<16xi32>
      %gather3A_268 = tpu.vector_load_idx %arg14[%add3A_267] : memref<128xf32, #tpu.memory_space<vmem>>[vector<16xi32>], vector<16xf32>,
      %gather3A_269 = tpu.vector_load_idx %arg18[%add3A_254, %add3A_265] : memref<128x32xf32, #tpu.memory_space<vmem>>[vector<16xi32>, vector<16xi32>], vector<16xf32>,
      %sub3A_270 = arith.subf %gather3A_269, %gather3A_268 : vector<16xf32>
      tpu.vector_store_idx %arg18[%add3A_254, %add3A_265], %sub3A_270 : memref<128x32xf32, #tpu.memory_space<vmem>>[vector<16xi32>, vector<16xi32>], vector<16xf32>,
      %add3A_271 = arith.constant 2 : i32
      %add3A_272 = vector.broadcast %add3A_271 : i32 to vector<16xi32>
      %add3A_273 = arith.addi %broadcast_in_dim3A_21, %add3A_272 : vector<16xi32>
      %add3A_274 = vector.broadcast %add3A_251 : i32 to vector<16xi32>
      %add3A_275 = arith.addi %broadcast_in_dim3A_21, %add3A_274 : vector<16xi32>
      %gather3A_276 = tpu.vector_load_idx %arg15[%add3A_275] : memref<128xf32, #tpu.memory_space<vmem>>[vector<16xi32>], vector<16xf32>,
      %gather3A_277 = tpu.vector_load_idx %arg18[%add3A_254, %add3A_273] : memref<128x32xf32, #tpu.memory_space<vmem>>[vector<16xi32>, vector<16xi32>], vector<16xf32>,
      %sub3A_278 = arith.subf %gather3A_277, %gather3A_276 : vector<16xf32>
      tpu.vector_store_idx %arg18[%add3A_254, %add3A_273], %sub3A_278 : memref<128x32xf32, #tpu.memory_space<vmem>>[vector<16xi32>, vector<16xi32>], vector<16xf32>,
      %add3A_279 = arith.constant 16 : i32
      %add3A_280 = vector.broadcast %add3A_279 : i32 to vector<16xi32>
      %add3A_281 = arith.addi %add3A_280, %iota3A : vector<16xi32>
      %mul3A_282 = arith.constant 4096 : i32
      %mul3A_283 = vector.broadcast %mul3A_282 : i32 to vector<16xi32>
      %mul3A_284 = arith.muli %add3A_281, %mul3A_283 : vector<16xi32>
      %mul3A_285 = arith.constant 4 : i32
      %mul3A_286 = arith.muli %scan3A_28, %mul3A_285 : i32
      %add3A_287 = arith.addi %mul3A_2, %mul3A_286 : i32
      %add3A_288 = arith.constant 0 : i32
      %add3A_289 = arith.addi %add3A_287, %add3A_288 : i32
      %add3A_290 = vector.broadcast %add3A_289 : i32 to vector<16xi32>
      %add3A_291 = arith.addi %mul3A_284, %add3A_290 : vector<16xi32>
      %swap3A_292 = arith.index_cast %scan3A_28 : i32 to index
      %swap3A_293 = arith.constant 16 : index
      %swap3A_294 = tpu.vector_load %arg19[%swap3A_292, %swap3A_293] {strides = array<i32>} : memref<32x128xi32, #tpu.memory_space<vmem>>, vector<16xi32>,
      tpu.vector_store %arg19[%swap3A_292, %swap3A_293], %add3A_291 {strides = array<i32>} : memref<32x128xi32, #tpu.memory_space<vmem>>, vector<16xi32>,
      %mul3A_295 = arith.constant 4 : i32
      %mul3A_296 = arith.muli %scan3A_28, %mul3A_295 : i32
      %add3A_297 = arith.constant 1 : i32
      %add3A_298 = arith.addi %mul3A_296, %add3A_297 : i32
      %add3A_299 = arith.constant 32 : i32
      %add3A_300 = vector.broadcast %add3A_299 : i32 to vector<16xi32>
      %add3A_301 = arith.addi %iota3A, %add3A_300 : vector<16xi32>
      %add3A_302 = arith.constant 0 : i32
      %add3A_303 = vector.broadcast %add3A_302 : i32 to vector<16xi32>
      %add3A_304 = arith.addi %broadcast_in_dim3A_21, %add3A_303 : vector<16xi32>
      %add3A_305 = vector.broadcast %add3A_298 : i32 to vector<16xi32>
      %add3A_306 = arith.addi %broadcast_in_dim3A_21, %add3A_305 : vector<16xi32>
      %gather3A_307 = tpu.vector_load_idx %arg13[%add3A_306] : memref<128xf32, #tpu.memory_space<vmem>>[vector<16xi32>], vector<16xf32>,
      %gather3A_308 = tpu.vector_load_idx %arg18[%add3A_301, %add3A_304] : memref<128x32xf32, #tpu.memory_space<vmem>>[vector<16xi32>, vector<16xi32>], vector<16xf32>,
      %sub3A_309 = arith.subf %gather3A_308, %gather3A_307 : vector<16xf32>
      tpu.vector_store_idx %arg18[%add3A_301, %add3A_304], %sub3A_309 : memref<128x32xf32, #tpu.memory_space<vmem>>[vector<16xi32>, vector<16xi32>], vector<16xf32>,
      %add3A_310 = arith.constant 1 : i32
      %add3A_311 = vector.broadcast %add3A_310 : i32 to vector<16xi32>
      %add3A_312 = arith.addi %broadcast_in_dim3A_21, %add3A_311 : vector<16xi32>
      %add3A_313 = vector.broadcast %add3A_298 : i32 to vector<16xi32>
      %add3A_314 = arith.addi %broadcast_in_dim3A_21, %add3A_313 : vector<16xi32>
      %gather3A_315 = tpu.vector_load_idx %arg14[%add3A_314] : memref<128xf32, #tpu.memory_space<vmem>>[vector<16xi32>], vector<16xf32>,
      %gather3A_316 = tpu.vector_load_idx %arg18[%add3A_301, %add3A_312] : memref<128x32xf32, #tpu.memory_space<vmem>>[vector<16xi32>, vector<16xi32>], vector<16xf32>,
      %sub3A_317 = arith.subf %gather3A_316, %gather3A_315 : vector<16xf32>
      tpu.vector_store_idx %arg18[%add3A_301, %add3A_312], %sub3A_317 : memref<128x32xf32, #tpu.memory_space<vmem>>[vector<16xi32>, vector<16xi32>], vector<16xf32>,
      %add3A_318 = arith.constant 2 : i32
      %add3A_319 = vector.broadcast %add3A_318 : i32 to vector<16xi32>
      %add3A_320 = arith.addi %broadcast_in_dim3A_21, %add3A_319 : vector<16xi32>
      %add3A_321 = vector.broadcast %add3A_298 : i32 to vector<16xi32>
      %add3A_322 = arith.addi %broadcast_in_dim3A_21, %add3A_321 : vector<16xi32>
      %gather3A_323 = tpu.vector_load_idx %arg15[%add3A_322] : memref<128xf32, #tpu.memory_space<vmem>>[vector<16xi32>], vector<16xf32>,
      %gather3A_324 = tpu.vector_load_idx %arg18[%add3A_301, %add3A_320] : memref<128x32xf32, #tpu.memory_space<vmem>>[vector<16xi32>, vector<16xi32>], vector<16xf32>,
      %sub3A_325 = arith.subf %gather3A_324, %gather3A_323 : vector<16xf32>
      tpu.vector_store_idx %arg18[%add3A_301, %add3A_320], %sub3A_325 : memref<128x32xf32, #tpu.memory_space<vmem>>[vector<16xi32>, vector<16xi32>], vector<16xf32>,
      %add3A_326 = arith.constant 0 : i32
      %add3A_327 = vector.broadcast %add3A_326 : i32 to vector<16xi32>
      %add3A_328 = arith.addi %add3A_327, %iota3A : vector<16xi32>
      %mul3A_329 = arith.constant 4096 : i32
      %mul3A_330 = vector.broadcast %mul3A_329 : i32 to vector<16xi32>
      %mul3A_331 = arith.muli %add3A_328, %mul3A_330 : vector<16xi32>
      %mul3A_332 = arith.constant 4 : i32
      %mul3A_333 = arith.muli %scan3A_28, %mul3A_332 : i32
      %add3A_334 = arith.addi %mul3A_2, %mul3A_333 : i32
      %add3A_335 = arith.constant 1 : i32
      %add3A_336 = arith.addi %add3A_334, %add3A_335 : i32
      %add3A_337 = vector.broadcast %add3A_336 : i32 to vector<16xi32>
      %add3A_338 = arith.addi %mul3A_331, %add3A_337 : vector<16xi32>
      %swap3A_339 = arith.index_cast %scan3A_28 : i32 to index
      %swap3A_340 = arith.constant 32 : index
      %swap3A_341 = tpu.vector_load %arg19[%swap3A_339, %swap3A_340] {strides = array<i32>} : memref<32x128xi32, #tpu.memory_space<vmem>>, vector<16xi32>,
      tpu.vector_store %arg19[%swap3A_339, %swap3A_340], %add3A_338 {strides = array<i32>} : memref<32x128xi32, #tpu.memory_space<vmem>>, vector<16xi32>,
      %mul3A_342 = arith.constant 4 : i32
      %mul3A_343 = arith.muli %scan3A_28, %mul3A_342 : i32
      %add3A_344 = arith.constant 1 : i32
      %add3A_345 = arith.addi %mul3A_343, %add3A_344 : i32
      %add3A_346 = arith.constant 48 : i32
      %add3A_347 = vector.broadcast %add3A_346 : i32 to vector<16xi32>
      %add3A_348 = arith.addi %iota3A, %add3A_347 : vector<16xi32>
      %add3A_349 = arith.constant 0 : i32
      %add3A_350 = vector.broadcast %add3A_349 : i32 to vector<16xi32>
      %add3A_351 = arith.addi %broadcast_in_dim3A_21, %add3A_350 : vector<16xi32>
      %add3A_352 = vector.broadcast %add3A_345 : i32 to vector<16xi32>
      %add3A_353 = arith.addi %broadcast_in_dim3A_21, %add3A_352 : vector<16xi32>
      %gather3A_354 = tpu.vector_load_idx %arg13[%add3A_353] : memref<128xf32, #tpu.memory_space<vmem>>[vector<16xi32>], vector<16xf32>,
      %gather3A_355 = tpu.vector_load_idx %arg18[%add3A_348, %add3A_351] : memref<128x32xf32, #tpu.memory_space<vmem>>[vector<16xi32>, vector<16xi32>], vector<16xf32>,
      %sub3A_356 = arith.subf %gather3A_355, %gather3A_354 : vector<16xf32>
      tpu.vector_store_idx %arg18[%add3A_348, %add3A_351], %sub3A_356 : memref<128x32xf32, #tpu.memory_space<vmem>>[vector<16xi32>, vector<16xi32>], vector<16xf32>,
      %add3A_357 = arith.constant 1 : i32
      %add3A_358 = vector.broadcast %add3A_357 : i32 to vector<16xi32>
      %add3A_359 = arith.addi %broadcast_in_dim3A_21, %add3A_358 : vector<16xi32>
      %add3A_360 = vector.broadcast %add3A_345 : i32 to vector<16xi32>
      %add3A_361 = arith.addi %broadcast_in_dim3A_21, %add3A_360 : vector<16xi32>
      %gather3A_362 = tpu.vector_load_idx %arg14[%add3A_361] : memref<128xf32, #tpu.memory_space<vmem>>[vector<16xi32>], vector<16xf32>,
      %gather3A_363 = tpu.vector_load_idx %arg18[%add3A_348, %add3A_359] : memref<128x32xf32, #tpu.memory_space<vmem>>[vector<16xi32>, vector<16xi32>], vector<16xf32>,
      %sub3A_364 = arith.subf %gather3A_363, %gather3A_362 : vector<16xf32>
      tpu.vector_store_idx %arg18[%add3A_348, %add3A_359], %sub3A_364 : memref<128x32xf32, #tpu.memory_space<vmem>>[vector<16xi32>, vector<16xi32>], vector<16xf32>,
      %add3A_365 = arith.constant 2 : i32
      %add3A_366 = vector.broadcast %add3A_365 : i32 to vector<16xi32>
      %add3A_367 = arith.addi %broadcast_in_dim3A_21, %add3A_366 : vector<16xi32>
      %add3A_368 = vector.broadcast %add3A_345 : i32 to vector<16xi32>
      %add3A_369 = arith.addi %broadcast_in_dim3A_21, %add3A_368 : vector<16xi32>
      %gather3A_370 = tpu.vector_load_idx %arg15[%add3A_369] : memref<128xf32, #tpu.memory_space<vmem>>[vector<16xi32>], vector<16xf32>,
      %gather3A_371 = tpu.vector_load_idx %arg18[%add3A_348, %add3A_367] : memref<128x32xf32, #tpu.memory_space<vmem>>[vector<16xi32>, vector<16xi32>], vector<16xf32>,
      %sub3A_372 = arith.subf %gather3A_371, %gather3A_370 : vector<16xf32>
      tpu.vector_store_idx %arg18[%add3A_348, %add3A_367], %sub3A_372 : memref<128x32xf32, #tpu.memory_space<vmem>>[vector<16xi32>, vector<16xi32>], vector<16xf32>,
      %add3A_373 = arith.constant 16 : i32
      %add3A_374 = vector.broadcast %add3A_373 : i32 to vector<16xi32>
      %add3A_375 = arith.addi %add3A_374, %iota3A : vector<16xi32>
      %mul3A_376 = arith.constant 4096 : i32
      %mul3A_377 = vector.broadcast %mul3A_376 : i32 to vector<16xi32>
      %mul3A_378 = arith.muli %add3A_375, %mul3A_377 : vector<16xi32>
      %mul3A_379 = arith.constant 4 : i32
      %mul3A_380 = arith.muli %scan3A_28, %mul3A_379 : i32
      %add3A_381 = arith.addi %mul3A_2, %mul3A_380 : i32
      %add3A_382 = arith.constant 1 : i32
      %add3A_383 = arith.addi %add3A_381, %add3A_382 : i32
      %add3A_384 = vector.broadcast %add3A_383 : i32 to vector<16xi32>
      %add3A_385 = arith.addi %mul3A_378, %add3A_384 : vector<16xi32>
      %swap3A_386 = arith.index_cast %scan3A_28 : i32 to index
      %swap3A_387 = arith.constant 48 : index
      %swap3A_388 = tpu.vector_load %arg19[%swap3A_386, %swap3A_387] {strides = array<i32>} : memref<32x128xi32, #tpu.memory_space<vmem>>, vector<16xi32>,
      tpu.vector_store %arg19[%swap3A_386, %swap3A_387], %add3A_385 {strides = array<i32>} : memref<32x128xi32, #tpu.memory_space<vmem>>, vector<16xi32>,
      %mul3A_389 = arith.constant 4 : i32
      %mul3A_390 = arith.muli %scan3A_28, %mul3A_389 : i32
      %add3A_391 = arith.constant 2 : i32
      %add3A_392 = arith.addi %mul3A_390, %add3A_391 : i32
      %add3A_393 = arith.constant 64 : i32
      %add3A_394 = vector.broadcast %add3A_393 : i32 to vector<16xi32>
      %add3A_395 = arith.addi %iota3A, %add3A_394 : vector<16xi32>
      %add3A_396 = arith.constant 0 : i32
      %add3A_397 = vector.broadcast %add3A_396 : i32 to vector<16xi32>
      %add3A_398 = arith.addi %broadcast_in_dim3A_21, %add3A_397 : vector<16xi32>
      %add3A_399 = vector.broadcast %add3A_392 : i32 to vector<16xi32>
      %add3A_400 = arith.addi %broadcast_in_dim3A_21, %add3A_399 : vector<16xi32>
      %gather3A_401 = tpu.vector_load_idx %arg13[%add3A_400] : memref<128xf32, #tpu.memory_space<vmem>>[vector<16xi32>], vector<16xf32>,
      %gather3A_402 = tpu.vector_load_idx %arg18[%add3A_395, %add3A_398] : memref<128x32xf32, #tpu.memory_space<vmem>>[vector<16xi32>, vector<16xi32>], vector<16xf32>,
      %sub3A_403 = arith.subf %gather3A_402, %gather3A_401 : vector<16xf32>
      tpu.vector_store_idx %arg18[%add3A_395, %add3A_398], %sub3A_403 : memref<128x32xf32, #tpu.memory_space<vmem>>[vector<16xi32>, vector<16xi32>], vector<16xf32>,
      %add3A_404 = arith.constant 1 : i32
      %add3A_405 = vector.broadcast %add3A_404 : i32 to vector<16xi32>
      %add3A_406 = arith.addi %broadcast_in_dim3A_21, %add3A_405 : vector<16xi32>
      %add3A_407 = vector.broadcast %add3A_392 : i32 to vector<16xi32>
      %add3A_408 = arith.addi %broadcast_in_dim3A_21, %add3A_407 : vector<16xi32>
      %gather3A_409 = tpu.vector_load_idx %arg14[%add3A_408] : memref<128xf32, #tpu.memory_space<vmem>>[vector<16xi32>], vector<16xf32>,
      %gather3A_410 = tpu.vector_load_idx %arg18[%add3A_395, %add3A_406] : memref<128x32xf32, #tpu.memory_space<vmem>>[vector<16xi32>, vector<16xi32>], vector<16xf32>,
      %sub3A_411 = arith.subf %gather3A_410, %gather3A_409 : vector<16xf32>
      tpu.vector_store_idx %arg18[%add3A_395, %add3A_406], %sub3A_411 : memref<128x32xf32, #tpu.memory_space<vmem>>[vector<16xi32>, vector<16xi32>], vector<16xf32>,
      %add3A_412 = arith.constant 2 : i32
      %add3A_413 = vector.broadcast %add3A_412 : i32 to vector<16xi32>
      %add3A_414 = arith.addi %broadcast_in_dim3A_21, %add3A_413 : vector<16xi32>
      %add3A_415 = vector.broadcast %add3A_392 : i32 to vector<16xi32>
      %add3A_416 = arith.addi %broadcast_in_dim3A_21, %add3A_415 : vector<16xi32>
      %gather3A_417 = tpu.vector_load_idx %arg15[%add3A_416] : memref<128xf32, #tpu.memory_space<vmem>>[vector<16xi32>], vector<16xf32>,
      %gather3A_418 = tpu.vector_load_idx %arg18[%add3A_395, %add3A_414] : memref<128x32xf32, #tpu.memory_space<vmem>>[vector<16xi32>, vector<16xi32>], vector<16xf32>,
      %sub3A_419 = arith.subf %gather3A_418, %gather3A_417 : vector<16xf32>
      tpu.vector_store_idx %arg18[%add3A_395, %add3A_414], %sub3A_419 : memref<128x32xf32, #tpu.memory_space<vmem>>[vector<16xi32>, vector<16xi32>], vector<16xf32>,
      %add3A_420 = arith.constant 0 : i32
      %add3A_421 = vector.broadcast %add3A_420 : i32 to vector<16xi32>
      %add3A_422 = arith.addi %add3A_421, %iota3A : vector<16xi32>
      %mul3A_423 = arith.constant 4096 : i32
      %mul3A_424 = vector.broadcast %mul3A_423 : i32 to vector<16xi32>
      %mul3A_425 = arith.muli %add3A_422, %mul3A_424 : vector<16xi32>
      %mul3A_426 = arith.constant 4 : i32
      %mul3A_427 = arith.muli %scan3A_28, %mul3A_426 : i32
      %add3A_428 = arith.addi %mul3A_2, %mul3A_427 : i32
      %add3A_429 = arith.constant 2 : i32
      %add3A_430 = arith.addi %add3A_428, %add3A_429 : i32
      %add3A_431 = vector.broadcast %add3A_430 : i32 to vector<16xi32>
      %add3A_432 = arith.addi %mul3A_425, %add3A_431 : vector<16xi32>
      %swap3A_433 = arith.index_cast %scan3A_28 : i32 to index
      %swap3A_434 = arith.constant 64 : index
      %swap3A_435 = tpu.vector_load %arg19[%swap3A_433, %swap3A_434] {strides = array<i32>} : memref<32x128xi32, #tpu.memory_space<vmem>>, vector<16xi32>,
      tpu.vector_store %arg19[%swap3A_433, %swap3A_434], %add3A_432 {strides = array<i32>} : memref<32x128xi32, #tpu.memory_space<vmem>>, vector<16xi32>,
      %mul3A_436 = arith.constant 4 : i32
      %mul3A_437 = arith.muli %scan3A_28, %mul3A_436 : i32
      %add3A_438 = arith.constant 2 : i32
      %add3A_439 = arith.addi %mul3A_437, %add3A_438 : i32
      %add3A_440 = arith.constant 80 : i32
      %add3A_441 = vector.broadcast %add3A_440 : i32 to vector<16xi32>
      %add3A_442 = arith.addi %iota3A, %add3A_441 : vector<16xi32>
      %add3A_443 = arith.constant 0 : i32
      %add3A_444 = vector.broadcast %add3A_443 : i32 to vector<16xi32>
      %add3A_445 = arith.addi %broadcast_in_dim3A_21, %add3A_444 : vector<16xi32>
      %add3A_446 = vector.broadcast %add3A_439 : i32 to vector<16xi32>
      %add3A_447 = arith.addi %broadcast_in_dim3A_21, %add3A_446 : vector<16xi32>
      %gather3A_448 = tpu.vector_load_idx %arg13[%add3A_447] : memref<128xf32, #tpu.memory_space<vmem>>[vector<16xi32>], vector<16xf32>,
      %gather3A_449 = tpu.vector_load_idx %arg18[%add3A_442, %add3A_445] : memref<128x32xf32, #tpu.memory_space<vmem>>[vector<16xi32>, vector<16xi32>], vector<16xf32>,
      %sub3A_450 = arith.subf %gather3A_449, %gather3A_448 : vector<16xf32>
      tpu.vector_store_idx %arg18[%add3A_442, %add3A_445], %sub3A_450 : memref<128x32xf32, #tpu.memory_space<vmem>>[vector<16xi32>, vector<16xi32>], vector<16xf32>,
      %add3A_451 = arith.constant 1 : i32
      %add3A_452 = vector.broadcast %add3A_451 : i32 to vector<16xi32>
      %add3A_453 = arith.addi %broadcast_in_dim3A_21, %add3A_452 : vector<16xi32>
      %add3A_454 = vector.broadcast %add3A_439 : i32 to vector<16xi32>
      %add3A_455 = arith.addi %broadcast_in_dim3A_21, %add3A_454 : vector<16xi32>
      %gather3A_456 = tpu.vector_load_idx %arg14[%add3A_455] : memref<128xf32, #tpu.memory_space<vmem>>[vector<16xi32>], vector<16xf32>,
      %gather3A_457 = tpu.vector_load_idx %arg18[%add3A_442, %add3A_453] : memref<128x32xf32, #tpu.memory_space<vmem>>[vector<16xi32>, vector<16xi32>], vector<16xf32>,
      %sub3A_458 = arith.subf %gather3A_457, %gather3A_456 : vector<16xf32>
      tpu.vector_store_idx %arg18[%add3A_442, %add3A_453], %sub3A_458 : memref<128x32xf32, #tpu.memory_space<vmem>>[vector<16xi32>, vector<16xi32>], vector<16xf32>,
      %add3A_459 = arith.constant 2 : i32
      %add3A_460 = vector.broadcast %add3A_459 : i32 to vector<16xi32>
      %add3A_461 = arith.addi %broadcast_in_dim3A_21, %add3A_460 : vector<16xi32>
      %add3A_462 = vector.broadcast %add3A_439 : i32 to vector<16xi32>
      %add3A_463 = arith.addi %broadcast_in_dim3A_21, %add3A_462 : vector<16xi32>
      %gather3A_464 = tpu.vector_load_idx %arg15[%add3A_463] : memref<128xf32, #tpu.memory_space<vmem>>[vector<16xi32>], vector<16xf32>,
      %gather3A_465 = tpu.vector_load_idx %arg18[%add3A_442, %add3A_461] : memref<128x32xf32, #tpu.memory_space<vmem>>[vector<16xi32>, vector<16xi32>], vector<16xf32>,
      %sub3A_466 = arith.subf %gather3A_465, %gather3A_464 : vector<16xf32>
      tpu.vector_store_idx %arg18[%add3A_442, %add3A_461], %sub3A_466 : memref<128x32xf32, #tpu.memory_space<vmem>>[vector<16xi32>, vector<16xi32>], vector<16xf32>,
      %add3A_467 = arith.constant 16 : i32
      %add3A_468 = vector.broadcast %add3A_467 : i32 to vector<16xi32>
      %add3A_469 = arith.addi %add3A_468, %iota3A : vector<16xi32>
      %mul3A_470 = arith.constant 4096 : i32
      %mul3A_471 = vector.broadcast %mul3A_470 : i32 to vector<16xi32>
      %mul3A_472 = arith.muli %add3A_469, %mul3A_471 : vector<16xi32>
      %mul3A_473 = arith.constant 4 : i32
      %mul3A_474 = arith.muli %scan3A_28, %mul3A_473 : i32
      %add3A_475 = arith.addi %mul3A_2, %mul3A_474 : i32
      %add3A_476 = arith.constant 2 : i32
      %add3A_477 = arith.addi %add3A_475, %add3A_476 : i32
      %add3A_478 = vector.broadcast %add3A_477 : i32 to vector<16xi32>
      %add3A_479 = arith.addi %mul3A_472, %add3A_478 : vector<16xi32>
      %swap3A_480 = arith.index_cast %scan3A_28 : i32 to index
      %swap3A_481 = arith.constant 80 : index
      %swap3A_482 = tpu.vector_load %arg19[%swap3A_480, %swap3A_481] {strides = array<i32>} : memref<32x128xi32, #tpu.memory_space<vmem>>, vector<16xi32>,
      tpu.vector_store %arg19[%swap3A_480, %swap3A_481], %add3A_479 {strides = array<i32>} : memref<32x128xi32, #tpu.memory_space<vmem>>, vector<16xi32>,
      %mul3A_483 = arith.constant 4 : i32
      %mul3A_484 = arith.muli %scan3A_28, %mul3A_483 : i32
      %add3A_485 = arith.constant 3 : i32
      %add3A_486 = arith.addi %mul3A_484, %add3A_485 : i32
      %add3A_487 = arith.constant 96 : i32
      %add3A_488 = vector.broadcast %add3A_487 : i32 to vector<16xi32>
      %add3A_489 = arith.addi %iota3A, %add3A_488 : vector<16xi32>
      %add3A_490 = arith.constant 0 : i32
      %add3A_491 = vector.broadcast %add3A_490 : i32 to vector<16xi32>
      %add3A_492 = arith.addi %broadcast_in_dim3A_21, %add3A_491 : vector<16xi32>
      %add3A_493 = vector.broadcast %add3A_486 : i32 to vector<16xi32>
      %add3A_494 = arith.addi %broadcast_in_dim3A_21, %add3A_493 : vector<16xi32>
      %gather3A_495 = tpu.vector_load_idx %arg13[%add3A_494] : memref<128xf32, #tpu.memory_space<vmem>>[vector<16xi32>], vector<16xf32>,
      %gather3A_496 = tpu.vector_load_idx %arg18[%add3A_489, %add3A_492] : memref<128x32xf32, #tpu.memory_space<vmem>>[vector<16xi32>, vector<16xi32>], vector<16xf32>,
      %sub3A_497 = arith.subf %gather3A_496, %gather3A_495 : vector<16xf32>
      tpu.vector_store_idx %arg18[%add3A_489, %add3A_492], %sub3A_497 : memref<128x32xf32, #tpu.memory_space<vmem>>[vector<16xi32>, vector<16xi32>], vector<16xf32>,
      %add3A_498 = arith.constant 1 : i32
      %add3A_499 = vector.broadcast %add3A_498 : i32 to vector<16xi32>
      %add3A_500 = arith.addi %broadcast_in_dim3A_21, %add3A_499 : vector<16xi32>
      %add3A_501 = vector.broadcast %add3A_486 : i32 to vector<16xi32>
      %add3A_502 = arith.addi %broadcast_in_dim3A_21, %add3A_501 : vector<16xi32>
      %gather3A_503 = tpu.vector_load_idx %arg14[%add3A_502] : memref<128xf32, #tpu.memory_space<vmem>>[vector<16xi32>], vector<16xf32>,
      %gather3A_504 = tpu.vector_load_idx %arg18[%add3A_489, %add3A_500] : memref<128x32xf32, #tpu.memory_space<vmem>>[vector<16xi32>, vector<16xi32>], vector<16xf32>,
      %sub3A_505 = arith.subf %gather3A_504, %gather3A_503 : vector<16xf32>
      tpu.vector_store_idx %arg18[%add3A_489, %add3A_500], %sub3A_505 : memref<128x32xf32, #tpu.memory_space<vmem>>[vector<16xi32>, vector<16xi32>], vector<16xf32>,
      %add3A_506 = arith.constant 2 : i32
      %add3A_507 = vector.broadcast %add3A_506 : i32 to vector<16xi32>
      %add3A_508 = arith.addi %broadcast_in_dim3A_21, %add3A_507 : vector<16xi32>
      %add3A_509 = vector.broadcast %add3A_486 : i32 to vector<16xi32>
      %add3A_510 = arith.addi %broadcast_in_dim3A_21, %add3A_509 : vector<16xi32>
      %gather3A_511 = tpu.vector_load_idx %arg15[%add3A_510] : memref<128xf32, #tpu.memory_space<vmem>>[vector<16xi32>], vector<16xf32>,
      %gather3A_512 = tpu.vector_load_idx %arg18[%add3A_489, %add3A_508] : memref<128x32xf32, #tpu.memory_space<vmem>>[vector<16xi32>, vector<16xi32>], vector<16xf32>,
      %sub3A_513 = arith.subf %gather3A_512, %gather3A_511 : vector<16xf32>
      tpu.vector_store_idx %arg18[%add3A_489, %add3A_508], %sub3A_513 : memref<128x32xf32, #tpu.memory_space<vmem>>[vector<16xi32>, vector<16xi32>], vector<16xf32>,
      %add3A_514 = arith.constant 0 : i32
      %add3A_515 = vector.broadcast %add3A_514 : i32 to vector<16xi32>
      %add3A_516 = arith.addi %add3A_515, %iota3A : vector<16xi32>
      %mul3A_517 = arith.constant 4096 : i32
      %mul3A_518 = vector.broadcast %mul3A_517 : i32 to vector<16xi32>
      %mul3A_519 = arith.muli %add3A_516, %mul3A_518 : vector<16xi32>
      %mul3A_520 = arith.constant 4 : i32
      %mul3A_521 = arith.muli %scan3A_28, %mul3A_520 : i32
      %add3A_522 = arith.addi %mul3A_2, %mul3A_521 : i32
      %add3A_523 = arith.constant 3 : i32
      %add3A_524 = arith.addi %add3A_522, %add3A_523 : i32
      %add3A_525 = vector.broadcast %add3A_524 : i32 to vector<16xi32>
      %add3A_526 = arith.addi %mul3A_519, %add3A_525 : vector<16xi32>
      %swap3A_527 = arith.index_cast %scan3A_28 : i32 to index
      %swap3A_528 = arith.constant 96 : index
      %swap3A_529 = tpu.vector_load %arg19[%swap3A_527, %swap3A_528] {strides = array<i32>} : memref<32x128xi32, #tpu.memory_space<vmem>>, vector<16xi32>,
      tpu.vector_store %arg19[%swap3A_527, %swap3A_528], %add3A_526 {strides = array<i32>} : memref<32x128xi32, #tpu.memory_space<vmem>>, vector<16xi32>,
      %mul3A_530 = arith.constant 4 : i32
      %mul3A_531 = arith.muli %scan3A_28, %mul3A_530 : i32
      %add3A_532 = arith.constant 3 : i32
      %add3A_533 = arith.addi %mul3A_531, %add3A_532 : i32
      %add3A_534 = arith.constant 112 : i32
      %add3A_535 = vector.broadcast %add3A_534 : i32 to vector<16xi32>
      %add3A_536 = arith.addi %iota3A, %add3A_535 : vector<16xi32>
      %add3A_537 = arith.constant 0 : i32
      %add3A_538 = vector.broadcast %add3A_537 : i32 to vector<16xi32>
      %add3A_539 = arith.addi %broadcast_in_dim3A_21, %add3A_538 : vector<16xi32>
      %add3A_540 = vector.broadcast %add3A_533 : i32 to vector<16xi32>
      %add3A_541 = arith.addi %broadcast_in_dim3A_21, %add3A_540 : vector<16xi32>
      %gather3A_542 = tpu.vector_load_idx %arg13[%add3A_541] : memref<128xf32, #tpu.memory_space<vmem>>[vector<16xi32>], vector<16xf32>,
      %gather3A_543 = tpu.vector_load_idx %arg18[%add3A_536, %add3A_539] : memref<128x32xf32, #tpu.memory_space<vmem>>[vector<16xi32>, vector<16xi32>], vector<16xf32>,
      %sub3A_544 = arith.subf %gather3A_543, %gather3A_542 : vector<16xf32>
      tpu.vector_store_idx %arg18[%add3A_536, %add3A_539], %sub3A_544 : memref<128x32xf32, #tpu.memory_space<vmem>>[vector<16xi32>, vector<16xi32>], vector<16xf32>,
      %add3A_545 = arith.constant 1 : i32
      %add3A_546 = vector.broadcast %add3A_545 : i32 to vector<16xi32>
      %add3A_547 = arith.addi %broadcast_in_dim3A_21, %add3A_546 : vector<16xi32>
      %add3A_548 = vector.broadcast %add3A_533 : i32 to vector<16xi32>
      %add3A_549 = arith.addi %broadcast_in_dim3A_21, %add3A_548 : vector<16xi32>
      %gather3A_550 = tpu.vector_load_idx %arg14[%add3A_549] : memref<128xf32, #tpu.memory_space<vmem>>[vector<16xi32>], vector<16xf32>,
      %gather3A_551 = tpu.vector_load_idx %arg18[%add3A_536, %add3A_547] : memref<128x32xf32, #tpu.memory_space<vmem>>[vector<16xi32>, vector<16xi32>], vector<16xf32>,
      %sub3A_552 = arith.subf %gather3A_551, %gather3A_550 : vector<16xf32>
      tpu.vector_store_idx %arg18[%add3A_536, %add3A_547], %sub3A_552 : memref<128x32xf32, #tpu.memory_space<vmem>>[vector<16xi32>, vector<16xi32>], vector<16xf32>,
      %add3A_553 = arith.constant 2 : i32
      %add3A_554 = vector.broadcast %add3A_553 : i32 to vector<16xi32>
      %add3A_555 = arith.addi %broadcast_in_dim3A_21, %add3A_554 : vector<16xi32>
      %add3A_556 = vector.broadcast %add3A_533 : i32 to vector<16xi32>
      %add3A_557 = arith.addi %broadcast_in_dim3A_21, %add3A_556 : vector<16xi32>
      %gather3A_558 = tpu.vector_load_idx %arg15[%add3A_557] : memref<128xf32, #tpu.memory_space<vmem>>[vector<16xi32>], vector<16xf32>,
      %gather3A_559 = tpu.vector_load_idx %arg18[%add3A_536, %add3A_555] : memref<128x32xf32, #tpu.memory_space<vmem>>[vector<16xi32>, vector<16xi32>], vector<16xf32>,
      %sub3A_560 = arith.subf %gather3A_559, %gather3A_558 : vector<16xf32>
      tpu.vector_store_idx %arg18[%add3A_536, %add3A_555], %sub3A_560 : memref<128x32xf32, #tpu.memory_space<vmem>>[vector<16xi32>, vector<16xi32>], vector<16xf32>,
      %add3A_561 = arith.constant 16 : i32
      %add3A_562 = vector.broadcast %add3A_561 : i32 to vector<16xi32>
      %add3A_563 = arith.addi %add3A_562, %iota3A : vector<16xi32>
      %mul3A_564 = arith.constant 4096 : i32
      %mul3A_565 = vector.broadcast %mul3A_564 : i32 to vector<16xi32>
      %mul3A_566 = arith.muli %add3A_563, %mul3A_565 : vector<16xi32>
      %mul3A_567 = arith.constant 4 : i32
      %mul3A_568 = arith.muli %scan3A_28, %mul3A_567 : i32
      %add3A_569 = arith.addi %mul3A_2, %mul3A_568 : i32
      %add3A_570 = arith.constant 3 : i32
      %add3A_571 = arith.addi %add3A_569, %add3A_570 : i32
      %add3A_572 = vector.broadcast %add3A_571 : i32 to vector<16xi32>
      %add3A_573 = arith.addi %mul3A_566, %add3A_572 : vector<16xi32>
      %swap3A_574 = arith.index_cast %scan3A_28 : i32 to index
      %swap3A_575 = arith.constant 112 : index
      %swap3A_576 = tpu.vector_load %arg19[%swap3A_574, %swap3A_575] {strides = array<i32>} : memref<32x128xi32, #tpu.memory_space<vmem>>, vector<16xi32>,
      tpu.vector_store %arg19[%swap3A_574, %swap3A_575], %add3A_573 {strides = array<i32>} : memref<32x128xi32, #tpu.memory_space<vmem>>, vector<16xi32>,
      %dma_start3A_577 = arith.constant 0 : i32
      %dma_start3A_578 = tpu.memref_slice %arg19[%scan3A_28, %dma_start3A_577] : memref<32x128xi32, #tpu.memory_space<vmem>> -> memref<1x128xi32, #tpu.memory_space<vmem>>
      %dma_start3A_579 = tpu.memref_squeeze %dma_start3A_578 : memref<1x128xi32, #tpu.memory_space<vmem>> -> memref<128xi32, #tpu.memory_space<vmem>>
      %dma_start3A_580 = arith.constant 0 : i32
      %dma_start3A_581 = arith.constant 0 : i32
      %dma_start3A_582 = tpu.memref_slice %arg9[%dma_start3A_580, %dma_start3A_581] : memref<131072x32xf32, #tpu.memory_space<hbm>> -> memref<131072x32xf32, #tpu.memory_space<hbm>>
      tpu.enqueue_indirect_dma source(%arg18 : memref<128x32xf32, #tpu.memory_space<vmem>>) target(%dma_start3A_582 : memref<131072x32xf32, #tpu.memory_space<hbm>>) offsets(%dma_start3A_579 : memref<128xi32, #tpu.memory_space<vmem>>) semaphore(%arg21 : memref<!tpu.dma_semaphore, #tpu.memory_space<semaphore_mem>>)
      %dma_wait3A_583 = arith.constant 0 : i32
      %dma_wait3A_584 = tpu.memref_slice %arg19[%scan3A_28, %dma_wait3A_583] : memref<32x128xi32, #tpu.memory_space<vmem>> -> memref<1x128xi32, #tpu.memory_space<vmem>>
      %dma_wait3A_585 = tpu.memref_squeeze %dma_wait3A_584 : memref<1x128xi32, #tpu.memory_space<vmem>> -> memref<128xi32, #tpu.memory_space<vmem>>
      %dma_wait3A_586 = arith.constant 0 : i32
      %dma_wait3A_587 = arith.constant 0 : i32
      %dma_wait3A_588 = tpu.memref_slice %arg9[%dma_wait3A_586, %dma_wait3A_587] : memref<131072x32xf32, #tpu.memory_space<hbm>> -> memref<131072x32xf32, #tpu.memory_space<hbm>>
      tpu.wait_indirect_dma semaphore(%arg21 : memref<!tpu.dma_semaphore, #tpu.memory_space<semaphore_mem>>) src(%arg18 : memref<128x32xf32, #tpu.memory_space<vmem>>) dst(%dma_wait3A_588 : memref<131072x32xf32, #tpu.memory_space<hbm>>)
      %scan3A_589 = arith.constant 0 : i32
      scf.yield %scan3A_589 : i32
    }
    %scan3A_27 = arith.constant 32 : i32
    return
  }
}

module attributes {stable_mosaic.version = 14 : i64} {
  func.func @_fps_body(%arg0: memref<4x8x512xf32, #tpu.memory_space<vmem>>, %arg1: memref<4x8x512xf32, #tpu.memory_space<vmem>>, %arg2: memref<4x8x512xf32, #tpu.memory_space<vmem>>, %arg3: memref<4x2x512xf32, #tpu.memory_space<vmem>>, %arg4: memref<4x2x512xf32, #tpu.memory_space<vmem>>, %arg5: memref<4x2x512xf32, #tpu.memory_space<vmem>>) attributes {dimension_semantics = [], scalar_prefetch = 0 : i64, scratch_operands = 0 : i64, tpu.core_type = #tpu.core_type<tc>} {
    %get3A = arith.constant 0 : index
    %get3A_0 = arith.constant 0 : index
    %get3A_1 = arith.constant 0 : index
    %get3A_2 = vector.load %arg0[%get3A, %get3A_0, %get3A_1] : memref<4x8x512xf32, #tpu.memory_space<vmem>>, vector<4x8x512xf32>
    %get3A_3 = arith.constant 0 : index
    %get3A_4 = arith.constant 0 : index
    %get3A_5 = arith.constant 0 : index
    %get3A_6 = vector.load %arg1[%get3A_3, %get3A_4, %get3A_5] : memref<4x8x512xf32, #tpu.memory_space<vmem>>, vector<4x8x512xf32>
    %get3A_7 = arith.constant 0 : index
    %get3A_8 = arith.constant 0 : index
    %get3A_9 = arith.constant 0 : index
    %get3A_10 = vector.load %arg2[%get3A_7, %get3A_8, %get3A_9] : memref<4x8x512xf32, #tpu.memory_space<vmem>>, vector<4x8x512xf32>
    %iota3A = tpu.iota {dimensions = array<i32: 1>} : vector<4x8x512xi32>
    %mul3A = arith.constant 512 : i32
    %mul3A_11 = vector.broadcast %mul3A : i32 to vector<4x8x512xi32>
    %mul3A_12 = arith.muli %iota3A, %mul3A_11 : vector<4x8x512xi32>
    %iota3A_13 = tpu.iota {dimensions = array<i32: 2>} : vector<4x8x512xi32>
    %add3A = arith.addi %mul3A_12, %iota3A_13 : vector<4x8x512xi32>
    %iota3A_14 = tpu.iota {dimensions = array<i32: 1>} : vector<4x2x512xi32>
    %mul3A_15 = arith.constant 512 : i32
    %mul3A_16 = vector.broadcast %mul3A_15 : i32 to vector<4x2x512xi32>
    %mul3A_17 = arith.muli %iota3A_14, %mul3A_16 : vector<4x2x512xi32>
    %iota3A_18 = tpu.iota {dimensions = array<i32: 2>} : vector<4x2x512xi32>
    %add3A_19 = arith.addi %mul3A_17, %iota3A_18 : vector<4x2x512xi32>
    %broadcast_in_dim3A = arith.constant 1.000000e+10 : f32
    %broadcast_in_dim3A_20 = vector.broadcast %broadcast_in_dim3A : f32 to vector<4x8x512xf32>
    %broadcast_in_dim3A_21 = arith.constant 0 : i32
    %broadcast_in_dim3A_22 = vector.broadcast %broadcast_in_dim3A_21 : i32 to vector<4x1x1xi32>
    %broadcast_in_dim3A_23 = arith.constant 0.000000e+00 : f32
    %broadcast_in_dim3A_24 = vector.broadcast %broadcast_in_dim3A_23 : f32 to vector<4x2x512xf32>
    %scan3A = arith.constant 0 : i32
    %scan3A_25 = arith.constant 1024 : i32
    %scan3A_26 = arith.addi %scan3A, %scan3A_25 : i32
    %scan3A_27 = arith.constant 4 : i32
    %scan3A_28:5 = scf.for %scan3A_41 = %scan3A to %scan3A_26 step %scan3A_27 iter_args(%scan3A_42 = %broadcast_in_dim3A_20, %scan3A_43 = %broadcast_in_dim3A_22, %scan3A_44 = %broadcast_in_dim3A_24, %scan3A_45 = %broadcast_in_dim3A_24, %scan3A_46 = %broadcast_in_dim3A_24) -> (vector<4x8x512xf32>, vector<4x1x1xi32>, vector<4x2x512xf32>, vector<4x2x512xf32>, vector<4x2x512xf32>)  : i32 {
      %eq3A = vector.broadcast %scan3A_43 : vector<4x1x1xi32> to vector<4x8x512xi32>
      %eq3A_47 = arith.cmpi eq, %add3A, %eq3A : vector<4x8x512xi32>
      %jit3A = arith.constant 0.000000e+00 : f32
      %broadcast_in_dim3A_48 = vector.broadcast %jit3A : f32 to vector<4x8x512xf32>
      %select_n3A = arith.select %eq3A_47, %get3A_2, %broadcast_in_dim3A_48 : vector<4x8x512xi1>, vector<4x8x512xf32>
      %reduce_sum3A = arith.constant dense<0.000000e+00> : vector<4xf32>
      %reduce_sum3A_49 = vector.multi_reduction <add>, %select_n3A, %reduce_sum3A [1, 2] : vector<4x8x512xf32> to vector<4xf32>
      %broadcast_in_dim3A_50 = vector.shape_cast %reduce_sum3A_49 : vector<4xf32> to vector<4x1x1xf32>
      %jit3A_51 = arith.constant 0.000000e+00 : f32
      %broadcast_in_dim3A_52 = vector.broadcast %jit3A_51 : f32 to vector<4x8x512xf32>
      %select_n3A_53 = arith.select %eq3A_47, %get3A_6, %broadcast_in_dim3A_52 : vector<4x8x512xi1>, vector<4x8x512xf32>
      %reduce_sum3A_54 = arith.constant dense<0.000000e+00> : vector<4xf32>
      %reduce_sum3A_55 = vector.multi_reduction <add>, %select_n3A_53, %reduce_sum3A_54 [1, 2] : vector<4x8x512xf32> to vector<4xf32>
      %broadcast_in_dim3A_56 = vector.shape_cast %reduce_sum3A_55 : vector<4xf32> to vector<4x1x1xf32>
      %jit3A_57 = arith.constant 0.000000e+00 : f32
      %broadcast_in_dim3A_58 = vector.broadcast %jit3A_57 : f32 to vector<4x8x512xf32>
      %select_n3A_59 = arith.select %eq3A_47, %get3A_10, %broadcast_in_dim3A_58 : vector<4x8x512xi1>, vector<4x8x512xf32>
      %reduce_sum3A_60 = arith.constant dense<0.000000e+00> : vector<4xf32>
      %reduce_sum3A_61 = vector.multi_reduction <add>, %select_n3A_59, %reduce_sum3A_60 [1, 2] : vector<4x8x512xf32> to vector<4xf32>
      %broadcast_in_dim3A_62 = vector.shape_cast %reduce_sum3A_61 : vector<4xf32> to vector<4x1x1xf32>
      %eq3A_63 = vector.broadcast %scan3A_41 : i32 to vector<4x2x512xi32>
      %eq3A_64 = arith.cmpi eq, %add3A_19, %eq3A_63 : vector<4x2x512xi32>
      %broadcast_in_dim3A_65 = vector.shape_cast %broadcast_in_dim3A_50 : vector<4x1x1xf32> to vector<4x1x1xf32>
      %broadcast_in_dim3A_66 = vector.broadcast %broadcast_in_dim3A_65 : vector<4x1x1xf32> to vector<4x2x512xf32>
      %select_n3A_67 = arith.select %eq3A_64, %broadcast_in_dim3A_66, %scan3A_44 : vector<4x2x512xi1>, vector<4x2x512xf32>
      %broadcast_in_dim3A_68 = vector.shape_cast %broadcast_in_dim3A_56 : vector<4x1x1xf32> to vector<4x1x1xf32>
      %broadcast_in_dim3A_69 = vector.broadcast %broadcast_in_dim3A_68 : vector<4x1x1xf32> to vector<4x2x512xf32>
      %select_n3A_70 = arith.select %eq3A_64, %broadcast_in_dim3A_69, %scan3A_45 : vector<4x2x512xi1>, vector<4x2x512xf32>
      %broadcast_in_dim3A_71 = vector.shape_cast %broadcast_in_dim3A_62 : vector<4x1x1xf32> to vector<4x1x1xf32>
      %broadcast_in_dim3A_72 = vector.broadcast %broadcast_in_dim3A_71 : vector<4x1x1xf32> to vector<4x2x512xf32>
      %select_n3A_73 = arith.select %eq3A_64, %broadcast_in_dim3A_72, %scan3A_46 : vector<4x2x512xi1>, vector<4x2x512xf32>
      %sub3A = vector.broadcast %broadcast_in_dim3A_50 : vector<4x1x1xf32> to vector<4x8x512xf32>
      %sub3A_74 = arith.subf %get3A_2, %sub3A : vector<4x8x512xf32>
      %sub3A_75 = vector.broadcast %broadcast_in_dim3A_56 : vector<4x1x1xf32> to vector<4x8x512xf32>
      %sub3A_76 = arith.subf %get3A_6, %sub3A_75 : vector<4x8x512xf32>
      %sub3A_77 = vector.broadcast %broadcast_in_dim3A_62 : vector<4x1x1xf32> to vector<4x8x512xf32>
      %sub3A_78 = arith.subf %get3A_10, %sub3A_77 : vector<4x8x512xf32>
      %mul3A_79 = arith.mulf %sub3A_74, %sub3A_74 : vector<4x8x512xf32>
      %mul3A_80 = arith.mulf %sub3A_76, %sub3A_76 : vector<4x8x512xf32>
      %add3A_81 = arith.addf %mul3A_79, %mul3A_80 : vector<4x8x512xf32>
      %mul3A_82 = arith.mulf %sub3A_78, %sub3A_78 : vector<4x8x512xf32>
      %add3A_83 = arith.addf %add3A_81, %mul3A_82 : vector<4x8x512xf32>
      %min3A = arith.minimumf %scan3A_42, %add3A_83 : vector<4x8x512xf32>
      %reduce_max3A = arith.constant dense<0xFF800000> : vector<4xf32>
      %reduce_max3A_84 = vector.multi_reduction <maximumf>, %min3A, %reduce_max3A [1, 2] : vector<4x8x512xf32> to vector<4xf32>
      %broadcast_in_dim3A_85 = vector.shape_cast %reduce_max3A_84 : vector<4xf32> to vector<4x1x1xf32>
      %eq3A_86 = vector.broadcast %broadcast_in_dim3A_85 : vector<4x1x1xf32> to vector<4x8x512xf32>
      %eq3A_87 = arith.cmpf oeq, %min3A, %eq3A_86 : vector<4x8x512xf32>
      %jit3A_88 = arith.constant 4096 : i32
      %broadcast_in_dim3A_89 = vector.broadcast %jit3A_88 : i32 to vector<4x8x512xi32>
      %select_n3A_90 = arith.select %eq3A_87, %add3A, %broadcast_in_dim3A_89 : vector<4x8x512xi1>, vector<4x8x512xi32>
      %reduce_min3A = arith.constant dense<2147483647> : vector<4xi32>
      %reduce_min3A_91 = vector.multi_reduction <minsi>, %select_n3A_90, %reduce_min3A [1, 2] : vector<4x8x512xi32> to vector<4xi32>
      %broadcast_in_dim3A_92 = vector.shape_cast %reduce_min3A_91 : vector<4xi32> to vector<4x1x1xi32>
      %scan3A_93 = arith.constant 1 : i32
      %scan3A_94 = arith.addi %scan3A_41, %scan3A_93 : i32
      %eq3A_95 = vector.broadcast %broadcast_in_dim3A_92 : vector<4x1x1xi32> to vector<4x8x512xi32>
      %eq3A_96 = arith.cmpi eq, %add3A, %eq3A_95 : vector<4x8x512xi32>
      %jit3A_97 = arith.constant 0.000000e+00 : f32
      %broadcast_in_dim3A_98 = vector.broadcast %jit3A_97 : f32 to vector<4x8x512xf32>
      %select_n3A_99 = arith.select %eq3A_96, %get3A_2, %broadcast_in_dim3A_98 : vector<4x8x512xi1>, vector<4x8x512xf32>
      %reduce_sum3A_100 = arith.constant dense<0.000000e+00> : vector<4xf32>
      %reduce_sum3A_101 = vector.multi_reduction <add>, %select_n3A_99, %reduce_sum3A_100 [1, 2] : vector<4x8x512xf32> to vector<4xf32>
      %broadcast_in_dim3A_102 = vector.shape_cast %reduce_sum3A_101 : vector<4xf32> to vector<4x1x1xf32>
      %jit3A_103 = arith.constant 0.000000e+00 : f32
      %broadcast_in_dim3A_104 = vector.broadcast %jit3A_103 : f32 to vector<4x8x512xf32>
      %select_n3A_105 = arith.select %eq3A_96, %get3A_6, %broadcast_in_dim3A_104 : vector<4x8x512xi1>, vector<4x8x512xf32>
      %reduce_sum3A_106 = arith.constant dense<0.000000e+00> : vector<4xf32>
      %reduce_sum3A_107 = vector.multi_reduction <add>, %select_n3A_105, %reduce_sum3A_106 [1, 2] : vector<4x8x512xf32> to vector<4xf32>
      %broadcast_in_dim3A_108 = vector.shape_cast %reduce_sum3A_107 : vector<4xf32> to vector<4x1x1xf32>
      %jit3A_109 = arith.constant 0.000000e+00 : f32
      %broadcast_in_dim3A_110 = vector.broadcast %jit3A_109 : f32 to vector<4x8x512xf32>
      %select_n3A_111 = arith.select %eq3A_96, %get3A_10, %broadcast_in_dim3A_110 : vector<4x8x512xi1>, vector<4x8x512xf32>
      %reduce_sum3A_112 = arith.constant dense<0.000000e+00> : vector<4xf32>
      %reduce_sum3A_113 = vector.multi_reduction <add>, %select_n3A_111, %reduce_sum3A_112 [1, 2] : vector<4x8x512xf32> to vector<4xf32>
      %broadcast_in_dim3A_114 = vector.shape_cast %reduce_sum3A_113 : vector<4xf32> to vector<4x1x1xf32>
      %eq3A_115 = vector.broadcast %scan3A_94 : i32 to vector<4x2x512xi32>
      %eq3A_116 = arith.cmpi eq, %add3A_19, %eq3A_115 : vector<4x2x512xi32>
      %broadcast_in_dim3A_117 = vector.shape_cast %broadcast_in_dim3A_102 : vector<4x1x1xf32> to vector<4x1x1xf32>
      %broadcast_in_dim3A_118 = vector.broadcast %broadcast_in_dim3A_117 : vector<4x1x1xf32> to vector<4x2x512xf32>
      %select_n3A_119 = arith.select %eq3A_116, %broadcast_in_dim3A_118, %select_n3A_67 : vector<4x2x512xi1>, vector<4x2x512xf32>
      %broadcast_in_dim3A_120 = vector.shape_cast %broadcast_in_dim3A_108 : vector<4x1x1xf32> to vector<4x1x1xf32>
      %broadcast_in_dim3A_121 = vector.broadcast %broadcast_in_dim3A_120 : vector<4x1x1xf32> to vector<4x2x512xf32>
      %select_n3A_122 = arith.select %eq3A_116, %broadcast_in_dim3A_121, %select_n3A_70 : vector<4x2x512xi1>, vector<4x2x512xf32>
      %broadcast_in_dim3A_123 = vector.shape_cast %broadcast_in_dim3A_114 : vector<4x1x1xf32> to vector<4x1x1xf32>
      %broadcast_in_dim3A_124 = vector.broadcast %broadcast_in_dim3A_123 : vector<4x1x1xf32> to vector<4x2x512xf32>
      %select_n3A_125 = arith.select %eq3A_116, %broadcast_in_dim3A_124, %select_n3A_73 : vector<4x2x512xi1>, vector<4x2x512xf32>
      %sub3A_126 = vector.broadcast %broadcast_in_dim3A_102 : vector<4x1x1xf32> to vector<4x8x512xf32>
      %sub3A_127 = arith.subf %get3A_2, %sub3A_126 : vector<4x8x512xf32>
      %sub3A_128 = vector.broadcast %broadcast_in_dim3A_108 : vector<4x1x1xf32> to vector<4x8x512xf32>
      %sub3A_129 = arith.subf %get3A_6, %sub3A_128 : vector<4x8x512xf32>
      %sub3A_130 = vector.broadcast %broadcast_in_dim3A_114 : vector<4x1x1xf32> to vector<4x8x512xf32>
      %sub3A_131 = arith.subf %get3A_10, %sub3A_130 : vector<4x8x512xf32>
      %mul3A_132 = arith.mulf %sub3A_127, %sub3A_127 : vector<4x8x512xf32>
      %mul3A_133 = arith.mulf %sub3A_129, %sub3A_129 : vector<4x8x512xf32>
      %add3A_134 = arith.addf %mul3A_132, %mul3A_133 : vector<4x8x512xf32>
      %mul3A_135 = arith.mulf %sub3A_131, %sub3A_131 : vector<4x8x512xf32>
      %add3A_136 = arith.addf %add3A_134, %mul3A_135 : vector<4x8x512xf32>
      %min3A_137 = arith.minimumf %min3A, %add3A_136 : vector<4x8x512xf32>
      %reduce_max3A_138 = arith.constant dense<0xFF800000> : vector<4xf32>
      %reduce_max3A_139 = vector.multi_reduction <maximumf>, %min3A_137, %reduce_max3A_138 [1, 2] : vector<4x8x512xf32> to vector<4xf32>
      %broadcast_in_dim3A_140 = vector.shape_cast %reduce_max3A_139 : vector<4xf32> to vector<4x1x1xf32>
      %eq3A_141 = vector.broadcast %broadcast_in_dim3A_140 : vector<4x1x1xf32> to vector<4x8x512xf32>
      %eq3A_142 = arith.cmpf oeq, %min3A_137, %eq3A_141 : vector<4x8x512xf32>
      %jit3A_143 = arith.constant 4096 : i32
      %broadcast_in_dim3A_144 = vector.broadcast %jit3A_143 : i32 to vector<4x8x512xi32>
      %select_n3A_145 = arith.select %eq3A_142, %add3A, %broadcast_in_dim3A_144 : vector<4x8x512xi1>, vector<4x8x512xi32>
      %reduce_min3A_146 = arith.constant dense<2147483647> : vector<4xi32>
      %reduce_min3A_147 = vector.multi_reduction <minsi>, %select_n3A_145, %reduce_min3A_146 [1, 2] : vector<4x8x512xi32> to vector<4xi32>
      %broadcast_in_dim3A_148 = vector.shape_cast %reduce_min3A_147 : vector<4xi32> to vector<4x1x1xi32>
      %scan3A_149 = arith.constant 2 : i32
      %scan3A_150 = arith.addi %scan3A_41, %scan3A_149 : i32
      %eq3A_151 = vector.broadcast %broadcast_in_dim3A_148 : vector<4x1x1xi32> to vector<4x8x512xi32>
      %eq3A_152 = arith.cmpi eq, %add3A, %eq3A_151 : vector<4x8x512xi32>
      %jit3A_153 = arith.constant 0.000000e+00 : f32
      %broadcast_in_dim3A_154 = vector.broadcast %jit3A_153 : f32 to vector<4x8x512xf32>
      %select_n3A_155 = arith.select %eq3A_152, %get3A_2, %broadcast_in_dim3A_154 : vector<4x8x512xi1>, vector<4x8x512xf32>
      %reduce_sum3A_156 = arith.constant dense<0.000000e+00> : vector<4xf32>
      %reduce_sum3A_157 = vector.multi_reduction <add>, %select_n3A_155, %reduce_sum3A_156 [1, 2] : vector<4x8x512xf32> to vector<4xf32>
      %broadcast_in_dim3A_158 = vector.shape_cast %reduce_sum3A_157 : vector<4xf32> to vector<4x1x1xf32>
      %jit3A_159 = arith.constant 0.000000e+00 : f32
      %broadcast_in_dim3A_160 = vector.broadcast %jit3A_159 : f32 to vector<4x8x512xf32>
      %select_n3A_161 = arith.select %eq3A_152, %get3A_6, %broadcast_in_dim3A_160 : vector<4x8x512xi1>, vector<4x8x512xf32>
      %reduce_sum3A_162 = arith.constant dense<0.000000e+00> : vector<4xf32>
      %reduce_sum3A_163 = vector.multi_reduction <add>, %select_n3A_161, %reduce_sum3A_162 [1, 2] : vector<4x8x512xf32> to vector<4xf32>
      %broadcast_in_dim3A_164 = vector.shape_cast %reduce_sum3A_163 : vector<4xf32> to vector<4x1x1xf32>
      %jit3A_165 = arith.constant 0.000000e+00 : f32
      %broadcast_in_dim3A_166 = vector.broadcast %jit3A_165 : f32 to vector<4x8x512xf32>
      %select_n3A_167 = arith.select %eq3A_152, %get3A_10, %broadcast_in_dim3A_166 : vector<4x8x512xi1>, vector<4x8x512xf32>
      %reduce_sum3A_168 = arith.constant dense<0.000000e+00> : vector<4xf32>
      %reduce_sum3A_169 = vector.multi_reduction <add>, %select_n3A_167, %reduce_sum3A_168 [1, 2] : vector<4x8x512xf32> to vector<4xf32>
      %broadcast_in_dim3A_170 = vector.shape_cast %reduce_sum3A_169 : vector<4xf32> to vector<4x1x1xf32>
      %eq3A_171 = vector.broadcast %scan3A_150 : i32 to vector<4x2x512xi32>
      %eq3A_172 = arith.cmpi eq, %add3A_19, %eq3A_171 : vector<4x2x512xi32>
      %broadcast_in_dim3A_173 = vector.shape_cast %broadcast_in_dim3A_158 : vector<4x1x1xf32> to vector<4x1x1xf32>
      %broadcast_in_dim3A_174 = vector.broadcast %broadcast_in_dim3A_173 : vector<4x1x1xf32> to vector<4x2x512xf32>
      %select_n3A_175 = arith.select %eq3A_172, %broadcast_in_dim3A_174, %select_n3A_119 : vector<4x2x512xi1>, vector<4x2x512xf32>
      %broadcast_in_dim3A_176 = vector.shape_cast %broadcast_in_dim3A_164 : vector<4x1x1xf32> to vector<4x1x1xf32>
      %broadcast_in_dim3A_177 = vector.broadcast %broadcast_in_dim3A_176 : vector<4x1x1xf32> to vector<4x2x512xf32>
      %select_n3A_178 = arith.select %eq3A_172, %broadcast_in_dim3A_177, %select_n3A_122 : vector<4x2x512xi1>, vector<4x2x512xf32>
      %broadcast_in_dim3A_179 = vector.shape_cast %broadcast_in_dim3A_170 : vector<4x1x1xf32> to vector<4x1x1xf32>
      %broadcast_in_dim3A_180 = vector.broadcast %broadcast_in_dim3A_179 : vector<4x1x1xf32> to vector<4x2x512xf32>
      %select_n3A_181 = arith.select %eq3A_172, %broadcast_in_dim3A_180, %select_n3A_125 : vector<4x2x512xi1>, vector<4x2x512xf32>
      %sub3A_182 = vector.broadcast %broadcast_in_dim3A_158 : vector<4x1x1xf32> to vector<4x8x512xf32>
      %sub3A_183 = arith.subf %get3A_2, %sub3A_182 : vector<4x8x512xf32>
      %sub3A_184 = vector.broadcast %broadcast_in_dim3A_164 : vector<4x1x1xf32> to vector<4x8x512xf32>
      %sub3A_185 = arith.subf %get3A_6, %sub3A_184 : vector<4x8x512xf32>
      %sub3A_186 = vector.broadcast %broadcast_in_dim3A_170 : vector<4x1x1xf32> to vector<4x8x512xf32>
      %sub3A_187 = arith.subf %get3A_10, %sub3A_186 : vector<4x8x512xf32>
      %mul3A_188 = arith.mulf %sub3A_183, %sub3A_183 : vector<4x8x512xf32>
      %mul3A_189 = arith.mulf %sub3A_185, %sub3A_185 : vector<4x8x512xf32>
      %add3A_190 = arith.addf %mul3A_188, %mul3A_189 : vector<4x8x512xf32>
      %mul3A_191 = arith.mulf %sub3A_187, %sub3A_187 : vector<4x8x512xf32>
      %add3A_192 = arith.addf %add3A_190, %mul3A_191 : vector<4x8x512xf32>
      %min3A_193 = arith.minimumf %min3A_137, %add3A_192 : vector<4x8x512xf32>
      %reduce_max3A_194 = arith.constant dense<0xFF800000> : vector<4xf32>
      %reduce_max3A_195 = vector.multi_reduction <maximumf>, %min3A_193, %reduce_max3A_194 [1, 2] : vector<4x8x512xf32> to vector<4xf32>
      %broadcast_in_dim3A_196 = vector.shape_cast %reduce_max3A_195 : vector<4xf32> to vector<4x1x1xf32>
      %eq3A_197 = vector.broadcast %broadcast_in_dim3A_196 : vector<4x1x1xf32> to vector<4x8x512xf32>
      %eq3A_198 = arith.cmpf oeq, %min3A_193, %eq3A_197 : vector<4x8x512xf32>
      %jit3A_199 = arith.constant 4096 : i32
      %broadcast_in_dim3A_200 = vector.broadcast %jit3A_199 : i32 to vector<4x8x512xi32>
      %select_n3A_201 = arith.select %eq3A_198, %add3A, %broadcast_in_dim3A_200 : vector<4x8x512xi1>, vector<4x8x512xi32>
      %reduce_min3A_202 = arith.constant dense<2147483647> : vector<4xi32>
      %reduce_min3A_203 = vector.multi_reduction <minsi>, %select_n3A_201, %reduce_min3A_202 [1, 2] : vector<4x8x512xi32> to vector<4xi32>
      %broadcast_in_dim3A_204 = vector.shape_cast %reduce_min3A_203 : vector<4xi32> to vector<4x1x1xi32>
      %scan3A_205 = arith.constant 3 : i32
      %scan3A_206 = arith.addi %scan3A_41, %scan3A_205 : i32
      %eq3A_207 = vector.broadcast %broadcast_in_dim3A_204 : vector<4x1x1xi32> to vector<4x8x512xi32>
      %eq3A_208 = arith.cmpi eq, %add3A, %eq3A_207 : vector<4x8x512xi32>
      %jit3A_209 = arith.constant 0.000000e+00 : f32
      %broadcast_in_dim3A_210 = vector.broadcast %jit3A_209 : f32 to vector<4x8x512xf32>
      %select_n3A_211 = arith.select %eq3A_208, %get3A_2, %broadcast_in_dim3A_210 : vector<4x8x512xi1>, vector<4x8x512xf32>
      %reduce_sum3A_212 = arith.constant dense<0.000000e+00> : vector<4xf32>
      %reduce_sum3A_213 = vector.multi_reduction <add>, %select_n3A_211, %reduce_sum3A_212 [1, 2] : vector<4x8x512xf32> to vector<4xf32>
      %broadcast_in_dim3A_214 = vector.shape_cast %reduce_sum3A_213 : vector<4xf32> to vector<4x1x1xf32>
      %jit3A_215 = arith.constant 0.000000e+00 : f32
      %broadcast_in_dim3A_216 = vector.broadcast %jit3A_215 : f32 to vector<4x8x512xf32>
      %select_n3A_217 = arith.select %eq3A_208, %get3A_6, %broadcast_in_dim3A_216 : vector<4x8x512xi1>, vector<4x8x512xf32>
      %reduce_sum3A_218 = arith.constant dense<0.000000e+00> : vector<4xf32>
      %reduce_sum3A_219 = vector.multi_reduction <add>, %select_n3A_217, %reduce_sum3A_218 [1, 2] : vector<4x8x512xf32> to vector<4xf32>
      %broadcast_in_dim3A_220 = vector.shape_cast %reduce_sum3A_219 : vector<4xf32> to vector<4x1x1xf32>
      %jit3A_221 = arith.constant 0.000000e+00 : f32
      %broadcast_in_dim3A_222 = vector.broadcast %jit3A_221 : f32 to vector<4x8x512xf32>
      %select_n3A_223 = arith.select %eq3A_208, %get3A_10, %broadcast_in_dim3A_222 : vector<4x8x512xi1>, vector<4x8x512xf32>
      %reduce_sum3A_224 = arith.constant dense<0.000000e+00> : vector<4xf32>
      %reduce_sum3A_225 = vector.multi_reduction <add>, %select_n3A_223, %reduce_sum3A_224 [1, 2] : vector<4x8x512xf32> to vector<4xf32>
      %broadcast_in_dim3A_226 = vector.shape_cast %reduce_sum3A_225 : vector<4xf32> to vector<4x1x1xf32>
      %eq3A_227 = vector.broadcast %scan3A_206 : i32 to vector<4x2x512xi32>
      %eq3A_228 = arith.cmpi eq, %add3A_19, %eq3A_227 : vector<4x2x512xi32>
      %broadcast_in_dim3A_229 = vector.shape_cast %broadcast_in_dim3A_214 : vector<4x1x1xf32> to vector<4x1x1xf32>
      %broadcast_in_dim3A_230 = vector.broadcast %broadcast_in_dim3A_229 : vector<4x1x1xf32> to vector<4x2x512xf32>
      %select_n3A_231 = arith.select %eq3A_228, %broadcast_in_dim3A_230, %select_n3A_175 : vector<4x2x512xi1>, vector<4x2x512xf32>
      %broadcast_in_dim3A_232 = vector.shape_cast %broadcast_in_dim3A_220 : vector<4x1x1xf32> to vector<4x1x1xf32>
      %broadcast_in_dim3A_233 = vector.broadcast %broadcast_in_dim3A_232 : vector<4x1x1xf32> to vector<4x2x512xf32>
      %select_n3A_234 = arith.select %eq3A_228, %broadcast_in_dim3A_233, %select_n3A_178 : vector<4x2x512xi1>, vector<4x2x512xf32>
      %broadcast_in_dim3A_235 = vector.shape_cast %broadcast_in_dim3A_226 : vector<4x1x1xf32> to vector<4x1x1xf32>
      %broadcast_in_dim3A_236 = vector.broadcast %broadcast_in_dim3A_235 : vector<4x1x1xf32> to vector<4x2x512xf32>
      %select_n3A_237 = arith.select %eq3A_228, %broadcast_in_dim3A_236, %select_n3A_181 : vector<4x2x512xi1>, vector<4x2x512xf32>
      %sub3A_238 = vector.broadcast %broadcast_in_dim3A_214 : vector<4x1x1xf32> to vector<4x8x512xf32>
      %sub3A_239 = arith.subf %get3A_2, %sub3A_238 : vector<4x8x512xf32>
      %sub3A_240 = vector.broadcast %broadcast_in_dim3A_220 : vector<4x1x1xf32> to vector<4x8x512xf32>
      %sub3A_241 = arith.subf %get3A_6, %sub3A_240 : vector<4x8x512xf32>
      %sub3A_242 = vector.broadcast %broadcast_in_dim3A_226 : vector<4x1x1xf32> to vector<4x8x512xf32>
      %sub3A_243 = arith.subf %get3A_10, %sub3A_242 : vector<4x8x512xf32>
      %mul3A_244 = arith.mulf %sub3A_239, %sub3A_239 : vector<4x8x512xf32>
      %mul3A_245 = arith.mulf %sub3A_241, %sub3A_241 : vector<4x8x512xf32>
      %add3A_246 = arith.addf %mul3A_244, %mul3A_245 : vector<4x8x512xf32>
      %mul3A_247 = arith.mulf %sub3A_243, %sub3A_243 : vector<4x8x512xf32>
      %add3A_248 = arith.addf %add3A_246, %mul3A_247 : vector<4x8x512xf32>
      %min3A_249 = arith.minimumf %min3A_193, %add3A_248 : vector<4x8x512xf32>
      %reduce_max3A_250 = arith.constant dense<0xFF800000> : vector<4xf32>
      %reduce_max3A_251 = vector.multi_reduction <maximumf>, %min3A_249, %reduce_max3A_250 [1, 2] : vector<4x8x512xf32> to vector<4xf32>
      %broadcast_in_dim3A_252 = vector.shape_cast %reduce_max3A_251 : vector<4xf32> to vector<4x1x1xf32>
      %eq3A_253 = vector.broadcast %broadcast_in_dim3A_252 : vector<4x1x1xf32> to vector<4x8x512xf32>
      %eq3A_254 = arith.cmpf oeq, %min3A_249, %eq3A_253 : vector<4x8x512xf32>
      %jit3A_255 = arith.constant 4096 : i32
      %broadcast_in_dim3A_256 = vector.broadcast %jit3A_255 : i32 to vector<4x8x512xi32>
      %select_n3A_257 = arith.select %eq3A_254, %add3A, %broadcast_in_dim3A_256 : vector<4x8x512xi1>, vector<4x8x512xi32>
      %reduce_min3A_258 = arith.constant dense<2147483647> : vector<4xi32>
      %reduce_min3A_259 = vector.multi_reduction <minsi>, %select_n3A_257, %reduce_min3A_258 [1, 2] : vector<4x8x512xi32> to vector<4xi32>
      %broadcast_in_dim3A_260 = vector.shape_cast %reduce_min3A_259 : vector<4xi32> to vector<4x1x1xi32>
      scf.yield %min3A_249, %broadcast_in_dim3A_260, %select_n3A_231, %select_n3A_234, %select_n3A_237 : vector<4x8x512xf32>, vector<4x1x1xi32>, vector<4x2x512xf32>, vector<4x2x512xf32>, vector<4x2x512xf32>
    }
    %scan3A_29 = arith.constant 1024 : i32
    %swap3A = arith.constant 0 : index
    %swap3A_30 = arith.constant 0 : index
    %swap3A_31 = arith.constant 0 : index
    %swap3A_32 = vector.load %arg3[%swap3A, %swap3A_30, %swap3A_31] : memref<4x2x512xf32, #tpu.memory_space<vmem>>, vector<4x2x512xf32>
    tpu.vector_store %arg3[%swap3A, %swap3A_30, %swap3A_31], %scan3A_28#2 {strides = array<i32>} : memref<4x2x512xf32, #tpu.memory_space<vmem>>, vector<4x2x512xf32>,
    %swap3A_33 = arith.constant 0 : index
    %swap3A_34 = arith.constant 0 : index
    %swap3A_35 = arith.constant 0 : index
    %swap3A_36 = vector.load %arg4[%swap3A_33, %swap3A_34, %swap3A_35] : memref<4x2x512xf32, #tpu.memory_space<vmem>>, vector<4x2x512xf32>
    tpu.vector_store %arg4[%swap3A_33, %swap3A_34, %swap3A_35], %scan3A_28#3 {strides = array<i32>} : memref<4x2x512xf32, #tpu.memory_space<vmem>>, vector<4x2x512xf32>,
    %swap3A_37 = arith.constant 0 : index
    %swap3A_38 = arith.constant 0 : index
    %swap3A_39 = arith.constant 0 : index
    %swap3A_40 = vector.load %arg5[%swap3A_37, %swap3A_38, %swap3A_39] : memref<4x2x512xf32, #tpu.memory_space<vmem>>, vector<4x2x512xf32>
    tpu.vector_store %arg5[%swap3A_37, %swap3A_38, %swap3A_39], %scan3A_28#4 {strides = array<i32>} : memref<4x2x512xf32, #tpu.memory_space<vmem>>, vector<4x2x512xf32>,
    return
  }
}

module attributes {stable_mosaic.version = 14 : i64} {
  func.func @_layer_body(%arg0: i32, %arg1: memref<8192x32xf32, #tpu.memory_space<vmem>>, %arg2: memref<32x2xf32, #tpu.memory_space<vmem>>, %arg3: memref<32x1xf32, #tpu.memory_space<vmem>>, %arg4: memref<32x1xf32, #tpu.memory_space<vmem>>, %arg5: memref<32x32xf32, #tpu.memory_space<vmem>>, %arg6: memref<32x1xf32, #tpu.memory_space<vmem>>, %arg7: memref<32x8192xf32, #tpu.memory_space<vmem>>, %arg8: memref<32x2xf32, #tpu.memory_space<vmem>>, %arg9: memref<32x2xf32, #tpu.memory_space<vmem>>) attributes {dimension_semantics = [#tpu.dimension_semantics<arbitrary>], iteration_bounds = array<i64: 16>, scalar_prefetch = 0 : i64, scratch_operands = 1 : i64, tpu.core_type = #tpu.core_type<tc>, window_params = [{transform_indices = @transform_0, window_bounds = array<i64: 8192, 32>}, {pipeline_mode = #tpu.pipeline_mode<synchronous>, transform_indices = @transform_1, window_bounds = array<i64: 32, 2>}, {pipeline_mode = #tpu.pipeline_mode<synchronous>, transform_indices = @transform_2, window_bounds = array<i64: 32, 1>}, {pipeline_mode = #tpu.pipeline_mode<synchronous>, transform_indices = @transform_3, window_bounds = array<i64: 32, 1>}, {pipeline_mode = #tpu.pipeline_mode<synchronous>, transform_indices = @transform_4, window_bounds = array<i64: 32, 32>}, {pipeline_mode = #tpu.pipeline_mode<synchronous>, transform_indices = @transform_5, window_bounds = array<i64: 32, 1>}, {transform_indices = @transform_6, window_bounds = array<i64: 32, 8192>}, {pipeline_mode = #tpu.pipeline_mode<synchronous>, transform_indices = @transform_7, window_bounds = array<i64: 32, 2>}]} {
    %get3A = arith.constant 0 : index
    %get3A_0 = arith.constant 0 : index
    %get3A_1 = vector.load %arg1[%get3A, %get3A_0] : memref<8192x32xf32, #tpu.memory_space<vmem>>, vector<8192x32xf32>
    %get3A_2 = arith.constant 0 : index
    %get3A_3 = arith.constant 0 : index
    %get3A_4 = vector.load %arg5[%get3A_2, %get3A_3] : memref<32x32xf32, #tpu.memory_space<vmem>>, vector<32x32xf32>
    %dot_general3A = arith.constant dense<0.000000e+00> : vector<32x8192xf32>
    %dot_general3A_5 = tpu.matmul %get3A_4, %get3A_1, %dot_general3A {dimension_numbers = #tpu.dot_dimension_numbers<[1], [1], [0], [0], [0, 0, 1, 0], [], []>, transpose_lhs_hint = false} : vector<32x32xf32>, vector<8192x32xf32>, vector<32x8192xf32> -> vector<32x8192xf32>
    %get3A_6 = arith.constant 0 : index
    %get3A_7 = arith.constant 0 : index
    %get3A_8 = vector.load %arg6[%get3A_6, %get3A_7] : memref<32x1xf32, #tpu.memory_space<vmem>>, vector<32x1xf32>
    %add3A = vector.broadcast %get3A_8 : vector<32x1xf32> to vector<32x8192xf32>
    %add3A_9 = arith.addf %dot_general3A_5, %add3A : vector<32x8192xf32>
    %swap3A = arith.constant 0 : index
    %swap3A_10 = arith.constant 0 : index
    %swap3A_11 = vector.load %arg7[%swap3A, %swap3A_10] : memref<32x8192xf32, #tpu.memory_space<vmem>>, vector<32x8192xf32>
    tpu.vector_store %arg7[%swap3A, %swap3A_10], %add3A_9 {strides = array<i32>} : memref<32x8192xf32, #tpu.memory_space<vmem>>, vector<32x8192xf32>,
    %eq3A = arith.constant 0 : i32
    %eq3A_12 = arith.cmpi eq, %arg0, %eq3A : i32
    %convert_element_type3A = arith.extui %eq3A_12 : i1 to i32
    %cond3A = arith.constant 0 : i32
    %cond3A_13 = arith.cmpi ne, %convert_element_type3A, %cond3A : i32
    scf.if %cond3A_13 {
      %broadcast_in_dim3A_37 = arith.constant 0.000000e+00 : f32
      %broadcast_in_dim3A_38 = vector.broadcast %broadcast_in_dim3A_37 : f32 to vector<32x2xf32>
      %swap3A_39 = arith.constant 0 : index
      %swap3A_40 = arith.constant 0 : index
      %swap3A_41 = vector.load %arg9[%swap3A_39, %swap3A_40] : memref<32x2xf32, #tpu.memory_space<vmem>>, vector<32x2xf32>
      tpu.vector_store %arg9[%swap3A_39, %swap3A_40], %broadcast_in_dim3A_38 {strides = array<i32>} : memref<32x2xf32, #tpu.memory_space<vmem>>, vector<32x2xf32>,
    } else {
    }
    %get3A_14 = arith.constant 0 : index
    %get3A_15 = arith.constant 0 : index
    %get3A_16 = vector.load %arg9[%get3A_14, %get3A_15] : memref<32x2xf32, #tpu.memory_space<vmem>>, vector<32x1xf32>
    %reduce_sum3A = arith.constant dense<0.000000e+00> : vector<32xf32>
    %reduce_sum3A_17 = vector.multi_reduction <add>, %add3A_9, %reduce_sum3A [1] : vector<32x8192xf32> to vector<32xf32>
    %broadcast_in_dim3A = vector.shape_cast %reduce_sum3A_17 : vector<32xf32> to vector<32x1xf32>
    %add3A_18 = arith.addf %get3A_16, %broadcast_in_dim3A : vector<32x1xf32>
    %swap3A_19 = arith.constant 0 : index
    %swap3A_20 = arith.constant 0 : index
    %swap3A_21 = vector.load %arg9[%swap3A_19, %swap3A_20] : memref<32x2xf32, #tpu.memory_space<vmem>>, vector<32x1xf32>
    tpu.vector_store %arg9[%swap3A_19, %swap3A_20], %add3A_18 {strides = array<i32>} : memref<32x2xf32, #tpu.memory_space<vmem>>, vector<32x1xf32>,
    %get3A_22 = arith.constant 0 : index
    %get3A_23 = arith.constant 1 : index
    %get3A_24 = vector.load %arg9[%get3A_22, %get3A_23] : memref<32x2xf32, #tpu.memory_space<vmem>>, vector<32x1xf32>
    %mul3A = arith.mulf %add3A_9, %add3A_9 : vector<32x8192xf32>
    %reduce_sum3A_25 = arith.constant dense<0.000000e+00> : vector<32xf32>
    %reduce_sum3A_26 = vector.multi_reduction <add>, %mul3A, %reduce_sum3A_25 [1] : vector<32x8192xf32> to vector<32xf32>
    %broadcast_in_dim3A_27 = vector.shape_cast %reduce_sum3A_26 : vector<32xf32> to vector<32x1xf32>
    %add3A_28 = arith.addf %get3A_24, %broadcast_in_dim3A_27 : vector<32x1xf32>
    %swap3A_29 = arith.constant 0 : index
    %swap3A_30 = arith.constant 1 : index
    %swap3A_31 = vector.load %arg9[%swap3A_29, %swap3A_30] : memref<32x2xf32, #tpu.memory_space<vmem>>, vector<32x1xf32>
    tpu.vector_store %arg9[%swap3A_29, %swap3A_30], %add3A_28 {strides = array<i32>} : memref<32x2xf32, #tpu.memory_space<vmem>>, vector<32x1xf32>,
    %eq3A_32 = arith.constant 15 : i32
    %eq3A_33 = arith.cmpi eq, %arg0, %eq3A_32 : i32
    %convert_element_type3A_34 = arith.extui %eq3A_33 : i1 to i32
    %cond3A_35 = arith.constant 0 : i32
    %cond3A_36 = arith.cmpi ne, %convert_element_type3A_34, %cond3A_35 : i32
    scf.if %cond3A_36 {
      %get3A_37 = arith.constant 0 : index
      %get3A_38 = arith.constant 0 : index
      %get3A_39 = vector.load %arg9[%get3A_37, %get3A_38] : memref<32x2xf32, #tpu.memory_space<vmem>>, vector<32x2xf32>
      %swap3A_40 = arith.constant 0 : index
      %swap3A_41 = arith.constant 0 : index
      %swap3A_42 = vector.load %arg8[%swap3A_40, %swap3A_41] : memref<32x2xf32, #tpu.memory_space<vmem>>, vector<32x2xf32>
      tpu.vector_store %arg8[%swap3A_40, %swap3A_41], %get3A_39 {strides = array<i32>} : memref<32x2xf32, #tpu.memory_space<vmem>>, vector<32x2xf32>,
    } else {
    }
    return
  }
  func.func @transform_0(%arg0: i32) -> (i32, i32) {
    %c0_i32 = arith.constant 0 : i32
    %c0_i32_0 = arith.constant 0 : i32
    return %arg0, %c0_i32 : i32, i32
  }
  func.func @transform_1(%arg0: i32) -> (i32, i32) {
    %c0_i32 = arith.constant 0 : i32
    %c0_i32_0 = arith.constant 0 : i32
    %c0_i32_1 = arith.constant 0 : i32
    return %c0_i32, %c0_i32_0 : i32, i32
  }
  func.func @transform_2(%arg0: i32) -> (i32, i32) {
    %c0_i32 = arith.constant 0 : i32
    %c0_i32_0 = arith.constant 0 : i32
    %c0_i32_1 = arith.constant 0 : i32
    return %c0_i32, %c0_i32_0 : i32, i32
  }
  func.func @transform_3(%arg0: i32) -> (i32, i32) {
    %c0_i32 = arith.constant 0 : i32
    %c0_i32_0 = arith.constant 0 : i32
    %c0_i32_1 = arith.constant 0 : i32
    return %c0_i32, %c0_i32_0 : i32, i32
  }
  func.func @transform_4(%arg0: i32) -> (i32, i32) {
    %c0_i32 = arith.constant 0 : i32
    %c0_i32_0 = arith.constant 0 : i32
    %c0_i32_1 = arith.constant 0 : i32
    return %c0_i32, %c0_i32_0 : i32, i32
  }
  func.func @transform_5(%arg0: i32) -> (i32, i32) {
    %c0_i32 = arith.constant 0 : i32
    %c0_i32_0 = arith.constant 0 : i32
    %c0_i32_1 = arith.constant 0 : i32
    return %c0_i32, %c0_i32_0 : i32, i32
  }
  func.func @transform_6(%arg0: i32) -> (i32, i32) {
    %c0_i32 = arith.constant 0 : i32
    %c0_i32_0 = arith.constant 0 : i32
    return %c0_i32, %arg0 : i32, i32
  }
  func.func @transform_7(%arg0: i32) -> (i32, i32) {
    %c0_i32 = arith.constant 0 : i32
    %c0_i32_0 = arith.constant 0 : i32
    %c0_i32_1 = arith.constant 0 : i32
    return %c0_i32, %c0_i32_0 : i32, i32
  }
}

module attributes {stable_mosaic.version = 14 : i64} {
  func.func @_layer_body(%arg0: i32, %arg1: memref<32x8192xf32, #tpu.memory_space<vmem>>, %arg2: memref<32x2xf32, #tpu.memory_space<vmem>>, %arg3: memref<32x1xf32, #tpu.memory_space<vmem>>, %arg4: memref<32x1xf32, #tpu.memory_space<vmem>>, %arg5: memref<32x32xf32, #tpu.memory_space<vmem>>, %arg6: memref<32x1xf32, #tpu.memory_space<vmem>>, %arg7: memref<32x8192xf32, #tpu.memory_space<vmem>>, %arg8: memref<32x2xf32, #tpu.memory_space<vmem>>, %arg9: memref<32x2xf32, #tpu.memory_space<vmem>>) attributes {dimension_semantics = [#tpu.dimension_semantics<arbitrary>], iteration_bounds = array<i64: 16>, scalar_prefetch = 0 : i64, scratch_operands = 1 : i64, tpu.core_type = #tpu.core_type<tc>, window_params = [{transform_indices = @transform_0, window_bounds = array<i64: 32, 8192>}, {pipeline_mode = #tpu.pipeline_mode<synchronous>, transform_indices = @transform_1, window_bounds = array<i64: 32, 2>}, {pipeline_mode = #tpu.pipeline_mode<synchronous>, transform_indices = @transform_2, window_bounds = array<i64: 32, 1>}, {pipeline_mode = #tpu.pipeline_mode<synchronous>, transform_indices = @transform_3, window_bounds = array<i64: 32, 1>}, {pipeline_mode = #tpu.pipeline_mode<synchronous>, transform_indices = @transform_4, window_bounds = array<i64: 32, 32>}, {pipeline_mode = #tpu.pipeline_mode<synchronous>, transform_indices = @transform_5, window_bounds = array<i64: 32, 1>}, {transform_indices = @transform_6, window_bounds = array<i64: 32, 8192>}, {pipeline_mode = #tpu.pipeline_mode<synchronous>, transform_indices = @transform_7, window_bounds = array<i64: 32, 2>}]} {
    %get3A = arith.constant 0 : index
    %get3A_0 = arith.constant 0 : index
    %get3A_1 = vector.load %arg1[%get3A, %get3A_0] : memref<32x8192xf32, #tpu.memory_space<vmem>>, vector<32x8192xf32>
    %get3A_2 = arith.constant 0 : index
    %get3A_3 = arith.constant 0 : index
    %get3A_4 = vector.load %arg2[%get3A_2, %get3A_3] : memref<32x2xf32, #tpu.memory_space<vmem>>, vector<32x1xf32>
    %mul3A = arith.constant 7.62939453E-6 : f32
    %mul3A_5 = vector.broadcast %mul3A : f32 to vector<32x1xf32>
    %mul3A_6 = arith.mulf %get3A_4, %mul3A_5 : vector<32x1xf32>
    %get3A_7 = arith.constant 0 : index
    %get3A_8 = arith.constant 1 : index
    %get3A_9 = vector.load %arg2[%get3A_7, %get3A_8] : memref<32x2xf32, #tpu.memory_space<vmem>>, vector<32x1xf32>
    %mul3A_10 = arith.constant 7.62939453E-6 : f32
    %mul3A_11 = vector.broadcast %mul3A_10 : f32 to vector<32x1xf32>
    %mul3A_12 = arith.mulf %get3A_9, %mul3A_11 : vector<32x1xf32>
    %mul3A_13 = arith.mulf %mul3A_6, %mul3A_6 : vector<32x1xf32>
    %sub3A = arith.subf %mul3A_12, %mul3A_13 : vector<32x1xf32>
    %sub3A_14 = vector.broadcast %mul3A_6 : vector<32x1xf32> to vector<32x8192xf32>
    %sub3A_15 = arith.subf %get3A_1, %sub3A_14 : vector<32x8192xf32>
    %add3A = arith.constant 9.99999974E-6 : f32
    %add3A_16 = vector.broadcast %add3A : f32 to vector<32x1xf32>
    %add3A_17 = arith.addf %sub3A, %add3A_16 : vector<32x1xf32>
    %sqrt3A = math.sqrt %add3A_17 : vector<32x1xf32>
    %div3A = vector.broadcast %sqrt3A : vector<32x1xf32> to vector<32x8192xf32>
    %div3A_18 = arith.divf %sub3A_15, %div3A : vector<32x8192xf32>
    %get3A_19 = arith.constant 0 : index
    %get3A_20 = arith.constant 0 : index
    %get3A_21 = vector.load %arg3[%get3A_19, %get3A_20] : memref<32x1xf32, #tpu.memory_space<vmem>>, vector<32x1xf32>
    %mul3A_22 = vector.broadcast %get3A_21 : vector<32x1xf32> to vector<32x8192xf32>
    %mul3A_23 = arith.mulf %div3A_18, %mul3A_22 : vector<32x8192xf32>
    %get3A_24 = arith.constant 0 : index
    %get3A_25 = arith.constant 0 : index
    %get3A_26 = vector.load %arg4[%get3A_24, %get3A_25] : memref<32x1xf32, #tpu.memory_space<vmem>>, vector<32x1xf32>
    %add3A_27 = vector.broadcast %get3A_26 : vector<32x1xf32> to vector<32x8192xf32>
    %add3A_28 = arith.addf %mul3A_23, %add3A_27 : vector<32x8192xf32>
    %max3A = arith.constant 0.000000e+00 : f32
    %max3A_29 = vector.broadcast %max3A : f32 to vector<32x8192xf32>
    %max3A_30 = arith.maximumf %add3A_28, %max3A_29 : vector<32x8192xf32>
    %get3A_31 = arith.constant 0 : index
    %get3A_32 = arith.constant 0 : index
    %get3A_33 = vector.load %arg5[%get3A_31, %get3A_32] : memref<32x32xf32, #tpu.memory_space<vmem>>, vector<32x32xf32>
    %dot_general3A = arith.constant dense<0.000000e+00> : vector<32x8192xf32>
    %dot_general3A_34 = tpu.matmul %get3A_33, %max3A_30, %dot_general3A {dimension_numbers = #tpu.dot_dimension_numbers<[1], [0], [0], [1], [0, 0, 1, 1], [], []>, transpose_lhs_hint = false} : vector<32x32xf32>, vector<32x8192xf32>, vector<32x8192xf32> -> vector<32x8192xf32>
    %get3A_35 = arith.constant 0 : index
    %get3A_36 = arith.constant 0 : index
    %get3A_37 = vector.load %arg6[%get3A_35, %get3A_36] : memref<32x1xf32, #tpu.memory_space<vmem>>, vector<32x1xf32>
    %add3A_38 = vector.broadcast %get3A_37 : vector<32x1xf32> to vector<32x8192xf32>
    %add3A_39 = arith.addf %dot_general3A_34, %add3A_38 : vector<32x8192xf32>
    %swap3A = arith.constant 0 : index
    %swap3A_40 = arith.constant 0 : index
    %swap3A_41 = vector.load %arg7[%swap3A, %swap3A_40] : memref<32x8192xf32, #tpu.memory_space<vmem>>, vector<32x8192xf32>
    tpu.vector_store %arg7[%swap3A, %swap3A_40], %add3A_39 {strides = array<i32>} : memref<32x8192xf32, #tpu.memory_space<vmem>>, vector<32x8192xf32>,
    %eq3A = arith.constant 0 : i32
    %eq3A_42 = arith.cmpi eq, %arg0, %eq3A : i32
    %convert_element_type3A = arith.extui %eq3A_42 : i1 to i32
    %cond3A = arith.constant 0 : i32
    %cond3A_43 = arith.cmpi ne, %convert_element_type3A, %cond3A : i32
    scf.if %cond3A_43 {
      %broadcast_in_dim3A_68 = arith.constant 0.000000e+00 : f32
      %broadcast_in_dim3A_69 = vector.broadcast %broadcast_in_dim3A_68 : f32 to vector<32x2xf32>
      %swap3A_70 = arith.constant 0 : index
      %swap3A_71 = arith.constant 0 : index
      %swap3A_72 = vector.load %arg9[%swap3A_70, %swap3A_71] : memref<32x2xf32, #tpu.memory_space<vmem>>, vector<32x2xf32>
      tpu.vector_store %arg9[%swap3A_70, %swap3A_71], %broadcast_in_dim3A_69 {strides = array<i32>} : memref<32x2xf32, #tpu.memory_space<vmem>>, vector<32x2xf32>,
    } else {
    }
    %get3A_44 = arith.constant 0 : index
    %get3A_45 = arith.constant 0 : index
    %get3A_46 = vector.load %arg9[%get3A_44, %get3A_45] : memref<32x2xf32, #tpu.memory_space<vmem>>, vector<32x1xf32>
    %reduce_sum3A = arith.constant dense<0.000000e+00> : vector<32xf32>
    %reduce_sum3A_47 = vector.multi_reduction <add>, %add3A_39, %reduce_sum3A [1] : vector<32x8192xf32> to vector<32xf32>
    %broadcast_in_dim3A = vector.shape_cast %reduce_sum3A_47 : vector<32xf32> to vector<32x1xf32>
    %add3A_48 = arith.addf %get3A_46, %broadcast_in_dim3A : vector<32x1xf32>
    %swap3A_49 = arith.constant 0 : index
    %swap3A_50 = arith.constant 0 : index
    %swap3A_51 = vector.load %arg9[%swap3A_49, %swap3A_50] : memref<32x2xf32, #tpu.memory_space<vmem>>, vector<32x1xf32>
    tpu.vector_store %arg9[%swap3A_49, %swap3A_50], %add3A_48 {strides = array<i32>} : memref<32x2xf32, #tpu.memory_space<vmem>>, vector<32x1xf32>,
    %get3A_52 = arith.constant 0 : index
    %get3A_53 = arith.constant 1 : index
    %get3A_54 = vector.load %arg9[%get3A_52, %get3A_53] : memref<32x2xf32, #tpu.memory_space<vmem>>, vector<32x1xf32>
    %mul3A_55 = arith.mulf %add3A_39, %add3A_39 : vector<32x8192xf32>
    %reduce_sum3A_56 = arith.constant dense<0.000000e+00> : vector<32xf32>
    %reduce_sum3A_57 = vector.multi_reduction <add>, %mul3A_55, %reduce_sum3A_56 [1] : vector<32x8192xf32> to vector<32xf32>
    %broadcast_in_dim3A_58 = vector.shape_cast %reduce_sum3A_57 : vector<32xf32> to vector<32x1xf32>
    %add3A_59 = arith.addf %get3A_54, %broadcast_in_dim3A_58 : vector<32x1xf32>
    %swap3A_60 = arith.constant 0 : index
    %swap3A_61 = arith.constant 1 : index
    %swap3A_62 = vector.load %arg9[%swap3A_60, %swap3A_61] : memref<32x2xf32, #tpu.memory_space<vmem>>, vector<32x1xf32>
    tpu.vector_store %arg9[%swap3A_60, %swap3A_61], %add3A_59 {strides = array<i32>} : memref<32x2xf32, #tpu.memory_space<vmem>>, vector<32x1xf32>,
    %eq3A_63 = arith.constant 15 : i32
    %eq3A_64 = arith.cmpi eq, %arg0, %eq3A_63 : i32
    %convert_element_type3A_65 = arith.extui %eq3A_64 : i1 to i32
    %cond3A_66 = arith.constant 0 : i32
    %cond3A_67 = arith.cmpi ne, %convert_element_type3A_65, %cond3A_66 : i32
    scf.if %cond3A_67 {
      %get3A_68 = arith.constant 0 : index
      %get3A_69 = arith.constant 0 : index
      %get3A_70 = vector.load %arg9[%get3A_68, %get3A_69] : memref<32x2xf32, #tpu.memory_space<vmem>>, vector<32x2xf32>
      %swap3A_71 = arith.constant 0 : index
      %swap3A_72 = arith.constant 0 : index
      %swap3A_73 = vector.load %arg8[%swap3A_71, %swap3A_72] : memref<32x2xf32, #tpu.memory_space<vmem>>, vector<32x2xf32>
      tpu.vector_store %arg8[%swap3A_71, %swap3A_72], %get3A_70 {strides = array<i32>} : memref<32x2xf32, #tpu.memory_space<vmem>>, vector<32x2xf32>,
    } else {
    }
    return
  }
  func.func @transform_0(%arg0: i32) -> (i32, i32) {
    %c0_i32 = arith.constant 0 : i32
    %c0_i32_0 = arith.constant 0 : i32
    return %c0_i32, %arg0 : i32, i32
  }
  func.func @transform_1(%arg0: i32) -> (i32, i32) {
    %c0_i32 = arith.constant 0 : i32
    %c0_i32_0 = arith.constant 0 : i32
    %c0_i32_1 = arith.constant 0 : i32
    return %c0_i32, %c0_i32_0 : i32, i32
  }
  func.func @transform_2(%arg0: i32) -> (i32, i32) {
    %c0_i32 = arith.constant 0 : i32
    %c0_i32_0 = arith.constant 0 : i32
    %c0_i32_1 = arith.constant 0 : i32
    return %c0_i32, %c0_i32_0 : i32, i32
  }
  func.func @transform_3(%arg0: i32) -> (i32, i32) {
    %c0_i32 = arith.constant 0 : i32
    %c0_i32_0 = arith.constant 0 : i32
    %c0_i32_1 = arith.constant 0 : i32
    return %c0_i32, %c0_i32_0 : i32, i32
  }
  func.func @transform_4(%arg0: i32) -> (i32, i32) {
    %c0_i32 = arith.constant 0 : i32
    %c0_i32_0 = arith.constant 0 : i32
    %c0_i32_1 = arith.constant 0 : i32
    return %c0_i32, %c0_i32_0 : i32, i32
  }
  func.func @transform_5(%arg0: i32) -> (i32, i32) {
    %c0_i32 = arith.constant 0 : i32
    %c0_i32_0 = arith.constant 0 : i32
    %c0_i32_1 = arith.constant 0 : i32
    return %c0_i32, %c0_i32_0 : i32, i32
  }
  func.func @transform_6(%arg0: i32) -> (i32, i32) {
    %c0_i32 = arith.constant 0 : i32
    %c0_i32_0 = arith.constant 0 : i32
    return %c0_i32, %arg0 : i32, i32
  }
  func.func @transform_7(%arg0: i32) -> (i32, i32) {
    %c0_i32 = arith.constant 0 : i32
    %c0_i32_0 = arith.constant 0 : i32
    %c0_i32_1 = arith.constant 0 : i32
    return %c0_i32, %c0_i32_0 : i32, i32
  }
}

module attributes {stable_mosaic.version = 14 : i64} {
  func.func @_layer_body(%arg0: i32, %arg1: memref<32x8192xf32, #tpu.memory_space<vmem>>, %arg2: memref<32x2xf32, #tpu.memory_space<vmem>>, %arg3: memref<32x1xf32, #tpu.memory_space<vmem>>, %arg4: memref<32x1xf32, #tpu.memory_space<vmem>>, %arg5: memref<64x32xf32, #tpu.memory_space<vmem>>, %arg6: memref<64x1xf32, #tpu.memory_space<vmem>>, %arg7: memref<64x8192xf32, #tpu.memory_space<vmem>>, %arg8: memref<64x2xf32, #tpu.memory_space<vmem>>, %arg9: memref<64x2xf32, #tpu.memory_space<vmem>>) attributes {dimension_semantics = [#tpu.dimension_semantics<arbitrary>], iteration_bounds = array<i64: 16>, scalar_prefetch = 0 : i64, scratch_operands = 1 : i64, tpu.core_type = #tpu.core_type<tc>, window_params = [{transform_indices = @transform_0, window_bounds = array<i64: 32, 8192>}, {pipeline_mode = #tpu.pipeline_mode<synchronous>, transform_indices = @transform_1, window_bounds = array<i64: 32, 2>}, {pipeline_mode = #tpu.pipeline_mode<synchronous>, transform_indices = @transform_2, window_bounds = array<i64: 32, 1>}, {pipeline_mode = #tpu.pipeline_mode<synchronous>, transform_indices = @transform_3, window_bounds = array<i64: 32, 1>}, {pipeline_mode = #tpu.pipeline_mode<synchronous>, transform_indices = @transform_4, window_bounds = array<i64: 64, 32>}, {pipeline_mode = #tpu.pipeline_mode<synchronous>, transform_indices = @transform_5, window_bounds = array<i64: 64, 1>}, {transform_indices = @transform_6, window_bounds = array<i64: 64, 8192>}, {pipeline_mode = #tpu.pipeline_mode<synchronous>, transform_indices = @transform_7, window_bounds = array<i64: 64, 2>}]} {
    %get3A = arith.constant 0 : index
    %get3A_0 = arith.constant 0 : index
    %get3A_1 = vector.load %arg1[%get3A, %get3A_0] : memref<32x8192xf32, #tpu.memory_space<vmem>>, vector<32x8192xf32>
    %get3A_2 = arith.constant 0 : index
    %get3A_3 = arith.constant 0 : index
    %get3A_4 = vector.load %arg2[%get3A_2, %get3A_3] : memref<32x2xf32, #tpu.memory_space<vmem>>, vector<32x1xf32>
    %mul3A = arith.constant 7.62939453E-6 : f32
    %mul3A_5 = vector.broadcast %mul3A : f32 to vector<32x1xf32>
    %mul3A_6 = arith.mulf %get3A_4, %mul3A_5 : vector<32x1xf32>
    %get3A_7 = arith.constant 0 : index
    %get3A_8 = arith.constant 1 : index
    %get3A_9 = vector.load %arg2[%get3A_7, %get3A_8] : memref<32x2xf32, #tpu.memory_space<vmem>>, vector<32x1xf32>
    %mul3A_10 = arith.constant 7.62939453E-6 : f32
    %mul3A_11 = vector.broadcast %mul3A_10 : f32 to vector<32x1xf32>
    %mul3A_12 = arith.mulf %get3A_9, %mul3A_11 : vector<32x1xf32>
    %mul3A_13 = arith.mulf %mul3A_6, %mul3A_6 : vector<32x1xf32>
    %sub3A = arith.subf %mul3A_12, %mul3A_13 : vector<32x1xf32>
    %sub3A_14 = vector.broadcast %mul3A_6 : vector<32x1xf32> to vector<32x8192xf32>
    %sub3A_15 = arith.subf %get3A_1, %sub3A_14 : vector<32x8192xf32>
    %add3A = arith.constant 9.99999974E-6 : f32
    %add3A_16 = vector.broadcast %add3A : f32 to vector<32x1xf32>
    %add3A_17 = arith.addf %sub3A, %add3A_16 : vector<32x1xf32>
    %sqrt3A = math.sqrt %add3A_17 : vector<32x1xf32>
    %div3A = vector.broadcast %sqrt3A : vector<32x1xf32> to vector<32x8192xf32>
    %div3A_18 = arith.divf %sub3A_15, %div3A : vector<32x8192xf32>
    %get3A_19 = arith.constant 0 : index
    %get3A_20 = arith.constant 0 : index
    %get3A_21 = vector.load %arg3[%get3A_19, %get3A_20] : memref<32x1xf32, #tpu.memory_space<vmem>>, vector<32x1xf32>
    %mul3A_22 = vector.broadcast %get3A_21 : vector<32x1xf32> to vector<32x8192xf32>
    %mul3A_23 = arith.mulf %div3A_18, %mul3A_22 : vector<32x8192xf32>
    %get3A_24 = arith.constant 0 : index
    %get3A_25 = arith.constant 0 : index
    %get3A_26 = vector.load %arg4[%get3A_24, %get3A_25] : memref<32x1xf32, #tpu.memory_space<vmem>>, vector<32x1xf32>
    %add3A_27 = vector.broadcast %get3A_26 : vector<32x1xf32> to vector<32x8192xf32>
    %add3A_28 = arith.addf %mul3A_23, %add3A_27 : vector<32x8192xf32>
    %max3A = arith.constant 0.000000e+00 : f32
    %max3A_29 = vector.broadcast %max3A : f32 to vector<32x8192xf32>
    %max3A_30 = arith.maximumf %add3A_28, %max3A_29 : vector<32x8192xf32>
    %get3A_31 = arith.constant 0 : index
    %get3A_32 = arith.constant 0 : index
    %get3A_33 = vector.load %arg5[%get3A_31, %get3A_32] : memref<64x32xf32, #tpu.memory_space<vmem>>, vector<64x32xf32>
    %dot_general3A = arith.constant dense<0.000000e+00> : vector<64x8192xf32>
    %dot_general3A_34 = tpu.matmul %get3A_33, %max3A_30, %dot_general3A {dimension_numbers = #tpu.dot_dimension_numbers<[1], [0], [0], [1], [0, 0, 1, 1], [], []>, transpose_lhs_hint = false} : vector<64x32xf32>, vector<32x8192xf32>, vector<64x8192xf32> -> vector<64x8192xf32>
    %get3A_35 = arith.constant 0 : index
    %get3A_36 = arith.constant 0 : index
    %get3A_37 = vector.load %arg6[%get3A_35, %get3A_36] : memref<64x1xf32, #tpu.memory_space<vmem>>, vector<64x1xf32>
    %add3A_38 = vector.broadcast %get3A_37 : vector<64x1xf32> to vector<64x8192xf32>
    %add3A_39 = arith.addf %dot_general3A_34, %add3A_38 : vector<64x8192xf32>
    %swap3A = arith.constant 0 : index
    %swap3A_40 = arith.constant 0 : index
    %swap3A_41 = vector.load %arg7[%swap3A, %swap3A_40] : memref<64x8192xf32, #tpu.memory_space<vmem>>, vector<64x8192xf32>
    tpu.vector_store %arg7[%swap3A, %swap3A_40], %add3A_39 {strides = array<i32>} : memref<64x8192xf32, #tpu.memory_space<vmem>>, vector<64x8192xf32>,
    %eq3A = arith.constant 0 : i32
    %eq3A_42 = arith.cmpi eq, %arg0, %eq3A : i32
    %convert_element_type3A = arith.extui %eq3A_42 : i1 to i32
    %cond3A = arith.constant 0 : i32
    %cond3A_43 = arith.cmpi ne, %convert_element_type3A, %cond3A : i32
    scf.if %cond3A_43 {
      %broadcast_in_dim3A_68 = arith.constant 0.000000e+00 : f32
      %broadcast_in_dim3A_69 = vector.broadcast %broadcast_in_dim3A_68 : f32 to vector<64x2xf32>
      %swap3A_70 = arith.constant 0 : index
      %swap3A_71 = arith.constant 0 : index
      %swap3A_72 = vector.load %arg9[%swap3A_70, %swap3A_71] : memref<64x2xf32, #tpu.memory_space<vmem>>, vector<64x2xf32>
      tpu.vector_store %arg9[%swap3A_70, %swap3A_71], %broadcast_in_dim3A_69 {strides = array<i32>} : memref<64x2xf32, #tpu.memory_space<vmem>>, vector<64x2xf32>,
    } else {
    }
    %get3A_44 = arith.constant 0 : index
    %get3A_45 = arith.constant 0 : index
    %get3A_46 = vector.load %arg9[%get3A_44, %get3A_45] : memref<64x2xf32, #tpu.memory_space<vmem>>, vector<64x1xf32>
    %reduce_sum3A = arith.constant dense<0.000000e+00> : vector<64xf32>
    %reduce_sum3A_47 = vector.multi_reduction <add>, %add3A_39, %reduce_sum3A [1] : vector<64x8192xf32> to vector<64xf32>
    %broadcast_in_dim3A = vector.shape_cast %reduce_sum3A_47 : vector<64xf32> to vector<64x1xf32>
    %add3A_48 = arith.addf %get3A_46, %broadcast_in_dim3A : vector<64x1xf32>
    %swap3A_49 = arith.constant 0 : index
    %swap3A_50 = arith.constant 0 : index
    %swap3A_51 = vector.load %arg9[%swap3A_49, %swap3A_50] : memref<64x2xf32, #tpu.memory_space<vmem>>, vector<64x1xf32>
    tpu.vector_store %arg9[%swap3A_49, %swap3A_50], %add3A_48 {strides = array<i32>} : memref<64x2xf32, #tpu.memory_space<vmem>>, vector<64x1xf32>,
    %get3A_52 = arith.constant 0 : index
    %get3A_53 = arith.constant 1 : index
    %get3A_54 = vector.load %arg9[%get3A_52, %get3A_53] : memref<64x2xf32, #tpu.memory_space<vmem>>, vector<64x1xf32>
    %mul3A_55 = arith.mulf %add3A_39, %add3A_39 : vector<64x8192xf32>
    %reduce_sum3A_56 = arith.constant dense<0.000000e+00> : vector<64xf32>
    %reduce_sum3A_57 = vector.multi_reduction <add>, %mul3A_55, %reduce_sum3A_56 [1] : vector<64x8192xf32> to vector<64xf32>
    %broadcast_in_dim3A_58 = vector.shape_cast %reduce_sum3A_57 : vector<64xf32> to vector<64x1xf32>
    %add3A_59 = arith.addf %get3A_54, %broadcast_in_dim3A_58 : vector<64x1xf32>
    %swap3A_60 = arith.constant 0 : index
    %swap3A_61 = arith.constant 1 : index
    %swap3A_62 = vector.load %arg9[%swap3A_60, %swap3A_61] : memref<64x2xf32, #tpu.memory_space<vmem>>, vector<64x1xf32>
    tpu.vector_store %arg9[%swap3A_60, %swap3A_61], %add3A_59 {strides = array<i32>} : memref<64x2xf32, #tpu.memory_space<vmem>>, vector<64x1xf32>,
    %eq3A_63 = arith.constant 15 : i32
    %eq3A_64 = arith.cmpi eq, %arg0, %eq3A_63 : i32
    %convert_element_type3A_65 = arith.extui %eq3A_64 : i1 to i32
    %cond3A_66 = arith.constant 0 : i32
    %cond3A_67 = arith.cmpi ne, %convert_element_type3A_65, %cond3A_66 : i32
    scf.if %cond3A_67 {
      %get3A_68 = arith.constant 0 : index
      %get3A_69 = arith.constant 0 : index
      %get3A_70 = vector.load %arg9[%get3A_68, %get3A_69] : memref<64x2xf32, #tpu.memory_space<vmem>>, vector<64x2xf32>
      %swap3A_71 = arith.constant 0 : index
      %swap3A_72 = arith.constant 0 : index
      %swap3A_73 = vector.load %arg8[%swap3A_71, %swap3A_72] : memref<64x2xf32, #tpu.memory_space<vmem>>, vector<64x2xf32>
      tpu.vector_store %arg8[%swap3A_71, %swap3A_72], %get3A_70 {strides = array<i32>} : memref<64x2xf32, #tpu.memory_space<vmem>>, vector<64x2xf32>,
    } else {
    }
    return
  }
  func.func @transform_0(%arg0: i32) -> (i32, i32) {
    %c0_i32 = arith.constant 0 : i32
    %c0_i32_0 = arith.constant 0 : i32
    return %c0_i32, %arg0 : i32, i32
  }
  func.func @transform_1(%arg0: i32) -> (i32, i32) {
    %c0_i32 = arith.constant 0 : i32
    %c0_i32_0 = arith.constant 0 : i32
    %c0_i32_1 = arith.constant 0 : i32
    return %c0_i32, %c0_i32_0 : i32, i32
  }
  func.func @transform_2(%arg0: i32) -> (i32, i32) {
    %c0_i32 = arith.constant 0 : i32
    %c0_i32_0 = arith.constant 0 : i32
    %c0_i32_1 = arith.constant 0 : i32
    return %c0_i32, %c0_i32_0 : i32, i32
  }
  func.func @transform_3(%arg0: i32) -> (i32, i32) {
    %c0_i32 = arith.constant 0 : i32
    %c0_i32_0 = arith.constant 0 : i32
    %c0_i32_1 = arith.constant 0 : i32
    return %c0_i32, %c0_i32_0 : i32, i32
  }
  func.func @transform_4(%arg0: i32) -> (i32, i32) {
    %c0_i32 = arith.constant 0 : i32
    %c0_i32_0 = arith.constant 0 : i32
    %c0_i32_1 = arith.constant 0 : i32
    return %c0_i32, %c0_i32_0 : i32, i32
  }
  func.func @transform_5(%arg0: i32) -> (i32, i32) {
    %c0_i32 = arith.constant 0 : i32
    %c0_i32_0 = arith.constant 0 : i32
    %c0_i32_1 = arith.constant 0 : i32
    return %c0_i32, %c0_i32_0 : i32, i32
  }
  func.func @transform_6(%arg0: i32) -> (i32, i32) {
    %c0_i32 = arith.constant 0 : i32
    %c0_i32_0 = arith.constant 0 : i32
    return %c0_i32, %arg0 : i32, i32
  }
  func.func @transform_7(%arg0: i32) -> (i32, i32) {
    %c0_i32 = arith.constant 0 : i32
    %c0_i32_0 = arith.constant 0 : i32
    %c0_i32_1 = arith.constant 0 : i32
    return %c0_i32, %c0_i32_0 : i32, i32
  }
}

module attributes {stable_mosaic.version = 14 : i64} {
  func.func @_pool_body(%arg0: i32, %arg1: memref<64x32x1024xf32, #tpu.memory_space<vmem>>, %arg2: memref<64x2xf32, #tpu.memory_space<vmem>>, %arg3: memref<64x1xf32, #tpu.memory_space<vmem>>, %arg4: memref<64x1xf32, #tpu.memory_space<vmem>>, %arg5: memref<1024x64xf32, #tpu.memory_space<vmem>>) attributes {dimension_semantics = [#tpu.dimension_semantics<arbitrary>], iteration_bounds = array<i64: 4>, scalar_prefetch = 0 : i64, scratch_operands = 0 : i64, tpu.core_type = #tpu.core_type<tc>, window_params = [{transform_indices = @transform_0, window_bounds = array<i64: 64, 32, 1024>}, {pipeline_mode = #tpu.pipeline_mode<synchronous>, transform_indices = @transform_1, window_bounds = array<i64: 64, 2>}, {pipeline_mode = #tpu.pipeline_mode<synchronous>, transform_indices = @transform_2, window_bounds = array<i64: 64, 1>}, {pipeline_mode = #tpu.pipeline_mode<synchronous>, transform_indices = @transform_3, window_bounds = array<i64: 64, 1>}, {transform_indices = @transform_4, window_bounds = array<i64: 1024, 64>}]} {
    %get3A = arith.constant 0 : index
    %get3A_0 = arith.constant 0 : index
    %get3A_1 = arith.constant 0 : index
    %get3A_2 = vector.load %arg1[%get3A, %get3A_0, %get3A_1] : memref<64x32x1024xf32, #tpu.memory_space<vmem>>, vector<64x32x1024xf32>
    %get3A_3 = arith.constant 0 : index
    %get3A_4 = arith.constant 0 : index
    %get3A_5 = vector.load %arg2[%get3A_3, %get3A_4] : memref<64x2xf32, #tpu.memory_space<vmem>>, vector<64x2xf32>
    %slice3A = vector.extract_strided_slice %get3A_5 {offsets = [0, 0], sizes = [64, 1], strides = [1, 1]} : vector<64x2xf32> to vector<64x1xf32>
    %broadcast_in_dim3A = vector.shape_cast %slice3A : vector<64x1xf32> to vector<64x1x1xf32>
    %mul3A = arith.constant 7.62939453E-6 : f32
    %mul3A_6 = vector.broadcast %mul3A : f32 to vector<64x1x1xf32>
    %mul3A_7 = arith.mulf %broadcast_in_dim3A, %mul3A_6 : vector<64x1x1xf32>
    %slice3A_8 = vector.extract_strided_slice %get3A_5 {offsets = [0, 1], sizes = [64, 1], strides = [1, 1]} : vector<64x2xf32> to vector<64x1xf32>
    %broadcast_in_dim3A_9 = vector.shape_cast %slice3A_8 : vector<64x1xf32> to vector<64x1x1xf32>
    %mul3A_10 = arith.constant 7.62939453E-6 : f32
    %mul3A_11 = vector.broadcast %mul3A_10 : f32 to vector<64x1x1xf32>
    %mul3A_12 = arith.mulf %broadcast_in_dim3A_9, %mul3A_11 : vector<64x1x1xf32>
    %mul3A_13 = arith.mulf %mul3A_7, %mul3A_7 : vector<64x1x1xf32>
    %sub3A = arith.subf %mul3A_12, %mul3A_13 : vector<64x1x1xf32>
    %sub3A_14 = vector.broadcast %mul3A_7 : vector<64x1x1xf32> to vector<64x32x1024xf32>
    %sub3A_15 = arith.subf %get3A_2, %sub3A_14 : vector<64x32x1024xf32>
    %add3A = arith.constant 9.99999974E-6 : f32
    %add3A_16 = vector.broadcast %add3A : f32 to vector<64x1x1xf32>
    %add3A_17 = arith.addf %sub3A, %add3A_16 : vector<64x1x1xf32>
    %sqrt3A = math.sqrt %add3A_17 : vector<64x1x1xf32>
    %div3A = vector.broadcast %sqrt3A : vector<64x1x1xf32> to vector<64x32x1024xf32>
    %div3A_18 = arith.divf %sub3A_15, %div3A : vector<64x32x1024xf32>
    %get3A_19 = arith.constant 0 : index
    %get3A_20 = arith.constant 0 : index
    %get3A_21 = vector.load %arg3[%get3A_19, %get3A_20] : memref<64x1xf32, #tpu.memory_space<vmem>>, vector<64x1xf32>
    %broadcast_in_dim3A_22 = vector.shape_cast %get3A_21 : vector<64x1xf32> to vector<64x1x1xf32>
    %mul3A_23 = vector.broadcast %broadcast_in_dim3A_22 : vector<64x1x1xf32> to vector<64x32x1024xf32>
    %mul3A_24 = arith.mulf %div3A_18, %mul3A_23 : vector<64x32x1024xf32>
    %get3A_25 = arith.constant 0 : index
    %get3A_26 = arith.constant 0 : index
    %get3A_27 = vector.load %arg4[%get3A_25, %get3A_26] : memref<64x1xf32, #tpu.memory_space<vmem>>, vector<64x1xf32>
    %broadcast_in_dim3A_28 = vector.shape_cast %get3A_27 : vector<64x1xf32> to vector<64x1x1xf32>
    %add3A_29 = vector.broadcast %broadcast_in_dim3A_28 : vector<64x1x1xf32> to vector<64x32x1024xf32>
    %add3A_30 = arith.addf %mul3A_24, %add3A_29 : vector<64x32x1024xf32>
    %max3A = arith.constant 0.000000e+00 : f32
    %max3A_31 = vector.broadcast %max3A : f32 to vector<64x32x1024xf32>
    %max3A_32 = arith.maximumf %add3A_30, %max3A_31 : vector<64x32x1024xf32>
    %reduce_max3A = arith.constant dense<0xFF800000> : vector<64x1024xf32>
    %reduce_max3A_33 = vector.multi_reduction <maximumf>, %max3A_32, %reduce_max3A [1] : vector<64x32x1024xf32> to vector<64x1024xf32>
    %transpose3A = tpu.transpose %reduce_max3A_33, [1, 0] : vector<64x1024xf32> -> vector<1024x64xf32>
    %swap3A = arith.constant 0 : index
    %swap3A_34 = arith.constant 0 : index
    %swap3A_35 = vector.load %arg5[%swap3A, %swap3A_34] : memref<1024x64xf32, #tpu.memory_space<vmem>>, vector<1024x64xf32>
    tpu.vector_store %arg5[%swap3A, %swap3A_34], %transpose3A {strides = array<i32>} : memref<1024x64xf32, #tpu.memory_space<vmem>>, vector<1024x64xf32>,
    return
  }
  func.func @transform_0(%arg0: i32) -> (i32, i32, i32) {
    %c0_i32 = arith.constant 0 : i32
    %c0_i32_0 = arith.constant 0 : i32
    %c0_i32_1 = arith.constant 0 : i32
    return %c0_i32, %c0_i32_0, %arg0 : i32, i32, i32
  }
  func.func @transform_1(%arg0: i32) -> (i32, i32) {
    %c0_i32 = arith.constant 0 : i32
    %c0_i32_0 = arith.constant 0 : i32
    %c0_i32_1 = arith.constant 0 : i32
    return %c0_i32, %c0_i32_0 : i32, i32
  }
  func.func @transform_2(%arg0: i32) -> (i32, i32) {
    %c0_i32 = arith.constant 0 : i32
    %c0_i32_0 = arith.constant 0 : i32
    %c0_i32_1 = arith.constant 0 : i32
    return %c0_i32, %c0_i32_0 : i32, i32
  }
  func.func @transform_3(%arg0: i32) -> (i32, i32) {
    %c0_i32 = arith.constant 0 : i32
    %c0_i32_0 = arith.constant 0 : i32
    %c0_i32_1 = arith.constant 0 : i32
    return %c0_i32, %c0_i32_0 : i32, i32
  }
  func.func @transform_4(%arg0: i32) -> (i32, i32) {
    %c0_i32 = arith.constant 0 : i32
    %c0_i32_0 = arith.constant 0 : i32
    return %arg0, %c0_i32 : i32, i32
  }
}

</mosaic_0001>

<sc_bundles>
// kernel: kernel.8.cloned.1.call-start
scs
__scs_entry_jumppad:
0x0: {  	(pc) =	sbr.rel $0x88, $3  }
0x1: {  	(tag) =	ssettag $0x0;
	lr =	simm.s32 $0x1  }
0x2: {  	[smem:$0x3F93] =	sst lr;
	_ =	strace $0xD0000000  }
0x3: {  	_ = 	snop  }
0x4: {  	_ = 	snop  }
0x5: {  	_ = 	snop  }
0x6: {  	_ = 	snop  }
0x7: {  	_ = 	snop  }
__scs_overlays_trampoline_lowered:
0x8: {  	[smem:$0x3FA2] =	sst s0  }
0x9: {  	[smem:$0x3FA3] =	sst s1  }
0xa: {  	[smem:$0x3FA4] =	sst s2  }
0xb: {  	[smem:$0x3FA5] =	sst s3  }
0xc: {  	[smem:$0x3FA6] =	sst s4  }
0xd: {  	[smem:$0x3FA7] =	sst s5  }
0xe: {  	[smem:$0x3FA8] =	sst s6  }
0xf: {  	[smem:$0x3FA9] =	sst s7  }
0x10: {  	[smem:$0x3FAA] =	sst s8  }
0x11: {  	[smem:$0x3FAB] =	sst s9;
	s0 =	simm.s32 @!p0 $0x0  }
0x12: {  	s1 =	sld [smem:$0x3F91];
	s0 =	simm.s32 @p0 $0x1  }
0x13: {  	[smem:$0x3FAC] =	sst s0;
	s0 =	simm.s32 @!p1 $0x0  }
0x14: {  	s2 =	sld [smem:$0x3F90];
	s0 =	simm.s32 @p1 $0x1  }
0x15: {  	[smem:$0x3FAD] =	sst s0;
	s0 =	simm.s32 @!p2 $0x0  }
0x16: {  	s3 =	sld [smem:$0x3FDB];
	s0 =	simm.s32 @p2 $0x1  }
0x17: {  	s4 =	simm.s32 $0x1BF5;
	[smem:$0x3FAF] =	sst s0  }
0x18: {  	s0 =	sld [smem:$0x3F92];
	_ =	swait.ge [sflag:s4], $0x0  }
0x19: {  	s7 =	sld [smem:$0x3F93]  }
0x1a: {  	s8 =	sadd.s32 $0xFFFFE003, lr  }
0x1b: {  	s9 =	sadd.s32 $0xFFFFFEF7, lr;
	s5 =	simm.s32 $0xFFFFFFFF;
	p2 =	slt.u32 s8, $0xFFFFF086  }
0x1c: {  	p1 =	slt.u32 s9, $0xF7A;
	s5 =	simm.s32 @!p2 $0x0  }
0x1d: {  	s5 =	simm.s32 @p1 $0x1;
	p0 =	seq.s32 s7, s2  }
0x1e: {  	s7 =	smul.u32 @!p0 $0xF7A, s2;
	p2 =	seq.s32 @!p0 s5, $0x0  }
0x1f: {  	s9 =	smul.u32 $0xF7A, s1;
	s8 =	simm.s32 @!p0 $0x1BF5;
	p2 =	por !p2, p0  }
0x20: {  	[sflag:s8] =	ssyncset.s32 @!p0 $0xFFFFF086;
	s6 =	sadd.s32 @!p0 s3, s7;
	s7 =	simm.s32 @!p0 $0x108  }
0x21: {  	s3 =	sadd.s32 s3, s9;
	s6 =	sadd.s32 @!p0 $0x88, s6;
	s7 =	simm.s32 @p2 $0x1082  }
0x22: {  	[simem:s7], [sflag:s8] =	dma.local @!p0 [hbm:s6], $0xF7A  }
0x23: {  	s9 =	sor.u32 $0xD0000000, s2;
	s6 =	simm.s32 $0x108;
	_ =	swait.ge @!p0 [sflag:s8], $0x0  }
0x24: {  	s3 =	sadd.s32 $0x88, s3;
	s6 =	simm.s32 @!p1 $0x1082;
	[sflag:s4] =	ssyncset.s32 $0xFFFFF086  }
0x25: {  	[simem:s6], [sflag:s4] =	dma.local [hbm:s3], $0xF7A  }
0x26: {  	[smem:$0x3F93] =	sst s1;
	(tag) =	ssettag s2;
	_ =	strace s9  }
0x27: {  	s1 =	sld [smem:$0x3FA3]  }
0x28: {  	s2 =	sld [smem:$0x3FA4]  }
0x29: {  	s4 =	sld [smem:$0x3FA6]  }
0x2a: {  	p0 =	seq.s32 s5, $0x0;
	s5 =	sld [smem:$0x3FA7]  }
0x2b: {  	s6 =	sld [smem:$0x3FA8]  }
0x2c: {  	s7 =	sld [smem:$0x3FA9]  }
0x2d: {  	s3 =	simm.s32 $0x108;
	s8 =	sld [smem:$0x3FAA]  }
0x2e: {  	s3 =	simm.s32 @!p0 $0x1082;
	s9 =	sld [smem:$0x3FAB]  }
0x2f: {  	lr =	sadd.s32 s0, s3;
	s0 =	sld [smem:$0x3FA2]  }
0x30: {  	s3 =	sld [smem:$0x3FA5]  }
0x31: {  	[smem:$0x3FAE] =	sst s10  }
0x32: {  	s10 =	sld [smem:$0x3FAC];
	_ =	sdelay $0x3  }
0x33: {  	p0 =	seq.s32 s10, $0x1;
	s10 =	sld [smem:$0x3FAE];
	_ =	sdelay $0x3  }
0x34: {  	[smem:$0x3FAE] =	sst s10  }
0x35: {  	s10 =	sld [smem:$0x3FAD];
	_ =	sdelay $0x3  }
0x36: {  	p1 =	seq.s32 s10, $0x1;
	s10 =	sld [smem:$0x3FAE];
	_ =	sdelay $0x3  }
0x37: {  	[smem:$0x3FAE] =	sst s10  }
0x38: {  	s10 =	sld [smem:$0x3FAF]  }
0x39: {  	_ = 	snop;
	(pc) =	sbr.ind lr, $3  }
0x3a: {  	_ = 	snop  }
0x3b: {  	_ = 	snop  }
0x3c: {  	p2 =	seq.s32 s10, $0x1;
	s10 =	sld [smem:$0x3FAE]  }
0x3d: {  	_ =	shalt  }
0x3e: {  	_ =	shalt  }
0x3f: {  	_ =	shalt  }
0x40: {  	_ =	shalt  }
0x41: {  	_ =	shalt  }
0x42: {  	_ =	shalt  }
0x43: {  	_ =	shalt  }
0x44: {  	_ =	shalt  }
0x45: {  	_ =	shalt  }
0x46: {  	_ =	shalt  }
0x47: {  	_ =	shalt  }
0x48: {  	_ =	shalt  }
0x49: {  	_ =	shalt  }
0x4a: {  	_ =	shalt  }
0x4b: {  	_ =	shalt  }
0x4c: {  	_ =	shalt  }
0x4d: {  	_ =	shalt  }
0x4e: {  	_ =	shalt  }
0x4f: {  	_ =	shalt  }
0x50: {  	_ =	shalt  }
0x51: {  	_ =	shalt  }
0x52: {  	_ =	shalt  }
0x53: {  	_ =	shalt  }
0x54: {  	_ =	shalt  }
0x55: {  	_ =	shalt  }
0x56: {  	_ =	shalt  }
0x57: {  	_ =	shalt  }
0x58: {  	_ =	shalt  }
0x59: {  	_ =	shalt  }
0x5a: {  	_ =	shalt  }
0x5b: {  	_ =	shalt  }
0x5c: {  	_ =	shalt  }
0x5d: {  	_ =	shalt  }
0x5e: {  	_ =	shalt  }
0x5f: {  	_ =	shalt  }
0x60: {  	_ =	shalt  }
0x61: {  	_ =	shalt  }
0x62: {  	_ =	shalt  }
0x63: {  	_ =	shalt  }
0x64: {  	_ =	shalt  }
0x65: {  	_ =	shalt  }
0x66: {  	_ =	shalt  }
0x67: {  	_ =	shalt  }
0x68: {  	_ =	shalt  }
0x69: {  	_ =	shalt  }
0x6a: {  	_ =	shalt  }
0x6b: {  	_ =	shalt  }
0x6c: {  	_ =	shalt  }
0x6d: {  	_ =	shalt  }
0x6e: {  	_ =	shalt  }
0x6f: {  	_ =	shalt  }
0x70: {  	_ =	shalt  }
0x71: {  	_ =	shalt  }
0x72: {  	_ =	shalt  }
0x73: {  	_ =	shalt  }
0x74: {  	_ =	shalt  }
0x75: {  	_ =	shalt  }
0x76: {  	_ =	shalt  }
0x77: {  	_ =	shalt  }
0x78: {  	_ =	shalt  }
0x79: {  	_ =	shalt  }
0x7a: {  	_ =	shalt  }
0x7b: {  	_ =	shalt  }
0x7c: {  	_ =	shalt  }
0x7d: {  	_ =	shalt  }
0x7e: {  	_ =	shalt  }
0x7f: {  	_ =	shalt  }
0x80: {  	_ =	shalt  }
0x81: {  	_ =	shalt  }
0x82: {  	_ =	shalt  }
0x83: {  	_ =	shalt  }
0x84: {  	_ =	shalt  }
0x85: {  	_ =	shalt  }
0x86: {  	_ =	shalt  }
0x87: {  	_ =	shalt  }
.Lfunc_end0:
.L_simem_size_0:
called_computation.1_lowered:
.L_overlay_start_0:
0x88: {  	s2 =	sld [smem:$0x3FD9]  }
0x89: {  	s3 =	sld [smem:$0x3FFE];
	_ =	sdelay $0x1  }
0x8a: {  	s1 =	srdreg.scid  }
0x8b: {  	s0 =	sand.u32 $0x1, s1  }
0x8c: {  	s14 =	sshll.u32 s0, $0xA;
	s2 =	sadd.s32 s3, s2  }
0x8d: {  	s2 =	sadd.s32 s2, s14  }
0x8e: {  	[smem:$0x3FBA] =	sst s2  }
0x8f: {  	_ = 	snop  }
0x90: {  	s2 =	sld [smem:$0x3FD0];
	_ =	sdelay $0x2  }
0x91: {  	s15 =	simm.s32 $0xA;
	s4 =	simm.s32 $0x10  }
0x92: {  	[smem:s4], [sflag:s15] =	dma.local [hbm:s2], $0x1  }
0x93: {  	_ =	swait.eq [sflag:s15], $0x1  }
0x94: {  	[sflag:s15] =	ssyncset.done $0x0  }
0x95: {  	s16 =	sld [smem:$0x10];
	[sflag:s15] =	ssyncadd.s32 $0xFFFFFFFF  }
0x96: {  	s17 =	sld [smem:$0x11];
	(tm) =	ssettm $0x1  }
0x97: {  	s18 =	sld [smem:$0x3FFB];
	_ =	sdelay $0x3  }
0x98: {  	_ =	strace s18  }
0x99: {  	s4 =	sld [smem:$0x3FFC];
	_ =	sdelay $0x3  }
0x9a: {  	_ =	strace s4  }
0x9b: {  	s4 =	sld [smem:$0x3FFD];
	_ =	sdelay $0x3  }
0x9c: {  	_ =	strace s4  }
0x9d: {  	_ =	strace $0x8FFFFFFF  }
0x9e: {  	s19 =	sld [smem:$0x3FDB];
	_ =	sdelay $0x1  }
0x9f: {  	s5 =	simm.s32 $_scs_section_size  }
0xa0: {  	s6 =	simm.s32 $_size__tile_overlayer_lowered;
	s7 =	simm.s32 $_tile_overlayer_lowered  }
0xa1: {  	s22 =	simm.s32 $0x1BFF;
	s21 =	sshll.u32 s7, $0x1;
	s4 =	sadd.s32 s5, s19  }
0xa2: {  	s8 =	simm.s32 $0x0;
	s20 =	sshll.u32 s6, $0x1;
	s6 =	sadd.s32 s21, s4  }
0xa3: {  	[timem:s8], [sflag:s22] =	dma.local [hbm:s6], s20  }
0xa4: {  	_ =	swait.ge [sflag:s22], s20  }
0xa5: {  	s5 =	ssub.s32 $0x0, s20;
	[sflag:s22] =	ssyncset.done $0x0  }
0xa6: {  	[sflag:s22] =	ssyncadd.s32 s5;
	_ =	sdelay $0x1  }
0xa7: {  	s23 =	simm.s32 $0x1B8B  }
0xa8: {  	_ =	swait.ge [sflag:s23], $0x1  }
0xa9: {  	[sflag:s23] =	ssyncset.done $0x0  }
0xaa: {  	s25 =	simm.s32 $0x1B8E;
	s24 =	sld [smem:$0x3FFE];
	[sflag:s23] =	ssyncadd.s32 $0xFFFFFFFF  }
0xab: {  	s26 =	simm.s32 $execute0_lowered;
	[smem:$0x3FD2] =	sst s25  }
0xac: {  	s6 =	sshll.u32 s26, $0x1;
	_ =	strace $0x80000046;
	[dreg:$0x1] =	wrdreg $0xFFFFFFFF  }
0xad: {  	s28 =	simm.s32 $_size_execute0_lowered;
	s4 =	sadd.s32 s4, s6;
	[dreg:$0x0] =	wrdreg $0x0  }
0xae: {  	s6 =	sshll.u32 s28, $0x1;
	[dreg:$0x2] =	wrdreg s4  }
0xaf: {  	[dreg:$0x3] =	wrdreg s6  }
0xb0: {  	[dreg:$0x4] =	wrdreg $0xC0  }
0xb1: {  	_ =	task [dreg:s8], $0x5FFFF  }
0xb2: {  	[dreg:$0x1] =	wrdreg $0xFFFFFFFF  }
0xb3: {  	[dreg:$0x0] =	wrdreg $0x60  }
0xb4: {  	[dreg:$0x2] =	wrdreg s17  }
0xb5: {  	[dreg:$0x3] =	wrdreg s24  }
0xb6: {  	[dreg:$0x4] =	wrdreg s16  }
0xb7: {  	[dreg:$0x5] =	wrdreg $0x9  }
0xb8: {  	_ =	task.clear_ibuf [dreg:s8], $0x6FFFF;
	_ =	strace $0x90000046  }
0xb9: {  	s29 =	simm.s32 $0x9;
	_ =	strace $0x80000048  }
0xba: {  	_ =	swait.ge [sflag:s29], $0x1  }
0xbb: {  	[sflag:s29] =	ssyncadd.s32 $0xFFFFFFFF  }
0xbc: {  	_ =	strace $0x90000048  }
0xbd: {  	_ =	sfence  }
0xbe: {  	s30 =	sld [smem:$0x0];
	_ =	sdelay $0x2  }
0xbf: {  	s31 =	sshll.u32 s1, $0xD;
	s1 =	sshrl.u32 s1, $0x2  }
0xc0: {  	s3 =	sand.u32 $0x4000, s31;
	s1 =	sadd.s32 s1, s30  }
0xc1: {  	s0 =	sor.u32 s3, s0;
	s1 =	sshll.u32 s1, $0x11  }
0xc2: {  	s0 =	sor.u32 s1, s0  }
0xc3: {  	s0 =	sadd.s32 $0x8F2B, s0  }
0xc4: {  	[sflag:s0] =	ssyncadd.remote.s32 $0x1  }
0xc5: {  	_ =	sfence.sel $0xFFFF  }
0xc6: {  	[dreg:$0x0] =	wrdreg $0xFFFFFFFF;
	(pc) =	sbr.abs _section_cstart, $3  }
0xc7: {  	[dreg:$0x1] =	wrdreg $0xFFFFFFFF  }
0xc8: {  	_ =	task.clear_ibuf [dreg:s8], $0x2FFFF;
	_ =	strace $0x9FFFFFFF  }
0xc9: {  	(tm) =	ssettm $0x7FFFFFFF  }
tec
execute0_lowered:
.L_overlay_start_1:
0x0: {  	(tag) =	ssettag $0x1  }
0x1: {  	s0 =	rddreg [dreg:$0x0]  }
0x2: {  	s1 =	rddreg [dreg:$0x1]  }
0x3: {  	s6 =	rddreg [dreg:$0x2]  }
0x4: {  	s2 =	simm.s32 $0x0;
	s8 =	stileid.u32;
	s3 =	srdreg.scid  }
0x5: {  	s16 =	simm.s32 $0x3000;
	s17 =	simm.s32 $0x3080;
	s18 =	simm.s32 $0x3100  }
0x6: {  	s19 =	simm.s32 $0x3180;
	s20 =	simm.s32 $0x80;
	s21 =	simm.s32 $0x4230  }
0x7: {  	s22 =	simm.s32 $0x1;
	[smem:$0x7FF] =	sst s2;
	s4 =	sshll.u32 s8, $0xA  }
0x8: {  	s5 =	sand.u32 $0x1, s3;
	s23 =	sshll.u32 s8, $0x8;
	s7 =	sand.u32 $0x3000, s4  }
0x9: {  	s24 =	sshll.u32 s5, $0x7;
	_ =	strace $0x80000047;
	s11 =	ssub.s32 $0x2, s5  }
0xa: {  	s4 =	sadd.s32 $0x4400, s1;
	s5 =	sadd.s32 $0x14400, s1;
	s25 =	sshrl.u32 s7, $0x3  }
0xb: {  	s3 =	sor.u32 s24, s23;
	s13 =	sshrl.u32 s11, $0x1;
	s23 =	simm.s32 $0x2  }
0xc: {  	s24 =	simm.s32 $0x0;
	s9 =	sadd.s32 s25, s1;
	s0 =	sadd.s32 s0, s25  }
0xd: {  	s10 =	sshrl.u32 s3, $0x3;
	[dreg:$0x4] =	wrdreg s0;
	s28 =	sadd.s32 $0x3C00, s9  }
0xe: {  	s26 =	ssub.s32 s11, s13;
	s29 =	sadd.s32 $0x3400, s9;
	[dreg:$0x5] =	wrdreg s28  }
0xf: {  	s12 =	sadd.s32 s10, s1;
	s30 =	sadd.s32 s6, s10;
	[dreg:$0x6] =	wrdreg s29  }
0x10: {  	v0 =	vlaneseq.u32;
	s13 =	simm.s32 $0x3;
	[dreg:$0x7] =	wrdreg s30;
	s31 =	sadd.s32 $0x3200, s12  }
0x11: {  	v2 =	vimm.s32 $0x0;
	v3 =	vor.u32 $0x10, v0;
	v1 =	vmov s7;
	s11 =	sadd.s32 $0x3000, s12;
	s12 =	smax.u32 s26, $0x1;
	[dreg:$0x8] =	wrdreg s31  }
.LBB2_1:
0x12: {  	s0 =	rddreg [dreg:$0x4]  }
0x13: {  	[tilespmem:s2], [sflag:$0x3] =	stream.linear.gather [hbm4b:s0+s2], $0x1000, $0x38;
	[tilespmem:$0x6230] =	vst v63  }
0x14: {  	_ =	swait.ge [sflag:s13], $0x1000  }
0x15: {  	[sflag:s13] =	ssyncset.done $0x0  }
0x16: {  	s1 =	simm.s32 $0x1000;
	s26 =	rddreg [dreg:$0x5];
	[sflag:s13] =	ssyncadd.s32 $0xFFFFF000  }
0x17: {  	[tilespmem:s1], [sflag:$0x3] =	stream.linear.gather [hbm4b:s26+s2], $0x1000, $0x38;
	[tilespmem:$0x6230] =	vst v63  }
0x18: {  	_ =	swait.ge [sflag:s13], $0x1000  }
0x19: {  	[sflag:s13] =	ssyncset.done $0x0  }
0x1a: {  	s29 =	simm.s32 $0x2000;
	s28 =	rddreg [dreg:$0x6];
	[sflag:s13] =	ssyncadd.s32 $0xFFFFF000  }
0x1b: {  	[tilespmem:s29], [sflag:$0x3] =	stream.linear.gather [hbm4b:s28+s2], $0x1000, $0x38;
	[tilespmem:$0x6230] =	vst v63  }
0x1c: {  	_ =	swait.ge [sflag:s13], $0x1000  }
0x1d: {  	[sflag:s13] =	ssyncset.done $0x0  }
0x1e: {  	s30 =	rddreg [dreg:$0x7];
	[sflag:s13] =	ssyncadd.s32 $0xFFFFF000  }
0x1f: {  	[tilespmem:s16], [sflag:$0x3] =	stream.linear.gather [hbm4b:s30+s2], $0x80, $0x38;
	[tilespmem:$0x6230] =	vst v63  }
0x20: {  	_ =	swait.ge [sflag:s13], $0x80  }
0x21: {  	[sflag:s13] =	ssyncset.done $0x0  }
0x22: {  	s31 =	rddreg [dreg:$0x8];
	[sflag:s13] =	ssyncadd.s32 $0xFFFFFF80  }
0x23: {  	[tilespmem:s17], [sflag:$0x3] =	stream.linear.gather [hbm4b:s31+s2], $0x80, $0x38;
	[tilespmem:$0x6230] =	vst v63  }
0x24: {  	_ =	swait.ge [sflag:s13], $0x80  }
0x25: {  	[sflag:s13] =	ssyncset.done $0x0  }
0x26: {  	[sflag:s13] =	ssyncadd.s32 $0xFFFFFF80  }
0x27: {  	[tilespmem:s18], [sflag:$0x3] =	stream.linear.gather [hbm4b:s11+s2], $0x80, $0x38;
	[tilespmem:$0x6230] =	vst v63  }
0x28: {  	_ =	swait.ge [sflag:s13], $0x80  }
0x29: {  	[sflag:s13] =	ssyncset.done $0x0  }
0x2a: {  	s25 =	simm.s32 $0x0;
	[sflag:s13] =	ssyncadd.s32 $0xFFFFFF80  }
.LBB2_2:
0x2b: {  	s26 =	sshll.u32 s25, $0x2  }
0x2c: {  	v4 =	vmov s26  }
0x2d: {  	v4 =	vbroadcast v4, $0x0;
	_ =	sdelay $0x5  }
0x2e: {  	v5 =	vld.idx.msk [tilespmem:v4+s16+$0x0], $0xffff  }
0x2f: {  	s15 =	simm.s32 $0x0;
	s0 =	simm.s32 $0x70;
	s28 =	simm.s32 $0x2040;
	v6 =	vld.idx.msk [tilespmem:v4+s17+$0x0], $0xffff  }
0x30: {  	s1 =	simm.s32 $0x1040;
	s14 =	simm.s32 $0x40;
	s6 =	simm.s32 $0x0;
	v7 =	vld.idx.msk [tilespmem:v4+s18+$0x0], $0xffff;
	[tilespmem:$0x3180] =	vst v2  }
.LBB2_3:
0x31: {  	v8 =	vld [tilespmem:s14+$0xFFFFFFC0]  }
0x32: {  	v9 =	vld [tilespmem:s1+$0xFFFFFFC0];
	_ =	sdelay $0x1  }
0x33: {  	v10 =	vld [tilespmem:s28+$0xFFFFFFC0];
	_ =	sdelay $0x2  }
0x34: {  	v8 =	vsub.f32 v8, v5;
	v9 =	vsub.f32 v9, v6;
	_ =	sdelay $0x1  }
0x35: {  	v10 =	vsub.f32 v10, v7;
	v8 =	vmul.f32 v8, v8;
	v9 =	vmul.f32 v9, v9  }
0x36: {  	v11 =	vld [tilespmem:s14+$0xFFFFFFD0]  }
0x37: {  	v55 =	vld [tilespmem:s1+$0xFFFFFFD0];
	v54 =	vmul.f32 v10, v10;
	v8 =	vadd.f32 v9, v8  }
0x38: {  	v56 =	vld [tilespmem:s28+$0xFFFFFFD0]  }
0x39: {  	v8 =	vadd.f32 v54, v8;
	_ =	sdelay $0x1  }
0x3a: {  	vm1 =	vle.f32 v8, $3.999999910e-02  }
0x3b: {  	v11 =	vsub.f32 v11, v5;
	v10 =	vsub.f32 v55, v6;
	v8 =	vsel vm1, $0x1, v2  }
0x3c: {  	(xrf0) =	vadd.scan.msk.s32 $0xffff, v8;
	v8 =	vsub.f32 v56, v7  }
0x3d: {  	v57 =	vmul.f32 v11, v11;
	v10 =	vmul.f32 v10, v10  }
0x3e: {  	v58 =	vld [tilespmem:s14+$0xFFFFFFE0];
	v8 =	vmul.f32 v8, v8  }
0x3f: {  	v59 =	vld [tilespmem:s1+$0xFFFFFFE0];
	v9 =	vadd.f32 v10, v57;
	_ =	sdelay $0x1  }
0x40: {  	v12 =	vld [tilespmem:s28+$0xFFFFFFE0];
	v9 =	vadd.f32 v8, v9  }
0x41: {  	v8, _, _ =	vpop (xrf0)  }
0x42: {  	vm0 =	vle.f32 v9, $3.999999910e-02;
	v13 =	vxor.u32 $0x80000000, v8  }
0x43: {  	v11 =	vsub.f32 v58, v5;
	v10 =	vsub.f32 v59, v6;
	v9 =	vsel vm0, $0x1, v2;
	(xrf0) =	vmax.scan.msk.u32 $0xffff, v13  }
0x44: {  	(xrf0) =	vadd.scan.msk.s32 $0xffff, v9  }
0x45: {  	v60 =	vsub.f32 v12, v7;
	v11 =	vmul.f32 v11, v11;
	v10 =	vmul.f32 v10, v10  }
0x46: {  	v61 =	vld [tilespmem:s14+$0xFFFFFFF0]  }
0x47: {  	v62 =	vld [tilespmem:s1+$0xFFFFFFF0];
	v10 =	vadd.f32 v10, v11;
	v9 =	vmul.f32 v60, v60;
	_ =	sdelay $0x1  }
0x48: {  	v14 =	vld [tilespmem:s28+$0xFFFFFFF0];
	v10 =	vadd.f32 v9, v10;
	v13, _, _ =	vpop (xrf0)  }
0x49: {  	v63, _, _ =	vpop (xrf0)  }
0x4a: {  	vm2 =	vle.f32 v10, $3.999999910e-02;
	v15 =	vxor.u32 $0x80000000, v63  }
0x4b: {  	v12 =	vsub.f32 v61, v5;
	v11 =	vsub.f32 v62, v6;
	v10 =	vsel vm2, $0x1, v2;
	(xrf0) =	vmax.scan.msk.u32 $0xffff, v15  }
0x4c: {  	(xrf0) =	vadd.scan.msk.s32 $0xffff, v10  }
0x4d: {  	v21 =	vsub.f32 v14, v7;
	v12 =	vmul.f32 v12, v12;
	v11 =	vmul.f32 v11, v11  }
0x4e: {  	v22 =	vld [tilespmem:s14+$0x0]  }
0x4f: {  	v23 =	vld [tilespmem:s1+$0x0];
	v11 =	vadd.f32 v11, v12;
	v10 =	vmul.f32 v21, v21;
	_ =	sdelay $0x1  }
0x50: {  	v24 =	vld [tilespmem:s28+$0x0];
	v10 =	vadd.f32 v10, v11;
	v15, _, _ =	vpop (xrf0)  }
0x51: {  	v16, _, _ =	vpop (xrf0)  }
0x52: {  	vm3 =	vle.f32 v10, $3.999999910e-02;
	v17 =	vxor.u32 $0x80000000, v16  }
0x53: {  	v14 =	vsub.f32 v22, v5;
	v12 =	vsub.f32 v23, v6;
	v10 =	vsel vm3, $0x1, v2;
	(xrf0) =	vmax.scan.msk.u32 $0xffff, v17  }
0x54: {  	(xrf0) =	vadd.scan.msk.s32 $0xffff, v10  }
0x55: {  	v25 =	vsub.f32 v24, v7;
	v26 =	vmul.f32 v14, v14;
	v12 =	vmul.f32 v12, v12  }
0x56: {  	v27 =	vld [tilespmem:s14+$0x10]  }
0x57: {  	v28 =	vld [tilespmem:s1+$0x10];
	v11 =	vadd.f32 v12, v26;
	v10 =	vmul.f32 v25, v25;
	_ =	sdelay $0x1  }
0x58: {  	v29 =	vld [tilespmem:s28+$0x10];
	v10 =	vadd.f32 v10, v11;
	v17, _, _ =	vpop (xrf0)  }
0x59: {  	v18, _, _ =	vpop (xrf0)  }
0x5a: {  	vm4 =	vle.f32 v10, $3.999999910e-02;
	v19 =	vxor.u32 $0x80000000, v18  }
0x5b: {  	v14 =	vsub.f32 v27, v5;
	v12 =	vsub.f32 v28, v6;
	v10 =	vsel vm4, $0x1, v2;
	(xrf0) =	vmax.scan.msk.u32 $0xffff, v19  }
0x5c: {  	(xrf0) =	vadd.scan.msk.s32 $0xffff, v10  }
0x5d: {  	v30 =	vsub.f32 v29, v7;
	v31 =	vmul.f32 v14, v14;
	v12 =	vmul.f32 v12, v12  }
0x5e: {  	v32 =	vld [tilespmem:s14+$0x20]  }
0x5f: {  	v33 =	vld [tilespmem:s1+$0x20];
	v11 =	vadd.f32 v12, v31;
	v10 =	vmul.f32 v30, v30;
	_ =	sdelay $0x1  }
0x60: {  	v34 =	vld [tilespmem:s28+$0x20];
	v10 =	vadd.f32 v10, v11;
	v19, _, _ =	vpop (xrf0)  }
0x61: {  	v20, _, _ =	vpop (xrf0)  }
0x62: {  	vm5 =	vle.f32 v10, $3.999999910e-02;
	v21 =	vxor.u32 $0x80000000, v20  }
0x63: {  	v14 =	vsub.f32 v32, v5;
	v12 =	vsub.f32 v33, v6;
	v10 =	vsel vm5, $0x1, v2;
	(xrf0) =	vmax.scan.msk.u32 $0xffff, v21  }
0x64: {  	(xrf0) =	vadd.scan.msk.s32 $0xffff, v10  }
0x65: {  	v35 =	vsub.f32 v34, v7;
	v36 =	vmul.f32 v14, v14;
	v12 =	vmul.f32 v12, v12  }
0x66: {  	v37 =	vld [tilespmem:s14+$0x30]  }
0x67: {  	v38 =	vld [tilespmem:s1+$0x30];
	v11 =	vadd.f32 v12, v36;
	v10 =	vmul.f32 v35, v35;
	_ =	sdelay $0x1  }
0x68: {  	v39 =	vld [tilespmem:s28+$0x30];
	v10 =	vadd.f32 v10, v11;
	v21, _, _ =	vpop (xrf0)  }
0x69: {  	v22, _, _ =	vpop (xrf0)  }
0x6a: {  	vm6 =	vle.f32 v10, $3.999999910e-02;
	v40 =	vxor.u32 $0x80000000, v22  }
0x6b: {  	v14 =	vsub.f32 v37, v5;
	v12 =	vsub.f32 v38, v6;
	v41 =	vsel vm6, $0x1, v2;
	(xrf0) =	vmax.scan.msk.u32 $0xffff, v40  }
0x6c: {  	(xrf0) =	vadd.scan.msk.s32 $0xffff, v41  }
0x6d: {  	v42 =	vsub.f32 v39, v7;
	v43 =	vmul.f32 v14, v14;
	v12 =	vmul.f32 v12, v12;
	_ =	sdelay $0x1  }
0x6e: {  	v11 =	vadd.f32 v12, v43;
	v10 =	vmul.f32 v42, v42;
	_ =	sdelay $0x1  }
0x6f: {  	(v2sf) =	vpush v13, $0xF;
	v10 =	vadd.f32 v10, v11;
	v44, _, _ =	vpop (xrf0)  }
0x70: {  	v45, _, _ =	vpop (xrf0)  }
0x71: {  	(v2sf) =	vpush v15, $0xF;
	vm7 =	vle.f32 v10, $3.999999910e-02;
	v46 =	vxor.u32 $0x80000000, v45  }
0x72: {  	v47 =	vsel vm7, $0x1, v2;
	(xrf0) =	vmax.scan.msk.u32 $0xffff, v46  }
0x73: {  	(v2sf) =	vpush v17, $0xF;
	(xrf0) =	vadd.scan.msk.s32 $0xffff, v47;
	_ =	sdelay $0x2  }
0x74: {  	(v2sf) =	vpush v19, $0xF;
	_ =	sdelay $0x1  }
0x75: {  	(v2sf) =	vpush v21, $0xF;
	v48, _, _ =	vpop (xrf0)  }
0x76: {  	v49, _, _ =	vpop (xrf0)  }
0x77: {  	(v2sf) =	vpush v44, $0xF;
	v50 =	vxor.u32 $0x80000000, v49  }
0x78: {  	(xrf0) =	vmax.scan.msk.u32 $0xffff, v50  }
0x79: {  	(v2sf) =	vpush v48, $0xF;
	_ =	sdelay $0x1  }
0x7a: {  	s7 =	spop (v2sf)  }
0x7b: {  	s7 =	sadd.s32 s7, s6  }
0x7c: {  	s31 =	sadd.s32 $0x80000000, s7;
	s29 =	spop (v2sf)  }
0x7d: {  	s7 =	sadd.s32 s29, s31;
	v52, _, _ =	vpop (xrf0)  }
0x7e: {  	v51 =	vmov s6;
	s7 =	sadd.s32 $0x80000000, s7;
	s8 =	spop (v2sf);
	(v2sf) =	vpush v52, $0xF  }
0x7f: {  	v55 =	vmov s7;
	s9 =	sadd.s32 s8, s7;
	v10 =	vadd.s32 $0xFFFFFFFF, v51  }
0x80: {  	v53 =	vmov s31;
	v13 =	vadd.s32 $0xFFFFFFFF, v55;
	s6 =	sadd.s32 $0x80000000, s9;
	v10 =	vbroadcast v10, $0x0  }
0x81: {  	v54 =	vadd.s32 $0xFFFFFFFF, v53;
	v13 =	vbroadcast v13, $0x0;
	v56 =	vmov s6;
	s10 =	spop (v2sf)  }
0x82: {  	v14 =	vadd.s32 $0xFFFFFFFF, v56;
	v8 =	vadd.s32 v8, v10;
	v10 =	vbroadcast v54, $0x0;
	s6 =	sadd.s32 s10, s6  }
0x83: {  	v13 =	vadd.s32 v16, v13;
	v57 =	vbroadcast v14, $0x0;
	s6 =	sadd.s32 $0x80000000, s6;
	s30 =	spop (v2sf)  }
0x84: {  	vm9 =	vlt.s32 v13, $0xA0;
	vm8 =	vlt.s32 v8, $0xA0;
	v9 =	vadd.s32 v63, v10;
	s7 =	sadd.s32 s30, s6  }
0x85: {  	vm1 =	vmand vm1, vm8;
	v10 =	vadd.s32 v18, v57;
	v58 =	vmov s6;
	s8 =	sadd.s32 $0x80000000, s7;
	s31 =	spop (v2sf)  }
0x86: {  	s10 =	sadd.s32 $0xFFFFFF90, s0;
	vm12 =	vlt.s32 v9, $0xA0;
	vm13 =	vlt.s32 v10, $0xA0;
	v14 =	vadd.s32 $0xFFFFFFFF, v58;
	s6 =	sadd.s32 s31, s8  }
0x87: {  	v62 =	vor.u32 s10, v0;
	vm8 =	vmand vm0, vm12;
	v14 =	vbroadcast v14, $0x0;
	s6 =	sadd.s32 $0x80000000, s6;
	s9 =	spop (v2sf)  }
0x88: {  	vm0 =	vmand vm2, vm9;
	vm2 =	vmand vm3, vm13;
	v59 =	vmov s8;
	s7 =	sadd.s32 s9, s6  }
0x89: {  	v14 =	vadd.s32 v20, v14;
	v15 =	vadd.s32 $0xFFFFFFFF, v59;
	v60 =	vmov s6;
	s6 =	sadd.s32 $0x80000000, s7  }
0x8a: {  	v15 =	vbroadcast v15, $0x0;
	v16 =	vadd.s32 $0xFFFFFFFF, v60;
	v61 =	vmov s6  }
0x8b: {  	vm14 =	vlt.s32 v14, $0xA0;
	v16 =	vbroadcast v16, $0x0;
	v17 =	vadd.s32 $0xFFFFFFFF, v61  }
0x8c: {  	vm3 =	vmand vm4, vm14;
	s30 =	sadd.s32 $0xFFFFFFA0, s0;
	v15 =	vadd.s32 v22, v15;
	v17 =	vbroadcast v17, $0x0  }
0x8d: {  	[tilespmem:v8+s19+$0x0] =	vst.idx.msk vm1, v62;
	v8 =	vor.u32 s30, v0;
	vm15 =	vlt.s32 v15, $0xA0;
	v12 =	vadd.s32 v45, v16;
	s30 =	spop (v2sf)  }
0x8e: {  	vm12 =	vmand vm5, vm15;
	vm13 =	vlt.s32 v12, $0xA0;
	v11 =	vadd.s32 v49, v17;
	s6 =	sadd.s32 s30, s6  }
0x8f: {  	p0 =	sgt.u32 s15, $0x1E;
	s31 =	sadd.s32 $0xFFFFFFB0, s0;
	vm14 =	vmand vm6, vm13;
	vm15 =	vlt.s32 v11, $0xA0;
	s6 =	sadd.s32 $0x80000000, s6  }
0x90: {  	[tilespmem:v9+s19+$0x0] =	vst.idx.msk vm8, v8;
	s8 =	sadd.s32 $0xFFFFFFC0, s0;
	v8 =	vor.u32 s31, v0;
	vm5 =	vmand vm7, vm15;
	p1 =	slt.s32 @!p0 s6, $0x20  }
0x91: {  	[tilespmem:v13+s19+$0x0] =	vst.idx.msk vm0, v8;
	v8 =	vor.u32 s8, v0;
	s9 =	sadd.s32 $0xFFFFFFD0, s0;
	p0 =	por p0, !p1  }
.Ltmp0:
0x92: {  	s10 =	sadd.s32 $0xFFFFFFE0, s0;
	[tilespmem:v10+s19+$0x0] =	vst.idx.msk vm2, v8;
	v8 =	vor.u32 s9, v0;
	(pc) =	sbr.rel @!p0 .LBB2_3-.Ltmp0, $4  }
0x93: {  	s31 =	sadd.s32 $0xFFFFFFF0, s0;
	[tilespmem:v14+s19+$0x0] =	vst.idx.msk vm3, v8;
	v8 =	vor.u32 s10, v0  }
0x94: {  	[tilespmem:v15+s19+$0x0] =	vst.idx.msk vm12, v8;
	v8 =	vor.u32 s31, v0  }
0x95: {  	s15 =	sadd.s32 $0x1, s15;
	s28 =	sadd.s32 $0x80, s28;
	v63 =	vor.u32 s0, v0;
	[tilespmem:v12+s19+$0x0] =	vst.idx.msk vm14, v8  }
0x96: {  	s1 =	sadd.s32 $0x80, s1;
	s14 =	sadd.s32 $0x80, s14;
	s0 =	sadd.s32 $0x80, s0;
	[tilespmem:v11+s19+$0x0] =	vst.idx.msk vm5, v63  }
0x97: {  	v6 =	vld.msk [tilespmem:s19+$0x0], $0xffff  }
0x98: {  	v7 =	vld [tilespmem:$0x3180];
	s31 =	sor.u32 $0x1, s26  }
0x99: {  	v8 =	vld [tilespmem:$0x3190];
	v5 =	vmov s31  }
0x9a: {  	v5 =	vand.u32 $0xFFFFFFFD, v5  }
0x9b: {  	v9 =	vmov s6;
	v5 =	vbroadcast v5, $0x0  }
0x9c: {  	vm0 =	vgt.s32 v9, v0  }
0x9d: {  	vm15 =	vgt.s32 v9, v3;
	v7 =	vsel vm0, v7, v6  }
0x9e: {  	s28 =	sshll.u32 s25, $0x7;
	v6 =	vsel vm15, v8, v6;
	v7 =	vadd.s32 v1, v7  }
0x9f: {  	v6 =	vadd.s32 v1, v6;
	[tilespmem:s28+$0x3230] =	vst v7  }
0xa0: {  	[tilespmem:s28+$0x3240] =	vst v6  }
0xa1: {  	s6 =	simm.s32 $0x0;
	s0 =	simm.s32 $0x70;
	v6 =	vld.idx.msk [tilespmem:v5+s16+$0x0], $0xffff  }
0xa2: {  	s1 =	simm.s32 $0x2040;
	s14 =	simm.s32 $0x1040;
	s15 =	simm.s32 $0x40;
	v7 =	vld.idx.msk [tilespmem:v5+s17+$0x0], $0xffff  }
0xa3: {  	s7 =	simm.s32 $0x0;
	s30 =	sadd.s32 $0x3230, s28;
	s29 =	sor.u32 $0x10, s28;
	v8 =	vld.idx.msk [tilespmem:v5+s18+$0x0], $0xffff;
	[tilespmem:$0x3180] =	vst v2  }
.LBB2_5:
0xa4: {  	v9 =	vld [tilespmem:s15+$0xFFFFFFC0]  }
0xa5: {  	v10 =	vld [tilespmem:s14+$0xFFFFFFC0];
	_ =	sdelay $0x1  }
0xa6: {  	v11 =	vld [tilespmem:s1+$0xFFFFFFC0];
	_ =	sdelay $0x2  }
0xa7: {  	v9 =	vsub.f32 v9, v6;
	v10 =	vsub.f32 v10, v7;
	_ =	sdelay $0x1  }
0xa8: {  	v11 =	vsub.f32 v11, v8;
	v9 =	vmul.f32 v9, v9;
	v10 =	vmul.f32 v10, v10;
	_ =	sdelay $0x1  }
0xa9: {  	v12 =	vld [tilespmem:s15+$0xFFFFFFD0];
	v9 =	vadd.f32 v10, v9;
	v10 =	vmul.f32 v11, v11  }
0xaa: {  	v11 =	vld [tilespmem:s14+$0xFFFFFFD0]  }
0xab: {  	v9 =	vadd.f32 v10, v9;
	v10 =	vld [tilespmem:s1+$0xFFFFFFD0];
	_ =	sdelay $0x2  }
0xac: {  	vm1 =	vle.f32 v9, $3.999999910e-02  }
0xad: {  	v12 =	vsub.f32 v12, v6;
	v9 =	vsel vm1, $0x1, v2;
	v11 =	vsub.f32 v11, v7  }
0xae: {  	(xrf0) =	vadd.scan.msk.s32 $0xffff, v9;
	v9 =	vsub.f32 v10, v8  }
0xaf: {  	v10 =	vmul.f32 v12, v12;
	v11 =	vmul.f32 v11, v11  }
0xb0: {  	v33 =	vld [tilespmem:s15+$0xFFFFFFE0];
	v9 =	vmul.f32 v9, v9  }
0xb1: {  	v10 =	vadd.f32 v11, v10;
	v11 =	vld [tilespmem:s14+$0xFFFFFFE0]  }
0xb2: {  	v13 =	vld [tilespmem:s1+$0xFFFFFFE0]  }
0xb3: {  	v10 =	vadd.f32 v9, v10  }
0xb4: {  	v9, _, _ =	vpop (xrf0)  }
0xb5: {  	vm0 =	vle.f32 v10, $3.999999910e-02;
	v14 =	vxor.u32 $0x80000000, v9  }
0xb6: {  	v12 =	vsub.f32 v33, v6;
	v10 =	vsel vm0, $0x1, v2;
	v11 =	vsub.f32 v11, v7;
	(xrf0) =	vmax.scan.msk.u32 $0xffff, v14  }
0xb7: {  	(xrf0) =	vadd.scan.msk.s32 $0xffff, v10;
	v10 =	vsub.f32 v13, v8  }
0xb8: {  	v12 =	vmul.f32 v12, v12;
	v11 =	vmul.f32 v11, v11  }
0xb9: {  	v34 =	vld [tilespmem:s15+$0xFFFFFFF0];
	v10 =	vmul.f32 v10, v10  }
0xba: {  	v35 =	vld [tilespmem:s14+$0xFFFFFFF0];
	v11 =	vadd.f32 v11, v12;
	_ =	sdelay $0x1  }
0xbb: {  	v15 =	vld [tilespmem:s1+$0xFFFFFFF0];
	v11 =	vadd.f32 v10, v11;
	v14, _, _ =	vpop (xrf0)  }
0xbc: {  	v10, _, _ =	vpop (xrf0)  }
0xbd: {  	vm2 =	vle.f32 v11, $3.999999910e-02;
	v16 =	vxor.u32 $0x80000000, v10  }
0xbe: {  	v13 =	vsub.f32 v34, v6;
	v12 =	vsub.f32 v35, v7;
	v11 =	vsel vm2, $0x1, v2;
	(xrf0) =	vmax.scan.msk.u32 $0xffff, v16  }
0xbf: {  	(xrf0) =	vadd.scan.msk.s32 $0xffff, v11  }
0xc0: {  	v13 =	vmul.f32 v13, v13;
	v12 =	vmul.f32 v12, v12;
	v11 =	vsub.f32 v15, v8  }
0xc1: {  	v36 =	vld [tilespmem:s15+$0x0]  }
0xc2: {  	v37 =	vld [tilespmem:s14+$0x0];
	v12 =	vadd.f32 v12, v13;
	v11 =	vmul.f32 v11, v11;
	_ =	sdelay $0x1  }
0xc3: {  	v38 =	vld [tilespmem:s1+$0x0];
	v11 =	vadd.f32 v11, v12;
	v16, _, _ =	vpop (xrf0)  }
0xc4: {  	v17, _, _ =	vpop (xrf0)  }
0xc5: {  	vm3 =	vle.f32 v11, $3.999999910e-02;
	v18 =	vxor.u32 $0x80000000, v17  }
0xc6: {  	v13 =	vsub.f32 v37, v7;
	v15 =	vsub.f32 v36, v6;
	v11 =	vsel vm3, $0x1, v2;
	(xrf0) =	vmax.scan.msk.u32 $0xffff, v18  }
0xc7: {  	(xrf0) =	vadd.scan.msk.s32 $0xffff, v11  }
0xc8: {  	v13 =	vmul.f32 v13, v13;
	v39 =	vmul.f32 v15, v15;
	v11 =	vsub.f32 v38, v8  }
0xc9: {  	v40 =	vld [tilespmem:s15+$0x10]  }
0xca: {  	v41 =	vld [tilespmem:s14+$0x10];
	v12 =	vadd.f32 v13, v39;
	v11 =	vmul.f32 v11, v11;
	_ =	sdelay $0x1  }
0xcb: {  	v42 =	vld [tilespmem:s1+$0x10];
	v11 =	vadd.f32 v11, v12;
	v18, _, _ =	vpop (xrf0)  }
0xcc: {  	v19, _, _ =	vpop (xrf0)  }
0xcd: {  	vm4 =	vle.f32 v11, $3.999999910e-02;
	v20 =	vxor.u32 $0x80000000, v19  }
0xce: {  	v15 =	vsub.f32 v40, v6;
	v13 =	vsub.f32 v41, v7;
	v11 =	vsel vm4, $0x1, v2;
	(xrf0) =	vmax.scan.msk.u32 $0xffff, v20  }
0xcf: {  	(xrf0) =	vadd.scan.msk.s32 $0xffff, v11  }
0xd0: {  	v43 =	vmul.f32 v15, v15;
	v13 =	vmul.f32 v13, v13;
	v11 =	vsub.f32 v42, v8  }
0xd1: {  	v44 =	vld [tilespmem:s15+$0x20]  }
0xd2: {  	v45 =	vld [tilespmem:s14+$0x20];
	v12 =	vadd.f32 v13, v43;
	v11 =	vmul.f32 v11, v11;
	_ =	sdelay $0x1  }
0xd3: {  	v46 =	vld [tilespmem:s1+$0x20];
	v11 =	vadd.f32 v11, v12;
	v20, _, _ =	vpop (xrf0)  }
0xd4: {  	v21, _, _ =	vpop (xrf0)  }
0xd5: {  	vm5 =	vle.f32 v11, $3.999999910e-02;
	v22 =	vxor.u32 $0x80000000, v21  }
0xd6: {  	v15 =	vsub.f32 v44, v6;
	v13 =	vsub.f32 v45, v7;
	v11 =	vsel vm5, $0x1, v2;
	(xrf0) =	vmax.scan.msk.u32 $0xffff, v22  }
0xd7: {  	(xrf0) =	vadd.scan.msk.s32 $0xffff, v11  }
0xd8: {  	v47 =	vmul.f32 v15, v15;
	v13 =	vmul.f32 v13, v13;
	v11 =	vsub.f32 v46, v8  }
0xd9: {  	v48 =	vld [tilespmem:s15+$0x30]  }
0xda: {  	v49 =	vld [tilespmem:s14+$0x30];
	v12 =	vadd.f32 v13, v47;
	v11 =	vmul.f32 v11, v11;
	_ =	sdelay $0x1  }
0xdb: {  	v50 =	vld [tilespmem:s1+$0x30];
	v11 =	vadd.f32 v11, v12;
	v22, _, _ =	vpop (xrf0)  }
0xdc: {  	v23, _, _ =	vpop (xrf0)  }
0xdd: {  	vm6 =	vle.f32 v11, $3.999999910e-02;
	v11 =	vxor.u32 $0x80000000, v23  }
0xde: {  	v15 =	vsub.f32 v48, v6;
	v13 =	vsub.f32 v49, v7;
	(xrf0) =	vmax.scan.msk.u32 $0xffff, v11;
	v11 =	vsel vm6, $0x1, v2  }
0xdf: {  	(xrf0) =	vadd.scan.msk.s32 $0xffff, v11  }
0xe0: {  	v51 =	vmul.f32 v15, v15;
	v13 =	vmul.f32 v13, v13;
	v11 =	vsub.f32 v50, v8;
	_ =	sdelay $0x1  }
0xe1: {  	v12 =	vadd.f32 v13, v51;
	v11 =	vmul.f32 v11, v11;
	_ =	sdelay $0x1  }
0xe2: {  	v11 =	vadd.f32 v11, v12;
	v52, _, _ =	vpop (xrf0)  }
0xe3: {  	(v2sf) =	vpush v14, $0xF;
	v53, _, _ =	vpop (xrf0)  }
0xe4: {  	vm7 =	vle.f32 v11, $3.999999910e-02;
	v11 =	vxor.u32 $0x80000000, v53  }
0xe5: {  	(v2sf) =	vpush v16, $0xF;
	(xrf0) =	vmax.scan.msk.u32 $0xffff, v11;
	v11 =	vsel vm7, $0x1, v2  }
0xe6: {  	(xrf0) =	vadd.scan.msk.s32 $0xffff, v11  }
0xe7: {  	(v2sf) =	vpush v18, $0xF;
	_ =	sdelay $0x1  }
0xe8: {  	(v2sf) =	vpush v20, $0xF;
	_ =	sdelay $0x1  }
0xe9: {  	(v2sf) =	vpush v22, $0xF;
	v11, _, _ =	vpop (xrf0)  }
0xea: {  	(v2sf) =	vpush v52, $0xF;
	v54, _, _ =	vpop (xrf0)  }
0xeb: {  	(v2sf) =	vpush v11, $0xF;
	v11 =	vxor.u32 $0x80000000, v54  }
0xec: {  	(xrf0) =	vmax.scan.msk.u32 $0xffff, v11;
	_ =	sdelay $0x3  }
0xed: {  	s8 =	spop (v2sf)  }
0xee: {  	s8 =	sadd.s32 s8, s7;
	v11 =	vmov s7  }
0xef: {  	s9 =	spop (v2sf);
	s7 =	sadd.s32 $0x80000000, s8;
	v11 =	vadd.s32 $0xFFFFFFFF, v11;
	v55, _, _ =	vpop (xrf0)  }
0xf0: {  	s8 =	sadd.s32 s9, s7;
	v11 =	vbroadcast v11, $0x0;
	(v2sf) =	vpush v55, $0xF  }
0xf1: {  	s10 =	spop (v2sf);
	v56 =	vmov s7;
	s8 =	sadd.s32 $0x80000000, s8  }
0xf2: {  	s9 =	sadd.s32 s10, s8;
	v57 =	vmov s8;
	v9 =	vadd.s32 v9, v11;
	v11 =	vadd.s32 $0xFFFFFFFF, v56  }
0xf3: {  	s10 =	spop (v2sf);
	s7 =	sadd.s32 $0x80000000, s9;
	v14 =	vadd.s32 $0xFFFFFFFF, v57;
	v11 =	vbroadcast v11, $0x0  }
0xf4: {  	v58 =	vmov s7;
	s7 =	sadd.s32 s10, s7;
	vm8 =	vlt.s32 v9, $0xA0;
	v14 =	vbroadcast v14, $0x0  }
0xf5: {  	s9 =	spop (v2sf);
	v15 =	vadd.s32 $0xFFFFFFFF, v58;
	s7 =	sadd.s32 $0x80000000, s7;
	vm1 =	vmand vm1, vm8;
	v10 =	vadd.s32 v10, v11  }
0xf6: {  	v11 =	vbroadcast v15, $0x0;
	s8 =	sadd.s32 s9, s7;
	v14 =	vadd.s32 v17, v14;
	v59 =	vmov s7  }
0xf7: {  	s10 =	spop (v2sf);
	vm12 =	vlt.s32 v10, $0xA0;
	s8 =	sadd.s32 $0x80000000, s8;
	v15 =	vadd.s32 $0xFFFFFFFF, v59;
	vm9 =	vlt.s32 v14, $0xA0  }
0xf8: {  	v11 =	vadd.s32 v19, v11;
	v60 =	vmov s8;
	s7 =	sadd.s32 s10, s8;
	v15 =	vbroadcast v15, $0x0  }
0xf9: {  	vm8 =	vmand vm0, vm12;
	vm0 =	vmand vm2, vm9;
	s10 =	sadd.s32 $0xFFFFFF90, s0;
	v16 =	vadd.s32 $0xFFFFFFFF, v60;
	s7 =	sadd.s32 $0x80000000, s7;
	s9 =	spop (v2sf)  }
0xfa: {  	vm13 =	vlt.s32 v11, $0xA0;
	v63 =	vor.u32 s10, v0;
	v16 =	vbroadcast v16, $0x0;
	s8 =	sadd.s32 s9, s7  }
0xfb: {  	v15 =	vadd.s32 v21, v15;
	v61 =	vmov s7;
	vm2 =	vmand vm3, vm13;
	s7 =	sadd.s32 $0x80000000, s8  }
0xfc: {  	v17 =	vadd.s32 $0xFFFFFFFF, v61;
	vm14 =	vlt.s32 v15, $0xA0;
	v62 =	vmov s7  }
0xfd: {  	v16 =	vadd.s32 v23, v16;
	v17 =	vbroadcast v17, $0x0;
	s9 =	sadd.s32 $0xFFFFFFA0, s0;
	v18 =	vadd.s32 $0xFFFFFFFF, v62  }
0xfe: {  	s10 =	sadd.s32 $0xFFFFFFB0, s0;
	[tilespmem:v9+s19+$0x0] =	vst.idx.msk vm1, v63;
	vm3 =	vmand vm4, vm14;
	v9 =	vor.u32 s9, v0;
	v18 =	vbroadcast v18, $0x0  }
0xff: {  	vm15 =	vlt.s32 v16, $0xA0;
	v13 =	vadd.s32 v53, v17;
	[tilespmem:v10+s19+$0x0] =	vst.idx.msk vm8, v9;
	v9 =	vor.u32 s10, v0;
	s10 =	spop (v2sf)  }
0x100: {  	vm12 =	vmand vm5, vm15;
	vm13 =	vlt.s32 v13, $0xA0;
	v12 =	vadd.s32 v54, v18;
	s7 =	sadd.s32 s10, s7  }
0x101: {  	p0 =	sgt.u32 s6, $0x1E;
	vm14 =	vmand vm6, vm13;
	vm15 =	vlt.s32 v12, $0xA0;
	s7 =	sadd.s32 $0x80000000, s7  }
0x102: {  	s9 =	sadd.s32 $0xFFFFFFC0, s0;
	vm5 =	vmand vm7, vm15;
	p1 =	slt.s32 @!p0 s7, $0x20  }
0x103: {  	s8 =	sadd.s32 $0xFFFFFFD0, s0;
	[tilespmem:v14+s19+$0x0] =	vst.idx.msk vm0, v9;
	v9 =	vor.u32 s9, v0;
	p0 =	por p0, !p1  }
.Ltmp1:
0x104: {  	s9 =	sadd.s32 $0xFFFFFFE0, s0;
	[tilespmem:v11+s19+$0x0] =	vst.idx.msk vm2, v9;
	v9 =	vor.u32 s8, v0;
	(pc) =	sbr.rel @!p0 .LBB2_5-.Ltmp1, $4  }
0x105: {  	[tilespmem:v15+s19+$0x0] =	vst.idx.msk vm3, v9;
	v9 =	vor.u32 s9, v0;
	s10 =	sadd.s32 $0xFFFFFFF0, s0  }
0x106: {  	[tilespmem:v16+s19+$0x0] =	vst.idx.msk vm12, v9;
	v9 =	vor.u32 s10, v0  }
0x107: {  	s6 =	sadd.s32 $0x1, s6;
	s15 =	sadd.s32 $0x80, s15;
	v10 =	vor.u32 s0, v0;
	[tilespmem:v13+s19+$0x0] =	vst.idx.msk vm14, v9  }
0x108: {  	s1 =	sadd.s32 $0x80, s1;
	s14 =	sadd.s32 $0x80, s14;
	s0 =	sadd.s32 $0x80, s0;
	[tilespmem:v12+s19+$0x0] =	vst.idx.msk vm5, v10  }
0x109: {  	v7 =	vld.msk [tilespmem:s19+$0x0], $0xffff  }
0x10a: {  	v8 =	vld [tilespmem:$0x3180];
	s0 =	sor.u32 $0x2, s26  }
0x10b: {  	v9 =	vld [tilespmem:$0x3190];
	v6 =	vmov s0  }
0x10c: {  	v6 =	vand.u32 $0xFFFFFFFE, v6  }
0x10d: {  	v10 =	vmov s7;
	v6 =	vbroadcast v6, $0x0  }
0x10e: {  	vm0 =	vgt.s32 v10, v0  }
0x10f: {  	s1 =	sshll.u32 s31, $0x5;
	vm15 =	vgt.s32 v10, v3;
	v8 =	vsel vm0, v8, v7  }
0x110: {  	s1 =	sand.u32 $0x3FFFFFE0, s1;
	v7 =	vsel vm15, v9, v7;
	v8 =	vadd.s32 v1, v8  }
0x111: {  	v7 =	vadd.s32 v1, v7;
	[tilespmem:s1+$0x3230] =	vst v8  }
0x112: {  	[tilespmem:s1+$0x3240] =	vst v7  }
0x113: {  	v7 =	vld.idx.msk [tilespmem:v6+s16+$0x0], $0xffff  }
0x114: {  	s6 =	simm.s32 $0x0;
	s31 =	simm.s32 $0x70;
	s14 =	simm.s32 $0x1040;
	v8 =	vld.idx.msk [tilespmem:v6+s17+$0x0], $0xffff  }
0x115: {  	s15 =	simm.s32 $0x40;
	s7 =	simm.s32 $0x0;
	s1 =	simm.s32 $0x2040;
	v9 =	vld.idx.msk [tilespmem:v6+s18+$0x0], $0xffff;
	[tilespmem:$0x3180] =	vst v2  }
.LBB2_7:
0x116: {  	v10 =	vld [tilespmem:s15+$0xFFFFFFC0]  }
0x117: {  	v11 =	vld [tilespmem:s14+$0xFFFFFFC0];
	_ =	sdelay $0x1  }
0x118: {  	v12 =	vld [tilespmem:s1+$0xFFFFFFC0];
	_ =	sdelay $0x2  }
0x119: {  	v10 =	vsub.f32 v10, v7;
	v11 =	vsub.f32 v11, v8;
	_ =	sdelay $0x1  }
0x11a: {  	v12 =	vsub.f32 v12, v9;
	v10 =	vmul.f32 v10, v10;
	v11 =	vmul.f32 v11, v11;
	_ =	sdelay $0x1  }
0x11b: {  	v13 =	vld [tilespmem:s15+$0xFFFFFFD0];
	v10 =	vadd.f32 v11, v10;
	v11 =	vmul.f32 v12, v12  }
0x11c: {  	v17 =	vld [tilespmem:s14+$0xFFFFFFD0]  }
0x11d: {  	v10 =	vadd.f32 v11, v10;
	v11 =	vld [tilespmem:s1+$0xFFFFFFD0];
	_ =	sdelay $0x2  }
0x11e: {  	vm1 =	vle.f32 v10, $3.999999910e-02  }
0x11f: {  	v13 =	vsub.f32 v13, v7;
	v12 =	vsub.f32 v17, v8;
	v10 =	vsel vm1, $0x1, v2  }
0x120: {  	(xrf0) =	vadd.scan.msk.s32 $0xffff, v10;
	v10 =	vsub.f32 v11, v9  }
0x121: {  	v12 =	vmul.f32 v12, v12;
	v11 =	vmul.f32 v13, v13  }
0x122: {  	v18 =	vld [tilespmem:s15+$0xFFFFFFE0];
	v10 =	vmul.f32 v10, v10  }
0x123: {  	v19 =	vld [tilespmem:s14+$0xFFFFFFE0];
	v11 =	vadd.f32 v12, v11  }
0x124: {  	v14 =	vld [tilespmem:s1+$0xFFFFFFE0]  }
0x125: {  	v11 =	vadd.f32 v10, v11  }
0x126: {  	v10, _, _ =	vpop (xrf0)  }
0x127: {  	vm0 =	vle.f32 v11, $3.999999910e-02;
	v15 =	vxor.u32 $0x80000000, v10  }
0x128: {  	v13 =	vsub.f32 v18, v7;
	v12 =	vsub.f32 v19, v8;
	v11 =	vsel vm0, $0x1, v2;
	(xrf0) =	vmax.scan.msk.u32 $0xffff, v15  }
0x129: {  	(xrf0) =	vadd.scan.msk.s32 $0xffff, v11;
	v11 =	vsub.f32 v14, v9  }
0x12a: {  	v13 =	vmul.f32 v13, v13;
	v12 =	vmul.f32 v12, v12  }
0x12b: {  	v20 =	vld [tilespmem:s15+$0xFFFFFFF0];
	v11 =	vmul.f32 v11, v11  }
0x12c: {  	v21 =	vld [tilespmem:s14+$0xFFFFFFF0];
	v12 =	vadd.f32 v12, v13;
	_ =	sdelay $0x1  }
0x12d: {  	v16 =	vld [tilespmem:s1+$0xFFFFFFF0];
	v12 =	vadd.f32 v11, v12;
	v15, _, _ =	vpop (xrf0)  }
0x12e: {  	v11, _, _ =	vpop (xrf0)  }
0x12f: {  	vm2 =	vle.f32 v12, $3.999999910e-02;
	v17 =	vxor.u32 $0x80000000, v11  }
0x130: {  	v13 =	vsub.f32 v21, v8;
	v14 =	vsub.f32 v20, v7;
	v12 =	vsel vm2, $0x1, v2;
	(xrf0) =	vmax.scan.msk.u32 $0xffff, v17  }
0x131: {  	(xrf0) =	vadd.scan.msk.s32 $0xffff, v12  }
0x132: {  	v22 =	vsub.f32 v16, v9;
	v13 =	vmul.f32 v13, v13;
	v14 =	vmul.f32 v14, v14  }
0x133: {  	v23 =	vld [tilespmem:s15+$0x0]  }
0x134: {  	v24 =	vld [tilespmem:s14+$0x0];
	v13 =	vadd.f32 v13, v14;
	v12 =	vmul.f32 v22, v22;
	_ =	sdelay $0x1  }
0x135: {  	v25 =	vld [tilespmem:s1+$0x0];
	v12 =	vadd.f32 v12, v13;
	v17, _, _ =	vpop (xrf0)  }
0x136: {  	v18, _, _ =	vpop (xrf0)  }
0x137: {  	vm3 =	vle.f32 v12, $3.999999910e-02;
	v19 =	vxor.u32 $0x80000000, v18  }
0x138: {  	v16 =	vsub.f32 v23, v7;
	v14 =	vsub.f32 v24, v8;
	v12 =	vsel vm3, $0x1, v2;
	(xrf0) =	vmax.scan.msk.u32 $0xffff, v19  }
0x139: {  	(xrf0) =	vadd.scan.msk.s32 $0xffff, v12  }
0x13a: {  	v26 =	vsub.f32 v25, v9;
	v27 =	vmul.f32 v16, v16;
	v14 =	vmul.f32 v14, v14  }
0x13b: {  	v28 =	vld [tilespmem:s15+$0x10]  }
0x13c: {  	v29 =	vld [tilespmem:s14+$0x10];
	v13 =	vadd.f32 v14, v27;
	v12 =	vmul.f32 v26, v26;
	_ =	sdelay $0x1  }
0x13d: {  	v30 =	vld [tilespmem:s1+$0x10];
	v12 =	vadd.f32 v12, v13;
	v19, _, _ =	vpop (xrf0)  }
0x13e: {  	v20, _, _ =	vpop (xrf0)  }
0x13f: {  	vm4 =	vle.f32 v12, $3.999999910e-02;
	v21 =	vxor.u32 $0x80000000, v20  }
0x140: {  	v16 =	vsub.f32 v28, v7;
	v14 =	vsub.f32 v29, v8;
	v12 =	vsel vm4, $0x1, v2;
	(xrf0) =	vmax.scan.msk.u32 $0xffff, v21  }
0x141: {  	(xrf0) =	vadd.scan.msk.s32 $0xffff, v12  }
0x142: {  	v31 =	vsub.f32 v30, v9;
	v32 =	vmul.f32 v16, v16;
	v14 =	vmul.f32 v14, v14  }
0x143: {  	v33 =	vld [tilespmem:s15+$0x20]  }
0x144: {  	v34 =	vld [tilespmem:s14+$0x20];
	v13 =	vadd.f32 v14, v32;
	v12 =	vmul.f32 v31, v31;
	_ =	sdelay $0x1  }
0x145: {  	v35 =	vld [tilespmem:s1+$0x20];
	v12 =	vadd.f32 v12, v13;
	v21, _, _ =	vpop (xrf0)  }
0x146: {  	v22, _, _ =	vpop (xrf0)  }
0x147: {  	vm5 =	vle.f32 v12, $3.999999910e-02;
	v23 =	vxor.u32 $0x80000000, v22  }
0x148: {  	v16 =	vsub.f32 v33, v7;
	v14 =	vsub.f32 v34, v8;
	v12 =	vsel vm5, $0x1, v2;
	(xrf0) =	vmax.scan.msk.u32 $0xffff, v23  }
0x149: {  	(xrf0) =	vadd.scan.msk.s32 $0xffff, v12  }
0x14a: {  	v36 =	vsub.f32 v35, v9;
	v37 =	vmul.f32 v16, v16;
	v14 =	vmul.f32 v14, v14  }
0x14b: {  	v38 =	vld [tilespmem:s15+$0x30]  }
0x14c: {  	v39 =	vld [tilespmem:s14+$0x30];
	v13 =	vadd.f32 v14, v37;
	v12 =	vmul.f32 v36, v36;
	_ =	sdelay $0x1  }
0x14d: {  	v40 =	vld [tilespmem:s1+$0x30];
	v12 =	vadd.f32 v12, v13;
	v23, _, _ =	vpop (xrf0)  }
0x14e: {  	v24, _, _ =	vpop (xrf0)  }
0x14f: {  	vm6 =	vle.f32 v12, $3.999999910e-02;
	v41 =	vxor.u32 $0x80000000, v24  }
0x150: {  	v16 =	vsub.f32 v38, v7;
	v14 =	vsub.f32 v39, v8;
	v42 =	vsel vm6, $0x1, v2;
	(xrf0) =	vmax.scan.msk.u32 $0xffff, v41  }
0x151: {  	(xrf0) =	vadd.scan.msk.s32 $0xffff, v42  }
0x152: {  	v43 =	vsub.f32 v40, v9;
	v44 =	vmul.f32 v16, v16;
	v14 =	vmul.f32 v14, v14;
	_ =	sdelay $0x1  }
0x153: {  	v13 =	vadd.f32 v14, v44;
	v12 =	vmul.f32 v43, v43  }
0x154: {  	(v2sf) =	vpush v15, $0xF  }
0x155: {  	v12 =	vadd.f32 v12, v13;
	v45, _, _ =	vpop (xrf0)  }
0x156: {  	(v2sf) =	vpush v17, $0xF;
	v46, _, _ =	vpop (xrf0)  }
0x157: {  	vm7 =	vle.f32 v12, $3.999999910e-02;
	v47 =	vxor.u32 $0x80000000, v46  }
0x158: {  	(v2sf) =	vpush v19, $0xF;
	v48 =	vsel vm7, $0x1, v2;
	(xrf0) =	vmax.scan.msk.u32 $0xffff, v47  }
0x159: {  	(xrf0) =	vadd.scan.msk.s32 $0xffff, v48;
	_ =	sdelay $0x1  }
0x15a: {  	(v2sf) =	vpush v21, $0xF;
	_ =	sdelay $0x2  }
0x15b: {  	(v2sf) =	vpush v23, $0xF;
	v49, _, _ =	vpop (xrf0)  }
0x15c: {  	v50, _, _ =	vpop (xrf0)  }
0x15d: {  	(v2sf) =	vpush v45, $0xF;
	v51 =	vxor.u32 $0x80000000, v50  }
0x15e: {  	(xrf0) =	vmax.scan.msk.u32 $0xffff, v51  }
0x15f: {  	(v2sf) =	vpush v49, $0xF  }
0x160: {  	s8 =	spop (v2sf)  }
0x161: {  	s8 =	sadd.s32 s8, s7  }
0x162: {  	v52 =	vmov s7;
	s7 =	sadd.s32 $0x80000000, s8;
	s9 =	spop (v2sf)  }
0x163: {  	s8 =	sadd.s32 s9, s7  }
0x164: {  	s8 =	sadd.s32 $0x80000000, s8;
	s10 =	spop (v2sf);
	v53, _, _ =	vpop (xrf0)  }
0x165: {  	v56 =	vmov s8;
	s9 =	sadd.s32 s10, s8;
	(v2sf) =	vpush v53, $0xF  }
0x166: {  	v54 =	vmov s7;
	v15 =	vadd.s32 $0xFFFFFFFF, v56;
	s7 =	sadd.s32 $0x80000000, s9  }
0x167: {  	v15 =	vbroadcast v15, $0x0;
	v57 =	vmov s7;
	v12 =	vadd.s32 $0xFFFFFFFF, v52;
	s10 =	spop (v2sf)  }
0x168: {  	v16 =	vadd.s32 $0xFFFFFFFF, v57;
	v12 =	vbroadcast v12, $0x0;
	s7 =	sadd.s32 s10, s7  }
0x169: {  	v55 =	vadd.s32 $0xFFFFFFFF, v54;
	v15 =	vadd.s32 v18, v15;
	v58 =	vbroadcast v16, $0x0;
	s7 =	sadd.s32 $0x80000000, s7  }
0x16a: {  	v10 =	vadd.s32 v10, v12;
	v12 =	vbroadcast v55, $0x0;
	v59 =	vmov s7;
	s9 =	spop (v2sf)  }
0x16b: {  	vm9 =	vlt.s32 v15, $0xA0;
	vm8 =	vlt.s32 v10, $0xA0;
	v16 =	vadd.s32 $0xFFFFFFFF, v59;
	s8 =	sadd.s32 s9, s7  }
0x16c: {  	v11 =	vadd.s32 v11, v12;
	v12 =	vadd.s32 v20, v58;
	v16 =	vbroadcast v16, $0x0;
	s8 =	sadd.s32 $0x80000000, s8;
	s10 =	spop (v2sf)  }
0x16d: {  	vm1 =	vmand vm1, vm8;
	vm12 =	vlt.s32 v11, $0xA0;
	vm13 =	vlt.s32 v12, $0xA0;
	s7 =	sadd.s32 s10, s8  }
0x16e: {  	vm8 =	vmand vm0, vm12;
	vm0 =	vmand vm2, vm9;
	v16 =	vadd.s32 v22, v16;
	s7 =	sadd.s32 $0x80000000, s7;
	s9 =	spop (v2sf)  }
0x16f: {  	vm2 =	vmand vm3, vm13;
	vm14 =	vlt.s32 v16, $0xA0;
	v60 =	vmov s8;
	s8 =	sadd.s32 s9, s7  }
0x170: {  	vm3 =	vmand vm4, vm14;
	v17 =	vadd.s32 $0xFFFFFFFF, v60;
	v61 =	vmov s7;
	s7 =	sadd.s32 $0x80000000, s8  }
0x171: {  	v17 =	vbroadcast v17, $0x0;
	s10 =	sadd.s32 $0xFFFFFF90, s31;
	v18 =	vadd.s32 $0xFFFFFFFF, v61;
	v62 =	vmov s7  }
0x172: {  	v63 =	vor.u32 s10, v0;
	v18 =	vbroadcast v18, $0x0;
	s9 =	sadd.s32 $0xFFFFFFA0, s31;
	v19 =	vadd.s32 $0xFFFFFFFF, v62  }
0x173: {  	v17 =	vadd.s32 v24, v17;
	s10 =	sadd.s32 $0xFFFFFFB0, s31;
	[tilespmem:v10+s19+$0x0] =	vst.idx.msk vm1, v63;
	v10 =	vor.u32 s9, v0;
	v19 =	vbroadcast v19, $0x0  }
0x174: {  	vm15 =	vlt.s32 v17, $0xA0;
	v14 =	vadd.s32 v46, v18;
	[tilespmem:v11+s19+$0x0] =	vst.idx.msk vm8, v10;
	v10 =	vor.u32 s10, v0;
	s10 =	spop (v2sf)  }
0x175: {  	vm12 =	vmand vm5, vm15;
	vm13 =	vlt.s32 v14, $0xA0;
	v13 =	vadd.s32 v50, v19;
	s7 =	sadd.s32 s10, s7  }
0x176: {  	p0 =	sgt.u32 s6, $0x1E;
	vm14 =	vmand vm6, vm13;
	vm15 =	vlt.s32 v13, $0xA0;
	s7 =	sadd.s32 $0x80000000, s7  }
0x177: {  	s9 =	sadd.s32 $0xFFFFFFC0, s31;
	vm5 =	vmand vm7, vm15;
	p1 =	slt.s32 @!p0 s7, $0x20  }
0x178: {  	s8 =	sadd.s32 $0xFFFFFFD0, s31;
	[tilespmem:v15+s19+$0x0] =	vst.idx.msk vm0, v10;
	v10 =	vor.u32 s9, v0;
	p0 =	por p0, !p1  }
.Ltmp2:
0x179: {  	s9 =	sadd.s32 $0xFFFFFFE0, s31;
	[tilespmem:v12+s19+$0x0] =	vst.idx.msk vm2, v10;
	v10 =	vor.u32 s8, v0;
	(pc) =	sbr.rel @!p0 .LBB2_7-.Ltmp2, $4  }
0x17a: {  	[tilespmem:v16+s19+$0x0] =	vst.idx.msk vm3, v10;
	v10 =	vor.u32 s9, v0;
	s10 =	sadd.s32 $0xFFFFFFF0, s31  }
0x17b: {  	[tilespmem:v17+s19+$0x0] =	vst.idx.msk vm12, v10;
	v10 =	vor.u32 s10, v0  }
0x17c: {  	s6 =	sadd.s32 $0x1, s6;
	s14 =	sadd.s32 $0x80, s14;
	v11 =	vor.u32 s31, v0;
	[tilespmem:v14+s19+$0x0] =	vst.idx.msk vm14, v10  }
0x17d: {  	s15 =	sadd.s32 $0x80, s15;
	s1 =	sadd.s32 $0x80, s1;
	s31 =	sadd.s32 $0x80, s31;
	[tilespmem:v13+s19+$0x0] =	vst.idx.msk vm5, v11  }
0x17e: {  	v8 =	vld.msk [tilespmem:s19+$0x0], $0xffff  }
0x17f: {  	v9 =	vld [tilespmem:$0x3180]  }
0x180: {  	v10 =	vld [tilespmem:$0x3190];
	_ =	sdelay $0x1  }
0x181: {  	v11 =	vmov s7;
	s31 =	sor.u32 $0x3, s26  }
0x182: {  	vm0 =	vgt.s32 v11, v0;
	v7 =	vmov s31  }
0x183: {  	s0 =	sshll.u32 s0, $0x5;
	vm15 =	vgt.s32 v11, v3;
	v9 =	vsel vm0, v9, v8  }
0x184: {  	s0 =	sand.u32 $0x3FFFFFE0, s0;
	v8 =	vsel vm15, v10, v8;
	v9 =	vadd.s32 v1, v9  }
0x185: {  	v8 =	vadd.s32 v1, v8;
	[tilespmem:s0+$0x3230] =	vst v9  }
0x186: {  	[tilespmem:s0+$0x3240] =	vst v8  }
0x187: {  	v8 =	vld.idx.msk [tilespmem:v7+s16+$0x0], $0xffff  }
0x188: {  	s6 =	simm.s32 $0x0;
	s1 =	simm.s32 $0x2040;
	s14 =	simm.s32 $0x1040;
	v9 =	vld.idx.msk [tilespmem:v7+s17+$0x0], $0xffff  }
0x189: {  	s15 =	simm.s32 $0x40;
	s7 =	simm.s32 $0x0;
	s0 =	simm.s32 $0x70;
	v10 =	vld.idx.msk [tilespmem:v7+s18+$0x0], $0xffff;
	[tilespmem:$0x3180] =	vst v2  }
.LBB2_9:
0x18a: {  	v11 =	vld [tilespmem:s15+$0xFFFFFFC0]  }
0x18b: {  	v12 =	vld [tilespmem:s14+$0xFFFFFFC0];
	_ =	sdelay $0x1  }
0x18c: {  	v13 =	vld [tilespmem:s1+$0xFFFFFFC0];
	_ =	sdelay $0x2  }
0x18d: {  	v11 =	vsub.f32 v11, v8;
	v12 =	vsub.f32 v12, v9;
	_ =	sdelay $0x1  }
0x18e: {  	v13 =	vsub.f32 v13, v10;
	v11 =	vmul.f32 v11, v11;
	v12 =	vmul.f32 v12, v12  }
0x18f: {  	v14 =	vld [tilespmem:s15+$0xFFFFFFD0]  }
0x190: {  	v52 =	vld [tilespmem:s14+$0xFFFFFFD0];
	v51 =	vmul.f32 v13, v13;
	v11 =	vadd.f32 v12, v11  }
0x191: {  	v53 =	vld [tilespmem:s1+$0xFFFFFFD0]  }
0x192: {  	v11 =	vadd.f32 v51, v11;
	_ =	sdelay $0x1  }
0x193: {  	vm1 =	vle.f32 v11, $3.999999910e-02  }
0x194: {  	v14 =	vsub.f32 v14, v8;
	v13 =	vsub.f32 v52, v9;
	v11 =	vsel vm1, $0x1, v2  }
0x195: {  	(xrf0) =	vadd.scan.msk.s32 $0xffff, v11;
	v11 =	vsub.f32 v53, v10  }
0x196: {  	v54 =	vmul.f32 v14, v14;
	v13 =	vmul.f32 v13, v13  }
0x197: {  	v55 =	vld [tilespmem:s15+$0xFFFFFFE0];
	v11 =	vmul.f32 v11, v11  }
0x198: {  	v56 =	vld [tilespmem:s14+$0xFFFFFFE0];
	v12 =	vadd.f32 v13, v54;
	_ =	sdelay $0x1  }
0x199: {  	v15 =	vld [tilespmem:s1+$0xFFFFFFE0];
	v12 =	vadd.f32 v11, v12  }
0x19a: {  	v11, _, _ =	vpop (xrf0)  }
0x19b: {  	vm0 =	vle.f32 v12, $3.999999910e-02;
	v16 =	vxor.u32 $0x80000000, v11  }
0x19c: {  	v14 =	vsub.f32 v55, v8;
	v13 =	vsub.f32 v56, v9;
	v12 =	vsel vm0, $0x1, v2;
	(xrf0) =	vmax.scan.msk.u32 $0xffff, v16  }
0x19d: {  	(xrf0) =	vadd.scan.msk.s32 $0xffff, v12  }
0x19e: {  	v57 =	vsub.f32 v15, v10;
	v14 =	vmul.f32 v14, v14;
	v13 =	vmul.f32 v13, v13  }
0x19f: {  	v58 =	vld [tilespmem:s15+$0xFFFFFFF0]  }
0x1a0: {  	v59 =	vld [tilespmem:s14+$0xFFFFFFF0];
	v13 =	vadd.f32 v13, v14;
	v12 =	vmul.f32 v57, v57;
	_ =	sdelay $0x1  }
0x1a1: {  	v17 =	vld [tilespmem:s1+$0xFFFFFFF0];
	v13 =	vadd.f32 v12, v13;
	v16, _, _ =	vpop (xrf0)  }
0x1a2: {  	v60, _, _ =	vpop (xrf0)  }
0x1a3: {  	vm2 =	vle.f32 v13, $3.999999910e-02;
	v18 =	vxor.u32 $0x80000000, v60  }
0x1a4: {  	v15 =	vsub.f32 v58, v8;
	v14 =	vsub.f32 v59, v9;
	v13 =	vsel vm2, $0x1, v2;
	(xrf0) =	vmax.scan.msk.u32 $0xffff, v18  }
0x1a5: {  	(xrf0) =	vadd.scan.msk.s32 $0xffff, v13  }
0x1a6: {  	v61 =	vsub.f32 v17, v10;
	v15 =	vmul.f32 v15, v15;
	v14 =	vmul.f32 v14, v14  }
0x1a7: {  	v62 =	vld [tilespmem:s15+$0x0]  }
0x1a8: {  	v63 =	vld [tilespmem:s14+$0x0];
	v14 =	vadd.f32 v14, v15;
	v13 =	vmul.f32 v61, v61;
	_ =	sdelay $0x1  }
0x1a9: {  	v24 =	vld [tilespmem:s1+$0x0];
	v13 =	vadd.f32 v13, v14;
	v18, _, _ =	vpop (xrf0)  }
0x1aa: {  	v19, _, _ =	vpop (xrf0)  }
0x1ab: {  	vm3 =	vle.f32 v13, $3.999999910e-02;
	v20 =	vxor.u32 $0x80000000, v19  }
0x1ac: {  	v17 =	vsub.f32 v62, v8;
	v15 =	vsub.f32 v63, v9;
	v13 =	vsel vm3, $0x1, v2;
	(xrf0) =	vmax.scan.msk.u32 $0xffff, v20  }
0x1ad: {  	(xrf0) =	vadd.scan.msk.s32 $0xffff, v13  }
0x1ae: {  	v25 =	vsub.f32 v24, v10;
	v26 =	vmul.f32 v17, v17;
	v15 =	vmul.f32 v15, v15  }
0x1af: {  	v27 =	vld [tilespmem:s15+$0x10]  }
0x1b0: {  	v28 =	vld [tilespmem:s14+$0x10];
	v14 =	vadd.f32 v15, v26;
	v13 =	vmul.f32 v25, v25;
	_ =	sdelay $0x1  }
0x1b1: {  	v29 =	vld [tilespmem:s1+$0x10];
	v13 =	vadd.f32 v13, v14;
	v20, _, _ =	vpop (xrf0)  }
0x1b2: {  	v21, _, _ =	vpop (xrf0)  }
0x1b3: {  	vm4 =	vle.f32 v13, $3.999999910e-02;
	v22 =	vxor.u32 $0x80000000, v21  }
0x1b4: {  	v17 =	vsub.f32 v27, v8;
	v15 =	vsub.f32 v28, v9;
	v13 =	vsel vm4, $0x1, v2;
	(xrf0) =	vmax.scan.msk.u32 $0xffff, v22  }
0x1b5: {  	(xrf0) =	vadd.scan.msk.s32 $0xffff, v13  }
0x1b6: {  	v30 =	vsub.f32 v29, v10;
	v31 =	vmul.f32 v17, v17;
	v15 =	vmul.f32 v15, v15  }
0x1b7: {  	v32 =	vld [tilespmem:s15+$0x20]  }
0x1b8: {  	v33 =	vld [tilespmem:s14+$0x20];
	v14 =	vadd.f32 v15, v31;
	v13 =	vmul.f32 v30, v30;
	_ =	sdelay $0x1  }
0x1b9: {  	v34 =	vld [tilespmem:s1+$0x20];
	v13 =	vadd.f32 v13, v14;
	v22, _, _ =	vpop (xrf0)  }
0x1ba: {  	v23, _, _ =	vpop (xrf0)  }
0x1bb: {  	vm5 =	vle.f32 v13, $3.999999910e-02;
	v24 =	vxor.u32 $0x80000000, v23  }
0x1bc: {  	v17 =	vsub.f32 v32, v8;
	v15 =	vsub.f32 v33, v9;
	v13 =	vsel vm5, $0x1, v2;
	(xrf0) =	vmax.scan.msk.u32 $0xffff, v24  }
0x1bd: {  	(xrf0) =	vadd.scan.msk.s32 $0xffff, v13  }
0x1be: {  	v35 =	vsub.f32 v34, v10;
	v36 =	vmul.f32 v17, v17;
	v15 =	vmul.f32 v15, v15  }
0x1bf: {  	v37 =	vld [tilespmem:s15+$0x30]  }
0x1c0: {  	v38 =	vld [tilespmem:s14+$0x30];
	v14 =	vadd.f32 v15, v36;
	v13 =	vmul.f32 v35, v35;
	_ =	sdelay $0x1  }
0x1c1: {  	v39 =	vld [tilespmem:s1+$0x30];
	v13 =	vadd.f32 v13, v14;
	v24, _, _ =	vpop (xrf0)  }
0x1c2: {  	v25, _, _ =	vpop (xrf0)  }
0x1c3: {  	vm6 =	vle.f32 v13, $3.999999910e-02;
	v40 =	vxor.u32 $0x80000000, v25  }
0x1c4: {  	v17 =	vsub.f32 v37, v8;
	v15 =	vsub.f32 v38, v9;
	v41 =	vsel vm6, $0x1, v2;
	(xrf0) =	vmax.scan.msk.u32 $0xffff, v40  }
0x1c5: {  	(xrf0) =	vadd.scan.msk.s32 $0xffff, v41  }
0x1c6: {  	v42 =	vsub.f32 v39, v10;
	v43 =	vmul.f32 v17, v17;
	v15 =	vmul.f32 v15, v15;
	_ =	sdelay $0x1  }
0x1c7: {  	v14 =	vadd.f32 v15, v43;
	v13 =	vmul.f32 v42, v42  }
0x1c8: {  	(v2sf) =	vpush v16, $0xF  }
0x1c9: {  	v13 =	vadd.f32 v13, v14;
	v44, _, _ =	vpop (xrf0)  }
0x1ca: {  	(v2sf) =	vpush v18, $0xF;
	v45, _, _ =	vpop (xrf0)  }
0x1cb: {  	vm7 =	vle.f32 v13, $3.999999910e-02;
	v46 =	vxor.u32 $0x80000000, v45  }
0x1cc: {  	(v2sf) =	vpush v20, $0xF;
	v47 =	vsel vm7, $0x1, v2;
	(xrf0) =	vmax.scan.msk.u32 $0xffff, v46  }
0x1cd: {  	(xrf0) =	vadd.scan.msk.s32 $0xffff, v47;
	_ =	sdelay $0x1  }
0x1ce: {  	(v2sf) =	vpush v22, $0xF;
	_ =	sdelay $0x2  }
0x1cf: {  	(v2sf) =	vpush v24, $0xF;
	v48, _, _ =	vpop (xrf0)  }
0x1d0: {  	v49, _, _ =	vpop (xrf0)  }
0x1d1: {  	(v2sf) =	vpush v44, $0xF;
	v50 =	vxor.u32 $0x80000000, v49  }
0x1d2: {  	(xrf0) =	vmax.scan.msk.u32 $0xffff, v50  }
0x1d3: {  	(v2sf) =	vpush v48, $0xF  }
0x1d4: {  	s8 =	spop (v2sf)  }
0x1d5: {  	s8 =	sadd.s32 s8, s7  }
0x1d6: {  	v51 =	vmov s7;
	s7 =	sadd.s32 $0x80000000, s8;
	s9 =	spop (v2sf)  }
0x1d7: {  	s8 =	sadd.s32 s9, s7  }
0x1d8: {  	s8 =	sadd.s32 $0x80000000, s8;
	s10 =	spop (v2sf);
	v52, _, _ =	vpop (xrf0)  }
0x1d9: {  	v55 =	vmov s8;
	s9 =	sadd.s32 s10, s8;
	(v2sf) =	vpush v52, $0xF  }
0x1da: {  	v53 =	vmov s7;
	v16 =	vadd.s32 $0xFFFFFFFF, v55;
	s7 =	sadd.s32 $0x80000000, s9  }
0x1db: {  	v16 =	vbroadcast v16, $0x0;
	v56 =	vmov s7;
	v13 =	vadd.s32 $0xFFFFFFFF, v51;
	s10 =	spop (v2sf)  }
0x1dc: {  	v17 =	vadd.s32 $0xFFFFFFFF, v56;
	v13 =	vbroadcast v13, $0x0;
	s7 =	sadd.s32 s10, s7  }
0x1dd: {  	v54 =	vadd.s32 $0xFFFFFFFF, v53;
	v16 =	vadd.s32 v19, v16;
	v57 =	vbroadcast v17, $0x0;
	s7 =	sadd.s32 $0x80000000, s7  }
0x1de: {  	v11 =	vadd.s32 v11, v13;
	v13 =	vbroadcast v54, $0x0;
	v58 =	vmov s7;
	s9 =	spop (v2sf)  }
0x1df: {  	vm9 =	vlt.s32 v16, $0xA0;
	vm8 =	vlt.s32 v11, $0xA0;
	v17 =	vadd.s32 $0xFFFFFFFF, v58;
	s8 =	sadd.s32 s9, s7  }
0x1e0: {  	v12 =	vadd.s32 v60, v13;
	v13 =	vadd.s32 v21, v57;
	v17 =	vbroadcast v17, $0x0;
	s8 =	sadd.s32 $0x80000000, s8;
	s10 =	spop (v2sf)  }
0x1e1: {  	vm1 =	vmand vm1, vm8;
	vm12 =	vlt.s32 v12, $0xA0;
	vm13 =	vlt.s32 v13, $0xA0;
	s7 =	sadd.s32 s10, s8  }
0x1e2: {  	vm8 =	vmand vm0, vm12;
	vm0 =	vmand vm2, vm9;
	v17 =	vadd.s32 v23, v17;
	s7 =	sadd.s32 $0x80000000, s7;
	s9 =	spop (v2sf)  }
0x1e3: {  	vm2 =	vmand vm3, vm13;
	vm14 =	vlt.s32 v17, $0xA0;
	v59 =	vmov s8;
	s8 =	sadd.s32 s9, s7  }
0x1e4: {  	vm3 =	vmand vm4, vm14;
	v18 =	vadd.s32 $0xFFFFFFFF, v59;
	v60 =	vmov s7;
	s7 =	sadd.s32 $0x80000000, s8  }
0x1e5: {  	v18 =	vbroadcast v18, $0x0;
	s10 =	sadd.s32 $0xFFFFFF90, s0;
	v19 =	vadd.s32 $0xFFFFFFFF, v60;
	v61 =	vmov s7  }
0x1e6: {  	v62 =	vor.u32 s10, v0;
	v19 =	vbroadcast v19, $0x0;
	s9 =	sadd.s32 $0xFFFFFFA0, s0;
	v20 =	vadd.s32 $0xFFFFFFFF, v61  }
0x1e7: {  	v18 =	vadd.s32 v25, v18;
	s10 =	sadd.s32 $0xFFFFFFB0, s0;
	[tilespmem:v11+s19+$0x0] =	vst.idx.msk vm1, v62;
	v11 =	vor.u32 s9, v0;
	v20 =	vbroadcast v20, $0x0  }
0x1e8: {  	vm15 =	vlt.s32 v18, $0xA0;
	v15 =	vadd.s32 v45, v19;
	[tilespmem:v12+s19+$0x0] =	vst.idx.msk vm8, v11;
	v11 =	vor.u32 s10, v0;
	s10 =	spop (v2sf)  }
0x1e9: {  	vm12 =	vmand vm5, vm15;
	vm13 =	vlt.s32 v15, $0xA0;
	v14 =	vadd.s32 v49, v20;
	s7 =	sadd.s32 s10, s7  }
0x1ea: {  	p0 =	sgt.u32 s6, $0x1E;
	vm14 =	vmand vm6, vm13;
	vm15 =	vlt.s32 v14, $0xA0;
	s7 =	sadd.s32 $0x80000000, s7  }
0x1eb: {  	s9 =	sadd.s32 $0xFFFFFFC0, s0;
	vm5 =	vmand vm7, vm15;
	p1 =	slt.s32 @!p0 s7, $0x20  }
0x1ec: {  	s8 =	sadd.s32 $0xFFFFFFD0, s0;
	[tilespmem:v16+s19+$0x0] =	vst.idx.msk vm0, v11;
	v11 =	vor.u32 s9, v0;
	p0 =	por p0, !p1  }
.Ltmp3:
0x1ed: {  	s9 =	sadd.s32 $0xFFFFFFE0, s0;
	[tilespmem:v13+s19+$0x0] =	vst.idx.msk vm2, v11;
	v11 =	vor.u32 s8, v0;
	(pc) =	sbr.rel @!p0 .LBB2_9-.Ltmp3, $4  }
0x1ee: {  	[tilespmem:v17+s19+$0x0] =	vst.idx.msk vm3, v11;
	v11 =	vor.u32 s9, v0;
	s10 =	sadd.s32 $0xFFFFFFF0, s0  }
0x1ef: {  	[tilespmem:v18+s19+$0x0] =	vst.idx.msk vm12, v11;
	v11 =	vor.u32 s10, v0  }
0x1f0: {  	s6 =	sadd.s32 $0x1, s6;
	s1 =	sadd.s32 $0x80, s1;
	v63 =	vor.u32 s0, v0;
	[tilespmem:v15+s19+$0x0] =	vst.idx.msk vm14, v11  }
0x1f1: {  	s14 =	sadd.s32 $0x80, s14;
	s15 =	sadd.s32 $0x80, s15;
	s0 =	sadd.s32 $0x80, s0;
	[tilespmem:v14+s19+$0x0] =	vst.idx.msk vm5, v63  }
0x1f2: {  	v8 =	vld.msk [tilespmem:s19+$0x0], $0xffff  }
0x1f3: {  	v9 =	vld [tilespmem:$0x3180]  }
0x1f4: {  	v10 =	vld [tilespmem:$0x3190];
	_ =	sdelay $0x1  }
0x1f5: {  	v11 =	vmov s7  }
0x1f6: {  	vm0 =	vgt.s32 v11, v0  }
0x1f7: {  	s0 =	sshll.u32 s31, $0x5;
	vm15 =	vgt.s32 v11, v3;
	v9 =	vsel vm0, v9, v8  }
0x1f8: {  	s0 =	sand.u32 $0x3FFFFFE0, s0;
	v8 =	vsel vm15, v10, v8;
	v9 =	vadd.s32 v1, v9  }
0x1f9: {  	v8 =	vadd.s32 v1, v8;
	[tilespmem:s0+$0x3230] =	vst v9  }
0x1fa: {  	v36 =	vmul.u32 $0x20, v0;
	[tilespmem:s0+$0x3240] =	vst v8  }
0x1fb: {  	[tilespmem:s21], [sflag:$0x1] =	stream.indirect.gather [hbm4b:s4+s20], $0x20, s30, s20, $0xb8;
	[tilespmem:$0x6230] =	vst v63  }
0x1fc: {  	_ =	swait.ge [sflag:s22], $0x1000  }
0x1fd: {  	[sflag:s22] =	ssyncset.done $0x0  }
0x1fe: {  	[sflag:s22] =	ssyncadd.s32 $0xFFFFF000  }
0x1ff: {  	v37 =	vld.idx.msk [tilespmem:v4+s16+$0x0], $0xffff  }
0x200: {  	v38 =	vld.idx.msk [tilespmem:v36+s21+$0x0], $0xffff;
	_ =	sdelay $0x3  }
0x201: {  	v39 =	vor.u32 $0x1, v36  }
0x202: {  	v9 =	vsub.f32 v38, v37;
	_ =	sdelay $0x1  }
0x203: {  	[tilespmem:v36+s21+$0x0] =	vst.idx.msk $0xffff, v9  }
0x204: {  	v9 =	vld.idx.msk [tilespmem:v4+s17+$0x0], $0xffff  }
0x205: {  	v40 =	vld.idx.msk [tilespmem:v39+s21+$0x0], $0xffff;
	_ =	sdelay $0x3  }
0x206: {  	v12 =	vor.u32 $0x2, v36  }
0x207: {  	v9 =	vsub.f32 v40, v9;
	_ =	sdelay $0x1  }
0x208: {  	[tilespmem:v39+s21+$0x0] =	vst.idx.msk $0xffff, v9  }
0x209: {  	v9 =	vld.idx.msk [tilespmem:v4+s18+$0x0], $0xffff  }
0x20a: {  	v41 =	vld.idx.msk [tilespmem:v12+s21+$0x0], $0xffff;
	_ =	sdelay $0x4  }
0x20b: {  	v42 =	vmul.u32 $0x1000, v0;
	v43 =	vor.u32 $0x200, v36;
	v9 =	vsub.f32 v41, v9  }
0x20c: {  	s26 =	sor.u32 s3, s26  }
0x20d: {  	v44 =	vor.u32 s26, v42;
	[tilespmem:v12+s21+$0x0] =	vst.idx.msk $0xffff, v9  }
0x20e: {  	[tilespmem:s28+$0x5230] =	vst v44  }
0x20f: {  	v9 =	vld.idx.msk [tilespmem:v4+s16+$0x0], $0xffff  }
0x210: {  	v12 =	vld.idx.msk [tilespmem:v43+s21+$0x0], $0xffff;
	_ =	sdelay $0x3  }
0x211: {  	v13 =	vor.u32 $0x201, v36  }
0x212: {  	v9 =	vsub.f32 v12, v9;
	_ =	sdelay $0x1  }
0x213: {  	[tilespmem:v43+s21+$0x0] =	vst.idx.msk $0xffff, v9  }
0x214: {  	v9 =	vld.idx.msk [tilespmem:v4+s17+$0x0], $0xffff  }
0x215: {  	v11 =	vld.idx.msk [tilespmem:v13+s21+$0x0], $0xffff;
	_ =	sdelay $0x3  }
0x216: {  	v45 =	vor.u32 $0x202, v36  }
0x217: {  	v9 =	vsub.f32 v11, v9;
	_ =	sdelay $0x1  }
0x218: {  	[tilespmem:v13+s21+$0x0] =	vst.idx.msk $0xffff, v9  }
0x219: {  	v4 =	vld.idx.msk [tilespmem:v4+s18+$0x0], $0xffff  }
0x21a: {  	v9 =	vld.idx.msk [tilespmem:v45+s21+$0x0], $0xffff;
	_ =	sdelay $0x4  }
0x21b: {  	v46 =	vor.u32 $0x400, v36;
	v4 =	vsub.f32 v9, v4  }
0x21c: {  	v47 =	vor.u32 $0x10000, v42  }
0x21d: {  	[tilespmem:v45+s21+$0x0] =	vst.idx.msk $0xffff, v4;
	v4 =	vor.u32 s26, v47  }
0x21e: {  	[tilespmem:s29+$0x5230] =	vst v4  }
0x21f: {  	v4 =	vld.idx.msk [tilespmem:v5+s16+$0x0], $0xffff  }
0x220: {  	v12 =	vld.idx.msk [tilespmem:v46+s21+$0x0], $0xffff;
	_ =	sdelay $0x3  }
0x221: {  	v48 =	vor.u32 $0x401, v36  }
0x222: {  	v4 =	vsub.f32 v12, v4;
	_ =	sdelay $0x1  }
0x223: {  	[tilespmem:v46+s21+$0x0] =	vst.idx.msk $0xffff, v4  }
0x224: {  	v4 =	vld.idx.msk [tilespmem:v5+s17+$0x0], $0xffff  }
0x225: {  	v9 =	vld.idx.msk [tilespmem:v48+s21+$0x0], $0xffff;
	_ =	sdelay $0x3  }
0x226: {  	v49 =	vor.u32 $0x402, v36  }
0x227: {  	v4 =	vsub.f32 v9, v4;
	_ =	sdelay $0x1  }
0x228: {  	[tilespmem:v48+s21+$0x0] =	vst.idx.msk $0xffff, v4  }
0x229: {  	v4 =	vld.idx.msk [tilespmem:v5+s18+$0x0], $0xffff  }
0x22a: {  	v50 =	vld.idx.msk [tilespmem:v49+s21+$0x0], $0xffff;
	_ =	sdelay $0x4  }
0x22b: {  	v51 =	vor.u32 $0x600, v36;
	v4 =	vsub.f32 v50, v4  }
0x22c: {  	s1 =	sor.u32 $0x1, s26  }
0x22d: {  	[tilespmem:v49+s21+$0x0] =	vst.idx.msk $0xffff, v4;
	v4 =	vor.u32 s1, v42  }
0x22e: {  	[tilespmem:s28+$0x5250] =	vst v4  }
0x22f: {  	v4 =	vld.idx.msk [tilespmem:v5+s16+$0x0], $0xffff  }
0x230: {  	v12 =	vld.idx.msk [tilespmem:v51+s21+$0x0], $0xffff;
	_ =	sdelay $0x3  }
0x231: {  	v52 =	vor.u32 $0x601, v36  }
0x232: {  	v4 =	vsub.f32 v12, v4;
	_ =	sdelay $0x1  }
0x233: {  	[tilespmem:v51+s21+$0x0] =	vst.idx.msk $0xffff, v4  }
0x234: {  	v4 =	vld.idx.msk [tilespmem:v5+s17+$0x0], $0xffff  }
0x235: {  	v9 =	vld.idx.msk [tilespmem:v52+s21+$0x0], $0xffff;
	_ =	sdelay $0x3  }
0x236: {  	v53 =	vor.u32 $0x602, v36  }
0x237: {  	v4 =	vsub.f32 v9, v4;
	_ =	sdelay $0x1  }
0x238: {  	[tilespmem:v52+s21+$0x0] =	vst.idx.msk $0xffff, v4  }
0x239: {  	v4 =	vld.idx.msk [tilespmem:v5+s18+$0x0], $0xffff  }
0x23a: {  	v5 =	vld.idx.msk [tilespmem:v53+s21+$0x0], $0xffff;
	_ =	sdelay $0x4  }
0x23b: {  	v4 =	vsub.f32 v5, v4;
	v5 =	vor.u32 $0x800, v36;
	_ =	sdelay $0x1  }
0x23c: {  	[tilespmem:v53+s21+$0x0] =	vst.idx.msk $0xffff, v4;
	v4 =	vor.u32 s1, v47  }
0x23d: {  	[tilespmem:s28+$0x5260] =	vst v4  }
0x23e: {  	v4 =	vld.idx.msk [tilespmem:v6+s16+$0x0], $0xffff  }
0x23f: {  	v54 =	vld.idx.msk [tilespmem:v5+s21+$0x0], $0xffff;
	_ =	sdelay $0x3  }
0x240: {  	v55 =	vor.u32 $0x801, v36  }
0x241: {  	v4 =	vsub.f32 v54, v4;
	_ =	sdelay $0x1  }
0x242: {  	[tilespmem:v5+s21+$0x0] =	vst.idx.msk $0xffff, v4  }
0x243: {  	v4 =	vld.idx.msk [tilespmem:v6+s17+$0x0], $0xffff  }
0x244: {  	v5 =	vld.idx.msk [tilespmem:v55+s21+$0x0], $0xffff;
	_ =	sdelay $0x3  }
0x245: {  	v56 =	vor.u32 $0x802, v36  }
0x246: {  	v4 =	vsub.f32 v5, v4;
	_ =	sdelay $0x1  }
0x247: {  	[tilespmem:v55+s21+$0x0] =	vst.idx.msk $0xffff, v4  }
0x248: {  	v4 =	vld.idx.msk [tilespmem:v6+s18+$0x0], $0xffff  }
0x249: {  	v5 =	vld.idx.msk [tilespmem:v56+s21+$0x0], $0xffff;
	_ =	sdelay $0x4  }
0x24a: {  	v4 =	vsub.f32 v5, v4;
	v5 =	vor.u32 $0xA00, v36  }
0x24b: {  	s30 =	sor.u32 $0x2, s26  }
0x24c: {  	[tilespmem:v56+s21+$0x0] =	vst.idx.msk $0xffff, v4;
	v4 =	vor.u32 s30, v42  }
0x24d: {  	[tilespmem:s28+$0x5270] =	vst v4  }
0x24e: {  	v4 =	vld.idx.msk [tilespmem:v6+s16+$0x0], $0xffff  }
0x24f: {  	v9 =	vld.idx.msk [tilespmem:v5+s21+$0x0], $0xffff;
	_ =	sdelay $0x3  }
0x250: {  	v57 =	vor.u32 $0xA01, v36  }
0x251: {  	v4 =	vsub.f32 v9, v4;
	_ =	sdelay $0x1  }
0x252: {  	[tilespmem:v5+s21+$0x0] =	vst.idx.msk $0xffff, v4  }
0x253: {  	v4 =	vld.idx.msk [tilespmem:v6+s17+$0x0], $0xffff  }
0x254: {  	v5 =	vld.idx.msk [tilespmem:v57+s21+$0x0], $0xffff;
	_ =	sdelay $0x3  }
0x255: {  	v58 =	vor.u32 $0xA02, v36  }
0x256: {  	v4 =	vsub.f32 v5, v4;
	_ =	sdelay $0x1  }
0x257: {  	[tilespmem:v57+s21+$0x0] =	vst.idx.msk $0xffff, v4  }
0x258: {  	v4 =	vld.idx.msk [tilespmem:v6+s18+$0x0], $0xffff  }
0x259: {  	v5 =	vld.idx.msk [tilespmem:v58+s21+$0x0], $0xffff;
	_ =	sdelay $0x4  }
0x25a: {  	v4 =	vsub.f32 v5, v4;
	v5 =	vor.u32 $0xC00, v36;
	_ =	sdelay $0x1  }
0x25b: {  	[tilespmem:v58+s21+$0x0] =	vst.idx.msk $0xffff, v4;
	v4 =	vor.u32 s30, v47  }
0x25c: {  	[tilespmem:s28+$0x5280] =	vst v4  }
0x25d: {  	v4 =	vld.idx.msk [tilespmem:v7+s16+$0x0], $0xffff  }
0x25e: {  	v59 =	vld.idx.msk [tilespmem:v5+s21+$0x0], $0xffff;
	_ =	sdelay $0x3  }
0x25f: {  	v60 =	vor.u32 $0xC01, v36  }
0x260: {  	v4 =	vsub.f32 v59, v4;
	_ =	sdelay $0x1  }
0x261: {  	[tilespmem:v5+s21+$0x0] =	vst.idx.msk $0xffff, v4  }
0x262: {  	v4 =	vld.idx.msk [tilespmem:v7+s17+$0x0], $0xffff  }
0x263: {  	v5 =	vld.idx.msk [tilespmem:v60+s21+$0x0], $0xffff;
	_ =	sdelay $0x3  }
0x264: {  	v61 =	vor.u32 $0xC02, v36  }
0x265: {  	v4 =	vsub.f32 v5, v4;
	_ =	sdelay $0x1  }
0x266: {  	[tilespmem:v60+s21+$0x0] =	vst.idx.msk $0xffff, v4  }
0x267: {  	v4 =	vld.idx.msk [tilespmem:v7+s18+$0x0], $0xffff  }
0x268: {  	v5 =	vld.idx.msk [tilespmem:v61+s21+$0x0], $0xffff;
	_ =	sdelay $0x4  }
0x269: {  	v4 =	vsub.f32 v5, v4;
	v5 =	vor.u32 $0xE00, v36  }
0x26a: {  	s0 =	sor.u32 $0x3, s26  }
0x26b: {  	[tilespmem:v61+s21+$0x0] =	vst.idx.msk $0xffff, v4;
	v4 =	vor.u32 s0, v42  }
0x26c: {  	[tilespmem:s28+$0x5290] =	vst v4  }
0x26d: {  	v4 =	vld.idx.msk [tilespmem:v7+s16+$0x0], $0xffff  }
0x26e: {  	v6 =	vld.idx.msk [tilespmem:v5+s21+$0x0], $0xffff;
	_ =	sdelay $0x3  }
0x26f: {  	v62 =	vor.u32 $0xE01, v36  }
0x270: {  	v4 =	vsub.f32 v6, v4;
	_ =	sdelay $0x1  }
0x271: {  	[tilespmem:v5+s21+$0x0] =	vst.idx.msk $0xffff, v4  }
0x272: {  	v4 =	vld.idx.msk [tilespmem:v7+s17+$0x0], $0xffff  }
0x273: {  	v5 =	vld.idx.msk [tilespmem:v62+s21+$0x0], $0xffff;
	_ =	sdelay $0x3  }
0x274: {  	v63 =	vor.u32 $0xE02, v36  }
0x275: {  	v4 =	vsub.f32 v5, v4;
	_ =	sdelay $0x1  }
0x276: {  	[tilespmem:v62+s21+$0x0] =	vst.idx.msk $0xffff, v4  }
0x277: {  	v4 =	vld.idx.msk [tilespmem:v7+s18+$0x0], $0xffff  }
0x278: {  	v5 =	vld.idx.msk [tilespmem:v63+s21+$0x0], $0xffff;
	_ =	sdelay $0x4  }
0x279: {  	v4 =	vsub.f32 v5, v4  }
0x27a: {  	s25 =	sadd.s32 $0x1, s25  }
0x27b: {  	p0 =	sne.s32 s25, $0x20;
	[tilespmem:v63+s21+$0x0] =	vst.idx.msk $0xffff, v4;
	v4 =	vor.u32 s0, v47  }
.Ltmp4:
0x27c: {  	s31 =	sadd.s32 $0x5230, s28;
	[tilespmem:s28+$0x52A0] =	vst v4;
	(pc) =	sbr.rel @p0 .LBB2_2-.Ltmp4, $4  }
0x27d: {  	[hbm4b:s5+s20] =	stream.indirect.scatter [tilespmem:s21], [sflag:$0x2], $0x20, s31, s20, $0xb8;
	[tilespmem:$0x6230] =	vst v63  }
0x27e: {  	_ =	swait.ge [sflag:s23], $0x1000  }
0x27f: {  	[sflag:s23] =	ssyncset.done $0x0  }
0x280: {  	[sflag:s23] =	ssyncadd.s32 $0xFFFFF000  }
0x281: {  	s24 =	sadd.s32 $0x1, s24  }
0x282: {  	p0 =	sne.s32 s24, s12  }
.Ltmp5:
0x283: {  	_ = 	snop;
	(pc) =	sbr.rel @p0 .LBB2_1-.Ltmp5, $1  }
0x284: {  	_ =	sdelay $0x3  }
0x285: {  	_ =	sfence.sel $0x180000  }
0x286: {  	[bflag:$0x0] =	sbarrier.arrive $0xFFFF  }
0x287: {  	_ =	strace $0x90000047  }
0x288: {  	s0 =	stileid.u32;
	[bflag:$0x2] =	sbarrier.arrive $0xFFFF  }
0x289: {  	p0 =	sne.s32 s0, $0x0;
	s0 =	rddreg [dreg:$0x3]  }
0x28a: {  	s0 =	sadd.s32 @!p0 $0x100000, s0  }
0x28b: {  	[sflag:s0] =	ssyncadd.tile.s32 @!p0 $0x1;
	_ =	shalt  }
.Lfunc_end2:
_tile_overlayer_lowered:
.L_overlay_start_2:
0x28c: {  	(tag) =	ssettag $0x2  }
0x28d: {  	s0 =	rddreg [dreg:$0x0];
	s2 =	stileid.u32  }
0x28e: {  	s1 =	rddreg [dreg:$0x1];
	p0 =	sne.s32 s2, $0x0  }
0x28f: {  	s3 =	rddreg [dreg:$0x2];
	[bflag:$0x3] =	sbarrier.arrive $0xFFFF;
	s2 =	simm.s32 @!p0 $0x1C03  }
0x290: {  	[timem:s3], [sflag:s2] =	dma.local @!p0 [hbm:s0], s1  }
0x291: {  	s0 =	simm.s32 @!p0 $0x3  }
0x292: {  	_ =	swait.ge @!p0 [sflag:s0], s1  }
0x293: {  	s1 =	ssub.s32 @!p0 $0x0, s1;
	[sflag:s0] =	ssyncset.done @!p0 $0x0  }
0x294: {  	[sflag:s0] =	ssyncadd.s32 @!p0 s1  }
0x295: {  	[bflag:$0x3] =	sbarrier.arrive $0xFFFF  }
0x296: {  	_ =	shalt  }

// kernel: sparse-core-data-format-call.cloned.1.call-start
scs
called_computation_lowered:
.L_overlay_start_0:
0x0: {  	s1 =	sld [smem:$0x3FD9]  }
0x1: {  	s2 =	sld [smem:$0x3FFE];
	_ =	sdelay $0x1  }
0x2: {  	s3 =	srdreg.scid  }
0x3: {  	s0 =	sand.u32 $0x1, s3  }
0x4: {  	s17 =	sshll.u32 s0, $0xA;
	s1 =	sadd.s32 s2, s1  }
0x5: {  	s1 =	sadd.s32 s1, s17  }
0x6: {  	[smem:$0x3FBA] =	sst s1  }
0x7: {  	_ = 	snop  }
0x8: {  	(tm) =	ssettm $0x1  }
0x9: {  	s18 =	sld [smem:$0x3FFB];
	_ =	sdelay $0x3  }
0xa: {  	_ =	strace s18  }
0xb: {  	s1 =	sld [smem:$0x3FFC];
	_ =	sdelay $0x3  }
0xc: {  	_ =	strace s1  }
0xd: {  	s1 =	sld [smem:$0x3FFD];
	_ =	sdelay $0x3  }
0xe: {  	_ =	strace s1  }
0xf: {  	_ =	strace $0x8FFFFFFF  }
0x10: {  	s19 =	sld [smem:$0x3FDB];
	_ =	sdelay $0x1  }
0x11: {  	s20 =	simm.s32 $_scs_section_size  }
0x12: {  	s4 =	simm.s32 $_size__tile_overlayer_lowered;
	s5 =	simm.s32 $_tile_overlayer_lowered  }
0x13: {  	s23 =	simm.s32 $0x1BFF;
	s22 =	sshll.u32 s5, $0x1;
	s1 =	sadd.s32 s20, s19  }
0x14: {  	s6 =	simm.s32 $0x0;
	s21 =	sshll.u32 s4, $0x1;
	s4 =	sadd.s32 s22, s1  }
0x15: {  	[timem:s6], [sflag:s23] =	dma.local [hbm:s4], s21  }
0x16: {  	_ =	swait.ge [sflag:s23], s21  }
0x17: {  	s2 =	ssub.s32 $0x0, s21;
	[sflag:s23] =	ssyncset.done $0x0  }
0x18: {  	[sflag:s23] =	ssyncadd.s32 s2;
	_ =	sdelay $0x1  }
0x19: {  	s24 =	simm.s32 $0x1B8B  }
0x1a: {  	_ =	swait.ge [sflag:s24], $0x1  }
0x1b: {  	[sflag:s24] =	ssyncset.done $0x0  }
0x1c: {  	s26 =	simm.s32 $0x1B8E;
	s25 =	sld [smem:$0x3FFE];
	[sflag:s24] =	ssyncadd.s32 $0xFFFFFFFF  }
0x1d: {  	s27 =	simm.s32 $execute0_lowered;
	[smem:$0x3FD2] =	sst s26  }
0x1e: {  	s4 =	sshll.u32 s27, $0x1;
	_ =	strace $0x80000049;
	[dreg:$0x1] =	wrdreg $0xFFFFFFFF  }
0x1f: {  	s28 =	simm.s32 $_size_execute0_lowered;
	s1 =	sadd.s32 s1, s4;
	[dreg:$0x0] =	wrdreg $0x0  }
0x20: {  	s4 =	sshll.u32 s28, $0x1;
	[dreg:$0x2] =	wrdreg s1  }
0x21: {  	[dreg:$0x3] =	wrdreg s4  }
0x22: {  	[dreg:$0x4] =	wrdreg $0xC0  }
0x23: {  	_ =	task [dreg:s6], $0x5FFFF  }
0x24: {  	[dreg:$0x1] =	wrdreg $0xFFFFFFFF  }
0x25: {  	[dreg:$0x0] =	wrdreg $0x60  }
0x26: {  	[dreg:$0x2] =	wrdreg s25  }
0x27: {  	[dreg:$0x3] =	wrdreg $0x9  }
0x28: {  	_ =	task.clear_ibuf [dreg:s6], $0x4FFFF;
	_ =	strace $0x90000049  }
0x29: {  	s29 =	simm.s32 $0x9;
	_ =	strace $0x8000004B  }
0x2a: {  	_ =	swait.ge [sflag:s29], $0x1  }
0x2b: {  	[sflag:s29] =	ssyncadd.s32 $0xFFFFFFFF  }
0x2c: {  	_ =	strace $0x9000004B  }
0x2d: {  	_ =	sfence  }
0x2e: {  	s30 =	sld [smem:$0x0];
	_ =	sdelay $0x2  }
0x2f: {  	s31 =	sshll.u32 s3, $0xD;
	s3 =	sshrl.u32 s3, $0x2  }
0x30: {  	s2 =	sand.u32 $0x4000, s31;
	s1 =	sadd.s32 s3, s30  }
0x31: {  	s0 =	sor.u32 s2, s0;
	s1 =	sshll.u32 s1, $0x11  }
0x32: {  	s0 =	sor.u32 s1, s0  }
0x33: {  	s0 =	sadd.s32 $0x8F2B, s0  }
0x34: {  	[sflag:s0] =	ssyncadd.remote.s32 $0x1  }
0x35: {  	_ =	sfence.sel $0xFFFF  }
0x36: {  	[dreg:$0x0] =	wrdreg $0xFFFFFFFF;
	(pc) =	sbr.abs _section_cstart, $3  }
0x37: {  	[dreg:$0x1] =	wrdreg $0xFFFFFFFF  }
0x38: {  	_ =	task.clear_ibuf [dreg:s6], $0x2FFFF;
	_ =	strace $0x9FFFFFFF  }
0x39: {  	(tm) =	ssettm $0x7FFFFFFF  }
tec
execute0_lowered:
.L_overlay_start_1:
0x0: {  	(tag) =	ssettag $0x1  }
0x1: {  	s0 =	srdreg.scid  }
0x2: {  	s7 =	stileid.u32;
	s29 =	rddreg [dreg:$0x0]  }
0x3: {  	_ =	strace $0x8000004A;
	s6 =	simm.s32 $0x1;
	s5 =	simm.s32 $0x1  }
0x4: {  	s31 =	simm.s32 $0x2;
	s16 =	simm.s32 $0x0;
	s0 =	sshll.u32 s0, $0x4  }
0x5: {  	s9 =	simm.s32 $0x20000;
	s10 =	simm.s32 $0x0;
	s0 =	sor.u32 s7, s0  }
0x6: {  	s17 =	simm.s32 $0x0;
	s19 =	simm.s32 $0x0;
	s2 =	sand.u32 $0x18, s0  }
0x7: {  	s18 =	simm.s32 $0x0;
	s11 =	simm.s32 $0x0;
	s1 =	ssub.s32 $0x20, s2  }
0x8: {  	s12 =	simm.s32 $0x0;
	s15 =	simm.s32 $0x0;
	s3 =	sand.u32 $0x18, s1  }
.Ltmp0:
0x9: {  	s25 =	simm.s32 $0x0;
	p0 =	sne.s32 s3, $0x0;
	(pc) =	sbr.rel .LBB1_1-.Ltmp0, $4  }
0xa: {  	s4 =	sadd.s32 $0x103000, s29;
	s1 =	sshrl.u32 s1, $0x5;
	s6 =	simm.s32 @!p0 $0x0  }
0xb: {  	[sflag:s5] =	ssyncpa.u1 $0x0;
	s7 =	sand.u32 $0x7, s7;
	s30 =	sadd.s32 s6, s1  }
0xc: {  	[sflag:s31] =	ssyncpa.u1 $0x0;
	s14 =	smov.u32 s7;
	s6 =	sshll.u32 s30, $0x4  }
0xd: {  	s13 =	smov.u32 s2;
	s3 =	sadd.s32 $0x3000, s29;
	s8 =	sor.u32 $0x1, s6  }
.LBB1_7:
0xe: {  	s0 =	sadd.s32 $0x100, s11  }
0xf: {  	s1 =	sadd.s32 $0x8, s12;
	s20 =	smov.u32 s12;
	p1 =	sgt.s32 s0, $0xFFF  }
0x10: {  	s20 =	smov.u32 @p1 s1  }
0x11: {  	s21 =	smov.u32 s13;
	s1 =	sadd.s32 $0x20, s13;
	p2 =	sgt.s32 s20, $0x7  }
0x12: {  	s21 =	smov.u32 @p2 s1  }
0x13: {  	s22 =	smov.u32 s14;
	s1 =	sadd.s32 $0x8, s14;
	p3 =	sgt.s32 s21, $0x1F  }
0x14: {  	p0 =	slt.u32 s15, $0x2;
	s22 =	smov.u32 @p3 s1  }
0x15: {  	s16 =	smov.u32 s11;
	s0 =	simm.s32 @p1 $0x0;
	p1 =	sgt.s32 s22, $0x7  }
0x16: {  	s17 =	smov.u32 s12;
	s22 =	smov.u32 @p1 s7;
	p1 =	sne.s32 s15, s8  }
.Ltmp1:
0x17: {  	s19 =	smov.u32 s13;
	s18 =	smov.u32 s14;
	(pc) =	sbr.rel @!p1 .LBB1_8-.Ltmp1, $4  }
0x18: {  	s10 =	sadd.s32 $0x4000, s10;
	s11 =	smov.u32 s0;
	s1 =	simm.s32 @!p0 $0x2  }
0x19: {  	s20 =	simm.s32 @p2 $0x0;
	s21 =	smov.u32 @p3 s2;
	_ =	swait.ge @!p0 [sflag:s1], $0x4000  }
0x1a: {  	s12 =	smov.u32 s20;
	s13 =	smov.u32 s21;
	[sflag:s1] =	ssyncset.done @!p0 $0x0  }
0x1b: {  	s15 =	sadd.s32 $0x1, s15;
	[sflag:s1] =	ssyncadd.s32 @!p0 $0xFFFFC000;
	s14 =	smov.u32 s22  }
.LBB1_1:
0x1c: {  	p0 =	sge.u32 s15, s6  }
0x1d: {  	s31 =	sadd.s32 $0xFFFFFFFF, s15;
	s0 =	sxor.u32 @!p0 $0xFFFFFFFF, s15  }
0x1e: {  	s1 =	sshll.u32 @!p0 s12, $0x7;
	s20 =	sand.u32 @!p0 $0x78, s11;
	s21 =	sshll.u32 @!p0 s11, $0x3  }
0x1f: {  	s22 =	sand.u32 @!p0 $0xE00, s11;
	s0 =	sshll.u32 @!p0 s0, $0xE;
	s1 =	sand.u32 @!p0 $0x380, s1  }
0x20: {  	s21 =	sand.u32 @!p0 $0xC00, s21;
	s1 =	sor.u32 @!p0 s1, s20;
	s20 =	sshll.u32 @!p0 s14, $0x11  }
0x21: {  	s1 =	sor.u32 @!p0 s21, s1;
	s21 =	sshll.u32 @!p0 s13, $0xC;
	s20 =	sadd.s32 @!p0 s3, s20  }
0x22: {  	s0 =	sand.u32 @!p0 $0x4000, s0;
	s20 =	sadd.s32 @!p0 s21, s20;
	s21 =	sand.u32 @!p0 $0x7, s11  }
0x23: {  	s1 =	sshrl.u32 @!p0 s1, $0x3;
	s20 =	sadd.s32 @!p0 s22, s20;
	s21 =	sshll.u32 @!p0 s21, $0x12  }
0x24: {  	s1 =	sadd.s32 @!p0 s1, s20;
	s20 =	sor.u32 @!p0 $0x800, s21;
	s21 =	simm.s32 @!p0 $0x8000  }
0x25: {  	[tilespmem:s0], [sflag:$0x1] =	stream.strided.gather @!p0 [hbm4b:s1+s20], $0x4000, s21, s20, $0x38;
	[tilespmem:$0x10000] =	vst v63  }
0x26: {  	p0 =	sge.u32 s31, s6  }
.Ltmp2:
0x27: {  	_ = 	snop;
	(pc) =	sbr.rel @p0 .LBB1_7-.Ltmp2, $1  }
0x28: {  	_ =	sdelay $0x3  }
0x29: {  	s0 =	sshll.u32 s10, $0x2;
	_ =	swait.ge [sflag:s5], $0x4000;
	s1 =	sshll.u32 s15, $0xE  }
0x2a: {  	p0 =	por $0x0, $0x0;
	s26 =	simm.s32 $0x0;
	s27 =	simm.s32 $0x0  }
0x2b: {  	s0 =	sand.u32 $0x10000, s0;
	[sflag:s5] =	ssyncset.done $0x0;
	s23 =	sand.u32 $0x4000, s1  }
0x2c: {  	s0 =	sshrl.u32 s0, $0x2;
	[sflag:s5] =	ssyncadd.s32 $0xFFFFC000;
	s20 =	sor.u32 $0x8000, s23  }
0x2d: {  	s21 =	sor.u32 $0x40, s0;
	s22 =	sor.u32 $0x8410, s0;
	s24 =	sadd.s32 $0x8400, s0  }
.LBB1_3:
0x2e: {  	v1 =	vld [tilespmem:s21+$0xFFFFFFD0]  }
0x2f: {  	v2 =	vld [tilespmem:s21+$0x430]  }
0x30: {  	s0 =	sshll.u32 s27, $0xB;
	v4 =	vld [tilespmem:s21+$0xFFFFFFE0]  }
0x31: {  	v7 =	vld [tilespmem:s21+$0xFFFFFFF0];
	v0 =	vmov s0  }
0x32: {  	v8 =	vld [tilespmem:s21+$0x0]  }
0x33: {  	v9 =	vld [tilespmem:s21+$0x10];
	s0 =	sand.u32 $0x300, s25  }
0x34: {  	s1 =	sand.u32 $0x80, s25;
	v10 =	vld [tilespmem:s21+$0x20];
	s0 =	sadd.s32 s0, s23  }
0x35: {  	v11 =	vld [tilespmem:s21+$0x30];
	s0 =	sadd.s32 s1, s0;
	s1 =	simm.s32 $0x1;
	[tilespmem:s22+$0x60] =	vst v2  }
0x36: {  	s1 =	simm.s32 @!p0 $0x0;
	[tilespmem:s22+$0xFFFFFC00] =	vst v1;
	v3 =	vld.idx.msk [tilespmem:v0+s0+$0x400 ss:$0x1], $0xffff;
	s0 =	sshll.u32 s26, $0x2  }
0x37: {  	v6 =	vld [tilespmem:s21+$0x3D0];
	s1 =	sshll.u32 s1, $0x9;
	[tilespmem:s22+$0xFFFFFC10] =	vst v4;
	s0 =	sand.u32 $0xFFFFFC00, s0  }
0x38: {  	v5 =	vld [tilespmem:s21+$0x3E0];
	[tilespmem:s22+$0xFFFFFC20] =	vst v7;
	s0 =	sor.u32 s1, s0  }
0x39: {  	[tilespmem:s22+$0xFFFFFC30] =	vst v8;
	v4 =	vld [tilespmem:s21+$0x400];
	s0 =	sshrl.u32 s0, $0x2  }
0x3a: {  	[tilespmem:s22+$0xFFFFFC40] =	vst v9;
	v1 =	vld [tilespmem:s21+$0x410];
	s28 =	sadd.s32 s0, s24  }
0x3b: {  	[tilespmem:s28+$0x0] =	vst v3;
	v3 =	vld [tilespmem:s21+$0x3F0]  }
0x3c: {  	s31 =	simm.s32 $0x100;
	[tilespmem:s22+$0xFFFFFC50] =	vst v10;
	v2 =	vld [tilespmem:s21+$0x420];
	s1 =	simm.s32 $0x80  }
0x3d: {  	s29 =	sadd.s32 $0x80, s21;
	s30 =	smov.u32 s22;
	v7 =	vld [tilespmem:s21+$0xFFFFFFC0];
	[tilespmem:s22+$0xFFFFFC60] =	vst v11;
	s0 =	sand.u32 $0x300, s1  }
.LBB1_4:
0x3e: {  	p1 =	sne.s32 s31, $0x380;
	v8 =	vld [tilespmem:s29+$0xFFFFFFD0];
	s1 =	sand.u32 $0x80, s1;
	s0 =	sadd.s32 s0, s23;
	[tilespmem:s30+$0x0] =	vst v6  }
0x3f: {  	s0 =	sadd.s32 s1, s0;
	v6 =	vld [tilespmem:s29+$0x430];
	[tilespmem:s30+$0x10] =	vst v5;
	s1 =	smov.u32 s31  }
0x40: {  	v5 =	vld.idx.msk [tilespmem:v0+s0+$0x400 ss:$0x1], $0xffff;
	[tilespmem:s30+$0x20] =	vst v3  }
0x41: {  	v3 =	vld [tilespmem:s29+$0xFFFFFFE0];
	[tilespmem:s30+$0x30] =	vst v4  }
0x42: {  	v4 =	vld [tilespmem:s29+$0xFFFFFFF0];
	[tilespmem:s30+$0xFFFFFBF0] =	vst v7  }
0x43: {  	v7 =	vld [tilespmem:s29+$0x0];
	[tilespmem:s30+$0x40] =	vst v1  }
0x44: {  	v1 =	vld [tilespmem:s29+$0x10];
	[tilespmem:s30+$0x50] =	vst v2;
	s30 =	sadd.s32 $0x800, s30  }
0x45: {  	s28 =	sadd.s32 $0x800, s28;
	v2 =	vld [tilespmem:s29+$0x20];
	[tilespmem:s30+$0x60] =	vst v6  }
0x46: {  	v9 =	vld [tilespmem:s29+$0x30];
	[tilespmem:s28+$0x0] =	vst v5  }
0x47: {  	[tilespmem:s30+$0xFFFFFC00] =	vst v8;
	v6 =	vld [tilespmem:s29+$0x3D0]  }
0x48: {  	[tilespmem:s30+$0xFFFFFC10] =	vst v3;
	v5 =	vld [tilespmem:s29+$0x3E0]  }
.Ltmp3:
0x49: {  	[tilespmem:s30+$0xFFFFFC20] =	vst v4;
	v3 =	vld [tilespmem:s29+$0x3F0];
	(pc) =	sbr.rel @p1 .LBB1_4-.Ltmp3, $4  }
0x4a: {  	[tilespmem:s30+$0xFFFFFC30] =	vst v7;
	v4 =	vld [tilespmem:s29+$0x400]  }
0x4b: {  	[tilespmem:s30+$0xFFFFFC40] =	vst v1;
	v1 =	vld [tilespmem:s29+$0x410]  }
0x4c: {  	[tilespmem:s30+$0xFFFFFC50] =	vst v2;
	v2 =	vld [tilespmem:s29+$0x420]  }
0x4d: {  	s31 =	sadd.s32 $0x80, s31;
	s0 =	sand.u32 $0x300, s1;
	v7 =	vld [tilespmem:s29+$0xFFFFFFC0];
	[tilespmem:s30+$0xFFFFFC60] =	vst v9;
	s29 =	sadd.s32 $0x80, s29  }
0x4e: {  	[tilespmem:s30+$0x0] =	vst v6  }
0x4f: {  	[tilespmem:s30+$0x10] =	vst v5  }
0x50: {  	v49 =	vld [tilespmem:s29+$0x430];
	[tilespmem:s30+$0x20] =	vst v3  }
0x51: {  	v50 =	vld [tilespmem:s29+$0xFFFFFFD0];
	[tilespmem:s30+$0x30] =	vst v4  }
0x52: {  	v51 =	vld [tilespmem:s29+$0xFFFFFFE0];
	[tilespmem:s30+$0x40] =	vst v1  }
0x53: {  	v52 =	vld [tilespmem:s29+$0xFFFFFFF0];
	[tilespmem:s30+$0x50] =	vst v2  }
0x54: {  	v53 =	vld [tilespmem:s29+$0x0];
	[tilespmem:s30+$0xFFFFFBF0] =	vst v7;
	s30 =	sadd.s32 $0x800, s30  }
0x55: {  	v54 =	vld [tilespmem:s29+$0x10];
	[tilespmem:s30+$0x60] =	vst v49  }
0x56: {  	v55 =	vld [tilespmem:s29+$0x20];
	[tilespmem:s30+$0xFFFFFC00] =	vst v50  }
0x57: {  	v56 =	vld [tilespmem:s29+$0x30];
	[tilespmem:s30+$0xFFFFFC10] =	vst v51  }
0x58: {  	v57 =	vld [tilespmem:s29+$0x3D0];
	[tilespmem:s30+$0xFFFFFC20] =	vst v52  }
0x59: {  	v58 =	vld [tilespmem:s29+$0x3E0];
	[tilespmem:s30+$0xFFFFFC30] =	vst v53  }
0x5a: {  	v59 =	vld [tilespmem:s29+$0x3F0];
	[tilespmem:s30+$0xFFFFFC40] =	vst v54  }
0x5b: {  	v60 =	vld [tilespmem:s29+$0x400];
	[tilespmem:s30+$0xFFFFFC50] =	vst v55  }
0x5c: {  	v61 =	vld [tilespmem:s29+$0xFFFFFFC0];
	[tilespmem:s30+$0xFFFFFC60] =	vst v56  }
0x5d: {  	s1 =	sand.u32 $0x80, s1;
	s0 =	sadd.s32 s0, s23;
	v62 =	vld [tilespmem:s29+$0x410];
	[tilespmem:s30+$0x0] =	vst v57  }
0x5e: {  	v63 =	vld [tilespmem:s29+$0x420];
	s27 =	sadd.s32 $0x1, s27;
	s0 =	sadd.s32 s1, s0;
	[tilespmem:s30+$0x10] =	vst v58  }
0x5f: {  	p1 =	sne.s32 s27, $0x8;
	v0 =	vld.idx.msk [tilespmem:v0+s0+$0x400 ss:$0x1], $0xffff;
	[tilespmem:s30+$0x20] =	vst v59  }
.Ltmp4:
0x60: {  	[tilespmem:s30+$0x30] =	vst v60;
	(pc) =	sbr.rel @p1 .LBB1_3-.Ltmp4, $4  }
0x61: {  	[tilespmem:s30+$0xFFFFFBF0] =	vst v61  }
0x62: {  	[tilespmem:s30+$0x40] =	vst v62  }
0x63: {  	s31 =	sadd.s32 $0x800, s28;
	s21 =	sadd.s32 $0x800, s21;
	[tilespmem:s30+$0x50] =	vst v63  }
0x64: {  	s26 =	sadd.s32 $0x80, s26;
	p0 =	por !p0, !p0;
	s22 =	sadd.s32 $0x80, s22;
	[tilespmem:s31+$0x0] =	vst v0  }
0x65: {  	s0 =	sand.u32 $0x78, s16;
	s1 =	sshll.u32 s19, $0x7;
	s26 =	sshll.u32 s19, $0xC  }
0x66: {  	s21 =	sshll.u32 s16, $0x3;
	s28 =	sshll.u32 s18, $0x11;
	s17 =	sshll.u32 s17, $0xE  }
0x67: {  	s30 =	sand.u32 $0x7, s16;
	s1 =	sand.u32 $0x380, s1;
	s19 =	sand.u32 $0x18000, s26  }
0x68: {  	s27 =	sand.u32 $0xC00, s21;
	s0 =	sor.u32 s1, s0;
	s19 =	sadd.s32 s19, s21  }
.Ltmp5:
0x69: {  	s1 =	sadd.s32 s4, s28;
	s29 =	sshrl.u32 s19, $0x3;
	(pc) =	sbr.rel .LBB1_7-.Ltmp5, $4  }
0x6a: {  	s0 =	sor.u32 s27, s0;
	s1 =	sadd.s32 s17, s1;
	s18 =	sand.u32 $0x3E00, s29  }
0x6b: {  	s16 =	sshll.u32 s30, $0x12;
	s0 =	sshrl.u32 s0, $0x3;
	s1 =	sadd.s32 s18, s1  }
0x6c: {  	s31 =	sor.u32 $0x800, s16;
	s0 =	sadd.s32 s0, s1  }
0x6d: {  	[hbm4b:s0+s31] =	stream.strided.scatter [tilespmem:s20], [sflag:$0x2], $0x4000, s9, s31, $0x38;
	[tilespmem:$0x10000] =	vst v63  }
.LBB1_8:
0x6e: {  	_ =	sfence.sel $0x180000  }
0x6f: {  	s0 =	simm.s32 $0x1;
	[bflag:$0x0] =	sbarrier.arrive $0xFFFF  }
0x70: {  	s30 =	simm.s32 $0x2;
	[sflag:s0] =	ssyncpa.u1 $0x1  }
0x71: {  	[sflag:s30] =	ssyncpa.u1 $0x1  }
0x72: {  	_ =	strace $0x9000004A  }
0x73: {  	s31 =	stileid.u32;
	[bflag:$0x2] =	sbarrier.arrive $0xFFFF  }
0x74: {  	p0 =	sne.s32 s31, $0x0;
	s0 =	rddreg [dreg:$0x1]  }
0x75: {  	s0 =	sadd.s32 @!p0 $0x100000, s0  }
0x76: {  	[sflag:s0] =	ssyncadd.tile.s32 @!p0 $0x1;
	_ =	shalt  }
.Lfunc_end1:
_tile_overlayer_lowered:
.L_overlay_start_2:
0x77: {  	(tag) =	ssettag $0x2  }
0x78: {  	s0 =	rddreg [dreg:$0x0];
	s2 =	stileid.u32  }
0x79: {  	s1 =	rddreg [dreg:$0x1];
	p0 =	sne.s32 s2, $0x0  }
0x7a: {  	s3 =	rddreg [dreg:$0x2];
	[bflag:$0x3] =	sbarrier.arrive $0xFFFF;
	s2 =	simm.s32 @!p0 $0x1C01  }
0x7b: {  	[timem:s3], [sflag:s2] =	dma.local @!p0 [hbm:s0], s1  }
0x7c: {  	s0 =	simm.s32 @!p0 $0x1  }
0x7d: {  	_ =	swait.ge @!p0 [sflag:s0], s1  }
0x7e: {  	s1 =	ssub.s32 @!p0 $0x0, s1;
	[sflag:s0] =	ssyncset.done @!p0 $0x0  }
0x7f: {  	[sflag:s0] =	ssyncadd.s32 @!p0 s1  }
0x80: {  	[bflag:$0x3] =	sbarrier.arrive $0xFFFF  }
0x81: {  	_ =	shalt  }

</sc_bundles>
